<compile_context>
chip_gen: v7x
topology: tpu7x:2x2x1
jax: 0.10.2.dev20260603
libtpu: 0.0.44.dev20260713+nightly
codegen_flags: <defaults>
</compile_context>

<pallas_src>
import jax
import jax.numpy as jnp
from jax.experimental import pallas as pl
from jax.experimental.pallas import tpu as pltpu

B, N = 8, 256
GD, ND, ED = 32, 128, 16
NL = 3
EPR = 128 // ED
PACK = N // EPR
NM = N * ED

_f32 = jnp.float32
_bf16 = jnp.bfloat16


def _dot(a, b):
    return jax.lax.dot_general(a, b, (((1,), (0,)), ((), ())),
                               preferred_element_type=_f32)


def _wspec():
    spec = []
    for l in range(1, NL + 1):
        for s in range(l):
            spec.append(("WeVi", l, s, ND, ED))
        for s in range(l):
            spec.append(("WeVj", l, s, ND, ED))
        for s in range(l):
            spec.append(("Weu", l, s, GD, ED))
        spec.append(("be", l, 0, 1, ED))
        for s in range(l):
            spec.append(("WvV", l, s, ND, ND))
        spec.append(("Wve", l, 0, ED, ND))
        for s in range(l):
            spec.append(("Wvu", l, s, GD, ND))
        spec.append(("bv", l, 0, 1, ND))
        for s in range(l):
            spec.append(("Wuu", l, s, GD, GD))
        spec.append(("WuV", l, 0, ND, GD))
        spec.append(("Wue", l, 0, ED, GD))
        spec.append(("bu", l, 0, 1, GD))
    table = {}
    off = 0
    for name, l, s, rows, cols in spec:
        table[(name, l, s)] = (off, rows, cols)
        off += -(-rows // 8) * 8
    return spec, table, off


_WSPEC, _WTAB, _WROWS = _wspec()
_BDIDX = {}
for _l in range(1, NL + 1):
    for _s in range(_l):
        _BDIDX[(_l, _s)] = len(_BDIDX)


def _body(*args):
    k = 0

    def take(n):
        nonlocal k
        out = args[k:k + n]
        k += n
        return out

    (A0,) = take(1)
    (V0,) = take(1)
    (u0,) = take(1)
    (BDc,) = take(1)
    (Wc,) = take(1)
    A3, V3, u3 = take(3)
    A1s, A2s = take(2)

    def wf(name, l, s=0):
        o, rows, cols = _WTAB[(name, l, s)]
        return Wc[o:o + rows, :cols]

    def bd(l, s):
        o = 128 * _BDIDX[(l, s)]
        return BDc[o:o + 128, :]

    li = jax.lax.broadcasted_iota(jnp.int32, (128, ED), 0)
    ci = jax.lax.broadcasted_iota(jnp.int32, (128, ED), 1)
    S = (li % ED == ci).astype(_f32)

    Vv = [V0[0]]
    uv = [u0[0]]

    def xg(s, g):
        if s == 0:
            return A0[0, :, g * 128:(g + 1) * 128].astype(_bf16)
        return (A1s, A2s)[s - 1][:, g * 128:(g + 1) * 128]

    for l in range(1, NL + 1):
        P = _dot(Vv[0], wf("WeVi", l, 0))
        Q = _dot(Vv[0], wf("WeVj", l, 0))
        r = _dot(uv[0], wf("Weu", l, 0))
        for s in range(1, l):
            P = P + _dot(Vv[s], wf("WeVi", l, s))
            Q = Q + _dot(Vv[s], wf("WeVj", l, s))
            r = r + _dot(uv[s], wf("Weu", l, s))
        Pr = P + (r + wf("be", l))
        Pt = jnp.tile(Pr, (1, EPR))

        gi = jax.lax.broadcasted_iota(jnp.int32, (PACK, N), 0)
        ri = jax.lax.broadcasted_iota(jnp.int32, (PACK, N), 1)
        qci = jax.lax.broadcasted_iota(jnp.int32, (ED, 128), 0)
        qli = jax.lax.broadcasted_iota(jnp.int32, (ED, 128), 1)
        Qp = jnp.zeros((PACK, 128), _f32)
        for kk in range(EPR):
            Gk = (ri == EPR * gi + kk).astype(_f32)
            Ek = (qli == ED * kk + qci).astype(_f32)
            Qp = Qp + _dot(_dot(Gk, Q), Ek)

        Zsum = jnp.zeros((N, 128), _f32)
        for g in range(PACK):
            Y = _dot(xg(0, g), bd(l, 0))
            for s in range(1, l):
                Y = Y + _dot(xg(s, g), bd(l, s))
            Z = jnp.maximum(Y + Pt + Qp[g:g + 1, :], 0.0)
            if l == NL:
                A3[0, :, g * 128:(g + 1) * 128] = Z
            else:
                sl = (A1s, A2s)[l - 1]
                sl[:, g * 128:(g + 1) * 128] = Z.astype(_bf16)
            Zsum = Zsum + Z

        agg = _dot(Zsum, S)
        sumA = agg.sum(axis=0, keepdims=True)
        agge = agg * (1.0 / N)

        Vacc = _dot(agge, wf("Wve", l)) + wf("bv", l)
        for s in range(l):
            Vacc = Vacc + _dot(Vv[s], wf("WvV", l, s))
            Vacc = Vacc + _dot(uv[s], wf("Wvu", l, s))
        Vl = jnp.maximum(Vacc, 0.0)

        ua = _dot(Vl.sum(axis=0, keepdims=True) * (1.0 / N), wf("WuV", l))
        ua = ua + _dot(sumA * (1.0 / (N * N)), wf("Wue", l)) + wf("bu", l)
        for s in range(l):
            ua = ua + _dot(uv[s], wf("Wuu", l, s))
        ul = jnp.maximum(ua, 0.0)

        Vv.append(Vl)
        uv.append(ul)

    V3[0] = Vv[NL]
    u3[0] = uv[NL]


def kernel(u, V, A, params):
    Ap = A.reshape(B, N, NM)
    V0 = V.astype(_f32)
    u0 = u.astype(_f32).reshape(B, 1, GD)

    eye8 = jnp.eye(EPR, dtype=_f32)
    pieces = {}
    bds = []
    for i in range(NL):
        l = i + 1
        We, be, Wv, bv, Wu, bu = params[6 * i: 6 * (i + 1)]
        ie, iv, ig = ED * l, ND * l, GD * l
        bds += [jnp.kron(eye8, We[ED * s: ED * (s + 1), :]).astype(_bf16)
                for s in range(l)]
        for s in range(l):
            pieces[("WeVi", l, s)] = We[ie + ND * s: ie + ND * (s + 1)]
            pieces[("WeVj", l, s)] = We[ie + iv + ND * s:
                                        ie + iv + ND * (s + 1)]
            pieces[("Weu", l, s)] = We[ie + 2 * iv + GD * s:
                                       ie + 2 * iv + GD * (s + 1)]
            pieces[("WvV", l, s)] = Wv[ND * s: ND * (s + 1)]
            pieces[("Wvu", l, s)] = Wv[iv + ED + GD * s:
                                       iv + ED + GD * (s + 1)]
            pieces[("Wuu", l, s)] = Wu[GD * s: GD * (s + 1)]
        pieces[("be", l, 0)] = be[None]
        pieces[("Wve", l, 0)] = Wv[iv: iv + ED]
        pieces[("bv", l, 0)] = bv[None]
        pieces[("WuV", l, 0)] = Wu[ig: ig + ND]
        pieces[("Wue", l, 0)] = Wu[ig + ND: ig + ND + ED]
        pieces[("bu", l, 0)] = bu[None]

    parts = []
    for name, l, s, rows, cols in _WSPEC:
        p = pieces[(name, l, s)]
        rpad = -(-rows // 8) * 8 - rows
        parts.append(jnp.pad(p, ((0, rpad), (0, 128 - cols))))
    Wcat = jnp.concatenate(parts, axis=0)
    BDcat = jnp.concatenate(bds, axis=0)

    in_specs = [
        pl.BlockSpec((1, N, NM), lambda b: (b, 0, 0)),
        pl.BlockSpec((1, N, ND), lambda b: (b, 0, 0)),
        pl.BlockSpec((1, 1, GD), lambda b: (b, 0, 0)),
        pl.BlockSpec(BDcat.shape, lambda b: (0, 0)),
        pl.BlockSpec(Wcat.shape, lambda b: (0, 0)),
    ]
    out_specs = [
        pl.BlockSpec((1, N, NM), lambda b: (b, 0, 0)),
        pl.BlockSpec((1, N, ND), lambda b: (b, 0, 0)),
        pl.BlockSpec((1, 1, GD), lambda b: (b, 0, 0)),
    ]
    out_shape = [
        jax.ShapeDtypeStruct((B, N, NM), _f32),
        jax.ShapeDtypeStruct((B, N, ND), _f32),
        jax.ShapeDtypeStruct((B, 1, GD), _f32),
    ]
    scratch = [
        pltpu.VMEM((N, NM), _bf16),
        pltpu.VMEM((N, NM), _bf16),
    ]

    A3, V3, u3 = pl.pallas_call(
        _body,
        grid=(B,),
        in_specs=in_specs,
        out_specs=out_specs,
        out_shape=out_shape,
        scratch_shapes=scratch,
        input_output_aliases={0: 0},
        compiler_params=pltpu.CompilerParams(
            dimension_semantics=("parallel",)),
    )(Ap, V0, u0, BDcat, Wcat)

    return (u3.reshape(B, GD), V3, A3.reshape(B, N, N, ED))

# --- scband reference (transcript-rebuilt; emitter-appended) ---
"""Pipeline reference for scband-dense-graph-network-block-79233556677180 (READ-ONLY COPY).

The authoritative reference and input builder live on the scoring server;
editing this copy changes nothing except your own understanding.
"""

import jax, jax.numpy as jnp
import numpy as np

B, N = 8, 256
GRAPH_DIM, NODE_DIM, EDGE_DIM, N_LAYERS = 32, 128, 16, 3

def _glorot(key, shape):
    lim = np.sqrt(6.0 / (shape[0] + shape[1]))
    return jax.random.uniform(key, shape, jnp.float32, -lim, lim)

def setup_inputs(seed: int = 0):
    key = jax.random.key(seed)
    ks = jax.random.split(key, 3 + 3 * N_LAYERS)
    inp = {
        'u': jax.random.normal(ks[0], (B, GRAPH_DIM), jnp.float32),
        'V': jax.random.normal(ks[1], (B, N, NODE_DIM), jnp.float32),
        'A': jax.random.normal(ks[2], (B, N, N, EDGE_DIM), jnp.float32),
    }
    params = []
    idx = 3
    for i in range(1, N_LAYERS + 1):
        ig, iv, ie = i * GRAPH_DIM, i * NODE_DIM, i * EDGE_DIM
        We = _glorot(ks[idx], (ie + 2 * iv + ig, EDGE_DIM))
        be = jnp.zeros((EDGE_DIM,), jnp.float32)
        Wv = _glorot(ks[idx + 1], (iv + EDGE_DIM + ig, NODE_DIM))
        bv = jnp.zeros((NODE_DIM,), jnp.float32)
        Wu = _glorot(ks[idx + 2], (ig + NODE_DIM + EDGE_DIM, GRAPH_DIM))
        bu = jnp.zeros((GRAPH_DIM,), jnp.float32)
        idx += 3
        params.extend([We, be, Wv, bv, Wu, bu])
    inp['params'] = tuple(params)
    return inp

def _gn_block(u, V, A, We, be, Wv, bv, Wu, bu):
    Bn, Nn = V.shape[0], V.shape[1]
    Vi = jnp.broadcast_to(V[:, :, None, :], (Bn, Nn, Nn, V.shape[-1]))
    Vj = jnp.broadcast_to(V[:, None, :, :], (Bn, Nn, Nn, V.shape[-1]))
    ue = jnp.broadcast_to(u[:, None, None, :], (Bn, Nn, Nn, u.shape[-1]))
    e_in = jnp.concatenate([A, Vi, Vj, ue], axis=-1)
    A_ = jax.nn.relu(e_in @ We + be)
    agg_e = jnp.mean(A_, axis=2)
    uv = jnp.broadcast_to(u[:, None, :], (Bn, Nn, u.shape[-1]))
    v_in = jnp.concatenate([V, agg_e, uv], axis=-1)
    V_ = jax.nn.relu(v_in @ Wv + bv)
    u_in = jnp.concatenate([u, jnp.mean(V_, axis=1), jnp.mean(A_, axis=(1, 2))], axis=-1)
    u_ = jax.nn.relu(u_in @ Wu + bu)
    return u_, V_, A_

def reference(u, V, A, params):
    u_ = V_ = A_ = None
    for i in range(N_LAYERS):
        p = params[6 * i: 6 * (i + 1)]
        u_, V_, A_ = _gn_block(u, V, A, *p)
        u = jnp.concatenate([u, u_], axis=-1)
        V = jnp.concatenate([V, V_], axis=-1)
        A = jnp.concatenate([A, A_], axis=-1)
    return (u_, V_, A_)

if __name__ == "__main__":
    import jax
    _d = setup_inputs()
    print(jax.jit(kernel)(*tuple(_d.values())))

</pallas_src>

<mosaic_0001>
module attributes {stable_mosaic.version = 14 : i64} {
  func.func @_body(%arg0: i32, %arg1: memref<1x256x4096xf32, #tpu.memory_space<vmem>>, %arg2: memref<1x256x128xf32, #tpu.memory_space<vmem>>, %arg3: memref<1x1x32xf32, #tpu.memory_space<vmem>>, %arg4: memref<768x128xbf16, #tpu.memory_space<vmem>>, %arg5: memref<3432x128xf32, #tpu.memory_space<vmem>>, %arg6: memref<1x256x4096xf32, #tpu.memory_space<vmem>>, %arg7: memref<1x256x128xf32, #tpu.memory_space<vmem>>, %arg8: memref<1x1x32xf32, #tpu.memory_space<vmem>>, %arg9: memref<256x4096xbf16, #tpu.memory_space<vmem>>, %arg10: memref<256x4096xbf16, #tpu.memory_space<vmem>>) attributes {dimension_semantics = [#tpu.dimension_semantics<parallel>], iteration_bounds = array<i64: 8>, scalar_prefetch = 0 : i64, scratch_operands = 2 : i64, tpu.core_type = #tpu.core_type<tc>, window_params = [{transform_indices = @transform_0, window_bounds = array<i64: 1, 256, 4096>}, {transform_indices = @transform_1, window_bounds = array<i64: 1, 256, 128>}, {transform_indices = @transform_2, window_bounds = array<i64: 1, 1, 32>}, {pipeline_mode = #tpu.pipeline_mode<synchronous>, transform_indices = @transform_3, window_bounds = array<i64: 768, 128>}, {pipeline_mode = #tpu.pipeline_mode<synchronous>, transform_indices = @transform_4, window_bounds = array<i64: 3432, 128>}, {transform_indices = @transform_5, window_bounds = array<i64: 1, 256, 4096>}, {transform_indices = @transform_6, window_bounds = array<i64: 1, 256, 128>}, {transform_indices = @transform_7, window_bounds = array<i64: 1, 1, 32>}]} {
    %iota3A = tpu.iota {dimensions = array<i32: 0>} : vector<128x16xi32>
    %iota3A_0 = tpu.iota {dimensions = array<i32: 1>} : vector<128x16xi32>
    %jit3A = arith.constant 16 : i32
    %eq3A = arith.constant 0 : i32
    %eq3A_1 = arith.cmpi eq, %jit3A, %eq3A : i32
    %jit3A_2 = arith.constant 1 : i32
    %select_n3A = arith.select %eq3A_1, %jit3A_2, %jit3A : i32
    %rem3A = vector.broadcast %select_n3A : i32 to vector<128x16xi32>
    %rem3A_3 = arith.remsi %iota3A, %rem3A : vector<128x16xi32>
    %ne3A = arith.constant 0 : i32
    %ne3A_4 = vector.broadcast %ne3A : i32 to vector<128x16xi32>
    %ne3A_5 = arith.cmpi ne, %rem3A_3, %ne3A_4 : vector<128x16xi32>
    %lt3A = arith.constant 0 : i32
    %lt3A_6 = vector.broadcast %lt3A : i32 to vector<128x16xi32>
    %lt3A_7 = arith.cmpi slt, %rem3A_3, %lt3A_6 : vector<128x16xi32>
    %lt3A_8 = arith.constant 0 : i32
    %lt3A_9 = arith.cmpi slt, %select_n3A, %lt3A_8 : i32
    %ne3A_10 = vector.broadcast %lt3A_9 : i1 to vector<128x16xi1>
    %ne3A_11 = vector.broadcast %ne3A_10 : vector<128x16xi1> to vector<128x16xi1>
    %ne3A_12 = arith.xori %lt3A_7, %ne3A_11 : vector<128x16xi1>
    %and3A = arith.andi %ne3A_12, %ne3A_5 : vector<128x16xi1>
    %add3A = vector.broadcast %select_n3A : i32 to vector<128x16xi32>
    %add3A_13 = arith.addi %rem3A_3, %add3A : vector<128x16xi32>
    %select_n3A_14 = arith.select %and3A, %add3A_13, %rem3A_3 : vector<128x16xi1>, vector<128x16xi32>
    %eq3A_15 = arith.cmpi eq, %select_n3A_14, %iota3A_0 : vector<128x16xi32>
    %convert_element_type3A = arith.extui %eq3A_15 : vector<128x16xi1> to vector<128x16xi32>
    %convert_element_type3A_16 = arith.sitofp %convert_element_type3A : vector<128x16xi32> to vector<128x16xf32>
    %get3A = arith.constant 0 : index
    %get3A_17 = arith.constant 0 : index
    %get3A_18 = arith.constant 0 : index
    %get3A_19 = vector.load %arg2[%get3A, %get3A_17, %get3A_18] : memref<1x256x128xf32, #tpu.memory_space<vmem>>, vector<1x256x128xf32>
    %get3A_20 = vector.shape_cast %get3A_19 : vector<1x256x128xf32> to vector<256x128xf32>
    %get3A_21 = arith.constant 0 : index
    %get3A_22 = arith.constant 0 : index
    %get3A_23 = arith.constant 0 : index
    %get3A_24 = vector.load %arg3[%get3A_21, %get3A_22, %get3A_23] : memref<1x1x32xf32, #tpu.memory_space<vmem>>, vector<1x1x32xf32>
    %get3A_25 = vector.shape_cast %get3A_24 : vector<1x1x32xf32> to vector<1x32xf32>
    %get3A_26 = arith.constant 0 : index
    %get3A_27 = arith.constant 0 : index
    %get3A_28 = vector.load %arg5[%get3A_26, %get3A_27] : memref<3432x128xf32, #tpu.memory_space<vmem>>, vector<128x16xf32>
    %dot_general3A = arith.constant dense<0.000000e+00> : vector<256x16xf32>
    %dot_general3A_29 = tpu.matmul %get3A_20, %get3A_28, %dot_general3A {dimension_numbers = #tpu.dot_dimension_numbers<[1], [0], [0], [1], [0, 0, 1, 1], [], []>, transpose_lhs_hint = false} : vector<256x128xf32>, vector<128x16xf32>, vector<256x16xf32> -> vector<256x16xf32>
    %get3A_30 = arith.constant 128 : index
    %get3A_31 = arith.constant 0 : index
    %get3A_32 = vector.load %arg5[%get3A_30, %get3A_31] : memref<3432x128xf32, #tpu.memory_space<vmem>>, vector<128x16xf32>
    %dot_general3A_33 = arith.constant dense<0.000000e+00> : vector<256x16xf32>
    %dot_general3A_34 = tpu.matmul %get3A_20, %get3A_32, %dot_general3A_33 {dimension_numbers = #tpu.dot_dimension_numbers<[1], [0], [0], [1], [0, 0, 1, 1], [], []>, transpose_lhs_hint = false} : vector<256x128xf32>, vector<128x16xf32>, vector<256x16xf32> -> vector<256x16xf32>
    %get3A_35 = arith.constant 256 : index
    %get3A_36 = arith.constant 0 : index
    %get3A_37 = vector.load %arg5[%get3A_35, %get3A_36] : memref<3432x128xf32, #tpu.memory_space<vmem>>, vector<32x16xf32>
    %dot_general3A_38 = arith.constant dense<0.000000e+00> : vector<1x16xf32>
    %dot_general3A_39 = tpu.matmul %get3A_25, %get3A_37, %dot_general3A_38 {dimension_numbers = #tpu.dot_dimension_numbers<[1], [0], [0], [1], [0, 0, 1, 1], [], []>, transpose_lhs_hint = false} : vector<1x32xf32>, vector<32x16xf32>, vector<1x16xf32> -> vector<1x16xf32>
    %get3A_40 = arith.constant 288 : index
    %get3A_41 = arith.constant 0 : index
    %get3A_42 = vector.load %arg5[%get3A_40, %get3A_41] : memref<3432x128xf32, #tpu.memory_space<vmem>>, vector<1x16xf32>
    %add3A_43 = arith.addf %dot_general3A_39, %get3A_42 : vector<1x16xf32>
    %add3A_44 = vector.broadcast %add3A_43 : vector<1x16xf32> to vector<256x16xf32>
    %add3A_45 = arith.addf %dot_general3A_29, %add3A_44 : vector<256x16xf32>
    %tile3A = tpu.concatenate %add3A_45, %add3A_45, %add3A_45, %add3A_45, %add3A_45, %add3A_45, %add3A_45, %add3A_45 in 1 : vector<256x16xf32>, vector<256x16xf32>, vector<256x16xf32>, vector<256x16xf32>, vector<256x16xf32>, vector<256x16xf32>, vector<256x16xf32>, vector<256x16xf32> -> vector<256x128xf32>
    %iota3A_46 = tpu.iota {dimensions = array<i32: 0>} : vector<32x256xi32>
    %iota3A_47 = tpu.iota {dimensions = array<i32: 1>} : vector<32x256xi32>
    %iota3A_48 = tpu.iota {dimensions = array<i32: 0>} : vector<16x128xi32>
    %iota3A_49 = tpu.iota {dimensions = array<i32: 1>} : vector<16x128xi32>
    %broadcast_in_dim3A = arith.constant 0.000000e+00 : f32
    %broadcast_in_dim3A_50 = vector.broadcast %broadcast_in_dim3A : f32 to vector<32x128xf32>
    %mul3A = arith.constant 8 : i32
    %mul3A_51 = vector.broadcast %mul3A : i32 to vector<32x256xi32>
    %mul3A_52 = arith.muli %mul3A_51, %iota3A_46 : vector<32x256xi32>
    %add3A_53 = arith.constant 0 : i32
    %add3A_54 = vector.broadcast %add3A_53 : i32 to vector<32x256xi32>
    %add3A_55 = arith.addi %mul3A_52, %add3A_54 : vector<32x256xi32>
    %eq3A_56 = arith.cmpi eq, %iota3A_47, %add3A_55 : vector<32x256xi32>
    %convert_element_type3A_57 = arith.extui %eq3A_56 : vector<32x256xi1> to vector<32x256xi32>
    %convert_element_type3A_58 = arith.sitofp %convert_element_type3A_57 : vector<32x256xi32> to vector<32x256xf32>
    %add3A_59 = arith.constant 0 : i32
    %add3A_60 = vector.broadcast %add3A_59 : i32 to vector<16x128xi32>
    %add3A_61 = arith.addi %add3A_60, %iota3A_48 : vector<16x128xi32>
    %eq3A_62 = arith.cmpi eq, %iota3A_49, %add3A_61 : vector<16x128xi32>
    %convert_element_type3A_63 = arith.extui %eq3A_62 : vector<16x128xi1> to vector<16x128xi32>
    %convert_element_type3A_64 = arith.sitofp %convert_element_type3A_63 : vector<16x128xi32> to vector<16x128xf32>
    %dot_general3A_65 = arith.constant dense<0.000000e+00> : vector<32x16xf32>
    %dot_general3A_66 = tpu.matmul %convert_element_type3A_58, %dot_general3A_34, %dot_general3A_65 {dimension_numbers = #tpu.dot_dimension_numbers<[1], [0], [0], [1], [0, 0, 1, 1], [], []>, transpose_lhs_hint = false} : vector<32x256xf32>, vector<256x16xf32>, vector<32x16xf32> -> vector<32x16xf32>
    %dot_general3A_67 = arith.constant dense<0.000000e+00> : vector<32x128xf32>
    %dot_general3A_68 = tpu.matmul %dot_general3A_66, %convert_element_type3A_64, %dot_general3A_67 {dimension_numbers = #tpu.dot_dimension_numbers<[1], [0], [0], [1], [0, 0, 1, 1], [], []>, transpose_lhs_hint = false} : vector<32x16xf32>, vector<16x128xf32>, vector<32x128xf32> -> vector<32x128xf32>
    %add3A_69 = arith.addf %broadcast_in_dim3A_50, %dot_general3A_68 : vector<32x128xf32>
    %mul3A_70 = arith.constant 8 : i32
    %mul3A_71 = vector.broadcast %mul3A_70 : i32 to vector<32x256xi32>
    %mul3A_72 = arith.muli %mul3A_71, %iota3A_46 : vector<32x256xi32>
    %add3A_73 = arith.constant 1 : i32
    %add3A_74 = vector.broadcast %add3A_73 : i32 to vector<32x256xi32>
    %add3A_75 = arith.addi %mul3A_72, %add3A_74 : vector<32x256xi32>
    %eq3A_76 = arith.cmpi eq, %iota3A_47, %add3A_75 : vector<32x256xi32>
    %convert_element_type3A_77 = arith.extui %eq3A_76 : vector<32x256xi1> to vector<32x256xi32>
    %convert_element_type3A_78 = arith.sitofp %convert_element_type3A_77 : vector<32x256xi32> to vector<32x256xf32>
    %add3A_79 = arith.constant 16 : i32
    %add3A_80 = vector.broadcast %add3A_79 : i32 to vector<16x128xi32>
    %add3A_81 = arith.addi %add3A_80, %iota3A_48 : vector<16x128xi32>
    %eq3A_82 = arith.cmpi eq, %iota3A_49, %add3A_81 : vector<16x128xi32>
    %convert_element_type3A_83 = arith.extui %eq3A_82 : vector<16x128xi1> to vector<16x128xi32>
    %convert_element_type3A_84 = arith.sitofp %convert_element_type3A_83 : vector<16x128xi32> to vector<16x128xf32>
    %dot_general3A_85 = arith.constant dense<0.000000e+00> : vector<32x16xf32>
    %dot_general3A_86 = tpu.matmul %convert_element_type3A_78, %dot_general3A_34, %dot_general3A_85 {dimension_numbers = #tpu.dot_dimension_numbers<[1], [0], [0], [1], [0, 0, 1, 1], [], []>, transpose_lhs_hint = false} : vector<32x256xf32>, vector<256x16xf32>, vector<32x16xf32> -> vector<32x16xf32>
    %dot_general3A_87 = arith.constant dense<0.000000e+00> : vector<32x128xf32>
    %dot_general3A_88 = tpu.matmul %dot_general3A_86, %convert_element_type3A_84, %dot_general3A_87 {dimension_numbers = #tpu.dot_dimension_numbers<[1], [0], [0], [1], [0, 0, 1, 1], [], []>, transpose_lhs_hint = false} : vector<32x16xf32>, vector<16x128xf32>, vector<32x128xf32> -> vector<32x128xf32>
    %add3A_89 = arith.addf %add3A_69, %dot_general3A_88 : vector<32x128xf32>
    %mul3A_90 = arith.constant 8 : i32
    %mul3A_91 = vector.broadcast %mul3A_90 : i32 to vector<32x256xi32>
    %mul3A_92 = arith.muli %mul3A_91, %iota3A_46 : vector<32x256xi32>
    %add3A_93 = arith.constant 2 : i32
    %add3A_94 = vector.broadcast %add3A_93 : i32 to vector<32x256xi32>
    %add3A_95 = arith.addi %mul3A_92, %add3A_94 : vector<32x256xi32>
    %eq3A_96 = arith.cmpi eq, %iota3A_47, %add3A_95 : vector<32x256xi32>
    %convert_element_type3A_97 = arith.extui %eq3A_96 : vector<32x256xi1> to vector<32x256xi32>
    %convert_element_type3A_98 = arith.sitofp %convert_element_type3A_97 : vector<32x256xi32> to vector<32x256xf32>
    %add3A_99 = arith.constant 32 : i32
    %add3A_100 = vector.broadcast %add3A_99 : i32 to vector<16x128xi32>
    %add3A_101 = arith.addi %add3A_100, %iota3A_48 : vector<16x128xi32>
    %eq3A_102 = arith.cmpi eq, %iota3A_49, %add3A_101 : vector<16x128xi32>
    %convert_element_type3A_103 = arith.extui %eq3A_102 : vector<16x128xi1> to vector<16x128xi32>
    %convert_element_type3A_104 = arith.sitofp %convert_element_type3A_103 : vector<16x128xi32> to vector<16x128xf32>
    %dot_general3A_105 = arith.constant dense<0.000000e+00> : vector<32x16xf32>
    %dot_general3A_106 = tpu.matmul %convert_element_type3A_98, %dot_general3A_34, %dot_general3A_105 {dimension_numbers = #tpu.dot_dimension_numbers<[1], [0], [0], [1], [0, 0, 1, 1], [], []>, transpose_lhs_hint = false} : vector<32x256xf32>, vector<256x16xf32>, vector<32x16xf32> -> vector<32x16xf32>
    %dot_general3A_107 = arith.constant dense<0.000000e+00> : vector<32x128xf32>
    %dot_general3A_108 = tpu.matmul %dot_general3A_106, %convert_element_type3A_104, %dot_general3A_107 {dimension_numbers = #tpu.dot_dimension_numbers<[1], [0], [0], [1], [0, 0, 1, 1], [], []>, transpose_lhs_hint = false} : vector<32x16xf32>, vector<16x128xf32>, vector<32x128xf32> -> vector<32x128xf32>
    %add3A_109 = arith.addf %add3A_89, %dot_general3A_108 : vector<32x128xf32>
    %mul3A_110 = arith.constant 8 : i32
    %mul3A_111 = vector.broadcast %mul3A_110 : i32 to vector<32x256xi32>
    %mul3A_112 = arith.muli %mul3A_111, %iota3A_46 : vector<32x256xi32>
    %add3A_113 = arith.constant 3 : i32
    %add3A_114 = vector.broadcast %add3A_113 : i32 to vector<32x256xi32>
    %add3A_115 = arith.addi %mul3A_112, %add3A_114 : vector<32x256xi32>
    %eq3A_116 = arith.cmpi eq, %iota3A_47, %add3A_115 : vector<32x256xi32>
    %convert_element_type3A_117 = arith.extui %eq3A_116 : vector<32x256xi1> to vector<32x256xi32>
    %convert_element_type3A_118 = arith.sitofp %convert_element_type3A_117 : vector<32x256xi32> to vector<32x256xf32>
    %add3A_119 = arith.constant 48 : i32
    %add3A_120 = vector.broadcast %add3A_119 : i32 to vector<16x128xi32>
    %add3A_121 = arith.addi %add3A_120, %iota3A_48 : vector<16x128xi32>
    %eq3A_122 = arith.cmpi eq, %iota3A_49, %add3A_121 : vector<16x128xi32>
    %convert_element_type3A_123 = arith.extui %eq3A_122 : vector<16x128xi1> to vector<16x128xi32>
    %convert_element_type3A_124 = arith.sitofp %convert_element_type3A_123 : vector<16x128xi32> to vector<16x128xf32>
    %dot_general3A_125 = arith.constant dense<0.000000e+00> : vector<32x16xf32>
    %dot_general3A_126 = tpu.matmul %convert_element_type3A_118, %dot_general3A_34, %dot_general3A_125 {dimension_numbers = #tpu.dot_dimension_numbers<[1], [0], [0], [1], [0, 0, 1, 1], [], []>, transpose_lhs_hint = false} : vector<32x256xf32>, vector<256x16xf32>, vector<32x16xf32> -> vector<32x16xf32>
    %dot_general3A_127 = arith.constant dense<0.000000e+00> : vector<32x128xf32>
    %dot_general3A_128 = tpu.matmul %dot_general3A_126, %convert_element_type3A_124, %dot_general3A_127 {dimension_numbers = #tpu.dot_dimension_numbers<[1], [0], [0], [1], [0, 0, 1, 1], [], []>, transpose_lhs_hint = false} : vector<32x16xf32>, vector<16x128xf32>, vector<32x128xf32> -> vector<32x128xf32>
    %add3A_129 = arith.addf %add3A_109, %dot_general3A_128 : vector<32x128xf32>
    %mul3A_130 = arith.constant 8 : i32
    %mul3A_131 = vector.broadcast %mul3A_130 : i32 to vector<32x256xi32>
    %mul3A_132 = arith.muli %mul3A_131, %iota3A_46 : vector<32x256xi32>
    %add3A_133 = arith.constant 4 : i32
    %add3A_134 = vector.broadcast %add3A_133 : i32 to vector<32x256xi32>
    %add3A_135 = arith.addi %mul3A_132, %add3A_134 : vector<32x256xi32>
    %eq3A_136 = arith.cmpi eq, %iota3A_47, %add3A_135 : vector<32x256xi32>
    %convert_element_type3A_137 = arith.extui %eq3A_136 : vector<32x256xi1> to vector<32x256xi32>
    %convert_element_type3A_138 = arith.sitofp %convert_element_type3A_137 : vector<32x256xi32> to vector<32x256xf32>
    %add3A_139 = arith.constant 64 : i32
    %add3A_140 = vector.broadcast %add3A_139 : i32 to vector<16x128xi32>
    %add3A_141 = arith.addi %add3A_140, %iota3A_48 : vector<16x128xi32>
    %eq3A_142 = arith.cmpi eq, %iota3A_49, %add3A_141 : vector<16x128xi32>
    %convert_element_type3A_143 = arith.extui %eq3A_142 : vector<16x128xi1> to vector<16x128xi32>
    %convert_element_type3A_144 = arith.sitofp %convert_element_type3A_143 : vector<16x128xi32> to vector<16x128xf32>
    %dot_general3A_145 = arith.constant dense<0.000000e+00> : vector<32x16xf32>
    %dot_general3A_146 = tpu.matmul %convert_element_type3A_138, %dot_general3A_34, %dot_general3A_145 {dimension_numbers = #tpu.dot_dimension_numbers<[1], [0], [0], [1], [0, 0, 1, 1], [], []>, transpose_lhs_hint = false} : vector<32x256xf32>, vector<256x16xf32>, vector<32x16xf32> -> vector<32x16xf32>
    %dot_general3A_147 = arith.constant dense<0.000000e+00> : vector<32x128xf32>
    %dot_general3A_148 = tpu.matmul %dot_general3A_146, %convert_element_type3A_144, %dot_general3A_147 {dimension_numbers = #tpu.dot_dimension_numbers<[1], [0], [0], [1], [0, 0, 1, 1], [], []>, transpose_lhs_hint = false} : vector<32x16xf32>, vector<16x128xf32>, vector<32x128xf32> -> vector<32x128xf32>
    %add3A_149 = arith.addf %add3A_129, %dot_general3A_148 : vector<32x128xf32>
    %mul3A_150 = arith.constant 8 : i32
    %mul3A_151 = vector.broadcast %mul3A_150 : i32 to vector<32x256xi32>
    %mul3A_152 = arith.muli %mul3A_151, %iota3A_46 : vector<32x256xi32>
    %add3A_153 = arith.constant 5 : i32
    %add3A_154 = vector.broadcast %add3A_153 : i32 to vector<32x256xi32>
    %add3A_155 = arith.addi %mul3A_152, %add3A_154 : vector<32x256xi32>
    %eq3A_156 = arith.cmpi eq, %iota3A_47, %add3A_155 : vector<32x256xi32>
    %convert_element_type3A_157 = arith.extui %eq3A_156 : vector<32x256xi1> to vector<32x256xi32>
    %convert_element_type3A_158 = arith.sitofp %convert_element_type3A_157 : vector<32x256xi32> to vector<32x256xf32>
    %add3A_159 = arith.constant 80 : i32
    %add3A_160 = vector.broadcast %add3A_159 : i32 to vector<16x128xi32>
    %add3A_161 = arith.addi %add3A_160, %iota3A_48 : vector<16x128xi32>
    %eq3A_162 = arith.cmpi eq, %iota3A_49, %add3A_161 : vector<16x128xi32>
    %convert_element_type3A_163 = arith.extui %eq3A_162 : vector<16x128xi1> to vector<16x128xi32>
    %convert_element_type3A_164 = arith.sitofp %convert_element_type3A_163 : vector<16x128xi32> to vector<16x128xf32>
    %dot_general3A_165 = arith.constant dense<0.000000e+00> : vector<32x16xf32>
    %dot_general3A_166 = tpu.matmul %convert_element_type3A_158, %dot_general3A_34, %dot_general3A_165 {dimension_numbers = #tpu.dot_dimension_numbers<[1], [0], [0], [1], [0, 0, 1, 1], [], []>, transpose_lhs_hint = false} : vector<32x256xf32>, vector<256x16xf32>, vector<32x16xf32> -> vector<32x16xf32>
    %dot_general3A_167 = arith.constant dense<0.000000e+00> : vector<32x128xf32>
    %dot_general3A_168 = tpu.matmul %dot_general3A_166, %convert_element_type3A_164, %dot_general3A_167 {dimension_numbers = #tpu.dot_dimension_numbers<[1], [0], [0], [1], [0, 0, 1, 1], [], []>, transpose_lhs_hint = false} : vector<32x16xf32>, vector<16x128xf32>, vector<32x128xf32> -> vector<32x128xf32>
    %add3A_169 = arith.addf %add3A_149, %dot_general3A_168 : vector<32x128xf32>
    %mul3A_170 = arith.constant 8 : i32
    %mul3A_171 = vector.broadcast %mul3A_170 : i32 to vector<32x256xi32>
    %mul3A_172 = arith.muli %mul3A_171, %iota3A_46 : vector<32x256xi32>
    %add3A_173 = arith.constant 6 : i32
    %add3A_174 = vector.broadcast %add3A_173 : i32 to vector<32x256xi32>
    %add3A_175 = arith.addi %mul3A_172, %add3A_174 : vector<32x256xi32>
    %eq3A_176 = arith.cmpi eq, %iota3A_47, %add3A_175 : vector<32x256xi32>
    %convert_element_type3A_177 = arith.extui %eq3A_176 : vector<32x256xi1> to vector<32x256xi32>
    %convert_element_type3A_178 = arith.sitofp %convert_element_type3A_177 : vector<32x256xi32> to vector<32x256xf32>
    %add3A_179 = arith.constant 96 : i32
    %add3A_180 = vector.broadcast %add3A_179 : i32 to vector<16x128xi32>
    %add3A_181 = arith.addi %add3A_180, %iota3A_48 : vector<16x128xi32>
    %eq3A_182 = arith.cmpi eq, %iota3A_49, %add3A_181 : vector<16x128xi32>
    %convert_element_type3A_183 = arith.extui %eq3A_182 : vector<16x128xi1> to vector<16x128xi32>
    %convert_element_type3A_184 = arith.sitofp %convert_element_type3A_183 : vector<16x128xi32> to vector<16x128xf32>
    %dot_general3A_185 = arith.constant dense<0.000000e+00> : vector<32x16xf32>
    %dot_general3A_186 = tpu.matmul %convert_element_type3A_178, %dot_general3A_34, %dot_general3A_185 {dimension_numbers = #tpu.dot_dimension_numbers<[1], [0], [0], [1], [0, 0, 1, 1], [], []>, transpose_lhs_hint = false} : vector<32x256xf32>, vector<256x16xf32>, vector<32x16xf32> -> vector<32x16xf32>
    %dot_general3A_187 = arith.constant dense<0.000000e+00> : vector<32x128xf32>
    %dot_general3A_188 = tpu.matmul %dot_general3A_186, %convert_element_type3A_184, %dot_general3A_187 {dimension_numbers = #tpu.dot_dimension_numbers<[1], [0], [0], [1], [0, 0, 1, 1], [], []>, transpose_lhs_hint = false} : vector<32x16xf32>, vector<16x128xf32>, vector<32x128xf32> -> vector<32x128xf32>
    %add3A_189 = arith.addf %add3A_169, %dot_general3A_188 : vector<32x128xf32>
    %mul3A_190 = arith.constant 8 : i32
    %mul3A_191 = vector.broadcast %mul3A_190 : i32 to vector<32x256xi32>
    %mul3A_192 = arith.muli %mul3A_191, %iota3A_46 : vector<32x256xi32>
    %add3A_193 = arith.constant 7 : i32
    %add3A_194 = vector.broadcast %add3A_193 : i32 to vector<32x256xi32>
    %add3A_195 = arith.addi %mul3A_192, %add3A_194 : vector<32x256xi32>
    %eq3A_196 = arith.cmpi eq, %iota3A_47, %add3A_195 : vector<32x256xi32>
    %convert_element_type3A_197 = arith.extui %eq3A_196 : vector<32x256xi1> to vector<32x256xi32>
    %convert_element_type3A_198 = arith.sitofp %convert_element_type3A_197 : vector<32x256xi32> to vector<32x256xf32>
    %add3A_199 = arith.constant 112 : i32
    %add3A_200 = vector.broadcast %add3A_199 : i32 to vector<16x128xi32>
    %add3A_201 = arith.addi %add3A_200, %iota3A_48 : vector<16x128xi32>
    %eq3A_202 = arith.cmpi eq, %iota3A_49, %add3A_201 : vector<16x128xi32>
    %convert_element_type3A_203 = arith.extui %eq3A_202 : vector<16x128xi1> to vector<16x128xi32>
    %convert_element_type3A_204 = arith.sitofp %convert_element_type3A_203 : vector<16x128xi32> to vector<16x128xf32>
    %dot_general3A_205 = arith.constant dense<0.000000e+00> : vector<32x16xf32>
    %dot_general3A_206 = tpu.matmul %convert_element_type3A_198, %dot_general3A_34, %dot_general3A_205 {dimension_numbers = #tpu.dot_dimension_numbers<[1], [0], [0], [1], [0, 0, 1, 1], [], []>, transpose_lhs_hint = false} : vector<32x256xf32>, vector<256x16xf32>, vector<32x16xf32> -> vector<32x16xf32>
    %dot_general3A_207 = arith.constant dense<0.000000e+00> : vector<32x128xf32>
    %dot_general3A_208 = tpu.matmul %dot_general3A_206, %convert_element_type3A_204, %dot_general3A_207 {dimension_numbers = #tpu.dot_dimension_numbers<[1], [0], [0], [1], [0, 0, 1, 1], [], []>, transpose_lhs_hint = false} : vector<32x16xf32>, vector<16x128xf32>, vector<32x128xf32> -> vector<32x128xf32>
    %add3A_209 = arith.addf %add3A_189, %dot_general3A_208 : vector<32x128xf32>
    %broadcast_in_dim3A_210 = arith.constant 0.000000e+00 : f32
    %broadcast_in_dim3A_211 = vector.broadcast %broadcast_in_dim3A_210 : f32 to vector<256x128xf32>
    %get3A_212 = arith.constant 0 : index
    %get3A_213 = arith.constant 0 : index
    %get3A_214 = arith.constant 0 : index
    %get3A_215 = vector.load %arg1[%get3A_212, %get3A_213, %get3A_214] : memref<1x256x4096xf32, #tpu.memory_space<vmem>>, vector<1x256x128xf32>
    %get3A_216 = vector.shape_cast %get3A_215 : vector<1x256x128xf32> to vector<256x128xf32>
    %convert_element_type3A_217 = arith.truncf %get3A_216 : vector<256x128xf32> to vector<256x128xbf16>
    %get3A_218 = arith.constant 0 : index
    %get3A_219 = arith.constant 0 : index
    %get3A_220 = vector.load %arg4[%get3A_218, %get3A_219] : memref<768x128xbf16, #tpu.memory_space<vmem>>, vector<128x128xbf16>
    %dot_general3A_221 = arith.constant dense<0.000000e+00> : vector<256x128xf32>
    %dot_general3A_222 = tpu.matmul %convert_element_type3A_217, %get3A_220, %dot_general3A_221 {dimension_numbers = #tpu.dot_dimension_numbers<[1], [0], [0], [1], [0, 0, 1, 1], [], []>, transpose_lhs_hint = false} : vector<256x128xbf16>, vector<128x128xbf16>, vector<256x128xf32> -> vector<256x128xf32>
    %add3A_223 = arith.addf %dot_general3A_222, %tile3A : vector<256x128xf32>
    %slice3A = vector.extract_strided_slice %add3A_209 {offsets = [0, 0], sizes = [1, 128], strides = [1, 1]} : vector<32x128xf32> to vector<1x128xf32>
    %add3A_224 = vector.broadcast %slice3A : vector<1x128xf32> to vector<256x128xf32>
    %add3A_225 = arith.addf %add3A_223, %add3A_224 : vector<256x128xf32>
    %max3A = arith.constant 0.000000e+00 : f32
    %max3A_226 = vector.broadcast %max3A : f32 to vector<256x128xf32>
    %max3A_227 = arith.maximumf %add3A_225, %max3A_226 : vector<256x128xf32>
    %convert_element_type3A_228 = arith.truncf %max3A_227 : vector<256x128xf32> to vector<256x128xbf16>
    %swap3A = arith.constant 0 : index
    %swap3A_229 = arith.constant 0 : index
    %swap3A_230 = vector.load %arg9[%swap3A, %swap3A_229] : memref<256x4096xbf16, #tpu.memory_space<vmem>>, vector<256x128xbf16>
    tpu.vector_store %arg9[%swap3A, %swap3A_229], %convert_element_type3A_228 {strides = array<i32>} : memref<256x4096xbf16, #tpu.memory_space<vmem>>, vector<256x128xbf16>,
    %add3A_231 = arith.addf %broadcast_in_dim3A_211, %max3A_227 : vector<256x128xf32>
    %get3A_232 = arith.constant 0 : index
    %get3A_233 = arith.constant 0 : index
    %get3A_234 = arith.constant 128 : index
    %get3A_235 = vector.load %arg1[%get3A_232, %get3A_233, %get3A_234] : memref<1x256x4096xf32, #tpu.memory_space<vmem>>, vector<1x256x128xf32>
    %get3A_236 = vector.shape_cast %get3A_235 : vector<1x256x128xf32> to vector<256x128xf32>
    %convert_element_type3A_237 = arith.truncf %get3A_236 : vector<256x128xf32> to vector<256x128xbf16>
    %get3A_238 = arith.constant 0 : index
    %get3A_239 = arith.constant 0 : index
    %get3A_240 = vector.load %arg4[%get3A_238, %get3A_239] : memref<768x128xbf16, #tpu.memory_space<vmem>>, vector<128x128xbf16>
    %dot_general3A_241 = arith.constant dense<0.000000e+00> : vector<256x128xf32>
    %dot_general3A_242 = tpu.matmul %convert_element_type3A_237, %get3A_240, %dot_general3A_241 {dimension_numbers = #tpu.dot_dimension_numbers<[1], [0], [0], [1], [0, 0, 1, 1], [], []>, transpose_lhs_hint = false} : vector<256x128xbf16>, vector<128x128xbf16>, vector<256x128xf32> -> vector<256x128xf32>
    %add3A_243 = arith.addf %dot_general3A_242, %tile3A : vector<256x128xf32>
    %slice3A_244 = vector.extract_strided_slice %add3A_209 {offsets = [1, 0], sizes = [1, 128], strides = [1, 1]} : vector<32x128xf32> to vector<1x128xf32>
    %add3A_245 = vector.broadcast %slice3A_244 : vector<1x128xf32> to vector<256x128xf32>
    %add3A_246 = arith.addf %add3A_243, %add3A_245 : vector<256x128xf32>
    %max3A_247 = arith.constant 0.000000e+00 : f32
    %max3A_248 = vector.broadcast %max3A_247 : f32 to vector<256x128xf32>
    %max3A_249 = arith.maximumf %add3A_246, %max3A_248 : vector<256x128xf32>
    %convert_element_type3A_250 = arith.truncf %max3A_249 : vector<256x128xf32> to vector<256x128xbf16>
    %swap3A_251 = arith.constant 0 : index
    %swap3A_252 = arith.constant 128 : index
    %swap3A_253 = vector.load %arg9[%swap3A_251, %swap3A_252] : memref<256x4096xbf16, #tpu.memory_space<vmem>>, vector<256x128xbf16>
    tpu.vector_store %arg9[%swap3A_251, %swap3A_252], %convert_element_type3A_250 {strides = array<i32>} : memref<256x4096xbf16, #tpu.memory_space<vmem>>, vector<256x128xbf16>,
    %add3A_254 = arith.addf %add3A_231, %max3A_249 : vector<256x128xf32>
    %get3A_255 = arith.constant 0 : index
    %get3A_256 = arith.constant 0 : index
    %get3A_257 = arith.constant 256 : index
    %get3A_258 = vector.load %arg1[%get3A_255, %get3A_256, %get3A_257] : memref<1x256x4096xf32, #tpu.memory_space<vmem>>, vector<1x256x128xf32>
    %get3A_259 = vector.shape_cast %get3A_258 : vector<1x256x128xf32> to vector<256x128xf32>
    %convert_element_type3A_260 = arith.truncf %get3A_259 : vector<256x128xf32> to vector<256x128xbf16>
    %get3A_261 = arith.constant 0 : index
    %get3A_262 = arith.constant 0 : index
    %get3A_263 = vector.load %arg4[%get3A_261, %get3A_262] : memref<768x128xbf16, #tpu.memory_space<vmem>>, vector<128x128xbf16>
    %dot_general3A_264 = arith.constant dense<0.000000e+00> : vector<256x128xf32>
    %dot_general3A_265 = tpu.matmul %convert_element_type3A_260, %get3A_263, %dot_general3A_264 {dimension_numbers = #tpu.dot_dimension_numbers<[1], [0], [0], [1], [0, 0, 1, 1], [], []>, transpose_lhs_hint = false} : vector<256x128xbf16>, vector<128x128xbf16>, vector<256x128xf32> -> vector<256x128xf32>
    %add3A_266 = arith.addf %dot_general3A_265, %tile3A : vector<256x128xf32>
    %slice3A_267 = vector.extract_strided_slice %add3A_209 {offsets = [2, 0], sizes = [1, 128], strides = [1, 1]} : vector<32x128xf32> to vector<1x128xf32>
    %add3A_268 = vector.broadcast %slice3A_267 : vector<1x128xf32> to vector<256x128xf32>
    %add3A_269 = arith.addf %add3A_266, %add3A_268 : vector<256x128xf32>
    %max3A_270 = arith.constant 0.000000e+00 : f32
    %max3A_271 = vector.broadcast %max3A_270 : f32 to vector<256x128xf32>
    %max3A_272 = arith.maximumf %add3A_269, %max3A_271 : vector<256x128xf32>
    %convert_element_type3A_273 = arith.truncf %max3A_272 : vector<256x128xf32> to vector<256x128xbf16>
    %swap3A_274 = arith.constant 0 : index
    %swap3A_275 = arith.constant 256 : index
    %swap3A_276 = vector.load %arg9[%swap3A_274, %swap3A_275] : memref<256x4096xbf16, #tpu.memory_space<vmem>>, vector<256x128xbf16>
    tpu.vector_store %arg9[%swap3A_274, %swap3A_275], %convert_element_type3A_273 {strides = array<i32>} : memref<256x4096xbf16, #tpu.memory_space<vmem>>, vector<256x128xbf16>,
    %add3A_277 = arith.addf %add3A_254, %max3A_272 : vector<256x128xf32>
    %get3A_278 = arith.constant 0 : index
    %get3A_279 = arith.constant 0 : index
    %get3A_280 = arith.constant 384 : index
    %get3A_281 = vector.load %arg1[%get3A_278, %get3A_279, %get3A_280] : memref<1x256x4096xf32, #tpu.memory_space<vmem>>, vector<1x256x128xf32>
    %get3A_282 = vector.shape_cast %get3A_281 : vector<1x256x128xf32> to vector<256x128xf32>
    %convert_element_type3A_283 = arith.truncf %get3A_282 : vector<256x128xf32> to vector<256x128xbf16>
    %get3A_284 = arith.constant 0 : index
    %get3A_285 = arith.constant 0 : index
    %get3A_286 = vector.load %arg4[%get3A_284, %get3A_285] : memref<768x128xbf16, #tpu.memory_space<vmem>>, vector<128x128xbf16>
    %dot_general3A_287 = arith.constant dense<0.000000e+00> : vector<256x128xf32>
    %dot_general3A_288 = tpu.matmul %convert_element_type3A_283, %get3A_286, %dot_general3A_287 {dimension_numbers = #tpu.dot_dimension_numbers<[1], [0], [0], [1], [0, 0, 1, 1], [], []>, transpose_lhs_hint = false} : vector<256x128xbf16>, vector<128x128xbf16>, vector<256x128xf32> -> vector<256x128xf32>
    %add3A_289 = arith.addf %dot_general3A_288, %tile3A : vector<256x128xf32>
    %slice3A_290 = vector.extract_strided_slice %add3A_209 {offsets = [3, 0], sizes = [1, 128], strides = [1, 1]} : vector<32x128xf32> to vector<1x128xf32>
    %add3A_291 = vector.broadcast %slice3A_290 : vector<1x128xf32> to vector<256x128xf32>
    %add3A_292 = arith.addf %add3A_289, %add3A_291 : vector<256x128xf32>
    %max3A_293 = arith.constant 0.000000e+00 : f32
    %max3A_294 = vector.broadcast %max3A_293 : f32 to vector<256x128xf32>
    %max3A_295 = arith.maximumf %add3A_292, %max3A_294 : vector<256x128xf32>
    %convert_element_type3A_296 = arith.truncf %max3A_295 : vector<256x128xf32> to vector<256x128xbf16>
    %swap3A_297 = arith.constant 0 : index
    %swap3A_298 = arith.constant 384 : index
    %swap3A_299 = vector.load %arg9[%swap3A_297, %swap3A_298] : memref<256x4096xbf16, #tpu.memory_space<vmem>>, vector<256x128xbf16>
    tpu.vector_store %arg9[%swap3A_297, %swap3A_298], %convert_element_type3A_296 {strides = array<i32>} : memref<256x4096xbf16, #tpu.memory_space<vmem>>, vector<256x128xbf16>,
    %add3A_300 = arith.addf %add3A_277, %max3A_295 : vector<256x128xf32>
    %get3A_301 = arith.constant 0 : index
    %get3A_302 = arith.constant 0 : index
    %get3A_303 = arith.constant 512 : index
    %get3A_304 = vector.load %arg1[%get3A_301, %get3A_302, %get3A_303] : memref<1x256x4096xf32, #tpu.memory_space<vmem>>, vector<1x256x128xf32>
    %get3A_305 = vector.shape_cast %get3A_304 : vector<1x256x128xf32> to vector<256x128xf32>
    %convert_element_type3A_306 = arith.truncf %get3A_305 : vector<256x128xf32> to vector<256x128xbf16>
    %get3A_307 = arith.constant 0 : index
    %get3A_308 = arith.constant 0 : index
    %get3A_309 = vector.load %arg4[%get3A_307, %get3A_308] : memref<768x128xbf16, #tpu.memory_space<vmem>>, vector<128x128xbf16>
    %dot_general3A_310 = arith.constant dense<0.000000e+00> : vector<256x128xf32>
    %dot_general3A_311 = tpu.matmul %convert_element_type3A_306, %get3A_309, %dot_general3A_310 {dimension_numbers = #tpu.dot_dimension_numbers<[1], [0], [0], [1], [0, 0, 1, 1], [], []>, transpose_lhs_hint = false} : vector<256x128xbf16>, vector<128x128xbf16>, vector<256x128xf32> -> vector<256x128xf32>
    %add3A_312 = arith.addf %dot_general3A_311, %tile3A : vector<256x128xf32>
    %slice3A_313 = vector.extract_strided_slice %add3A_209 {offsets = [4, 0], sizes = [1, 128], strides = [1, 1]} : vector<32x128xf32> to vector<1x128xf32>
    %add3A_314 = vector.broadcast %slice3A_313 : vector<1x128xf32> to vector<256x128xf32>
    %add3A_315 = arith.addf %add3A_312, %add3A_314 : vector<256x128xf32>
    %max3A_316 = arith.constant 0.000000e+00 : f32
    %max3A_317 = vector.broadcast %max3A_316 : f32 to vector<256x128xf32>
    %max3A_318 = arith.maximumf %add3A_315, %max3A_317 : vector<256x128xf32>
    %convert_element_type3A_319 = arith.truncf %max3A_318 : vector<256x128xf32> to vector<256x128xbf16>
    %swap3A_320 = arith.constant 0 : index
    %swap3A_321 = arith.constant 512 : index
    %swap3A_322 = vector.load %arg9[%swap3A_320, %swap3A_321] : memref<256x4096xbf16, #tpu.memory_space<vmem>>, vector<256x128xbf16>
    tpu.vector_store %arg9[%swap3A_320, %swap3A_321], %convert_element_type3A_319 {strides = array<i32>} : memref<256x4096xbf16, #tpu.memory_space<vmem>>, vector<256x128xbf16>,
    %add3A_323 = arith.addf %add3A_300, %max3A_318 : vector<256x128xf32>
    %get3A_324 = arith.constant 0 : index
    %get3A_325 = arith.constant 0 : index
    %get3A_326 = arith.constant 640 : index
    %get3A_327 = vector.load %arg1[%get3A_324, %get3A_325, %get3A_326] : memref<1x256x4096xf32, #tpu.memory_space<vmem>>, vector<1x256x128xf32>
    %get3A_328 = vector.shape_cast %get3A_327 : vector<1x256x128xf32> to vector<256x128xf32>
    %convert_element_type3A_329 = arith.truncf %get3A_328 : vector<256x128xf32> to vector<256x128xbf16>
    %get3A_330 = arith.constant 0 : index
    %get3A_331 = arith.constant 0 : index
    %get3A_332 = vector.load %arg4[%get3A_330, %get3A_331] : memref<768x128xbf16, #tpu.memory_space<vmem>>, vector<128x128xbf16>
    %dot_general3A_333 = arith.constant dense<0.000000e+00> : vector<256x128xf32>
    %dot_general3A_334 = tpu.matmul %convert_element_type3A_329, %get3A_332, %dot_general3A_333 {dimension_numbers = #tpu.dot_dimension_numbers<[1], [0], [0], [1], [0, 0, 1, 1], [], []>, transpose_lhs_hint = false} : vector<256x128xbf16>, vector<128x128xbf16>, vector<256x128xf32> -> vector<256x128xf32>
    %add3A_335 = arith.addf %dot_general3A_334, %tile3A : vector<256x128xf32>
    %slice3A_336 = vector.extract_strided_slice %add3A_209 {offsets = [5, 0], sizes = [1, 128], strides = [1, 1]} : vector<32x128xf32> to vector<1x128xf32>
    %add3A_337 = vector.broadcast %slice3A_336 : vector<1x128xf32> to vector<256x128xf32>
    %add3A_338 = arith.addf %add3A_335, %add3A_337 : vector<256x128xf32>
    %max3A_339 = arith.constant 0.000000e+00 : f32
    %max3A_340 = vector.broadcast %max3A_339 : f32 to vector<256x128xf32>
    %max3A_341 = arith.maximumf %add3A_338, %max3A_340 : vector<256x128xf32>
    %convert_element_type3A_342 = arith.truncf %max3A_341 : vector<256x128xf32> to vector<256x128xbf16>
    %swap3A_343 = arith.constant 0 : index
    %swap3A_344 = arith.constant 640 : index
    %swap3A_345 = vector.load %arg9[%swap3A_343, %swap3A_344] : memref<256x4096xbf16, #tpu.memory_space<vmem>>, vector<256x128xbf16>
    tpu.vector_store %arg9[%swap3A_343, %swap3A_344], %convert_element_type3A_342 {strides = array<i32>} : memref<256x4096xbf16, #tpu.memory_space<vmem>>, vector<256x128xbf16>,
    %add3A_346 = arith.addf %add3A_323, %max3A_341 : vector<256x128xf32>
    %get3A_347 = arith.constant 0 : index
    %get3A_348 = arith.constant 0 : index
    %get3A_349 = arith.constant 768 : index
    %get3A_350 = vector.load %arg1[%get3A_347, %get3A_348, %get3A_349] : memref<1x256x4096xf32, #tpu.memory_space<vmem>>, vector<1x256x128xf32>
    %get3A_351 = vector.shape_cast %get3A_350 : vector<1x256x128xf32> to vector<256x128xf32>
    %convert_element_type3A_352 = arith.truncf %get3A_351 : vector<256x128xf32> to vector<256x128xbf16>
    %get3A_353 = arith.constant 0 : index
    %get3A_354 = arith.constant 0 : index
    %get3A_355 = vector.load %arg4[%get3A_353, %get3A_354] : memref<768x128xbf16, #tpu.memory_space<vmem>>, vector<128x128xbf16>
    %dot_general3A_356 = arith.constant dense<0.000000e+00> : vector<256x128xf32>
    %dot_general3A_357 = tpu.matmul %convert_element_type3A_352, %get3A_355, %dot_general3A_356 {dimension_numbers = #tpu.dot_dimension_numbers<[1], [0], [0], [1], [0, 0, 1, 1], [], []>, transpose_lhs_hint = false} : vector<256x128xbf16>, vector<128x128xbf16>, vector<256x128xf32> -> vector<256x128xf32>
    %add3A_358 = arith.addf %dot_general3A_357, %tile3A : vector<256x128xf32>
    %slice3A_359 = vector.extract_strided_slice %add3A_209 {offsets = [6, 0], sizes = [1, 128], strides = [1, 1]} : vector<32x128xf32> to vector<1x128xf32>
    %add3A_360 = vector.broadcast %slice3A_359 : vector<1x128xf32> to vector<256x128xf32>
    %add3A_361 = arith.addf %add3A_358, %add3A_360 : vector<256x128xf32>
    %max3A_362 = arith.constant 0.000000e+00 : f32
    %max3A_363 = vector.broadcast %max3A_362 : f32 to vector<256x128xf32>
    %max3A_364 = arith.maximumf %add3A_361, %max3A_363 : vector<256x128xf32>
    %convert_element_type3A_365 = arith.truncf %max3A_364 : vector<256x128xf32> to vector<256x128xbf16>
    %swap3A_366 = arith.constant 0 : index
    %swap3A_367 = arith.constant 768 : index
    %swap3A_368 = vector.load %arg9[%swap3A_366, %swap3A_367] : memref<256x4096xbf16, #tpu.memory_space<vmem>>, vector<256x128xbf16>
    tpu.vector_store %arg9[%swap3A_366, %swap3A_367], %convert_element_type3A_365 {strides = array<i32>} : memref<256x4096xbf16, #tpu.memory_space<vmem>>, vector<256x128xbf16>,
    %add3A_369 = arith.addf %add3A_346, %max3A_364 : vector<256x128xf32>
    %get3A_370 = arith.constant 0 : index
    %get3A_371 = arith.constant 0 : index
    %get3A_372 = arith.constant 896 : index
    %get3A_373 = vector.load %arg1[%get3A_370, %get3A_371, %get3A_372] : memref<1x256x4096xf32, #tpu.memory_space<vmem>>, vector<1x256x128xf32>
    %get3A_374 = vector.shape_cast %get3A_373 : vector<1x256x128xf32> to vector<256x128xf32>
    %convert_element_type3A_375 = arith.truncf %get3A_374 : vector<256x128xf32> to vector<256x128xbf16>
    %get3A_376 = arith.constant 0 : index
    %get3A_377 = arith.constant 0 : index
    %get3A_378 = vector.load %arg4[%get3A_376, %get3A_377] : memref<768x128xbf16, #tpu.memory_space<vmem>>, vector<128x128xbf16>
    %dot_general3A_379 = arith.constant dense<0.000000e+00> : vector<256x128xf32>
    %dot_general3A_380 = tpu.matmul %convert_element_type3A_375, %get3A_378, %dot_general3A_379 {dimension_numbers = #tpu.dot_dimension_numbers<[1], [0], [0], [1], [0, 0, 1, 1], [], []>, transpose_lhs_hint = false} : vector<256x128xbf16>, vector<128x128xbf16>, vector<256x128xf32> -> vector<256x128xf32>
    %add3A_381 = arith.addf %dot_general3A_380, %tile3A : vector<256x128xf32>
    %slice3A_382 = vector.extract_strided_slice %add3A_209 {offsets = [7, 0], sizes = [1, 128], strides = [1, 1]} : vector<32x128xf32> to vector<1x128xf32>
    %add3A_383 = vector.broadcast %slice3A_382 : vector<1x128xf32> to vector<256x128xf32>
    %add3A_384 = arith.addf %add3A_381, %add3A_383 : vector<256x128xf32>
    %max3A_385 = arith.constant 0.000000e+00 : f32
    %max3A_386 = vector.broadcast %max3A_385 : f32 to vector<256x128xf32>
    %max3A_387 = arith.maximumf %add3A_384, %max3A_386 : vector<256x128xf32>
    %convert_element_type3A_388 = arith.truncf %max3A_387 : vector<256x128xf32> to vector<256x128xbf16>
    %swap3A_389 = arith.constant 0 : index
    %swap3A_390 = arith.constant 896 : index
    %swap3A_391 = vector.load %arg9[%swap3A_389, %swap3A_390] : memref<256x4096xbf16, #tpu.memory_space<vmem>>, vector<256x128xbf16>
    tpu.vector_store %arg9[%swap3A_389, %swap3A_390], %convert_element_type3A_388 {strides = array<i32>} : memref<256x4096xbf16, #tpu.memory_space<vmem>>, vector<256x128xbf16>,
    %add3A_392 = arith.addf %add3A_369, %max3A_387 : vector<256x128xf32>
    %get3A_393 = arith.constant 0 : index
    %get3A_394 = arith.constant 0 : index
    %get3A_395 = arith.constant 1024 : index
    %get3A_396 = vector.load %arg1[%get3A_393, %get3A_394, %get3A_395] : memref<1x256x4096xf32, #tpu.memory_space<vmem>>, vector<1x256x128xf32>
    %get3A_397 = vector.shape_cast %get3A_396 : vector<1x256x128xf32> to vector<256x128xf32>
    %convert_element_type3A_398 = arith.truncf %get3A_397 : vector<256x128xf32> to vector<256x128xbf16>
    %get3A_399 = arith.constant 0 : index
    %get3A_400 = arith.constant 0 : index
    %get3A_401 = vector.load %arg4[%get3A_399, %get3A_400] : memref<768x128xbf16, #tpu.memory_space<vmem>>, vector<128x128xbf16>
    %dot_general3A_402 = arith.constant dense<0.000000e+00> : vector<256x128xf32>
    %dot_general3A_403 = tpu.matmul %convert_element_type3A_398, %get3A_401, %dot_general3A_402 {dimension_numbers = #tpu.dot_dimension_numbers<[1], [0], [0], [1], [0, 0, 1, 1], [], []>, transpose_lhs_hint = false} : vector<256x128xbf16>, vector<128x128xbf16>, vector<256x128xf32> -> vector<256x128xf32>
    %add3A_404 = arith.addf %dot_general3A_403, %tile3A : vector<256x128xf32>
    %slice3A_405 = vector.extract_strided_slice %add3A_209 {offsets = [8, 0], sizes = [1, 128], strides = [1, 1]} : vector<32x128xf32> to vector<1x128xf32>
    %add3A_406 = vector.broadcast %slice3A_405 : vector<1x128xf32> to vector<256x128xf32>
    %add3A_407 = arith.addf %add3A_404, %add3A_406 : vector<256x128xf32>
    %max3A_408 = arith.constant 0.000000e+00 : f32
    %max3A_409 = vector.broadcast %max3A_408 : f32 to vector<256x128xf32>
    %max3A_410 = arith.maximumf %add3A_407, %max3A_409 : vector<256x128xf32>
    %convert_element_type3A_411 = arith.truncf %max3A_410 : vector<256x128xf32> to vector<256x128xbf16>
    %swap3A_412 = arith.constant 0 : index
    %swap3A_413 = arith.constant 1024 : index
    %swap3A_414 = vector.load %arg9[%swap3A_412, %swap3A_413] : memref<256x4096xbf16, #tpu.memory_space<vmem>>, vector<256x128xbf16>
    tpu.vector_store %arg9[%swap3A_412, %swap3A_413], %convert_element_type3A_411 {strides = array<i32>} : memref<256x4096xbf16, #tpu.memory_space<vmem>>, vector<256x128xbf16>,
    %add3A_415 = arith.addf %add3A_392, %max3A_410 : vector<256x128xf32>
    %get3A_416 = arith.constant 0 : index
    %get3A_417 = arith.constant 0 : index
    %get3A_418 = arith.constant 1152 : index
    %get3A_419 = vector.load %arg1[%get3A_416, %get3A_417, %get3A_418] : memref<1x256x4096xf32, #tpu.memory_space<vmem>>, vector<1x256x128xf32>
    %get3A_420 = vector.shape_cast %get3A_419 : vector<1x256x128xf32> to vector<256x128xf32>
    %convert_element_type3A_421 = arith.truncf %get3A_420 : vector<256x128xf32> to vector<256x128xbf16>
    %get3A_422 = arith.constant 0 : index
    %get3A_423 = arith.constant 0 : index
    %get3A_424 = vector.load %arg4[%get3A_422, %get3A_423] : memref<768x128xbf16, #tpu.memory_space<vmem>>, vector<128x128xbf16>
    %dot_general3A_425 = arith.constant dense<0.000000e+00> : vector<256x128xf32>
    %dot_general3A_426 = tpu.matmul %convert_element_type3A_421, %get3A_424, %dot_general3A_425 {dimension_numbers = #tpu.dot_dimension_numbers<[1], [0], [0], [1], [0, 0, 1, 1], [], []>, transpose_lhs_hint = false} : vector<256x128xbf16>, vector<128x128xbf16>, vector<256x128xf32> -> vector<256x128xf32>
    %add3A_427 = arith.addf %dot_general3A_426, %tile3A : vector<256x128xf32>
    %slice3A_428 = vector.extract_strided_slice %add3A_209 {offsets = [9, 0], sizes = [1, 128], strides = [1, 1]} : vector<32x128xf32> to vector<1x128xf32>
    %add3A_429 = vector.broadcast %slice3A_428 : vector<1x128xf32> to vector<256x128xf32>
    %add3A_430 = arith.addf %add3A_427, %add3A_429 : vector<256x128xf32>
    %max3A_431 = arith.constant 0.000000e+00 : f32
    %max3A_432 = vector.broadcast %max3A_431 : f32 to vector<256x128xf32>
    %max3A_433 = arith.maximumf %add3A_430, %max3A_432 : vector<256x128xf32>
    %convert_element_type3A_434 = arith.truncf %max3A_433 : vector<256x128xf32> to vector<256x128xbf16>
    %swap3A_435 = arith.constant 0 : index
    %swap3A_436 = arith.constant 1152 : index
    %swap3A_437 = vector.load %arg9[%swap3A_435, %swap3A_436] : memref<256x4096xbf16, #tpu.memory_space<vmem>>, vector<256x128xbf16>
    tpu.vector_store %arg9[%swap3A_435, %swap3A_436], %convert_element_type3A_434 {strides = array<i32>} : memref<256x4096xbf16, #tpu.memory_space<vmem>>, vector<256x128xbf16>,
    %add3A_438 = arith.addf %add3A_415, %max3A_433 : vector<256x128xf32>
    %get3A_439 = arith.constant 0 : index
    %get3A_440 = arith.constant 0 : index
    %get3A_441 = arith.constant 1280 : index
    %get3A_442 = vector.load %arg1[%get3A_439, %get3A_440, %get3A_441] : memref<1x256x4096xf32, #tpu.memory_space<vmem>>, vector<1x256x128xf32>
    %get3A_443 = vector.shape_cast %get3A_442 : vector<1x256x128xf32> to vector<256x128xf32>
    %convert_element_type3A_444 = arith.truncf %get3A_443 : vector<256x128xf32> to vector<256x128xbf16>
    %get3A_445 = arith.constant 0 : index
    %get3A_446 = arith.constant 0 : index
    %get3A_447 = vector.load %arg4[%get3A_445, %get3A_446] : memref<768x128xbf16, #tpu.memory_space<vmem>>, vector<128x128xbf16>
    %dot_general3A_448 = arith.constant dense<0.000000e+00> : vector<256x128xf32>
    %dot_general3A_449 = tpu.matmul %convert_element_type3A_444, %get3A_447, %dot_general3A_448 {dimension_numbers = #tpu.dot_dimension_numbers<[1], [0], [0], [1], [0, 0, 1, 1], [], []>, transpose_lhs_hint = false} : vector<256x128xbf16>, vector<128x128xbf16>, vector<256x128xf32> -> vector<256x128xf32>
    %add3A_450 = arith.addf %dot_general3A_449, %tile3A : vector<256x128xf32>
    %slice3A_451 = vector.extract_strided_slice %add3A_209 {offsets = [10, 0], sizes = [1, 128], strides = [1, 1]} : vector<32x128xf32> to vector<1x128xf32>
    %add3A_452 = vector.broadcast %slice3A_451 : vector<1x128xf32> to vector<256x128xf32>
    %add3A_453 = arith.addf %add3A_450, %add3A_452 : vector<256x128xf32>
    %max3A_454 = arith.constant 0.000000e+00 : f32
    %max3A_455 = vector.broadcast %max3A_454 : f32 to vector<256x128xf32>
    %max3A_456 = arith.maximumf %add3A_453, %max3A_455 : vector<256x128xf32>
    %convert_element_type3A_457 = arith.truncf %max3A_456 : vector<256x128xf32> to vector<256x128xbf16>
    %swap3A_458 = arith.constant 0 : index
    %swap3A_459 = arith.constant 1280 : index
    %swap3A_460 = vector.load %arg9[%swap3A_458, %swap3A_459] : memref<256x4096xbf16, #tpu.memory_space<vmem>>, vector<256x128xbf16>
    tpu.vector_store %arg9[%swap3A_458, %swap3A_459], %convert_element_type3A_457 {strides = array<i32>} : memref<256x4096xbf16, #tpu.memory_space<vmem>>, vector<256x128xbf16>,
    %add3A_461 = arith.addf %add3A_438, %max3A_456 : vector<256x128xf32>
    %get3A_462 = arith.constant 0 : index
    %get3A_463 = arith.constant 0 : index
    %get3A_464 = arith.constant 1408 : index
    %get3A_465 = vector.load %arg1[%get3A_462, %get3A_463, %get3A_464] : memref<1x256x4096xf32, #tpu.memory_space<vmem>>, vector<1x256x128xf32>
    %get3A_466 = vector.shape_cast %get3A_465 : vector<1x256x128xf32> to vector<256x128xf32>
    %convert_element_type3A_467 = arith.truncf %get3A_466 : vector<256x128xf32> to vector<256x128xbf16>
    %get3A_468 = arith.constant 0 : index
    %get3A_469 = arith.constant 0 : index
    %get3A_470 = vector.load %arg4[%get3A_468, %get3A_469] : memref<768x128xbf16, #tpu.memory_space<vmem>>, vector<128x128xbf16>
    %dot_general3A_471 = arith.constant dense<0.000000e+00> : vector<256x128xf32>
    %dot_general3A_472 = tpu.matmul %convert_element_type3A_467, %get3A_470, %dot_general3A_471 {dimension_numbers = #tpu.dot_dimension_numbers<[1], [0], [0], [1], [0, 0, 1, 1], [], []>, transpose_lhs_hint = false} : vector<256x128xbf16>, vector<128x128xbf16>, vector<256x128xf32> -> vector<256x128xf32>
    %add3A_473 = arith.addf %dot_general3A_472, %tile3A : vector<256x128xf32>
    %slice3A_474 = vector.extract_strided_slice %add3A_209 {offsets = [11, 0], sizes = [1, 128], strides = [1, 1]} : vector<32x128xf32> to vector<1x128xf32>
    %add3A_475 = vector.broadcast %slice3A_474 : vector<1x128xf32> to vector<256x128xf32>
    %add3A_476 = arith.addf %add3A_473, %add3A_475 : vector<256x128xf32>
    %max3A_477 = arith.constant 0.000000e+00 : f32
    %max3A_478 = vector.broadcast %max3A_477 : f32 to vector<256x128xf32>
    %max3A_479 = arith.maximumf %add3A_476, %max3A_478 : vector<256x128xf32>
    %convert_element_type3A_480 = arith.truncf %max3A_479 : vector<256x128xf32> to vector<256x128xbf16>
    %swap3A_481 = arith.constant 0 : index
    %swap3A_482 = arith.constant 1408 : index
    %swap3A_483 = vector.load %arg9[%swap3A_481, %swap3A_482] : memref<256x4096xbf16, #tpu.memory_space<vmem>>, vector<256x128xbf16>
    tpu.vector_store %arg9[%swap3A_481, %swap3A_482], %convert_element_type3A_480 {strides = array<i32>} : memref<256x4096xbf16, #tpu.memory_space<vmem>>, vector<256x128xbf16>,
    %add3A_484 = arith.addf %add3A_461, %max3A_479 : vector<256x128xf32>
    %get3A_485 = arith.constant 0 : index
    %get3A_486 = arith.constant 0 : index
    %get3A_487 = arith.constant 1536 : index
    %get3A_488 = vector.load %arg1[%get3A_485, %get3A_486, %get3A_487] : memref<1x256x4096xf32, #tpu.memory_space<vmem>>, vector<1x256x128xf32>
    %get3A_489 = vector.shape_cast %get3A_488 : vector<1x256x128xf32> to vector<256x128xf32>
    %convert_element_type3A_490 = arith.truncf %get3A_489 : vector<256x128xf32> to vector<256x128xbf16>
    %get3A_491 = arith.constant 0 : index
    %get3A_492 = arith.constant 0 : index
    %get3A_493 = vector.load %arg4[%get3A_491, %get3A_492] : memref<768x128xbf16, #tpu.memory_space<vmem>>, vector<128x128xbf16>
    %dot_general3A_494 = arith.constant dense<0.000000e+00> : vector<256x128xf32>
    %dot_general3A_495 = tpu.matmul %convert_element_type3A_490, %get3A_493, %dot_general3A_494 {dimension_numbers = #tpu.dot_dimension_numbers<[1], [0], [0], [1], [0, 0, 1, 1], [], []>, transpose_lhs_hint = false} : vector<256x128xbf16>, vector<128x128xbf16>, vector<256x128xf32> -> vector<256x128xf32>
    %add3A_496 = arith.addf %dot_general3A_495, %tile3A : vector<256x128xf32>
    %slice3A_497 = vector.extract_strided_slice %add3A_209 {offsets = [12, 0], sizes = [1, 128], strides = [1, 1]} : vector<32x128xf32> to vector<1x128xf32>
    %add3A_498 = vector.broadcast %slice3A_497 : vector<1x128xf32> to vector<256x128xf32>
    %add3A_499 = arith.addf %add3A_496, %add3A_498 : vector<256x128xf32>
    %max3A_500 = arith.constant 0.000000e+00 : f32
    %max3A_501 = vector.broadcast %max3A_500 : f32 to vector<256x128xf32>
    %max3A_502 = arith.maximumf %add3A_499, %max3A_501 : vector<256x128xf32>
    %convert_element_type3A_503 = arith.truncf %max3A_502 : vector<256x128xf32> to vector<256x128xbf16>
    %swap3A_504 = arith.constant 0 : index
    %swap3A_505 = arith.constant 1536 : index
    %swap3A_506 = vector.load %arg9[%swap3A_504, %swap3A_505] : memref<256x4096xbf16, #tpu.memory_space<vmem>>, vector<256x128xbf16>
    tpu.vector_store %arg9[%swap3A_504, %swap3A_505], %convert_element_type3A_503 {strides = array<i32>} : memref<256x4096xbf16, #tpu.memory_space<vmem>>, vector<256x128xbf16>,
    %add3A_507 = arith.addf %add3A_484, %max3A_502 : vector<256x128xf32>
    %get3A_508 = arith.constant 0 : index
    %get3A_509 = arith.constant 0 : index
    %get3A_510 = arith.constant 1664 : index
    %get3A_511 = vector.load %arg1[%get3A_508, %get3A_509, %get3A_510] : memref<1x256x4096xf32, #tpu.memory_space<vmem>>, vector<1x256x128xf32>
    %get3A_512 = vector.shape_cast %get3A_511 : vector<1x256x128xf32> to vector<256x128xf32>
    %convert_element_type3A_513 = arith.truncf %get3A_512 : vector<256x128xf32> to vector<256x128xbf16>
    %get3A_514 = arith.constant 0 : index
    %get3A_515 = arith.constant 0 : index
    %get3A_516 = vector.load %arg4[%get3A_514, %get3A_515] : memref<768x128xbf16, #tpu.memory_space<vmem>>, vector<128x128xbf16>
    %dot_general3A_517 = arith.constant dense<0.000000e+00> : vector<256x128xf32>
    %dot_general3A_518 = tpu.matmul %convert_element_type3A_513, %get3A_516, %dot_general3A_517 {dimension_numbers = #tpu.dot_dimension_numbers<[1], [0], [0], [1], [0, 0, 1, 1], [], []>, transpose_lhs_hint = false} : vector<256x128xbf16>, vector<128x128xbf16>, vector<256x128xf32> -> vector<256x128xf32>
    %add3A_519 = arith.addf %dot_general3A_518, %tile3A : vector<256x128xf32>
    %slice3A_520 = vector.extract_strided_slice %add3A_209 {offsets = [13, 0], sizes = [1, 128], strides = [1, 1]} : vector<32x128xf32> to vector<1x128xf32>
    %add3A_521 = vector.broadcast %slice3A_520 : vector<1x128xf32> to vector<256x128xf32>
    %add3A_522 = arith.addf %add3A_519, %add3A_521 : vector<256x128xf32>
    %max3A_523 = arith.constant 0.000000e+00 : f32
    %max3A_524 = vector.broadcast %max3A_523 : f32 to vector<256x128xf32>
    %max3A_525 = arith.maximumf %add3A_522, %max3A_524 : vector<256x128xf32>
    %convert_element_type3A_526 = arith.truncf %max3A_525 : vector<256x128xf32> to vector<256x128xbf16>
    %swap3A_527 = arith.constant 0 : index
    %swap3A_528 = arith.constant 1664 : index
    %swap3A_529 = vector.load %arg9[%swap3A_527, %swap3A_528] : memref<256x4096xbf16, #tpu.memory_space<vmem>>, vector<256x128xbf16>
    tpu.vector_store %arg9[%swap3A_527, %swap3A_528], %convert_element_type3A_526 {strides = array<i32>} : memref<256x4096xbf16, #tpu.memory_space<vmem>>, vector<256x128xbf16>,
    %add3A_530 = arith.addf %add3A_507, %max3A_525 : vector<256x128xf32>
    %get3A_531 = arith.constant 0 : index
    %get3A_532 = arith.constant 0 : index
    %get3A_533 = arith.constant 1792 : index
    %get3A_534 = vector.load %arg1[%get3A_531, %get3A_532, %get3A_533] : memref<1x256x4096xf32, #tpu.memory_space<vmem>>, vector<1x256x128xf32>
    %get3A_535 = vector.shape_cast %get3A_534 : vector<1x256x128xf32> to vector<256x128xf32>
    %convert_element_type3A_536 = arith.truncf %get3A_535 : vector<256x128xf32> to vector<256x128xbf16>
    %get3A_537 = arith.constant 0 : index
    %get3A_538 = arith.constant 0 : index
    %get3A_539 = vector.load %arg4[%get3A_537, %get3A_538] : memref<768x128xbf16, #tpu.memory_space<vmem>>, vector<128x128xbf16>
    %dot_general3A_540 = arith.constant dense<0.000000e+00> : vector<256x128xf32>
    %dot_general3A_541 = tpu.matmul %convert_element_type3A_536, %get3A_539, %dot_general3A_540 {dimension_numbers = #tpu.dot_dimension_numbers<[1], [0], [0], [1], [0, 0, 1, 1], [], []>, transpose_lhs_hint = false} : vector<256x128xbf16>, vector<128x128xbf16>, vector<256x128xf32> -> vector<256x128xf32>
    %add3A_542 = arith.addf %dot_general3A_541, %tile3A : vector<256x128xf32>
    %slice3A_543 = vector.extract_strided_slice %add3A_209 {offsets = [14, 0], sizes = [1, 128], strides = [1, 1]} : vector<32x128xf32> to vector<1x128xf32>
    %add3A_544 = vector.broadcast %slice3A_543 : vector<1x128xf32> to vector<256x128xf32>
    %add3A_545 = arith.addf %add3A_542, %add3A_544 : vector<256x128xf32>
    %max3A_546 = arith.constant 0.000000e+00 : f32
    %max3A_547 = vector.broadcast %max3A_546 : f32 to vector<256x128xf32>
    %max3A_548 = arith.maximumf %add3A_545, %max3A_547 : vector<256x128xf32>
    %convert_element_type3A_549 = arith.truncf %max3A_548 : vector<256x128xf32> to vector<256x128xbf16>
    %swap3A_550 = arith.constant 0 : index
    %swap3A_551 = arith.constant 1792 : index
    %swap3A_552 = vector.load %arg9[%swap3A_550, %swap3A_551] : memref<256x4096xbf16, #tpu.memory_space<vmem>>, vector<256x128xbf16>
    tpu.vector_store %arg9[%swap3A_550, %swap3A_551], %convert_element_type3A_549 {strides = array<i32>} : memref<256x4096xbf16, #tpu.memory_space<vmem>>, vector<256x128xbf16>,
    %add3A_553 = arith.addf %add3A_530, %max3A_548 : vector<256x128xf32>
    %get3A_554 = arith.constant 0 : index
    %get3A_555 = arith.constant 0 : index
    %get3A_556 = arith.constant 1920 : index
    %get3A_557 = vector.load %arg1[%get3A_554, %get3A_555, %get3A_556] : memref<1x256x4096xf32, #tpu.memory_space<vmem>>, vector<1x256x128xf32>
    %get3A_558 = vector.shape_cast %get3A_557 : vector<1x256x128xf32> to vector<256x128xf32>
    %convert_element_type3A_559 = arith.truncf %get3A_558 : vector<256x128xf32> to vector<256x128xbf16>
    %get3A_560 = arith.constant 0 : index
    %get3A_561 = arith.constant 0 : index
    %get3A_562 = vector.load %arg4[%get3A_560, %get3A_561] : memref<768x128xbf16, #tpu.memory_space<vmem>>, vector<128x128xbf16>
    %dot_general3A_563 = arith.constant dense<0.000000e+00> : vector<256x128xf32>
    %dot_general3A_564 = tpu.matmul %convert_element_type3A_559, %get3A_562, %dot_general3A_563 {dimension_numbers = #tpu.dot_dimension_numbers<[1], [0], [0], [1], [0, 0, 1, 1], [], []>, transpose_lhs_hint = false} : vector<256x128xbf16>, vector<128x128xbf16>, vector<256x128xf32> -> vector<256x128xf32>
    %add3A_565 = arith.addf %dot_general3A_564, %tile3A : vector<256x128xf32>
    %slice3A_566 = vector.extract_strided_slice %add3A_209 {offsets = [15, 0], sizes = [1, 128], strides = [1, 1]} : vector<32x128xf32> to vector<1x128xf32>
    %add3A_567 = vector.broadcast %slice3A_566 : vector<1x128xf32> to vector<256x128xf32>
    %add3A_568 = arith.addf %add3A_565, %add3A_567 : vector<256x128xf32>
    %max3A_569 = arith.constant 0.000000e+00 : f32
    %max3A_570 = vector.broadcast %max3A_569 : f32 to vector<256x128xf32>
    %max3A_571 = arith.maximumf %add3A_568, %max3A_570 : vector<256x128xf32>
    %convert_element_type3A_572 = arith.truncf %max3A_571 : vector<256x128xf32> to vector<256x128xbf16>
    %swap3A_573 = arith.constant 0 : index
    %swap3A_574 = arith.constant 1920 : index
    %swap3A_575 = vector.load %arg9[%swap3A_573, %swap3A_574] : memref<256x4096xbf16, #tpu.memory_space<vmem>>, vector<256x128xbf16>
    tpu.vector_store %arg9[%swap3A_573, %swap3A_574], %convert_element_type3A_572 {strides = array<i32>} : memref<256x4096xbf16, #tpu.memory_space<vmem>>, vector<256x128xbf16>,
    %add3A_576 = arith.addf %add3A_553, %max3A_571 : vector<256x128xf32>
    %get3A_577 = arith.constant 0 : index
    %get3A_578 = arith.constant 0 : index
    %get3A_579 = arith.constant 2048 : index
    %get3A_580 = vector.load %arg1[%get3A_577, %get3A_578, %get3A_579] : memref<1x256x4096xf32, #tpu.memory_space<vmem>>, vector<1x256x128xf32>
    %get3A_581 = vector.shape_cast %get3A_580 : vector<1x256x128xf32> to vector<256x128xf32>
    %convert_element_type3A_582 = arith.truncf %get3A_581 : vector<256x128xf32> to vector<256x128xbf16>
    %get3A_583 = arith.constant 0 : index
    %get3A_584 = arith.constant 0 : index
    %get3A_585 = vector.load %arg4[%get3A_583, %get3A_584] : memref<768x128xbf16, #tpu.memory_space<vmem>>, vector<128x128xbf16>
    %dot_general3A_586 = arith.constant dense<0.000000e+00> : vector<256x128xf32>
    %dot_general3A_587 = tpu.matmul %convert_element_type3A_582, %get3A_585, %dot_general3A_586 {dimension_numbers = #tpu.dot_dimension_numbers<[1], [0], [0], [1], [0, 0, 1, 1], [], []>, transpose_lhs_hint = false} : vector<256x128xbf16>, vector<128x128xbf16>, vector<256x128xf32> -> vector<256x128xf32>
    %add3A_588 = arith.addf %dot_general3A_587, %tile3A : vector<256x128xf32>
    %slice3A_589 = vector.extract_strided_slice %add3A_209 {offsets = [16, 0], sizes = [1, 128], strides = [1, 1]} : vector<32x128xf32> to vector<1x128xf32>
    %add3A_590 = vector.broadcast %slice3A_589 : vector<1x128xf32> to vector<256x128xf32>
    %add3A_591 = arith.addf %add3A_588, %add3A_590 : vector<256x128xf32>
    %max3A_592 = arith.constant 0.000000e+00 : f32
    %max3A_593 = vector.broadcast %max3A_592 : f32 to vector<256x128xf32>
    %max3A_594 = arith.maximumf %add3A_591, %max3A_593 : vector<256x128xf32>
    %convert_element_type3A_595 = arith.truncf %max3A_594 : vector<256x128xf32> to vector<256x128xbf16>
    %swap3A_596 = arith.constant 0 : index
    %swap3A_597 = arith.constant 2048 : index
    %swap3A_598 = vector.load %arg9[%swap3A_596, %swap3A_597] : memref<256x4096xbf16, #tpu.memory_space<vmem>>, vector<256x128xbf16>
    tpu.vector_store %arg9[%swap3A_596, %swap3A_597], %convert_element_type3A_595 {strides = array<i32>} : memref<256x4096xbf16, #tpu.memory_space<vmem>>, vector<256x128xbf16>,
    %add3A_599 = arith.addf %add3A_576, %max3A_594 : vector<256x128xf32>
    %get3A_600 = arith.constant 0 : index
    %get3A_601 = arith.constant 0 : index
    %get3A_602 = arith.constant 2176 : index
    %get3A_603 = vector.load %arg1[%get3A_600, %get3A_601, %get3A_602] : memref<1x256x4096xf32, #tpu.memory_space<vmem>>, vector<1x256x128xf32>
    %get3A_604 = vector.shape_cast %get3A_603 : vector<1x256x128xf32> to vector<256x128xf32>
    %convert_element_type3A_605 = arith.truncf %get3A_604 : vector<256x128xf32> to vector<256x128xbf16>
    %get3A_606 = arith.constant 0 : index
    %get3A_607 = arith.constant 0 : index
    %get3A_608 = vector.load %arg4[%get3A_606, %get3A_607] : memref<768x128xbf16, #tpu.memory_space<vmem>>, vector<128x128xbf16>
    %dot_general3A_609 = arith.constant dense<0.000000e+00> : vector<256x128xf32>
    %dot_general3A_610 = tpu.matmul %convert_element_type3A_605, %get3A_608, %dot_general3A_609 {dimension_numbers = #tpu.dot_dimension_numbers<[1], [0], [0], [1], [0, 0, 1, 1], [], []>, transpose_lhs_hint = false} : vector<256x128xbf16>, vector<128x128xbf16>, vector<256x128xf32> -> vector<256x128xf32>
    %add3A_611 = arith.addf %dot_general3A_610, %tile3A : vector<256x128xf32>
    %slice3A_612 = vector.extract_strided_slice %add3A_209 {offsets = [17, 0], sizes = [1, 128], strides = [1, 1]} : vector<32x128xf32> to vector<1x128xf32>
    %add3A_613 = vector.broadcast %slice3A_612 : vector<1x128xf32> to vector<256x128xf32>
    %add3A_614 = arith.addf %add3A_611, %add3A_613 : vector<256x128xf32>
    %max3A_615 = arith.constant 0.000000e+00 : f32
    %max3A_616 = vector.broadcast %max3A_615 : f32 to vector<256x128xf32>
    %max3A_617 = arith.maximumf %add3A_614, %max3A_616 : vector<256x128xf32>
    %convert_element_type3A_618 = arith.truncf %max3A_617 : vector<256x128xf32> to vector<256x128xbf16>
    %swap3A_619 = arith.constant 0 : index
    %swap3A_620 = arith.constant 2176 : index
    %swap3A_621 = vector.load %arg9[%swap3A_619, %swap3A_620] : memref<256x4096xbf16, #tpu.memory_space<vmem>>, vector<256x128xbf16>
    tpu.vector_store %arg9[%swap3A_619, %swap3A_620], %convert_element_type3A_618 {strides = array<i32>} : memref<256x4096xbf16, #tpu.memory_space<vmem>>, vector<256x128xbf16>,
    %add3A_622 = arith.addf %add3A_599, %max3A_617 : vector<256x128xf32>
    %get3A_623 = arith.constant 0 : index
    %get3A_624 = arith.constant 0 : index
    %get3A_625 = arith.constant 2304 : index
    %get3A_626 = vector.load %arg1[%get3A_623, %get3A_624, %get3A_625] : memref<1x256x4096xf32, #tpu.memory_space<vmem>>, vector<1x256x128xf32>
    %get3A_627 = vector.shape_cast %get3A_626 : vector<1x256x128xf32> to vector<256x128xf32>
    %convert_element_type3A_628 = arith.truncf %get3A_627 : vector<256x128xf32> to vector<256x128xbf16>
    %get3A_629 = arith.constant 0 : index
    %get3A_630 = arith.constant 0 : index
    %get3A_631 = vector.load %arg4[%get3A_629, %get3A_630] : memref<768x128xbf16, #tpu.memory_space<vmem>>, vector<128x128xbf16>
    %dot_general3A_632 = arith.constant dense<0.000000e+00> : vector<256x128xf32>
    %dot_general3A_633 = tpu.matmul %convert_element_type3A_628, %get3A_631, %dot_general3A_632 {dimension_numbers = #tpu.dot_dimension_numbers<[1], [0], [0], [1], [0, 0, 1, 1], [], []>, transpose_lhs_hint = false} : vector<256x128xbf16>, vector<128x128xbf16>, vector<256x128xf32> -> vector<256x128xf32>
    %add3A_634 = arith.addf %dot_general3A_633, %tile3A : vector<256x128xf32>
    %slice3A_635 = vector.extract_strided_slice %add3A_209 {offsets = [18, 0], sizes = [1, 128], strides = [1, 1]} : vector<32x128xf32> to vector<1x128xf32>
    %add3A_636 = vector.broadcast %slice3A_635 : vector<1x128xf32> to vector<256x128xf32>
    %add3A_637 = arith.addf %add3A_634, %add3A_636 : vector<256x128xf32>
    %max3A_638 = arith.constant 0.000000e+00 : f32
    %max3A_639 = vector.broadcast %max3A_638 : f32 to vector<256x128xf32>
    %max3A_640 = arith.maximumf %add3A_637, %max3A_639 : vector<256x128xf32>
    %convert_element_type3A_641 = arith.truncf %max3A_640 : vector<256x128xf32> to vector<256x128xbf16>
    %swap3A_642 = arith.constant 0 : index
    %swap3A_643 = arith.constant 2304 : index
    %swap3A_644 = vector.load %arg9[%swap3A_642, %swap3A_643] : memref<256x4096xbf16, #tpu.memory_space<vmem>>, vector<256x128xbf16>
    tpu.vector_store %arg9[%swap3A_642, %swap3A_643], %convert_element_type3A_641 {strides = array<i32>} : memref<256x4096xbf16, #tpu.memory_space<vmem>>, vector<256x128xbf16>,
    %add3A_645 = arith.addf %add3A_622, %max3A_640 : vector<256x128xf32>
    %get3A_646 = arith.constant 0 : index
    %get3A_647 = arith.constant 0 : index
    %get3A_648 = arith.constant 2432 : index
    %get3A_649 = vector.load %arg1[%get3A_646, %get3A_647, %get3A_648] : memref<1x256x4096xf32, #tpu.memory_space<vmem>>, vector<1x256x128xf32>
    %get3A_650 = vector.shape_cast %get3A_649 : vector<1x256x128xf32> to vector<256x128xf32>
    %convert_element_type3A_651 = arith.truncf %get3A_650 : vector<256x128xf32> to vector<256x128xbf16>
    %get3A_652 = arith.constant 0 : index
    %get3A_653 = arith.constant 0 : index
    %get3A_654 = vector.load %arg4[%get3A_652, %get3A_653] : memref<768x128xbf16, #tpu.memory_space<vmem>>, vector<128x128xbf16>
    %dot_general3A_655 = arith.constant dense<0.000000e+00> : vector<256x128xf32>
    %dot_general3A_656 = tpu.matmul %convert_element_type3A_651, %get3A_654, %dot_general3A_655 {dimension_numbers = #tpu.dot_dimension_numbers<[1], [0], [0], [1], [0, 0, 1, 1], [], []>, transpose_lhs_hint = false} : vector<256x128xbf16>, vector<128x128xbf16>, vector<256x128xf32> -> vector<256x128xf32>
    %add3A_657 = arith.addf %dot_general3A_656, %tile3A : vector<256x128xf32>
    %slice3A_658 = vector.extract_strided_slice %add3A_209 {offsets = [19, 0], sizes = [1, 128], strides = [1, 1]} : vector<32x128xf32> to vector<1x128xf32>
    %add3A_659 = vector.broadcast %slice3A_658 : vector<1x128xf32> to vector<256x128xf32>
    %add3A_660 = arith.addf %add3A_657, %add3A_659 : vector<256x128xf32>
    %max3A_661 = arith.constant 0.000000e+00 : f32
    %max3A_662 = vector.broadcast %max3A_661 : f32 to vector<256x128xf32>
    %max3A_663 = arith.maximumf %add3A_660, %max3A_662 : vector<256x128xf32>
    %convert_element_type3A_664 = arith.truncf %max3A_663 : vector<256x128xf32> to vector<256x128xbf16>
    %swap3A_665 = arith.constant 0 : index
    %swap3A_666 = arith.constant 2432 : index
    %swap3A_667 = vector.load %arg9[%swap3A_665, %swap3A_666] : memref<256x4096xbf16, #tpu.memory_space<vmem>>, vector<256x128xbf16>
    tpu.vector_store %arg9[%swap3A_665, %swap3A_666], %convert_element_type3A_664 {strides = array<i32>} : memref<256x4096xbf16, #tpu.memory_space<vmem>>, vector<256x128xbf16>,
    %add3A_668 = arith.addf %add3A_645, %max3A_663 : vector<256x128xf32>
    %get3A_669 = arith.constant 0 : index
    %get3A_670 = arith.constant 0 : index
    %get3A_671 = arith.constant 2560 : index
    %get3A_672 = vector.load %arg1[%get3A_669, %get3A_670, %get3A_671] : memref<1x256x4096xf32, #tpu.memory_space<vmem>>, vector<1x256x128xf32>
    %get3A_673 = vector.shape_cast %get3A_672 : vector<1x256x128xf32> to vector<256x128xf32>
    %convert_element_type3A_674 = arith.truncf %get3A_673 : vector<256x128xf32> to vector<256x128xbf16>
    %get3A_675 = arith.constant 0 : index
    %get3A_676 = arith.constant 0 : index
    %get3A_677 = vector.load %arg4[%get3A_675, %get3A_676] : memref<768x128xbf16, #tpu.memory_space<vmem>>, vector<128x128xbf16>
    %dot_general3A_678 = arith.constant dense<0.000000e+00> : vector<256x128xf32>
    %dot_general3A_679 = tpu.matmul %convert_element_type3A_674, %get3A_677, %dot_general3A_678 {dimension_numbers = #tpu.dot_dimension_numbers<[1], [0], [0], [1], [0, 0, 1, 1], [], []>, transpose_lhs_hint = false} : vector<256x128xbf16>, vector<128x128xbf16>, vector<256x128xf32> -> vector<256x128xf32>
    %add3A_680 = arith.addf %dot_general3A_679, %tile3A : vector<256x128xf32>
    %slice3A_681 = vector.extract_strided_slice %add3A_209 {offsets = [20, 0], sizes = [1, 128], strides = [1, 1]} : vector<32x128xf32> to vector<1x128xf32>
    %add3A_682 = vector.broadcast %slice3A_681 : vector<1x128xf32> to vector<256x128xf32>
    %add3A_683 = arith.addf %add3A_680, %add3A_682 : vector<256x128xf32>
    %max3A_684 = arith.constant 0.000000e+00 : f32
    %max3A_685 = vector.broadcast %max3A_684 : f32 to vector<256x128xf32>
    %max3A_686 = arith.maximumf %add3A_683, %max3A_685 : vector<256x128xf32>
    %convert_element_type3A_687 = arith.truncf %max3A_686 : vector<256x128xf32> to vector<256x128xbf16>
    %swap3A_688 = arith.constant 0 : index
    %swap3A_689 = arith.constant 2560 : index
    %swap3A_690 = vector.load %arg9[%swap3A_688, %swap3A_689] : memref<256x4096xbf16, #tpu.memory_space<vmem>>, vector<256x128xbf16>
    tpu.vector_store %arg9[%swap3A_688, %swap3A_689], %convert_element_type3A_687 {strides = array<i32>} : memref<256x4096xbf16, #tpu.memory_space<vmem>>, vector<256x128xbf16>,
    %add3A_691 = arith.addf %add3A_668, %max3A_686 : vector<256x128xf32>
    %get3A_692 = arith.constant 0 : index
    %get3A_693 = arith.constant 0 : index
    %get3A_694 = arith.constant 2688 : index
    %get3A_695 = vector.load %arg1[%get3A_692, %get3A_693, %get3A_694] : memref<1x256x4096xf32, #tpu.memory_space<vmem>>, vector<1x256x128xf32>
    %get3A_696 = vector.shape_cast %get3A_695 : vector<1x256x128xf32> to vector<256x128xf32>
    %convert_element_type3A_697 = arith.truncf %get3A_696 : vector<256x128xf32> to vector<256x128xbf16>
    %get3A_698 = arith.constant 0 : index
    %get3A_699 = arith.constant 0 : index
    %get3A_700 = vector.load %arg4[%get3A_698, %get3A_699] : memref<768x128xbf16, #tpu.memory_space<vmem>>, vector<128x128xbf16>
    %dot_general3A_701 = arith.constant dense<0.000000e+00> : vector<256x128xf32>
    %dot_general3A_702 = tpu.matmul %convert_element_type3A_697, %get3A_700, %dot_general3A_701 {dimension_numbers = #tpu.dot_dimension_numbers<[1], [0], [0], [1], [0, 0, 1, 1], [], []>, transpose_lhs_hint = false} : vector<256x128xbf16>, vector<128x128xbf16>, vector<256x128xf32> -> vector<256x128xf32>
    %add3A_703 = arith.addf %dot_general3A_702, %tile3A : vector<256x128xf32>
    %slice3A_704 = vector.extract_strided_slice %add3A_209 {offsets = [21, 0], sizes = [1, 128], strides = [1, 1]} : vector<32x128xf32> to vector<1x128xf32>
    %add3A_705 = vector.broadcast %slice3A_704 : vector<1x128xf32> to vector<256x128xf32>
    %add3A_706 = arith.addf %add3A_703, %add3A_705 : vector<256x128xf32>
    %max3A_707 = arith.constant 0.000000e+00 : f32
    %max3A_708 = vector.broadcast %max3A_707 : f32 to vector<256x128xf32>
    %max3A_709 = arith.maximumf %add3A_706, %max3A_708 : vector<256x128xf32>
    %convert_element_type3A_710 = arith.truncf %max3A_709 : vector<256x128xf32> to vector<256x128xbf16>
    %swap3A_711 = arith.constant 0 : index
    %swap3A_712 = arith.constant 2688 : index
    %swap3A_713 = vector.load %arg9[%swap3A_711, %swap3A_712] : memref<256x4096xbf16, #tpu.memory_space<vmem>>, vector<256x128xbf16>
    tpu.vector_store %arg9[%swap3A_711, %swap3A_712], %convert_element_type3A_710 {strides = array<i32>} : memref<256x4096xbf16, #tpu.memory_space<vmem>>, vector<256x128xbf16>,
    %add3A_714 = arith.addf %add3A_691, %max3A_709 : vector<256x128xf32>
    %get3A_715 = arith.constant 0 : index
    %get3A_716 = arith.constant 0 : index
    %get3A_717 = arith.constant 2816 : index
    %get3A_718 = vector.load %arg1[%get3A_715, %get3A_716, %get3A_717] : memref<1x256x4096xf32, #tpu.memory_space<vmem>>, vector<1x256x128xf32>
    %get3A_719 = vector.shape_cast %get3A_718 : vector<1x256x128xf32> to vector<256x128xf32>
    %convert_element_type3A_720 = arith.truncf %get3A_719 : vector<256x128xf32> to vector<256x128xbf16>
    %get3A_721 = arith.constant 0 : index
    %get3A_722 = arith.constant 0 : index
    %get3A_723 = vector.load %arg4[%get3A_721, %get3A_722] : memref<768x128xbf16, #tpu.memory_space<vmem>>, vector<128x128xbf16>
    %dot_general3A_724 = arith.constant dense<0.000000e+00> : vector<256x128xf32>
    %dot_general3A_725 = tpu.matmul %convert_element_type3A_720, %get3A_723, %dot_general3A_724 {dimension_numbers = #tpu.dot_dimension_numbers<[1], [0], [0], [1], [0, 0, 1, 1], [], []>, transpose_lhs_hint = false} : vector<256x128xbf16>, vector<128x128xbf16>, vector<256x128xf32> -> vector<256x128xf32>
    %add3A_726 = arith.addf %dot_general3A_725, %tile3A : vector<256x128xf32>
    %slice3A_727 = vector.extract_strided_slice %add3A_209 {offsets = [22, 0], sizes = [1, 128], strides = [1, 1]} : vector<32x128xf32> to vector<1x128xf32>
    %add3A_728 = vector.broadcast %slice3A_727 : vector<1x128xf32> to vector<256x128xf32>
    %add3A_729 = arith.addf %add3A_726, %add3A_728 : vector<256x128xf32>
    %max3A_730 = arith.constant 0.000000e+00 : f32
    %max3A_731 = vector.broadcast %max3A_730 : f32 to vector<256x128xf32>
    %max3A_732 = arith.maximumf %add3A_729, %max3A_731 : vector<256x128xf32>
    %convert_element_type3A_733 = arith.truncf %max3A_732 : vector<256x128xf32> to vector<256x128xbf16>
    %swap3A_734 = arith.constant 0 : index
    %swap3A_735 = arith.constant 2816 : index
    %swap3A_736 = vector.load %arg9[%swap3A_734, %swap3A_735] : memref<256x4096xbf16, #tpu.memory_space<vmem>>, vector<256x128xbf16>
    tpu.vector_store %arg9[%swap3A_734, %swap3A_735], %convert_element_type3A_733 {strides = array<i32>} : memref<256x4096xbf16, #tpu.memory_space<vmem>>, vector<256x128xbf16>,
    %add3A_737 = arith.addf %add3A_714, %max3A_732 : vector<256x128xf32>
    %get3A_738 = arith.constant 0 : index
    %get3A_739 = arith.constant 0 : index
    %get3A_740 = arith.constant 2944 : index
    %get3A_741 = vector.load %arg1[%get3A_738, %get3A_739, %get3A_740] : memref<1x256x4096xf32, #tpu.memory_space<vmem>>, vector<1x256x128xf32>
    %get3A_742 = vector.shape_cast %get3A_741 : vector<1x256x128xf32> to vector<256x128xf32>
    %convert_element_type3A_743 = arith.truncf %get3A_742 : vector<256x128xf32> to vector<256x128xbf16>
    %get3A_744 = arith.constant 0 : index
    %get3A_745 = arith.constant 0 : index
    %get3A_746 = vector.load %arg4[%get3A_744, %get3A_745] : memref<768x128xbf16, #tpu.memory_space<vmem>>, vector<128x128xbf16>
    %dot_general3A_747 = arith.constant dense<0.000000e+00> : vector<256x128xf32>
    %dot_general3A_748 = tpu.matmul %convert_element_type3A_743, %get3A_746, %dot_general3A_747 {dimension_numbers = #tpu.dot_dimension_numbers<[1], [0], [0], [1], [0, 0, 1, 1], [], []>, transpose_lhs_hint = false} : vector<256x128xbf16>, vector<128x128xbf16>, vector<256x128xf32> -> vector<256x128xf32>
    %add3A_749 = arith.addf %dot_general3A_748, %tile3A : vector<256x128xf32>
    %slice3A_750 = vector.extract_strided_slice %add3A_209 {offsets = [23, 0], sizes = [1, 128], strides = [1, 1]} : vector<32x128xf32> to vector<1x128xf32>
    %add3A_751 = vector.broadcast %slice3A_750 : vector<1x128xf32> to vector<256x128xf32>
    %add3A_752 = arith.addf %add3A_749, %add3A_751 : vector<256x128xf32>
    %max3A_753 = arith.constant 0.000000e+00 : f32
    %max3A_754 = vector.broadcast %max3A_753 : f32 to vector<256x128xf32>
    %max3A_755 = arith.maximumf %add3A_752, %max3A_754 : vector<256x128xf32>
    %convert_element_type3A_756 = arith.truncf %max3A_755 : vector<256x128xf32> to vector<256x128xbf16>
    %swap3A_757 = arith.constant 0 : index
    %swap3A_758 = arith.constant 2944 : index
    %swap3A_759 = vector.load %arg9[%swap3A_757, %swap3A_758] : memref<256x4096xbf16, #tpu.memory_space<vmem>>, vector<256x128xbf16>
    tpu.vector_store %arg9[%swap3A_757, %swap3A_758], %convert_element_type3A_756 {strides = array<i32>} : memref<256x4096xbf16, #tpu.memory_space<vmem>>, vector<256x128xbf16>,
    %add3A_760 = arith.addf %add3A_737, %max3A_755 : vector<256x128xf32>
    %get3A_761 = arith.constant 0 : index
    %get3A_762 = arith.constant 0 : index
    %get3A_763 = arith.constant 3072 : index
    %get3A_764 = vector.load %arg1[%get3A_761, %get3A_762, %get3A_763] : memref<1x256x4096xf32, #tpu.memory_space<vmem>>, vector<1x256x128xf32>
    %get3A_765 = vector.shape_cast %get3A_764 : vector<1x256x128xf32> to vector<256x128xf32>
    %convert_element_type3A_766 = arith.truncf %get3A_765 : vector<256x128xf32> to vector<256x128xbf16>
    %get3A_767 = arith.constant 0 : index
    %get3A_768 = arith.constant 0 : index
    %get3A_769 = vector.load %arg4[%get3A_767, %get3A_768] : memref<768x128xbf16, #tpu.memory_space<vmem>>, vector<128x128xbf16>
    %dot_general3A_770 = arith.constant dense<0.000000e+00> : vector<256x128xf32>
    %dot_general3A_771 = tpu.matmul %convert_element_type3A_766, %get3A_769, %dot_general3A_770 {dimension_numbers = #tpu.dot_dimension_numbers<[1], [0], [0], [1], [0, 0, 1, 1], [], []>, transpose_lhs_hint = false} : vector<256x128xbf16>, vector<128x128xbf16>, vector<256x128xf32> -> vector<256x128xf32>
    %add3A_772 = arith.addf %dot_general3A_771, %tile3A : vector<256x128xf32>
    %slice3A_773 = vector.extract_strided_slice %add3A_209 {offsets = [24, 0], sizes = [1, 128], strides = [1, 1]} : vector<32x128xf32> to vector<1x128xf32>
    %add3A_774 = vector.broadcast %slice3A_773 : vector<1x128xf32> to vector<256x128xf32>
    %add3A_775 = arith.addf %add3A_772, %add3A_774 : vector<256x128xf32>
    %max3A_776 = arith.constant 0.000000e+00 : f32
    %max3A_777 = vector.broadcast %max3A_776 : f32 to vector<256x128xf32>
    %max3A_778 = arith.maximumf %add3A_775, %max3A_777 : vector<256x128xf32>
    %convert_element_type3A_779 = arith.truncf %max3A_778 : vector<256x128xf32> to vector<256x128xbf16>
    %swap3A_780 = arith.constant 0 : index
    %swap3A_781 = arith.constant 3072 : index
    %swap3A_782 = vector.load %arg9[%swap3A_780, %swap3A_781] : memref<256x4096xbf16, #tpu.memory_space<vmem>>, vector<256x128xbf16>
    tpu.vector_store %arg9[%swap3A_780, %swap3A_781], %convert_element_type3A_779 {strides = array<i32>} : memref<256x4096xbf16, #tpu.memory_space<vmem>>, vector<256x128xbf16>,
    %add3A_783 = arith.addf %add3A_760, %max3A_778 : vector<256x128xf32>
    %get3A_784 = arith.constant 0 : index
    %get3A_785 = arith.constant 0 : index
    %get3A_786 = arith.constant 3200 : index
    %get3A_787 = vector.load %arg1[%get3A_784, %get3A_785, %get3A_786] : memref<1x256x4096xf32, #tpu.memory_space<vmem>>, vector<1x256x128xf32>
    %get3A_788 = vector.shape_cast %get3A_787 : vector<1x256x128xf32> to vector<256x128xf32>
    %convert_element_type3A_789 = arith.truncf %get3A_788 : vector<256x128xf32> to vector<256x128xbf16>
    %get3A_790 = arith.constant 0 : index
    %get3A_791 = arith.constant 0 : index
    %get3A_792 = vector.load %arg4[%get3A_790, %get3A_791] : memref<768x128xbf16, #tpu.memory_space<vmem>>, vector<128x128xbf16>
    %dot_general3A_793 = arith.constant dense<0.000000e+00> : vector<256x128xf32>
    %dot_general3A_794 = tpu.matmul %convert_element_type3A_789, %get3A_792, %dot_general3A_793 {dimension_numbers = #tpu.dot_dimension_numbers<[1], [0], [0], [1], [0, 0, 1, 1], [], []>, transpose_lhs_hint = false} : vector<256x128xbf16>, vector<128x128xbf16>, vector<256x128xf32> -> vector<256x128xf32>
    %add3A_795 = arith.addf %dot_general3A_794, %tile3A : vector<256x128xf32>
    %slice3A_796 = vector.extract_strided_slice %add3A_209 {offsets = [25, 0], sizes = [1, 128], strides = [1, 1]} : vector<32x128xf32> to vector<1x128xf32>
    %add3A_797 = vector.broadcast %slice3A_796 : vector<1x128xf32> to vector<256x128xf32>
    %add3A_798 = arith.addf %add3A_795, %add3A_797 : vector<256x128xf32>
    %max3A_799 = arith.constant 0.000000e+00 : f32
    %max3A_800 = vector.broadcast %max3A_799 : f32 to vector<256x128xf32>
    %max3A_801 = arith.maximumf %add3A_798, %max3A_800 : vector<256x128xf32>
    %convert_element_type3A_802 = arith.truncf %max3A_801 : vector<256x128xf32> to vector<256x128xbf16>
    %swap3A_803 = arith.constant 0 : index
    %swap3A_804 = arith.constant 3200 : index
    %swap3A_805 = vector.load %arg9[%swap3A_803, %swap3A_804] : memref<256x4096xbf16, #tpu.memory_space<vmem>>, vector<256x128xbf16>
    tpu.vector_store %arg9[%swap3A_803, %swap3A_804], %convert_element_type3A_802 {strides = array<i32>} : memref<256x4096xbf16, #tpu.memory_space<vmem>>, vector<256x128xbf16>,
    %add3A_806 = arith.addf %add3A_783, %max3A_801 : vector<256x128xf32>
    %get3A_807 = arith.constant 0 : index
    %get3A_808 = arith.constant 0 : index
    %get3A_809 = arith.constant 3328 : index
    %get3A_810 = vector.load %arg1[%get3A_807, %get3A_808, %get3A_809] : memref<1x256x4096xf32, #tpu.memory_space<vmem>>, vector<1x256x128xf32>
    %get3A_811 = vector.shape_cast %get3A_810 : vector<1x256x128xf32> to vector<256x128xf32>
    %convert_element_type3A_812 = arith.truncf %get3A_811 : vector<256x128xf32> to vector<256x128xbf16>
    %get3A_813 = arith.constant 0 : index
    %get3A_814 = arith.constant 0 : index
    %get3A_815 = vector.load %arg4[%get3A_813, %get3A_814] : memref<768x128xbf16, #tpu.memory_space<vmem>>, vector<128x128xbf16>
    %dot_general3A_816 = arith.constant dense<0.000000e+00> : vector<256x128xf32>
    %dot_general3A_817 = tpu.matmul %convert_element_type3A_812, %get3A_815, %dot_general3A_816 {dimension_numbers = #tpu.dot_dimension_numbers<[1], [0], [0], [1], [0, 0, 1, 1], [], []>, transpose_lhs_hint = false} : vector<256x128xbf16>, vector<128x128xbf16>, vector<256x128xf32> -> vector<256x128xf32>
    %add3A_818 = arith.addf %dot_general3A_817, %tile3A : vector<256x128xf32>
    %slice3A_819 = vector.extract_strided_slice %add3A_209 {offsets = [26, 0], sizes = [1, 128], strides = [1, 1]} : vector<32x128xf32> to vector<1x128xf32>
    %add3A_820 = vector.broadcast %slice3A_819 : vector<1x128xf32> to vector<256x128xf32>
    %add3A_821 = arith.addf %add3A_818, %add3A_820 : vector<256x128xf32>
    %max3A_822 = arith.constant 0.000000e+00 : f32
    %max3A_823 = vector.broadcast %max3A_822 : f32 to vector<256x128xf32>
    %max3A_824 = arith.maximumf %add3A_821, %max3A_823 : vector<256x128xf32>
    %convert_element_type3A_825 = arith.truncf %max3A_824 : vector<256x128xf32> to vector<256x128xbf16>
    %swap3A_826 = arith.constant 0 : index
    %swap3A_827 = arith.constant 3328 : index
    %swap3A_828 = vector.load %arg9[%swap3A_826, %swap3A_827] : memref<256x4096xbf16, #tpu.memory_space<vmem>>, vector<256x128xbf16>
    tpu.vector_store %arg9[%swap3A_826, %swap3A_827], %convert_element_type3A_825 {strides = array<i32>} : memref<256x4096xbf16, #tpu.memory_space<vmem>>, vector<256x128xbf16>,
    %add3A_829 = arith.addf %add3A_806, %max3A_824 : vector<256x128xf32>
    %get3A_830 = arith.constant 0 : index
    %get3A_831 = arith.constant 0 : index
    %get3A_832 = arith.constant 3456 : index
    %get3A_833 = vector.load %arg1[%get3A_830, %get3A_831, %get3A_832] : memref<1x256x4096xf32, #tpu.memory_space<vmem>>, vector<1x256x128xf32>
    %get3A_834 = vector.shape_cast %get3A_833 : vector<1x256x128xf32> to vector<256x128xf32>
    %convert_element_type3A_835 = arith.truncf %get3A_834 : vector<256x128xf32> to vector<256x128xbf16>
    %get3A_836 = arith.constant 0 : index
    %get3A_837 = arith.constant 0 : index
    %get3A_838 = vector.load %arg4[%get3A_836, %get3A_837] : memref<768x128xbf16, #tpu.memory_space<vmem>>, vector<128x128xbf16>
    %dot_general3A_839 = arith.constant dense<0.000000e+00> : vector<256x128xf32>
    %dot_general3A_840 = tpu.matmul %convert_element_type3A_835, %get3A_838, %dot_general3A_839 {dimension_numbers = #tpu.dot_dimension_numbers<[1], [0], [0], [1], [0, 0, 1, 1], [], []>, transpose_lhs_hint = false} : vector<256x128xbf16>, vector<128x128xbf16>, vector<256x128xf32> -> vector<256x128xf32>
    %add3A_841 = arith.addf %dot_general3A_840, %tile3A : vector<256x128xf32>
    %slice3A_842 = vector.extract_strided_slice %add3A_209 {offsets = [27, 0], sizes = [1, 128], strides = [1, 1]} : vector<32x128xf32> to vector<1x128xf32>
    %add3A_843 = vector.broadcast %slice3A_842 : vector<1x128xf32> to vector<256x128xf32>
    %add3A_844 = arith.addf %add3A_841, %add3A_843 : vector<256x128xf32>
    %max3A_845 = arith.constant 0.000000e+00 : f32
    %max3A_846 = vector.broadcast %max3A_845 : f32 to vector<256x128xf32>
    %max3A_847 = arith.maximumf %add3A_844, %max3A_846 : vector<256x128xf32>
    %convert_element_type3A_848 = arith.truncf %max3A_847 : vector<256x128xf32> to vector<256x128xbf16>
    %swap3A_849 = arith.constant 0 : index
    %swap3A_850 = arith.constant 3456 : index
    %swap3A_851 = vector.load %arg9[%swap3A_849, %swap3A_850] : memref<256x4096xbf16, #tpu.memory_space<vmem>>, vector<256x128xbf16>
    tpu.vector_store %arg9[%swap3A_849, %swap3A_850], %convert_element_type3A_848 {strides = array<i32>} : memref<256x4096xbf16, #tpu.memory_space<vmem>>, vector<256x128xbf16>,
    %add3A_852 = arith.addf %add3A_829, %max3A_847 : vector<256x128xf32>
    %get3A_853 = arith.constant 0 : index
    %get3A_854 = arith.constant 0 : index
    %get3A_855 = arith.constant 3584 : index
    %get3A_856 = vector.load %arg1[%get3A_853, %get3A_854, %get3A_855] : memref<1x256x4096xf32, #tpu.memory_space<vmem>>, vector<1x256x128xf32>
    %get3A_857 = vector.shape_cast %get3A_856 : vector<1x256x128xf32> to vector<256x128xf32>
    %convert_element_type3A_858 = arith.truncf %get3A_857 : vector<256x128xf32> to vector<256x128xbf16>
    %get3A_859 = arith.constant 0 : index
    %get3A_860 = arith.constant 0 : index
    %get3A_861 = vector.load %arg4[%get3A_859, %get3A_860] : memref<768x128xbf16, #tpu.memory_space<vmem>>, vector<128x128xbf16>
    %dot_general3A_862 = arith.constant dense<0.000000e+00> : vector<256x128xf32>
    %dot_general3A_863 = tpu.matmul %convert_element_type3A_858, %get3A_861, %dot_general3A_862 {dimension_numbers = #tpu.dot_dimension_numbers<[1], [0], [0], [1], [0, 0, 1, 1], [], []>, transpose_lhs_hint = false} : vector<256x128xbf16>, vector<128x128xbf16>, vector<256x128xf32> -> vector<256x128xf32>
    %add3A_864 = arith.addf %dot_general3A_863, %tile3A : vector<256x128xf32>
    %slice3A_865 = vector.extract_strided_slice %add3A_209 {offsets = [28, 0], sizes = [1, 128], strides = [1, 1]} : vector<32x128xf32> to vector<1x128xf32>
    %add3A_866 = vector.broadcast %slice3A_865 : vector<1x128xf32> to vector<256x128xf32>
    %add3A_867 = arith.addf %add3A_864, %add3A_866 : vector<256x128xf32>
    %max3A_868 = arith.constant 0.000000e+00 : f32
    %max3A_869 = vector.broadcast %max3A_868 : f32 to vector<256x128xf32>
    %max3A_870 = arith.maximumf %add3A_867, %max3A_869 : vector<256x128xf32>
    %convert_element_type3A_871 = arith.truncf %max3A_870 : vector<256x128xf32> to vector<256x128xbf16>
    %swap3A_872 = arith.constant 0 : index
    %swap3A_873 = arith.constant 3584 : index
    %swap3A_874 = vector.load %arg9[%swap3A_872, %swap3A_873] : memref<256x4096xbf16, #tpu.memory_space<vmem>>, vector<256x128xbf16>
    tpu.vector_store %arg9[%swap3A_872, %swap3A_873], %convert_element_type3A_871 {strides = array<i32>} : memref<256x4096xbf16, #tpu.memory_space<vmem>>, vector<256x128xbf16>,
    %add3A_875 = arith.addf %add3A_852, %max3A_870 : vector<256x128xf32>
    %get3A_876 = arith.constant 0 : index
    %get3A_877 = arith.constant 0 : index
    %get3A_878 = arith.constant 3712 : index
    %get3A_879 = vector.load %arg1[%get3A_876, %get3A_877, %get3A_878] : memref<1x256x4096xf32, #tpu.memory_space<vmem>>, vector<1x256x128xf32>
    %get3A_880 = vector.shape_cast %get3A_879 : vector<1x256x128xf32> to vector<256x128xf32>
    %convert_element_type3A_881 = arith.truncf %get3A_880 : vector<256x128xf32> to vector<256x128xbf16>
    %get3A_882 = arith.constant 0 : index
    %get3A_883 = arith.constant 0 : index
    %get3A_884 = vector.load %arg4[%get3A_882, %get3A_883] : memref<768x128xbf16, #tpu.memory_space<vmem>>, vector<128x128xbf16>
    %dot_general3A_885 = arith.constant dense<0.000000e+00> : vector<256x128xf32>
    %dot_general3A_886 = tpu.matmul %convert_element_type3A_881, %get3A_884, %dot_general3A_885 {dimension_numbers = #tpu.dot_dimension_numbers<[1], [0], [0], [1], [0, 0, 1, 1], [], []>, transpose_lhs_hint = false} : vector<256x128xbf16>, vector<128x128xbf16>, vector<256x128xf32> -> vector<256x128xf32>
    %add3A_887 = arith.addf %dot_general3A_886, %tile3A : vector<256x128xf32>
    %slice3A_888 = vector.extract_strided_slice %add3A_209 {offsets = [29, 0], sizes = [1, 128], strides = [1, 1]} : vector<32x128xf32> to vector<1x128xf32>
    %add3A_889 = vector.broadcast %slice3A_888 : vector<1x128xf32> to vector<256x128xf32>
    %add3A_890 = arith.addf %add3A_887, %add3A_889 : vector<256x128xf32>
    %max3A_891 = arith.constant 0.000000e+00 : f32
    %max3A_892 = vector.broadcast %max3A_891 : f32 to vector<256x128xf32>
    %max3A_893 = arith.maximumf %add3A_890, %max3A_892 : vector<256x128xf32>
    %convert_element_type3A_894 = arith.truncf %max3A_893 : vector<256x128xf32> to vector<256x128xbf16>
    %swap3A_895 = arith.constant 0 : index
    %swap3A_896 = arith.constant 3712 : index
    %swap3A_897 = vector.load %arg9[%swap3A_895, %swap3A_896] : memref<256x4096xbf16, #tpu.memory_space<vmem>>, vector<256x128xbf16>
    tpu.vector_store %arg9[%swap3A_895, %swap3A_896], %convert_element_type3A_894 {strides = array<i32>} : memref<256x4096xbf16, #tpu.memory_space<vmem>>, vector<256x128xbf16>,
    %add3A_898 = arith.addf %add3A_875, %max3A_893 : vector<256x128xf32>
    %get3A_899 = arith.constant 0 : index
    %get3A_900 = arith.constant 0 : index
    %get3A_901 = arith.constant 3840 : index
    %get3A_902 = vector.load %arg1[%get3A_899, %get3A_900, %get3A_901] : memref<1x256x4096xf32, #tpu.memory_space<vmem>>, vector<1x256x128xf32>
    %get3A_903 = vector.shape_cast %get3A_902 : vector<1x256x128xf32> to vector<256x128xf32>
    %convert_element_type3A_904 = arith.truncf %get3A_903 : vector<256x128xf32> to vector<256x128xbf16>
    %get3A_905 = arith.constant 0 : index
    %get3A_906 = arith.constant 0 : index
    %get3A_907 = vector.load %arg4[%get3A_905, %get3A_906] : memref<768x128xbf16, #tpu.memory_space<vmem>>, vector<128x128xbf16>
    %dot_general3A_908 = arith.constant dense<0.000000e+00> : vector<256x128xf32>
    %dot_general3A_909 = tpu.matmul %convert_element_type3A_904, %get3A_907, %dot_general3A_908 {dimension_numbers = #tpu.dot_dimension_numbers<[1], [0], [0], [1], [0, 0, 1, 1], [], []>, transpose_lhs_hint = false} : vector<256x128xbf16>, vector<128x128xbf16>, vector<256x128xf32> -> vector<256x128xf32>
    %add3A_910 = arith.addf %dot_general3A_909, %tile3A : vector<256x128xf32>
    %slice3A_911 = vector.extract_strided_slice %add3A_209 {offsets = [30, 0], sizes = [1, 128], strides = [1, 1]} : vector<32x128xf32> to vector<1x128xf32>
    %add3A_912 = vector.broadcast %slice3A_911 : vector<1x128xf32> to vector<256x128xf32>
    %add3A_913 = arith.addf %add3A_910, %add3A_912 : vector<256x128xf32>
    %max3A_914 = arith.constant 0.000000e+00 : f32
    %max3A_915 = vector.broadcast %max3A_914 : f32 to vector<256x128xf32>
    %max3A_916 = arith.maximumf %add3A_913, %max3A_915 : vector<256x128xf32>
    %convert_element_type3A_917 = arith.truncf %max3A_916 : vector<256x128xf32> to vector<256x128xbf16>
    %swap3A_918 = arith.constant 0 : index
    %swap3A_919 = arith.constant 3840 : index
    %swap3A_920 = vector.load %arg9[%swap3A_918, %swap3A_919] : memref<256x4096xbf16, #tpu.memory_space<vmem>>, vector<256x128xbf16>
    tpu.vector_store %arg9[%swap3A_918, %swap3A_919], %convert_element_type3A_917 {strides = array<i32>} : memref<256x4096xbf16, #tpu.memory_space<vmem>>, vector<256x128xbf16>,
    %add3A_921 = arith.addf %add3A_898, %max3A_916 : vector<256x128xf32>
    %get3A_922 = arith.constant 0 : index
    %get3A_923 = arith.constant 0 : index
    %get3A_924 = arith.constant 3968 : index
    %get3A_925 = vector.load %arg1[%get3A_922, %get3A_923, %get3A_924] : memref<1x256x4096xf32, #tpu.memory_space<vmem>>, vector<1x256x128xf32>
    %get3A_926 = vector.shape_cast %get3A_925 : vector<1x256x128xf32> to vector<256x128xf32>
    %convert_element_type3A_927 = arith.truncf %get3A_926 : vector<256x128xf32> to vector<256x128xbf16>
    %get3A_928 = arith.constant 0 : index
    %get3A_929 = arith.constant 0 : index
    %get3A_930 = vector.load %arg4[%get3A_928, %get3A_929] : memref<768x128xbf16, #tpu.memory_space<vmem>>, vector<128x128xbf16>
    %dot_general3A_931 = arith.constant dense<0.000000e+00> : vector<256x128xf32>
    %dot_general3A_932 = tpu.matmul %convert_element_type3A_927, %get3A_930, %dot_general3A_931 {dimension_numbers = #tpu.dot_dimension_numbers<[1], [0], [0], [1], [0, 0, 1, 1], [], []>, transpose_lhs_hint = false} : vector<256x128xbf16>, vector<128x128xbf16>, vector<256x128xf32> -> vector<256x128xf32>
    %add3A_933 = arith.addf %dot_general3A_932, %tile3A : vector<256x128xf32>
    %slice3A_934 = vector.extract_strided_slice %add3A_209 {offsets = [31, 0], sizes = [1, 128], strides = [1, 1]} : vector<32x128xf32> to vector<1x128xf32>
    %add3A_935 = vector.broadcast %slice3A_934 : vector<1x128xf32> to vector<256x128xf32>
    %add3A_936 = arith.addf %add3A_933, %add3A_935 : vector<256x128xf32>
    %max3A_937 = arith.constant 0.000000e+00 : f32
    %max3A_938 = vector.broadcast %max3A_937 : f32 to vector<256x128xf32>
    %max3A_939 = arith.maximumf %add3A_936, %max3A_938 : vector<256x128xf32>
    %convert_element_type3A_940 = arith.truncf %max3A_939 : vector<256x128xf32> to vector<256x128xbf16>
    %swap3A_941 = arith.constant 0 : index
    %swap3A_942 = arith.constant 3968 : index
    %swap3A_943 = vector.load %arg9[%swap3A_941, %swap3A_942] : memref<256x4096xbf16, #tpu.memory_space<vmem>>, vector<256x128xbf16>
    tpu.vector_store %arg9[%swap3A_941, %swap3A_942], %convert_element_type3A_940 {strides = array<i32>} : memref<256x4096xbf16, #tpu.memory_space<vmem>>, vector<256x128xbf16>,
    %add3A_944 = arith.addf %add3A_921, %max3A_939 : vector<256x128xf32>
    %dot_general3A_945 = arith.constant dense<0.000000e+00> : vector<256x16xf32>
    %dot_general3A_946 = tpu.matmul %add3A_944, %convert_element_type3A_16, %dot_general3A_945 {dimension_numbers = #tpu.dot_dimension_numbers<[1], [0], [0], [1], [0, 0, 1, 1], [], []>, transpose_lhs_hint = false} : vector<256x128xf32>, vector<128x16xf32>, vector<256x16xf32> -> vector<256x16xf32>
    %reduce_sum3A = arith.constant dense<0.000000e+00> : vector<16xf32>
    %reduce_sum3A_947 = vector.multi_reduction <add>, %dot_general3A_946, %reduce_sum3A [0] : vector<256x16xf32> to vector<16xf32>
    %broadcast_in_dim3A_948 = vector.shape_cast %reduce_sum3A_947 : vector<16xf32> to vector<1x16xf32>
    %mul3A_949 = arith.constant 3.906250e-03 : f32
    %mul3A_950 = vector.broadcast %mul3A_949 : f32 to vector<256x16xf32>
    %mul3A_951 = arith.mulf %dot_general3A_946, %mul3A_950 : vector<256x16xf32>
    %get3A_952 = arith.constant 424 : index
    %get3A_953 = arith.constant 0 : index
    %get3A_954 = vector.load %arg5[%get3A_952, %get3A_953] : memref<3432x128xf32, #tpu.memory_space<vmem>>, vector<16x128xf32>
    %dot_general3A_955 = arith.constant dense<0.000000e+00> : vector<256x128xf32>
    %dot_general3A_956 = tpu.matmul %mul3A_951, %get3A_954, %dot_general3A_955 {dimension_numbers = #tpu.dot_dimension_numbers<[1], [0], [0], [1], [0, 0, 1, 1], [], []>, transpose_lhs_hint = false} : vector<256x16xf32>, vector<16x128xf32>, vector<256x128xf32> -> vector<256x128xf32>
    %get3A_957 = arith.constant 472 : index
    %get3A_958 = arith.constant 0 : index
    %get3A_959 = vector.load %arg5[%get3A_957, %get3A_958] : memref<3432x128xf32, #tpu.memory_space<vmem>>, vector<1x128xf32>
    %add3A_960 = vector.broadcast %get3A_959 : vector<1x128xf32> to vector<256x128xf32>
    %add3A_961 = arith.addf %dot_general3A_956, %add3A_960 : vector<256x128xf32>
    %get3A_962 = arith.constant 296 : index
    %get3A_963 = arith.constant 0 : index
    %get3A_964 = vector.load %arg5[%get3A_962, %get3A_963] : memref<3432x128xf32, #tpu.memory_space<vmem>>, vector<128x128xf32>
    %dot_general3A_965 = arith.constant dense<0.000000e+00> : vector<256x128xf32>
    %dot_general3A_966 = tpu.matmul %get3A_20, %get3A_964, %dot_general3A_965 {dimension_numbers = #tpu.dot_dimension_numbers<[1], [0], [0], [1], [0, 0, 1, 1], [], []>, transpose_lhs_hint = false} : vector<256x128xf32>, vector<128x128xf32>, vector<256x128xf32> -> vector<256x128xf32>
    %add3A_967 = arith.addf %add3A_961, %dot_general3A_966 : vector<256x128xf32>
    %get3A_968 = arith.constant 440 : index
    %get3A_969 = arith.constant 0 : index
    %get3A_970 = vector.load %arg5[%get3A_968, %get3A_969] : memref<3432x128xf32, #tpu.memory_space<vmem>>, vector<32x128xf32>
    %dot_general3A_971 = arith.constant dense<0.000000e+00> : vector<1x128xf32>
    %dot_general3A_972 = tpu.matmul %get3A_25, %get3A_970, %dot_general3A_971 {dimension_numbers = #tpu.dot_dimension_numbers<[1], [0], [0], [1], [0, 0, 1, 1], [], []>, transpose_lhs_hint = false} : vector<1x32xf32>, vector<32x128xf32>, vector<1x128xf32> -> vector<1x128xf32>
    %add3A_973 = vector.broadcast %dot_general3A_972 : vector<1x128xf32> to vector<256x128xf32>
    %add3A_974 = arith.addf %add3A_967, %add3A_973 : vector<256x128xf32>
    %max3A_975 = arith.constant 0.000000e+00 : f32
    %max3A_976 = vector.broadcast %max3A_975 : f32 to vector<256x128xf32>
    %max3A_977 = arith.maximumf %add3A_974, %max3A_976 : vector<256x128xf32>
    %reduce_sum3A_978 = arith.constant dense<0.000000e+00> : vector<128xf32>
    %reduce_sum3A_979 = vector.multi_reduction <add>, %max3A_977, %reduce_sum3A_978 [0] : vector<256x128xf32> to vector<128xf32>
    %broadcast_in_dim3A_980 = vector.shape_cast %reduce_sum3A_979 : vector<128xf32> to vector<1x128xf32>
    %mul3A_981 = arith.constant 3.906250e-03 : f32
    %mul3A_982 = vector.broadcast %mul3A_981 : f32 to vector<1x128xf32>
    %mul3A_983 = arith.mulf %broadcast_in_dim3A_980, %mul3A_982 : vector<1x128xf32>
    %get3A_984 = arith.constant 512 : index
    %get3A_985 = arith.constant 0 : index
    %get3A_986 = vector.load %arg5[%get3A_984, %get3A_985] : memref<3432x128xf32, #tpu.memory_space<vmem>>, vector<128x32xf32>
    %dot_general3A_987 = arith.constant dense<0.000000e+00> : vector<1x32xf32>
    %dot_general3A_988 = tpu.matmul %mul3A_983, %get3A_986, %dot_general3A_987 {dimension_numbers = #tpu.dot_dimension_numbers<[1], [0], [0], [1], [0, 0, 1, 1], [], []>, transpose_lhs_hint = false} : vector<1x128xf32>, vector<128x32xf32>, vector<1x32xf32> -> vector<1x32xf32>
    %mul3A_989 = arith.constant 1.52587891E-5 : f32
    %mul3A_990 = vector.broadcast %mul3A_989 : f32 to vector<1x16xf32>
    %mul3A_991 = arith.mulf %broadcast_in_dim3A_948, %mul3A_990 : vector<1x16xf32>
    %get3A_992 = arith.constant 640 : index
    %get3A_993 = arith.constant 0 : index
    %get3A_994 = vector.load %arg5[%get3A_992, %get3A_993] : memref<3432x128xf32, #tpu.memory_space<vmem>>, vector<16x32xf32>
    %dot_general3A_995 = arith.constant dense<0.000000e+00> : vector<1x32xf32>
    %dot_general3A_996 = tpu.matmul %mul3A_991, %get3A_994, %dot_general3A_995 {dimension_numbers = #tpu.dot_dimension_numbers<[1], [0], [0], [1], [0, 0, 1, 1], [], []>, transpose_lhs_hint = false} : vector<1x16xf32>, vector<16x32xf32>, vector<1x32xf32> -> vector<1x32xf32>
    %add3A_997 = arith.addf %dot_general3A_988, %dot_general3A_996 : vector<1x32xf32>
    %get3A_998 = arith.constant 656 : index
    %get3A_999 = arith.constant 0 : index
    %get3A_1000 = vector.load %arg5[%get3A_998, %get3A_999] : memref<3432x128xf32, #tpu.memory_space<vmem>>, vector<1x32xf32>
    %add3A_1001 = arith.addf %add3A_997, %get3A_1000 : vector<1x32xf32>
    %get3A_1002 = arith.constant 480 : index
    %get3A_1003 = arith.constant 0 : index
    %get3A_1004 = vector.load %arg5[%get3A_1002, %get3A_1003] : memref<3432x128xf32, #tpu.memory_space<vmem>>, vector<32x32xf32>
    %dot_general3A_1005 = arith.constant dense<0.000000e+00> : vector<1x32xf32>
    %dot_general3A_1006 = tpu.matmul %get3A_25, %get3A_1004, %dot_general3A_1005 {dimension_numbers = #tpu.dot_dimension_numbers<[1], [0], [0], [1], [0, 0, 1, 1], [], []>, transpose_lhs_hint = false} : vector<1x32xf32>, vector<32x32xf32>, vector<1x32xf32> -> vector<1x32xf32>
    %add3A_1007 = arith.addf %add3A_1001, %dot_general3A_1006 : vector<1x32xf32>
    %max3A_1008 = arith.constant 0.000000e+00 : f32
    %max3A_1009 = vector.broadcast %max3A_1008 : f32 to vector<1x32xf32>
    %max3A_1010 = arith.maximumf %add3A_1007, %max3A_1009 : vector<1x32xf32>
    %get3A_1011 = arith.constant 664 : index
    %get3A_1012 = arith.constant 0 : index
    %get3A_1013 = vector.load %arg5[%get3A_1011, %get3A_1012] : memref<3432x128xf32, #tpu.memory_space<vmem>>, vector<128x16xf32>
    %dot_general3A_1014 = arith.constant dense<0.000000e+00> : vector<256x16xf32>
    %dot_general3A_1015 = tpu.matmul %get3A_20, %get3A_1013, %dot_general3A_1014 {dimension_numbers = #tpu.dot_dimension_numbers<[1], [0], [0], [1], [0, 0, 1, 1], [], []>, transpose_lhs_hint = false} : vector<256x128xf32>, vector<128x16xf32>, vector<256x16xf32> -> vector<256x16xf32>
    %get3A_1016 = arith.constant 920 : index
    %get3A_1017 = arith.constant 0 : index
    %get3A_1018 = vector.load %arg5[%get3A_1016, %get3A_1017] : memref<3432x128xf32, #tpu.memory_space<vmem>>, vector<128x16xf32>
    %dot_general3A_1019 = arith.constant dense<0.000000e+00> : vector<256x16xf32>
    %dot_general3A_1020 = tpu.matmul %get3A_20, %get3A_1018, %dot_general3A_1019 {dimension_numbers = #tpu.dot_dimension_numbers<[1], [0], [0], [1], [0, 0, 1, 1], [], []>, transpose_lhs_hint = false} : vector<256x128xf32>, vector<128x16xf32>, vector<256x16xf32> -> vector<256x16xf32>
    %get3A_1021 = arith.constant 1176 : index
    %get3A_1022 = arith.constant 0 : index
    %get3A_1023 = vector.load %arg5[%get3A_1021, %get3A_1022] : memref<3432x128xf32, #tpu.memory_space<vmem>>, vector<32x16xf32>
    %dot_general3A_1024 = arith.constant dense<0.000000e+00> : vector<1x16xf32>
    %dot_general3A_1025 = tpu.matmul %get3A_25, %get3A_1023, %dot_general3A_1024 {dimension_numbers = #tpu.dot_dimension_numbers<[1], [0], [0], [1], [0, 0, 1, 1], [], []>, transpose_lhs_hint = false} : vector<1x32xf32>, vector<32x16xf32>, vector<1x16xf32> -> vector<1x16xf32>
    %get3A_1026 = arith.constant 792 : index
    %get3A_1027 = arith.constant 0 : index
    %get3A_1028 = vector.load %arg5[%get3A_1026, %get3A_1027] : memref<3432x128xf32, #tpu.memory_space<vmem>>, vector<128x16xf32>
    %dot_general3A_1029 = arith.constant dense<0.000000e+00> : vector<256x16xf32>
    %dot_general3A_1030 = tpu.matmul %max3A_977, %get3A_1028, %dot_general3A_1029 {dimension_numbers = #tpu.dot_dimension_numbers<[1], [0], [0], [1], [0, 0, 1, 1], [], []>, transpose_lhs_hint = false} : vector<256x128xf32>, vector<128x16xf32>, vector<256x16xf32> -> vector<256x16xf32>
    %add3A_1031 = arith.addf %dot_general3A_1015, %dot_general3A_1030 : vector<256x16xf32>
    %get3A_1032 = arith.constant 1048 : index
    %get3A_1033 = arith.constant 0 : index
    %get3A_1034 = vector.load %arg5[%get3A_1032, %get3A_1033] : memref<3432x128xf32, #tpu.memory_space<vmem>>, vector<128x16xf32>
    %dot_general3A_1035 = arith.constant dense<0.000000e+00> : vector<256x16xf32>
    %dot_general3A_1036 = tpu.matmul %max3A_977, %get3A_1034, %dot_general3A_1035 {dimension_numbers = #tpu.dot_dimension_numbers<[1], [0], [0], [1], [0, 0, 1, 1], [], []>, transpose_lhs_hint = false} : vector<256x128xf32>, vector<128x16xf32>, vector<256x16xf32> -> vector<256x16xf32>
    %add3A_1037 = arith.addf %dot_general3A_1020, %dot_general3A_1036 : vector<256x16xf32>
    %get3A_1038 = arith.constant 1208 : index
    %get3A_1039 = arith.constant 0 : index
    %get3A_1040 = vector.load %arg5[%get3A_1038, %get3A_1039] : memref<3432x128xf32, #tpu.memory_space<vmem>>, vector<32x16xf32>
    %dot_general3A_1041 = arith.constant dense<0.000000e+00> : vector<1x16xf32>
    %dot_general3A_1042 = tpu.matmul %max3A_1010, %get3A_1040, %dot_general3A_1041 {dimension_numbers = #tpu.dot_dimension_numbers<[1], [0], [0], [1], [0, 0, 1, 1], [], []>, transpose_lhs_hint = false} : vector<1x32xf32>, vector<32x16xf32>, vector<1x16xf32> -> vector<1x16xf32>
    %add3A_1043 = arith.addf %dot_general3A_1025, %dot_general3A_1042 : vector<1x16xf32>
    %get3A_1044 = arith.constant 1240 : index
    %get3A_1045 = arith.constant 0 : index
    %get3A_1046 = vector.load %arg5[%get3A_1044, %get3A_1045] : memref<3432x128xf32, #tpu.memory_space<vmem>>, vector<1x16xf32>
    %add3A_1047 = arith.addf %add3A_1043, %get3A_1046 : vector<1x16xf32>
    %add3A_1048 = vector.broadcast %add3A_1047 : vector<1x16xf32> to vector<256x16xf32>
    %add3A_1049 = arith.addf %add3A_1031, %add3A_1048 : vector<256x16xf32>
    %tile3A_1050 = tpu.concatenate %add3A_1049, %add3A_1049, %add3A_1049, %add3A_1049, %add3A_1049, %add3A_1049, %add3A_1049, %add3A_1049 in 1 : vector<256x16xf32>, vector<256x16xf32>, vector<256x16xf32>, vector<256x16xf32>, vector<256x16xf32>, vector<256x16xf32>, vector<256x16xf32>, vector<256x16xf32> -> vector<256x128xf32>
    %iota3A_1051 = tpu.iota {dimensions = array<i32: 0>} : vector<32x256xi32>
    %iota3A_1052 = tpu.iota {dimensions = array<i32: 1>} : vector<32x256xi32>
    %iota3A_1053 = tpu.iota {dimensions = array<i32: 0>} : vector<16x128xi32>
    %iota3A_1054 = tpu.iota {dimensions = array<i32: 1>} : vector<16x128xi32>
    %broadcast_in_dim3A_1055 = arith.constant 0.000000e+00 : f32
    %broadcast_in_dim3A_1056 = vector.broadcast %broadcast_in_dim3A_1055 : f32 to vector<32x128xf32>
    %mul3A_1057 = arith.constant 8 : i32
    %mul3A_1058 = vector.broadcast %mul3A_1057 : i32 to vector<32x256xi32>
    %mul3A_1059 = arith.muli %mul3A_1058, %iota3A_1051 : vector<32x256xi32>
    %add3A_1060 = arith.constant 0 : i32
    %add3A_1061 = vector.broadcast %add3A_1060 : i32 to vector<32x256xi32>
    %add3A_1062 = arith.addi %mul3A_1059, %add3A_1061 : vector<32x256xi32>
    %eq3A_1063 = arith.cmpi eq, %iota3A_1052, %add3A_1062 : vector<32x256xi32>
    %convert_element_type3A_1064 = arith.extui %eq3A_1063 : vector<32x256xi1> to vector<32x256xi32>
    %convert_element_type3A_1065 = arith.sitofp %convert_element_type3A_1064 : vector<32x256xi32> to vector<32x256xf32>
    %add3A_1066 = arith.constant 0 : i32
    %add3A_1067 = vector.broadcast %add3A_1066 : i32 to vector<16x128xi32>
    %add3A_1068 = arith.addi %add3A_1067, %iota3A_1053 : vector<16x128xi32>
    %eq3A_1069 = arith.cmpi eq, %iota3A_1054, %add3A_1068 : vector<16x128xi32>
    %convert_element_type3A_1070 = arith.extui %eq3A_1069 : vector<16x128xi1> to vector<16x128xi32>
    %convert_element_type3A_1071 = arith.sitofp %convert_element_type3A_1070 : vector<16x128xi32> to vector<16x128xf32>
    %dot_general3A_1072 = arith.constant dense<0.000000e+00> : vector<32x16xf32>
    %dot_general3A_1073 = tpu.matmul %convert_element_type3A_1065, %add3A_1037, %dot_general3A_1072 {dimension_numbers = #tpu.dot_dimension_numbers<[1], [0], [0], [1], [0, 0, 1, 1], [], []>, transpose_lhs_hint = false} : vector<32x256xf32>, vector<256x16xf32>, vector<32x16xf32> -> vector<32x16xf32>
    %dot_general3A_1074 = arith.constant dense<0.000000e+00> : vector<32x128xf32>
    %dot_general3A_1075 = tpu.matmul %dot_general3A_1073, %convert_element_type3A_1071, %dot_general3A_1074 {dimension_numbers = #tpu.dot_dimension_numbers<[1], [0], [0], [1], [0, 0, 1, 1], [], []>, transpose_lhs_hint = false} : vector<32x16xf32>, vector<16x128xf32>, vector<32x128xf32> -> vector<32x128xf32>
    %add3A_1076 = arith.addf %broadcast_in_dim3A_1056, %dot_general3A_1075 : vector<32x128xf32>
    %mul3A_1077 = arith.constant 8 : i32
    %mul3A_1078 = vector.broadcast %mul3A_1077 : i32 to vector<32x256xi32>
    %mul3A_1079 = arith.muli %mul3A_1078, %iota3A_1051 : vector<32x256xi32>
    %add3A_1080 = arith.constant 1 : i32
    %add3A_1081 = vector.broadcast %add3A_1080 : i32 to vector<32x256xi32>
    %add3A_1082 = arith.addi %mul3A_1079, %add3A_1081 : vector<32x256xi32>
    %eq3A_1083 = arith.cmpi eq, %iota3A_1052, %add3A_1082 : vector<32x256xi32>
    %convert_element_type3A_1084 = arith.extui %eq3A_1083 : vector<32x256xi1> to vector<32x256xi32>
    %convert_element_type3A_1085 = arith.sitofp %convert_element_type3A_1084 : vector<32x256xi32> to vector<32x256xf32>
    %add3A_1086 = arith.constant 16 : i32
    %add3A_1087 = vector.broadcast %add3A_1086 : i32 to vector<16x128xi32>
    %add3A_1088 = arith.addi %add3A_1087, %iota3A_1053 : vector<16x128xi32>
    %eq3A_1089 = arith.cmpi eq, %iota3A_1054, %add3A_1088 : vector<16x128xi32>
    %convert_element_type3A_1090 = arith.extui %eq3A_1089 : vector<16x128xi1> to vector<16x128xi32>
    %convert_element_type3A_1091 = arith.sitofp %convert_element_type3A_1090 : vector<16x128xi32> to vector<16x128xf32>
    %dot_general3A_1092 = arith.constant dense<0.000000e+00> : vector<32x16xf32>
    %dot_general3A_1093 = tpu.matmul %convert_element_type3A_1085, %add3A_1037, %dot_general3A_1092 {dimension_numbers = #tpu.dot_dimension_numbers<[1], [0], [0], [1], [0, 0, 1, 1], [], []>, transpose_lhs_hint = false} : vector<32x256xf32>, vector<256x16xf32>, vector<32x16xf32> -> vector<32x16xf32>
    %dot_general3A_1094 = arith.constant dense<0.000000e+00> : vector<32x128xf32>
    %dot_general3A_1095 = tpu.matmul %dot_general3A_1093, %convert_element_type3A_1091, %dot_general3A_1094 {dimension_numbers = #tpu.dot_dimension_numbers<[1], [0], [0], [1], [0, 0, 1, 1], [], []>, transpose_lhs_hint = false} : vector<32x16xf32>, vector<16x128xf32>, vector<32x128xf32> -> vector<32x128xf32>
    %add3A_1096 = arith.addf %add3A_1076, %dot_general3A_1095 : vector<32x128xf32>
    %mul3A_1097 = arith.constant 8 : i32
    %mul3A_1098 = vector.broadcast %mul3A_1097 : i32 to vector<32x256xi32>
    %mul3A_1099 = arith.muli %mul3A_1098, %iota3A_1051 : vector<32x256xi32>
    %add3A_1100 = arith.constant 2 : i32
    %add3A_1101 = vector.broadcast %add3A_1100 : i32 to vector<32x256xi32>
    %add3A_1102 = arith.addi %mul3A_1099, %add3A_1101 : vector<32x256xi32>
    %eq3A_1103 = arith.cmpi eq, %iota3A_1052, %add3A_1102 : vector<32x256xi32>
    %convert_element_type3A_1104 = arith.extui %eq3A_1103 : vector<32x256xi1> to vector<32x256xi32>
    %convert_element_type3A_1105 = arith.sitofp %convert_element_type3A_1104 : vector<32x256xi32> to vector<32x256xf32>
    %add3A_1106 = arith.constant 32 : i32
    %add3A_1107 = vector.broadcast %add3A_1106 : i32 to vector<16x128xi32>
    %add3A_1108 = arith.addi %add3A_1107, %iota3A_1053 : vector<16x128xi32>
    %eq3A_1109 = arith.cmpi eq, %iota3A_1054, %add3A_1108 : vector<16x128xi32>
    %convert_element_type3A_1110 = arith.extui %eq3A_1109 : vector<16x128xi1> to vector<16x128xi32>
    %convert_element_type3A_1111 = arith.sitofp %convert_element_type3A_1110 : vector<16x128xi32> to vector<16x128xf32>
    %dot_general3A_1112 = arith.constant dense<0.000000e+00> : vector<32x16xf32>
    %dot_general3A_1113 = tpu.matmul %convert_element_type3A_1105, %add3A_1037, %dot_general3A_1112 {dimension_numbers = #tpu.dot_dimension_numbers<[1], [0], [0], [1], [0, 0, 1, 1], [], []>, transpose_lhs_hint = false} : vector<32x256xf32>, vector<256x16xf32>, vector<32x16xf32> -> vector<32x16xf32>
    %dot_general3A_1114 = arith.constant dense<0.000000e+00> : vector<32x128xf32>
    %dot_general3A_1115 = tpu.matmul %dot_general3A_1113, %convert_element_type3A_1111, %dot_general3A_1114 {dimension_numbers = #tpu.dot_dimension_numbers<[1], [0], [0], [1], [0, 0, 1, 1], [], []>, transpose_lhs_hint = false} : vector<32x16xf32>, vector<16x128xf32>, vector<32x128xf32> -> vector<32x128xf32>
    %add3A_1116 = arith.addf %add3A_1096, %dot_general3A_1115 : vector<32x128xf32>
    %mul3A_1117 = arith.constant 8 : i32
    %mul3A_1118 = vector.broadcast %mul3A_1117 : i32 to vector<32x256xi32>
    %mul3A_1119 = arith.muli %mul3A_1118, %iota3A_1051 : vector<32x256xi32>
    %add3A_1120 = arith.constant 3 : i32
    %add3A_1121 = vector.broadcast %add3A_1120 : i32 to vector<32x256xi32>
    %add3A_1122 = arith.addi %mul3A_1119, %add3A_1121 : vector<32x256xi32>
    %eq3A_1123 = arith.cmpi eq, %iota3A_1052, %add3A_1122 : vector<32x256xi32>
    %convert_element_type3A_1124 = arith.extui %eq3A_1123 : vector<32x256xi1> to vector<32x256xi32>
    %convert_element_type3A_1125 = arith.sitofp %convert_element_type3A_1124 : vector<32x256xi32> to vector<32x256xf32>
    %add3A_1126 = arith.constant 48 : i32
    %add3A_1127 = vector.broadcast %add3A_1126 : i32 to vector<16x128xi32>
    %add3A_1128 = arith.addi %add3A_1127, %iota3A_1053 : vector<16x128xi32>
    %eq3A_1129 = arith.cmpi eq, %iota3A_1054, %add3A_1128 : vector<16x128xi32>
    %convert_element_type3A_1130 = arith.extui %eq3A_1129 : vector<16x128xi1> to vector<16x128xi32>
    %convert_element_type3A_1131 = arith.sitofp %convert_element_type3A_1130 : vector<16x128xi32> to vector<16x128xf32>
    %dot_general3A_1132 = arith.constant dense<0.000000e+00> : vector<32x16xf32>
    %dot_general3A_1133 = tpu.matmul %convert_element_type3A_1125, %add3A_1037, %dot_general3A_1132 {dimension_numbers = #tpu.dot_dimension_numbers<[1], [0], [0], [1], [0, 0, 1, 1], [], []>, transpose_lhs_hint = false} : vector<32x256xf32>, vector<256x16xf32>, vector<32x16xf32> -> vector<32x16xf32>
    %dot_general3A_1134 = arith.constant dense<0.000000e+00> : vector<32x128xf32>
    %dot_general3A_1135 = tpu.matmul %dot_general3A_1133, %convert_element_type3A_1131, %dot_general3A_1134 {dimension_numbers = #tpu.dot_dimension_numbers<[1], [0], [0], [1], [0, 0, 1, 1], [], []>, transpose_lhs_hint = false} : vector<32x16xf32>, vector<16x128xf32>, vector<32x128xf32> -> vector<32x128xf32>
    %add3A_1136 = arith.addf %add3A_1116, %dot_general3A_1135 : vector<32x128xf32>
    %mul3A_1137 = arith.constant 8 : i32
    %mul3A_1138 = vector.broadcast %mul3A_1137 : i32 to vector<32x256xi32>
    %mul3A_1139 = arith.muli %mul3A_1138, %iota3A_1051 : vector<32x256xi32>
    %add3A_1140 = arith.constant 4 : i32
    %add3A_1141 = vector.broadcast %add3A_1140 : i32 to vector<32x256xi32>
    %add3A_1142 = arith.addi %mul3A_1139, %add3A_1141 : vector<32x256xi32>
    %eq3A_1143 = arith.cmpi eq, %iota3A_1052, %add3A_1142 : vector<32x256xi32>
    %convert_element_type3A_1144 = arith.extui %eq3A_1143 : vector<32x256xi1> to vector<32x256xi32>
    %convert_element_type3A_1145 = arith.sitofp %convert_element_type3A_1144 : vector<32x256xi32> to vector<32x256xf32>
    %add3A_1146 = arith.constant 64 : i32
    %add3A_1147 = vector.broadcast %add3A_1146 : i32 to vector<16x128xi32>
    %add3A_1148 = arith.addi %add3A_1147, %iota3A_1053 : vector<16x128xi32>
    %eq3A_1149 = arith.cmpi eq, %iota3A_1054, %add3A_1148 : vector<16x128xi32>
    %convert_element_type3A_1150 = arith.extui %eq3A_1149 : vector<16x128xi1> to vector<16x128xi32>
    %convert_element_type3A_1151 = arith.sitofp %convert_element_type3A_1150 : vector<16x128xi32> to vector<16x128xf32>
    %dot_general3A_1152 = arith.constant dense<0.000000e+00> : vector<32x16xf32>
    %dot_general3A_1153 = tpu.matmul %convert_element_type3A_1145, %add3A_1037, %dot_general3A_1152 {dimension_numbers = #tpu.dot_dimension_numbers<[1], [0], [0], [1], [0, 0, 1, 1], [], []>, transpose_lhs_hint = false} : vector<32x256xf32>, vector<256x16xf32>, vector<32x16xf32> -> vector<32x16xf32>
    %dot_general3A_1154 = arith.constant dense<0.000000e+00> : vector<32x128xf32>
    %dot_general3A_1155 = tpu.matmul %dot_general3A_1153, %convert_element_type3A_1151, %dot_general3A_1154 {dimension_numbers = #tpu.dot_dimension_numbers<[1], [0], [0], [1], [0, 0, 1, 1], [], []>, transpose_lhs_hint = false} : vector<32x16xf32>, vector<16x128xf32>, vector<32x128xf32> -> vector<32x128xf32>
    %add3A_1156 = arith.addf %add3A_1136, %dot_general3A_1155 : vector<32x128xf32>
    %mul3A_1157 = arith.constant 8 : i32
    %mul3A_1158 = vector.broadcast %mul3A_1157 : i32 to vector<32x256xi32>
    %mul3A_1159 = arith.muli %mul3A_1158, %iota3A_1051 : vector<32x256xi32>
    %add3A_1160 = arith.constant 5 : i32
    %add3A_1161 = vector.broadcast %add3A_1160 : i32 to vector<32x256xi32>
    %add3A_1162 = arith.addi %mul3A_1159, %add3A_1161 : vector<32x256xi32>
    %eq3A_1163 = arith.cmpi eq, %iota3A_1052, %add3A_1162 : vector<32x256xi32>
    %convert_element_type3A_1164 = arith.extui %eq3A_1163 : vector<32x256xi1> to vector<32x256xi32>
    %convert_element_type3A_1165 = arith.sitofp %convert_element_type3A_1164 : vector<32x256xi32> to vector<32x256xf32>
    %add3A_1166 = arith.constant 80 : i32
    %add3A_1167 = vector.broadcast %add3A_1166 : i32 to vector<16x128xi32>
    %add3A_1168 = arith.addi %add3A_1167, %iota3A_1053 : vector<16x128xi32>
    %eq3A_1169 = arith.cmpi eq, %iota3A_1054, %add3A_1168 : vector<16x128xi32>
    %convert_element_type3A_1170 = arith.extui %eq3A_1169 : vector<16x128xi1> to vector<16x128xi32>
    %convert_element_type3A_1171 = arith.sitofp %convert_element_type3A_1170 : vector<16x128xi32> to vector<16x128xf32>
    %dot_general3A_1172 = arith.constant dense<0.000000e+00> : vector<32x16xf32>
    %dot_general3A_1173 = tpu.matmul %convert_element_type3A_1165, %add3A_1037, %dot_general3A_1172 {dimension_numbers = #tpu.dot_dimension_numbers<[1], [0], [0], [1], [0, 0, 1, 1], [], []>, transpose_lhs_hint = false} : vector<32x256xf32>, vector<256x16xf32>, vector<32x16xf32> -> vector<32x16xf32>
    %dot_general3A_1174 = arith.constant dense<0.000000e+00> : vector<32x128xf32>
    %dot_general3A_1175 = tpu.matmul %dot_general3A_1173, %convert_element_type3A_1171, %dot_general3A_1174 {dimension_numbers = #tpu.dot_dimension_numbers<[1], [0], [0], [1], [0, 0, 1, 1], [], []>, transpose_lhs_hint = false} : vector<32x16xf32>, vector<16x128xf32>, vector<32x128xf32> -> vector<32x128xf32>
    %add3A_1176 = arith.addf %add3A_1156, %dot_general3A_1175 : vector<32x128xf32>
    %mul3A_1177 = arith.constant 8 : i32
    %mul3A_1178 = vector.broadcast %mul3A_1177 : i32 to vector<32x256xi32>
    %mul3A_1179 = arith.muli %mul3A_1178, %iota3A_1051 : vector<32x256xi32>
    %add3A_1180 = arith.constant 6 : i32
    %add3A_1181 = vector.broadcast %add3A_1180 : i32 to vector<32x256xi32>
    %add3A_1182 = arith.addi %mul3A_1179, %add3A_1181 : vector<32x256xi32>
    %eq3A_1183 = arith.cmpi eq, %iota3A_1052, %add3A_1182 : vector<32x256xi32>
    %convert_element_type3A_1184 = arith.extui %eq3A_1183 : vector<32x256xi1> to vector<32x256xi32>
    %convert_element_type3A_1185 = arith.sitofp %convert_element_type3A_1184 : vector<32x256xi32> to vector<32x256xf32>
    %add3A_1186 = arith.constant 96 : i32
    %add3A_1187 = vector.broadcast %add3A_1186 : i32 to vector<16x128xi32>
    %add3A_1188 = arith.addi %add3A_1187, %iota3A_1053 : vector<16x128xi32>
    %eq3A_1189 = arith.cmpi eq, %iota3A_1054, %add3A_1188 : vector<16x128xi32>
    %convert_element_type3A_1190 = arith.extui %eq3A_1189 : vector<16x128xi1> to vector<16x128xi32>
    %convert_element_type3A_1191 = arith.sitofp %convert_element_type3A_1190 : vector<16x128xi32> to vector<16x128xf32>
    %dot_general3A_1192 = arith.constant dense<0.000000e+00> : vector<32x16xf32>
    %dot_general3A_1193 = tpu.matmul %convert_element_type3A_1185, %add3A_1037, %dot_general3A_1192 {dimension_numbers = #tpu.dot_dimension_numbers<[1], [0], [0], [1], [0, 0, 1, 1], [], []>, transpose_lhs_hint = false} : vector<32x256xf32>, vector<256x16xf32>, vector<32x16xf32> -> vector<32x16xf32>
    %dot_general3A_1194 = arith.constant dense<0.000000e+00> : vector<32x128xf32>
    %dot_general3A_1195 = tpu.matmul %dot_general3A_1193, %convert_element_type3A_1191, %dot_general3A_1194 {dimension_numbers = #tpu.dot_dimension_numbers<[1], [0], [0], [1], [0, 0, 1, 1], [], []>, transpose_lhs_hint = false} : vector<32x16xf32>, vector<16x128xf32>, vector<32x128xf32> -> vector<32x128xf32>
    %add3A_1196 = arith.addf %add3A_1176, %dot_general3A_1195 : vector<32x128xf32>
    %mul3A_1197 = arith.constant 8 : i32
    %mul3A_1198 = vector.broadcast %mul3A_1197 : i32 to vector<32x256xi32>
    %mul3A_1199 = arith.muli %mul3A_1198, %iota3A_1051 : vector<32x256xi32>
    %add3A_1200 = arith.constant 7 : i32
    %add3A_1201 = vector.broadcast %add3A_1200 : i32 to vector<32x256xi32>
    %add3A_1202 = arith.addi %mul3A_1199, %add3A_1201 : vector<32x256xi32>
    %eq3A_1203 = arith.cmpi eq, %iota3A_1052, %add3A_1202 : vector<32x256xi32>
    %convert_element_type3A_1204 = arith.extui %eq3A_1203 : vector<32x256xi1> to vector<32x256xi32>
    %convert_element_type3A_1205 = arith.sitofp %convert_element_type3A_1204 : vector<32x256xi32> to vector<32x256xf32>
    %add3A_1206 = arith.constant 112 : i32
    %add3A_1207 = vector.broadcast %add3A_1206 : i32 to vector<16x128xi32>
    %add3A_1208 = arith.addi %add3A_1207, %iota3A_1053 : vector<16x128xi32>
    %eq3A_1209 = arith.cmpi eq, %iota3A_1054, %add3A_1208 : vector<16x128xi32>
    %convert_element_type3A_1210 = arith.extui %eq3A_1209 : vector<16x128xi1> to vector<16x128xi32>
    %convert_element_type3A_1211 = arith.sitofp %convert_element_type3A_1210 : vector<16x128xi32> to vector<16x128xf32>
    %dot_general3A_1212 = arith.constant dense<0.000000e+00> : vector<32x16xf32>
    %dot_general3A_1213 = tpu.matmul %convert_element_type3A_1205, %add3A_1037, %dot_general3A_1212 {dimension_numbers = #tpu.dot_dimension_numbers<[1], [0], [0], [1], [0, 0, 1, 1], [], []>, transpose_lhs_hint = false} : vector<32x256xf32>, vector<256x16xf32>, vector<32x16xf32> -> vector<32x16xf32>
    %dot_general3A_1214 = arith.constant dense<0.000000e+00> : vector<32x128xf32>
    %dot_general3A_1215 = tpu.matmul %dot_general3A_1213, %convert_element_type3A_1211, %dot_general3A_1214 {dimension_numbers = #tpu.dot_dimension_numbers<[1], [0], [0], [1], [0, 0, 1, 1], [], []>, transpose_lhs_hint = false} : vector<32x16xf32>, vector<16x128xf32>, vector<32x128xf32> -> vector<32x128xf32>
    %add3A_1216 = arith.addf %add3A_1196, %dot_general3A_1215 : vector<32x128xf32>
    %broadcast_in_dim3A_1217 = arith.constant 0.000000e+00 : f32
    %broadcast_in_dim3A_1218 = vector.broadcast %broadcast_in_dim3A_1217 : f32 to vector<256x128xf32>
    %get3A_1219 = arith.constant 0 : index
    %get3A_1220 = arith.constant 0 : index
    %get3A_1221 = arith.constant 0 : index
    %get3A_1222 = vector.load %arg1[%get3A_1219, %get3A_1220, %get3A_1221] : memref<1x256x4096xf32, #tpu.memory_space<vmem>>, vector<1x256x128xf32>
    %get3A_1223 = vector.shape_cast %get3A_1222 : vector<1x256x128xf32> to vector<256x128xf32>
    %convert_element_type3A_1224 = arith.truncf %get3A_1223 : vector<256x128xf32> to vector<256x128xbf16>
    %get3A_1225 = arith.constant 128 : index
    %get3A_1226 = arith.constant 0 : index
    %get3A_1227 = vector.load %arg4[%get3A_1225, %get3A_1226] : memref<768x128xbf16, #tpu.memory_space<vmem>>, vector<128x128xbf16>
    %dot_general3A_1228 = arith.constant dense<0.000000e+00> : vector<256x128xf32>
    %dot_general3A_1229 = tpu.matmul %convert_element_type3A_1224, %get3A_1227, %dot_general3A_1228 {dimension_numbers = #tpu.dot_dimension_numbers<[1], [0], [0], [1], [0, 0, 1, 1], [], []>, transpose_lhs_hint = false} : vector<256x128xbf16>, vector<128x128xbf16>, vector<256x128xf32> -> vector<256x128xf32>
    %get3A_1230 = arith.constant 0 : index
    %get3A_1231 = arith.constant 0 : index
    %get3A_1232 = vector.load %arg9[%get3A_1230, %get3A_1231] : memref<256x4096xbf16, #tpu.memory_space<vmem>>, vector<256x128xbf16>
    %get3A_1233 = arith.constant 256 : index
    %get3A_1234 = arith.constant 0 : index
    %get3A_1235 = vector.load %arg4[%get3A_1233, %get3A_1234] : memref<768x128xbf16, #tpu.memory_space<vmem>>, vector<128x128xbf16>
    %dot_general3A_1236 = arith.constant dense<0.000000e+00> : vector<256x128xf32>
    %dot_general3A_1237 = tpu.matmul %get3A_1232, %get3A_1235, %dot_general3A_1236 {dimension_numbers = #tpu.dot_dimension_numbers<[1], [0], [0], [1], [0, 0, 1, 1], [], []>, transpose_lhs_hint = false} : vector<256x128xbf16>, vector<128x128xbf16>, vector<256x128xf32> -> vector<256x128xf32>
    %add3A_1238 = arith.addf %dot_general3A_1229, %dot_general3A_1237 : vector<256x128xf32>
    %add3A_1239 = arith.addf %add3A_1238, %tile3A_1050 : vector<256x128xf32>
    %slice3A_1240 = vector.extract_strided_slice %add3A_1216 {offsets = [0, 0], sizes = [1, 128], strides = [1, 1]} : vector<32x128xf32> to vector<1x128xf32>
    %add3A_1241 = vector.broadcast %slice3A_1240 : vector<1x128xf32> to vector<256x128xf32>
    %add3A_1242 = arith.addf %add3A_1239, %add3A_1241 : vector<256x128xf32>
    %max3A_1243 = arith.constant 0.000000e+00 : f32
    %max3A_1244 = vector.broadcast %max3A_1243 : f32 to vector<256x128xf32>
    %max3A_1245 = arith.maximumf %add3A_1242, %max3A_1244 : vector<256x128xf32>
    %convert_element_type3A_1246 = arith.truncf %max3A_1245 : vector<256x128xf32> to vector<256x128xbf16>
    %swap3A_1247 = arith.constant 0 : index
    %swap3A_1248 = arith.constant 0 : index
    %swap3A_1249 = vector.load %arg10[%swap3A_1247, %swap3A_1248] : memref<256x4096xbf16, #tpu.memory_space<vmem>>, vector<256x128xbf16>
    tpu.vector_store %arg10[%swap3A_1247, %swap3A_1248], %convert_element_type3A_1246 {strides = array<i32>} : memref<256x4096xbf16, #tpu.memory_space<vmem>>, vector<256x128xbf16>,
    %add3A_1250 = arith.addf %broadcast_in_dim3A_1218, %max3A_1245 : vector<256x128xf32>
    %get3A_1251 = arith.constant 0 : index
    %get3A_1252 = arith.constant 0 : index
    %get3A_1253 = arith.constant 128 : index
    %get3A_1254 = vector.load %arg1[%get3A_1251, %get3A_1252, %get3A_1253] : memref<1x256x4096xf32, #tpu.memory_space<vmem>>, vector<1x256x128xf32>
    %get3A_1255 = vector.shape_cast %get3A_1254 : vector<1x256x128xf32> to vector<256x128xf32>
    %convert_element_type3A_1256 = arith.truncf %get3A_1255 : vector<256x128xf32> to vector<256x128xbf16>
    %get3A_1257 = arith.constant 128 : index
    %get3A_1258 = arith.constant 0 : index
    %get3A_1259 = vector.load %arg4[%get3A_1257, %get3A_1258] : memref<768x128xbf16, #tpu.memory_space<vmem>>, vector<128x128xbf16>
    %dot_general3A_1260 = arith.constant dense<0.000000e+00> : vector<256x128xf32>
    %dot_general3A_1261 = tpu.matmul %convert_element_type3A_1256, %get3A_1259, %dot_general3A_1260 {dimension_numbers = #tpu.dot_dimension_numbers<[1], [0], [0], [1], [0, 0, 1, 1], [], []>, transpose_lhs_hint = false} : vector<256x128xbf16>, vector<128x128xbf16>, vector<256x128xf32> -> vector<256x128xf32>
    %get3A_1262 = arith.constant 0 : index
    %get3A_1263 = arith.constant 128 : index
    %get3A_1264 = vector.load %arg9[%get3A_1262, %get3A_1263] : memref<256x4096xbf16, #tpu.memory_space<vmem>>, vector<256x128xbf16>
    %get3A_1265 = arith.constant 256 : index
    %get3A_1266 = arith.constant 0 : index
    %get3A_1267 = vector.load %arg4[%get3A_1265, %get3A_1266] : memref<768x128xbf16, #tpu.memory_space<vmem>>, vector<128x128xbf16>
    %dot_general3A_1268 = arith.constant dense<0.000000e+00> : vector<256x128xf32>
    %dot_general3A_1269 = tpu.matmul %get3A_1264, %get3A_1267, %dot_general3A_1268 {dimension_numbers = #tpu.dot_dimension_numbers<[1], [0], [0], [1], [0, 0, 1, 1], [], []>, transpose_lhs_hint = false} : vector<256x128xbf16>, vector<128x128xbf16>, vector<256x128xf32> -> vector<256x128xf32>
    %add3A_1270 = arith.addf %dot_general3A_1261, %dot_general3A_1269 : vector<256x128xf32>
    %add3A_1271 = arith.addf %add3A_1270, %tile3A_1050 : vector<256x128xf32>
    %slice3A_1272 = vector.extract_strided_slice %add3A_1216 {offsets = [1, 0], sizes = [1, 128], strides = [1, 1]} : vector<32x128xf32> to vector<1x128xf32>
    %add3A_1273 = vector.broadcast %slice3A_1272 : vector<1x128xf32> to vector<256x128xf32>
    %add3A_1274 = arith.addf %add3A_1271, %add3A_1273 : vector<256x128xf32>
    %max3A_1275 = arith.constant 0.000000e+00 : f32
    %max3A_1276 = vector.broadcast %max3A_1275 : f32 to vector<256x128xf32>
    %max3A_1277 = arith.maximumf %add3A_1274, %max3A_1276 : vector<256x128xf32>
    %convert_element_type3A_1278 = arith.truncf %max3A_1277 : vector<256x128xf32> to vector<256x128xbf16>
    %swap3A_1279 = arith.constant 0 : index
    %swap3A_1280 = arith.constant 128 : index
    %swap3A_1281 = vector.load %arg10[%swap3A_1279, %swap3A_1280] : memref<256x4096xbf16, #tpu.memory_space<vmem>>, vector<256x128xbf16>
    tpu.vector_store %arg10[%swap3A_1279, %swap3A_1280], %convert_element_type3A_1278 {strides = array<i32>} : memref<256x4096xbf16, #tpu.memory_space<vmem>>, vector<256x128xbf16>,
    %add3A_1282 = arith.addf %add3A_1250, %max3A_1277 : vector<256x128xf32>
    %get3A_1283 = arith.constant 0 : index
    %get3A_1284 = arith.constant 0 : index
    %get3A_1285 = arith.constant 256 : index
    %get3A_1286 = vector.load %arg1[%get3A_1283, %get3A_1284, %get3A_1285] : memref<1x256x4096xf32, #tpu.memory_space<vmem>>, vector<1x256x128xf32>
    %get3A_1287 = vector.shape_cast %get3A_1286 : vector<1x256x128xf32> to vector<256x128xf32>
    %convert_element_type3A_1288 = arith.truncf %get3A_1287 : vector<256x128xf32> to vector<256x128xbf16>
    %get3A_1289 = arith.constant 128 : index
    %get3A_1290 = arith.constant 0 : index
    %get3A_1291 = vector.load %arg4[%get3A_1289, %get3A_1290] : memref<768x128xbf16, #tpu.memory_space<vmem>>, vector<128x128xbf16>
    %dot_general3A_1292 = arith.constant dense<0.000000e+00> : vector<256x128xf32>
    %dot_general3A_1293 = tpu.matmul %convert_element_type3A_1288, %get3A_1291, %dot_general3A_1292 {dimension_numbers = #tpu.dot_dimension_numbers<[1], [0], [0], [1], [0, 0, 1, 1], [], []>, transpose_lhs_hint = false} : vector<256x128xbf16>, vector<128x128xbf16>, vector<256x128xf32> -> vector<256x128xf32>
    %get3A_1294 = arith.constant 0 : index
    %get3A_1295 = arith.constant 256 : index
    %get3A_1296 = vector.load %arg9[%get3A_1294, %get3A_1295] : memref<256x4096xbf16, #tpu.memory_space<vmem>>, vector<256x128xbf16>
    %get3A_1297 = arith.constant 256 : index
    %get3A_1298 = arith.constant 0 : index
    %get3A_1299 = vector.load %arg4[%get3A_1297, %get3A_1298] : memref<768x128xbf16, #tpu.memory_space<vmem>>, vector<128x128xbf16>
    %dot_general3A_1300 = arith.constant dense<0.000000e+00> : vector<256x128xf32>
    %dot_general3A_1301 = tpu.matmul %get3A_1296, %get3A_1299, %dot_general3A_1300 {dimension_numbers = #tpu.dot_dimension_numbers<[1], [0], [0], [1], [0, 0, 1, 1], [], []>, transpose_lhs_hint = false} : vector<256x128xbf16>, vector<128x128xbf16>, vector<256x128xf32> -> vector<256x128xf32>
    %add3A_1302 = arith.addf %dot_general3A_1293, %dot_general3A_1301 : vector<256x128xf32>
    %add3A_1303 = arith.addf %add3A_1302, %tile3A_1050 : vector<256x128xf32>
    %slice3A_1304 = vector.extract_strided_slice %add3A_1216 {offsets = [2, 0], sizes = [1, 128], strides = [1, 1]} : vector<32x128xf32> to vector<1x128xf32>
    %add3A_1305 = vector.broadcast %slice3A_1304 : vector<1x128xf32> to vector<256x128xf32>
    %add3A_1306 = arith.addf %add3A_1303, %add3A_1305 : vector<256x128xf32>
    %max3A_1307 = arith.constant 0.000000e+00 : f32
    %max3A_1308 = vector.broadcast %max3A_1307 : f32 to vector<256x128xf32>
    %max3A_1309 = arith.maximumf %add3A_1306, %max3A_1308 : vector<256x128xf32>
    %convert_element_type3A_1310 = arith.truncf %max3A_1309 : vector<256x128xf32> to vector<256x128xbf16>
    %swap3A_1311 = arith.constant 0 : index
    %swap3A_1312 = arith.constant 256 : index
    %swap3A_1313 = vector.load %arg10[%swap3A_1311, %swap3A_1312] : memref<256x4096xbf16, #tpu.memory_space<vmem>>, vector<256x128xbf16>
    tpu.vector_store %arg10[%swap3A_1311, %swap3A_1312], %convert_element_type3A_1310 {strides = array<i32>} : memref<256x4096xbf16, #tpu.memory_space<vmem>>, vector<256x128xbf16>,
    %add3A_1314 = arith.addf %add3A_1282, %max3A_1309 : vector<256x128xf32>
    %get3A_1315 = arith.constant 0 : index
    %get3A_1316 = arith.constant 0 : index
    %get3A_1317 = arith.constant 384 : index
    %get3A_1318 = vector.load %arg1[%get3A_1315, %get3A_1316, %get3A_1317] : memref<1x256x4096xf32, #tpu.memory_space<vmem>>, vector<1x256x128xf32>
    %get3A_1319 = vector.shape_cast %get3A_1318 : vector<1x256x128xf32> to vector<256x128xf32>
    %convert_element_type3A_1320 = arith.truncf %get3A_1319 : vector<256x128xf32> to vector<256x128xbf16>
    %get3A_1321 = arith.constant 128 : index
    %get3A_1322 = arith.constant 0 : index
    %get3A_1323 = vector.load %arg4[%get3A_1321, %get3A_1322] : memref<768x128xbf16, #tpu.memory_space<vmem>>, vector<128x128xbf16>
    %dot_general3A_1324 = arith.constant dense<0.000000e+00> : vector<256x128xf32>
    %dot_general3A_1325 = tpu.matmul %convert_element_type3A_1320, %get3A_1323, %dot_general3A_1324 {dimension_numbers = #tpu.dot_dimension_numbers<[1], [0], [0], [1], [0, 0, 1, 1], [], []>, transpose_lhs_hint = false} : vector<256x128xbf16>, vector<128x128xbf16>, vector<256x128xf32> -> vector<256x128xf32>
    %get3A_1326 = arith.constant 0 : index
    %get3A_1327 = arith.constant 384 : index
    %get3A_1328 = vector.load %arg9[%get3A_1326, %get3A_1327] : memref<256x4096xbf16, #tpu.memory_space<vmem>>, vector<256x128xbf16>
    %get3A_1329 = arith.constant 256 : index
    %get3A_1330 = arith.constant 0 : index
    %get3A_1331 = vector.load %arg4[%get3A_1329, %get3A_1330] : memref<768x128xbf16, #tpu.memory_space<vmem>>, vector<128x128xbf16>
    %dot_general3A_1332 = arith.constant dense<0.000000e+00> : vector<256x128xf32>
    %dot_general3A_1333 = tpu.matmul %get3A_1328, %get3A_1331, %dot_general3A_1332 {dimension_numbers = #tpu.dot_dimension_numbers<[1], [0], [0], [1], [0, 0, 1, 1], [], []>, transpose_lhs_hint = false} : vector<256x128xbf16>, vector<128x128xbf16>, vector<256x128xf32> -> vector<256x128xf32>
    %add3A_1334 = arith.addf %dot_general3A_1325, %dot_general3A_1333 : vector<256x128xf32>
    %add3A_1335 = arith.addf %add3A_1334, %tile3A_1050 : vector<256x128xf32>
    %slice3A_1336 = vector.extract_strided_slice %add3A_1216 {offsets = [3, 0], sizes = [1, 128], strides = [1, 1]} : vector<32x128xf32> to vector<1x128xf32>
    %add3A_1337 = vector.broadcast %slice3A_1336 : vector<1x128xf32> to vector<256x128xf32>
    %add3A_1338 = arith.addf %add3A_1335, %add3A_1337 : vector<256x128xf32>
    %max3A_1339 = arith.constant 0.000000e+00 : f32
    %max3A_1340 = vector.broadcast %max3A_1339 : f32 to vector<256x128xf32>
    %max3A_1341 = arith.maximumf %add3A_1338, %max3A_1340 : vector<256x128xf32>
    %convert_element_type3A_1342 = arith.truncf %max3A_1341 : vector<256x128xf32> to vector<256x128xbf16>
    %swap3A_1343 = arith.constant 0 : index
    %swap3A_1344 = arith.constant 384 : index
    %swap3A_1345 = vector.load %arg10[%swap3A_1343, %swap3A_1344] : memref<256x4096xbf16, #tpu.memory_space<vmem>>, vector<256x128xbf16>
    tpu.vector_store %arg10[%swap3A_1343, %swap3A_1344], %convert_element_type3A_1342 {strides = array<i32>} : memref<256x4096xbf16, #tpu.memory_space<vmem>>, vector<256x128xbf16>,
    %add3A_1346 = arith.addf %add3A_1314, %max3A_1341 : vector<256x128xf32>
    %get3A_1347 = arith.constant 0 : index
    %get3A_1348 = arith.constant 0 : index
    %get3A_1349 = arith.constant 512 : index
    %get3A_1350 = vector.load %arg1[%get3A_1347, %get3A_1348, %get3A_1349] : memref<1x256x4096xf32, #tpu.memory_space<vmem>>, vector<1x256x128xf32>
    %get3A_1351 = vector.shape_cast %get3A_1350 : vector<1x256x128xf32> to vector<256x128xf32>
    %convert_element_type3A_1352 = arith.truncf %get3A_1351 : vector<256x128xf32> to vector<256x128xbf16>
    %get3A_1353 = arith.constant 128 : index
    %get3A_1354 = arith.constant 0 : index
    %get3A_1355 = vector.load %arg4[%get3A_1353, %get3A_1354] : memref<768x128xbf16, #tpu.memory_space<vmem>>, vector<128x128xbf16>
    %dot_general3A_1356 = arith.constant dense<0.000000e+00> : vector<256x128xf32>
    %dot_general3A_1357 = tpu.matmul %convert_element_type3A_1352, %get3A_1355, %dot_general3A_1356 {dimension_numbers = #tpu.dot_dimension_numbers<[1], [0], [0], [1], [0, 0, 1, 1], [], []>, transpose_lhs_hint = false} : vector<256x128xbf16>, vector<128x128xbf16>, vector<256x128xf32> -> vector<256x128xf32>
    %get3A_1358 = arith.constant 0 : index
    %get3A_1359 = arith.constant 512 : index
    %get3A_1360 = vector.load %arg9[%get3A_1358, %get3A_1359] : memref<256x4096xbf16, #tpu.memory_space<vmem>>, vector<256x128xbf16>
    %get3A_1361 = arith.constant 256 : index
    %get3A_1362 = arith.constant 0 : index
    %get3A_1363 = vector.load %arg4[%get3A_1361, %get3A_1362] : memref<768x128xbf16, #tpu.memory_space<vmem>>, vector<128x128xbf16>
    %dot_general3A_1364 = arith.constant dense<0.000000e+00> : vector<256x128xf32>
    %dot_general3A_1365 = tpu.matmul %get3A_1360, %get3A_1363, %dot_general3A_1364 {dimension_numbers = #tpu.dot_dimension_numbers<[1], [0], [0], [1], [0, 0, 1, 1], [], []>, transpose_lhs_hint = false} : vector<256x128xbf16>, vector<128x128xbf16>, vector<256x128xf32> -> vector<256x128xf32>
    %add3A_1366 = arith.addf %dot_general3A_1357, %dot_general3A_1365 : vector<256x128xf32>
    %add3A_1367 = arith.addf %add3A_1366, %tile3A_1050 : vector<256x128xf32>
    %slice3A_1368 = vector.extract_strided_slice %add3A_1216 {offsets = [4, 0], sizes = [1, 128], strides = [1, 1]} : vector<32x128xf32> to vector<1x128xf32>
    %add3A_1369 = vector.broadcast %slice3A_1368 : vector<1x128xf32> to vector<256x128xf32>
    %add3A_1370 = arith.addf %add3A_1367, %add3A_1369 : vector<256x128xf32>
    %max3A_1371 = arith.constant 0.000000e+00 : f32
    %max3A_1372 = vector.broadcast %max3A_1371 : f32 to vector<256x128xf32>
    %max3A_1373 = arith.maximumf %add3A_1370, %max3A_1372 : vector<256x128xf32>
    %convert_element_type3A_1374 = arith.truncf %max3A_1373 : vector<256x128xf32> to vector<256x128xbf16>
    %swap3A_1375 = arith.constant 0 : index
    %swap3A_1376 = arith.constant 512 : index
    %swap3A_1377 = vector.load %arg10[%swap3A_1375, %swap3A_1376] : memref<256x4096xbf16, #tpu.memory_space<vmem>>, vector<256x128xbf16>
    tpu.vector_store %arg10[%swap3A_1375, %swap3A_1376], %convert_element_type3A_1374 {strides = array<i32>} : memref<256x4096xbf16, #tpu.memory_space<vmem>>, vector<256x128xbf16>,
    %add3A_1378 = arith.addf %add3A_1346, %max3A_1373 : vector<256x128xf32>
    %get3A_1379 = arith.constant 0 : index
    %get3A_1380 = arith.constant 0 : index
    %get3A_1381 = arith.constant 640 : index
    %get3A_1382 = vector.load %arg1[%get3A_1379, %get3A_1380, %get3A_1381] : memref<1x256x4096xf32, #tpu.memory_space<vmem>>, vector<1x256x128xf32>
    %get3A_1383 = vector.shape_cast %get3A_1382 : vector<1x256x128xf32> to vector<256x128xf32>
    %convert_element_type3A_1384 = arith.truncf %get3A_1383 : vector<256x128xf32> to vector<256x128xbf16>
    %get3A_1385 = arith.constant 128 : index
    %get3A_1386 = arith.constant 0 : index
    %get3A_1387 = vector.load %arg4[%get3A_1385, %get3A_1386] : memref<768x128xbf16, #tpu.memory_space<vmem>>, vector<128x128xbf16>
    %dot_general3A_1388 = arith.constant dense<0.000000e+00> : vector<256x128xf32>
    %dot_general3A_1389 = tpu.matmul %convert_element_type3A_1384, %get3A_1387, %dot_general3A_1388 {dimension_numbers = #tpu.dot_dimension_numbers<[1], [0], [0], [1], [0, 0, 1, 1], [], []>, transpose_lhs_hint = false} : vector<256x128xbf16>, vector<128x128xbf16>, vector<256x128xf32> -> vector<256x128xf32>
    %get3A_1390 = arith.constant 0 : index
    %get3A_1391 = arith.constant 640 : index
    %get3A_1392 = vector.load %arg9[%get3A_1390, %get3A_1391] : memref<256x4096xbf16, #tpu.memory_space<vmem>>, vector<256x128xbf16>
    %get3A_1393 = arith.constant 256 : index
    %get3A_1394 = arith.constant 0 : index
    %get3A_1395 = vector.load %arg4[%get3A_1393, %get3A_1394] : memref<768x128xbf16, #tpu.memory_space<vmem>>, vector<128x128xbf16>
    %dot_general3A_1396 = arith.constant dense<0.000000e+00> : vector<256x128xf32>
    %dot_general3A_1397 = tpu.matmul %get3A_1392, %get3A_1395, %dot_general3A_1396 {dimension_numbers = #tpu.dot_dimension_numbers<[1], [0], [0], [1], [0, 0, 1, 1], [], []>, transpose_lhs_hint = false} : vector<256x128xbf16>, vector<128x128xbf16>, vector<256x128xf32> -> vector<256x128xf32>
    %add3A_1398 = arith.addf %dot_general3A_1389, %dot_general3A_1397 : vector<256x128xf32>
    %add3A_1399 = arith.addf %add3A_1398, %tile3A_1050 : vector<256x128xf32>
    %slice3A_1400 = vector.extract_strided_slice %add3A_1216 {offsets = [5, 0], sizes = [1, 128], strides = [1, 1]} : vector<32x128xf32> to vector<1x128xf32>
    %add3A_1401 = vector.broadcast %slice3A_1400 : vector<1x128xf32> to vector<256x128xf32>
    %add3A_1402 = arith.addf %add3A_1399, %add3A_1401 : vector<256x128xf32>
    %max3A_1403 = arith.constant 0.000000e+00 : f32
    %max3A_1404 = vector.broadcast %max3A_1403 : f32 to vector<256x128xf32>
    %max3A_1405 = arith.maximumf %add3A_1402, %max3A_1404 : vector<256x128xf32>
    %convert_element_type3A_1406 = arith.truncf %max3A_1405 : vector<256x128xf32> to vector<256x128xbf16>
    %swap3A_1407 = arith.constant 0 : index
    %swap3A_1408 = arith.constant 640 : index
    %swap3A_1409 = vector.load %arg10[%swap3A_1407, %swap3A_1408] : memref<256x4096xbf16, #tpu.memory_space<vmem>>, vector<256x128xbf16>
    tpu.vector_store %arg10[%swap3A_1407, %swap3A_1408], %convert_element_type3A_1406 {strides = array<i32>} : memref<256x4096xbf16, #tpu.memory_space<vmem>>, vector<256x128xbf16>,
    %add3A_1410 = arith.addf %add3A_1378, %max3A_1405 : vector<256x128xf32>
    %get3A_1411 = arith.constant 0 : index
    %get3A_1412 = arith.constant 0 : index
    %get3A_1413 = arith.constant 768 : index
    %get3A_1414 = vector.load %arg1[%get3A_1411, %get3A_1412, %get3A_1413] : memref<1x256x4096xf32, #tpu.memory_space<vmem>>, vector<1x256x128xf32>
    %get3A_1415 = vector.shape_cast %get3A_1414 : vector<1x256x128xf32> to vector<256x128xf32>
    %convert_element_type3A_1416 = arith.truncf %get3A_1415 : vector<256x128xf32> to vector<256x128xbf16>
    %get3A_1417 = arith.constant 128 : index
    %get3A_1418 = arith.constant 0 : index
    %get3A_1419 = vector.load %arg4[%get3A_1417, %get3A_1418] : memref<768x128xbf16, #tpu.memory_space<vmem>>, vector<128x128xbf16>
    %dot_general3A_1420 = arith.constant dense<0.000000e+00> : vector<256x128xf32>
    %dot_general3A_1421 = tpu.matmul %convert_element_type3A_1416, %get3A_1419, %dot_general3A_1420 {dimension_numbers = #tpu.dot_dimension_numbers<[1], [0], [0], [1], [0, 0, 1, 1], [], []>, transpose_lhs_hint = false} : vector<256x128xbf16>, vector<128x128xbf16>, vector<256x128xf32> -> vector<256x128xf32>
    %get3A_1422 = arith.constant 0 : index
    %get3A_1423 = arith.constant 768 : index
    %get3A_1424 = vector.load %arg9[%get3A_1422, %get3A_1423] : memref<256x4096xbf16, #tpu.memory_space<vmem>>, vector<256x128xbf16>
    %get3A_1425 = arith.constant 256 : index
    %get3A_1426 = arith.constant 0 : index
    %get3A_1427 = vector.load %arg4[%get3A_1425, %get3A_1426] : memref<768x128xbf16, #tpu.memory_space<vmem>>, vector<128x128xbf16>
    %dot_general3A_1428 = arith.constant dense<0.000000e+00> : vector<256x128xf32>
    %dot_general3A_1429 = tpu.matmul %get3A_1424, %get3A_1427, %dot_general3A_1428 {dimension_numbers = #tpu.dot_dimension_numbers<[1], [0], [0], [1], [0, 0, 1, 1], [], []>, transpose_lhs_hint = false} : vector<256x128xbf16>, vector<128x128xbf16>, vector<256x128xf32> -> vector<256x128xf32>
    %add3A_1430 = arith.addf %dot_general3A_1421, %dot_general3A_1429 : vector<256x128xf32>
    %add3A_1431 = arith.addf %add3A_1430, %tile3A_1050 : vector<256x128xf32>
    %slice3A_1432 = vector.extract_strided_slice %add3A_1216 {offsets = [6, 0], sizes = [1, 128], strides = [1, 1]} : vector<32x128xf32> to vector<1x128xf32>
    %add3A_1433 = vector.broadcast %slice3A_1432 : vector<1x128xf32> to vector<256x128xf32>
    %add3A_1434 = arith.addf %add3A_1431, %add3A_1433 : vector<256x128xf32>
    %max3A_1435 = arith.constant 0.000000e+00 : f32
    %max3A_1436 = vector.broadcast %max3A_1435 : f32 to vector<256x128xf32>
    %max3A_1437 = arith.maximumf %add3A_1434, %max3A_1436 : vector<256x128xf32>
    %convert_element_type3A_1438 = arith.truncf %max3A_1437 : vector<256x128xf32> to vector<256x128xbf16>
    %swap3A_1439 = arith.constant 0 : index
    %swap3A_1440 = arith.constant 768 : index
    %swap3A_1441 = vector.load %arg10[%swap3A_1439, %swap3A_1440] : memref<256x4096xbf16, #tpu.memory_space<vmem>>, vector<256x128xbf16>
    tpu.vector_store %arg10[%swap3A_1439, %swap3A_1440], %convert_element_type3A_1438 {strides = array<i32>} : memref<256x4096xbf16, #tpu.memory_space<vmem>>, vector<256x128xbf16>,
    %add3A_1442 = arith.addf %add3A_1410, %max3A_1437 : vector<256x128xf32>
    %get3A_1443 = arith.constant 0 : index
    %get3A_1444 = arith.constant 0 : index
    %get3A_1445 = arith.constant 896 : index
    %get3A_1446 = vector.load %arg1[%get3A_1443, %get3A_1444, %get3A_1445] : memref<1x256x4096xf32, #tpu.memory_space<vmem>>, vector<1x256x128xf32>
    %get3A_1447 = vector.shape_cast %get3A_1446 : vector<1x256x128xf32> to vector<256x128xf32>
    %convert_element_type3A_1448 = arith.truncf %get3A_1447 : vector<256x128xf32> to vector<256x128xbf16>
    %get3A_1449 = arith.constant 128 : index
    %get3A_1450 = arith.constant 0 : index
    %get3A_1451 = vector.load %arg4[%get3A_1449, %get3A_1450] : memref<768x128xbf16, #tpu.memory_space<vmem>>, vector<128x128xbf16>
    %dot_general3A_1452 = arith.constant dense<0.000000e+00> : vector<256x128xf32>
    %dot_general3A_1453 = tpu.matmul %convert_element_type3A_1448, %get3A_1451, %dot_general3A_1452 {dimension_numbers = #tpu.dot_dimension_numbers<[1], [0], [0], [1], [0, 0, 1, 1], [], []>, transpose_lhs_hint = false} : vector<256x128xbf16>, vector<128x128xbf16>, vector<256x128xf32> -> vector<256x128xf32>
    %get3A_1454 = arith.constant 0 : index
    %get3A_1455 = arith.constant 896 : index
    %get3A_1456 = vector.load %arg9[%get3A_1454, %get3A_1455] : memref<256x4096xbf16, #tpu.memory_space<vmem>>, vector<256x128xbf16>
    %get3A_1457 = arith.constant 256 : index
    %get3A_1458 = arith.constant 0 : index
    %get3A_1459 = vector.load %arg4[%get3A_1457, %get3A_1458] : memref<768x128xbf16, #tpu.memory_space<vmem>>, vector<128x128xbf16>
    %dot_general3A_1460 = arith.constant dense<0.000000e+00> : vector<256x128xf32>
    %dot_general3A_1461 = tpu.matmul %get3A_1456, %get3A_1459, %dot_general3A_1460 {dimension_numbers = #tpu.dot_dimension_numbers<[1], [0], [0], [1], [0, 0, 1, 1], [], []>, transpose_lhs_hint = false} : vector<256x128xbf16>, vector<128x128xbf16>, vector<256x128xf32> -> vector<256x128xf32>
    %add3A_1462 = arith.addf %dot_general3A_1453, %dot_general3A_1461 : vector<256x128xf32>
    %add3A_1463 = arith.addf %add3A_1462, %tile3A_1050 : vector<256x128xf32>
    %slice3A_1464 = vector.extract_strided_slice %add3A_1216 {offsets = [7, 0], sizes = [1, 128], strides = [1, 1]} : vector<32x128xf32> to vector<1x128xf32>
    %add3A_1465 = vector.broadcast %slice3A_1464 : vector<1x128xf32> to vector<256x128xf32>
    %add3A_1466 = arith.addf %add3A_1463, %add3A_1465 : vector<256x128xf32>
    %max3A_1467 = arith.constant 0.000000e+00 : f32
    %max3A_1468 = vector.broadcast %max3A_1467 : f32 to vector<256x128xf32>
    %max3A_1469 = arith.maximumf %add3A_1466, %max3A_1468 : vector<256x128xf32>
    %convert_element_type3A_1470 = arith.truncf %max3A_1469 : vector<256x128xf32> to vector<256x128xbf16>
    %swap3A_1471 = arith.constant 0 : index
    %swap3A_1472 = arith.constant 896 : index
    %swap3A_1473 = vector.load %arg10[%swap3A_1471, %swap3A_1472] : memref<256x4096xbf16, #tpu.memory_space<vmem>>, vector<256x128xbf16>
    tpu.vector_store %arg10[%swap3A_1471, %swap3A_1472], %convert_element_type3A_1470 {strides = array<i32>} : memref<256x4096xbf16, #tpu.memory_space<vmem>>, vector<256x128xbf16>,
    %add3A_1474 = arith.addf %add3A_1442, %max3A_1469 : vector<256x128xf32>
    %get3A_1475 = arith.constant 0 : index
    %get3A_1476 = arith.constant 0 : index
    %get3A_1477 = arith.constant 1024 : index
    %get3A_1478 = vector.load %arg1[%get3A_1475, %get3A_1476, %get3A_1477] : memref<1x256x4096xf32, #tpu.memory_space<vmem>>, vector<1x256x128xf32>
    %get3A_1479 = vector.shape_cast %get3A_1478 : vector<1x256x128xf32> to vector<256x128xf32>
    %convert_element_type3A_1480 = arith.truncf %get3A_1479 : vector<256x128xf32> to vector<256x128xbf16>
    %get3A_1481 = arith.constant 128 : index
    %get3A_1482 = arith.constant 0 : index
    %get3A_1483 = vector.load %arg4[%get3A_1481, %get3A_1482] : memref<768x128xbf16, #tpu.memory_space<vmem>>, vector<128x128xbf16>
    %dot_general3A_1484 = arith.constant dense<0.000000e+00> : vector<256x128xf32>
    %dot_general3A_1485 = tpu.matmul %convert_element_type3A_1480, %get3A_1483, %dot_general3A_1484 {dimension_numbers = #tpu.dot_dimension_numbers<[1], [0], [0], [1], [0, 0, 1, 1], [], []>, transpose_lhs_hint = false} : vector<256x128xbf16>, vector<128x128xbf16>, vector<256x128xf32> -> vector<256x128xf32>
    %get3A_1486 = arith.constant 0 : index
    %get3A_1487 = arith.constant 1024 : index
    %get3A_1488 = vector.load %arg9[%get3A_1486, %get3A_1487] : memref<256x4096xbf16, #tpu.memory_space<vmem>>, vector<256x128xbf16>
    %get3A_1489 = arith.constant 256 : index
    %get3A_1490 = arith.constant 0 : index
    %get3A_1491 = vector.load %arg4[%get3A_1489, %get3A_1490] : memref<768x128xbf16, #tpu.memory_space<vmem>>, vector<128x128xbf16>
    %dot_general3A_1492 = arith.constant dense<0.000000e+00> : vector<256x128xf32>
    %dot_general3A_1493 = tpu.matmul %get3A_1488, %get3A_1491, %dot_general3A_1492 {dimension_numbers = #tpu.dot_dimension_numbers<[1], [0], [0], [1], [0, 0, 1, 1], [], []>, transpose_lhs_hint = false} : vector<256x128xbf16>, vector<128x128xbf16>, vector<256x128xf32> -> vector<256x128xf32>
    %add3A_1494 = arith.addf %dot_general3A_1485, %dot_general3A_1493 : vector<256x128xf32>
    %add3A_1495 = arith.addf %add3A_1494, %tile3A_1050 : vector<256x128xf32>
    %slice3A_1496 = vector.extract_strided_slice %add3A_1216 {offsets = [8, 0], sizes = [1, 128], strides = [1, 1]} : vector<32x128xf32> to vector<1x128xf32>
    %add3A_1497 = vector.broadcast %slice3A_1496 : vector<1x128xf32> to vector<256x128xf32>
    %add3A_1498 = arith.addf %add3A_1495, %add3A_1497 : vector<256x128xf32>
    %max3A_1499 = arith.constant 0.000000e+00 : f32
    %max3A_1500 = vector.broadcast %max3A_1499 : f32 to vector<256x128xf32>
    %max3A_1501 = arith.maximumf %add3A_1498, %max3A_1500 : vector<256x128xf32>
    %convert_element_type3A_1502 = arith.truncf %max3A_1501 : vector<256x128xf32> to vector<256x128xbf16>
    %swap3A_1503 = arith.constant 0 : index
    %swap3A_1504 = arith.constant 1024 : index
    %swap3A_1505 = vector.load %arg10[%swap3A_1503, %swap3A_1504] : memref<256x4096xbf16, #tpu.memory_space<vmem>>, vector<256x128xbf16>
    tpu.vector_store %arg10[%swap3A_1503, %swap3A_1504], %convert_element_type3A_1502 {strides = array<i32>} : memref<256x4096xbf16, #tpu.memory_space<vmem>>, vector<256x128xbf16>,
    %add3A_1506 = arith.addf %add3A_1474, %max3A_1501 : vector<256x128xf32>
    %get3A_1507 = arith.constant 0 : index
    %get3A_1508 = arith.constant 0 : index
    %get3A_1509 = arith.constant 1152 : index
    %get3A_1510 = vector.load %arg1[%get3A_1507, %get3A_1508, %get3A_1509] : memref<1x256x4096xf32, #tpu.memory_space<vmem>>, vector<1x256x128xf32>
    %get3A_1511 = vector.shape_cast %get3A_1510 : vector<1x256x128xf32> to vector<256x128xf32>
    %convert_element_type3A_1512 = arith.truncf %get3A_1511 : vector<256x128xf32> to vector<256x128xbf16>
    %get3A_1513 = arith.constant 128 : index
    %get3A_1514 = arith.constant 0 : index
    %get3A_1515 = vector.load %arg4[%get3A_1513, %get3A_1514] : memref<768x128xbf16, #tpu.memory_space<vmem>>, vector<128x128xbf16>
    %dot_general3A_1516 = arith.constant dense<0.000000e+00> : vector<256x128xf32>
    %dot_general3A_1517 = tpu.matmul %convert_element_type3A_1512, %get3A_1515, %dot_general3A_1516 {dimension_numbers = #tpu.dot_dimension_numbers<[1], [0], [0], [1], [0, 0, 1, 1], [], []>, transpose_lhs_hint = false} : vector<256x128xbf16>, vector<128x128xbf16>, vector<256x128xf32> -> vector<256x128xf32>
    %get3A_1518 = arith.constant 0 : index
    %get3A_1519 = arith.constant 1152 : index
    %get3A_1520 = vector.load %arg9[%get3A_1518, %get3A_1519] : memref<256x4096xbf16, #tpu.memory_space<vmem>>, vector<256x128xbf16>
    %get3A_1521 = arith.constant 256 : index
    %get3A_1522 = arith.constant 0 : index
    %get3A_1523 = vector.load %arg4[%get3A_1521, %get3A_1522] : memref<768x128xbf16, #tpu.memory_space<vmem>>, vector<128x128xbf16>
    %dot_general3A_1524 = arith.constant dense<0.000000e+00> : vector<256x128xf32>
    %dot_general3A_1525 = tpu.matmul %get3A_1520, %get3A_1523, %dot_general3A_1524 {dimension_numbers = #tpu.dot_dimension_numbers<[1], [0], [0], [1], [0, 0, 1, 1], [], []>, transpose_lhs_hint = false} : vector<256x128xbf16>, vector<128x128xbf16>, vector<256x128xf32> -> vector<256x128xf32>
    %add3A_1526 = arith.addf %dot_general3A_1517, %dot_general3A_1525 : vector<256x128xf32>
    %add3A_1527 = arith.addf %add3A_1526, %tile3A_1050 : vector<256x128xf32>
    %slice3A_1528 = vector.extract_strided_slice %add3A_1216 {offsets = [9, 0], sizes = [1, 128], strides = [1, 1]} : vector<32x128xf32> to vector<1x128xf32>
    %add3A_1529 = vector.broadcast %slice3A_1528 : vector<1x128xf32> to vector<256x128xf32>
    %add3A_1530 = arith.addf %add3A_1527, %add3A_1529 : vector<256x128xf32>
    %max3A_1531 = arith.constant 0.000000e+00 : f32
    %max3A_1532 = vector.broadcast %max3A_1531 : f32 to vector<256x128xf32>
    %max3A_1533 = arith.maximumf %add3A_1530, %max3A_1532 : vector<256x128xf32>
    %convert_element_type3A_1534 = arith.truncf %max3A_1533 : vector<256x128xf32> to vector<256x128xbf16>
    %swap3A_1535 = arith.constant 0 : index
    %swap3A_1536 = arith.constant 1152 : index
    %swap3A_1537 = vector.load %arg10[%swap3A_1535, %swap3A_1536] : memref<256x4096xbf16, #tpu.memory_space<vmem>>, vector<256x128xbf16>
    tpu.vector_store %arg10[%swap3A_1535, %swap3A_1536], %convert_element_type3A_1534 {strides = array<i32>} : memref<256x4096xbf16, #tpu.memory_space<vmem>>, vector<256x128xbf16>,
    %add3A_1538 = arith.addf %add3A_1506, %max3A_1533 : vector<256x128xf32>
    %get3A_1539 = arith.constant 0 : index
    %get3A_1540 = arith.constant 0 : index
    %get3A_1541 = arith.constant 1280 : index
    %get3A_1542 = vector.load %arg1[%get3A_1539, %get3A_1540, %get3A_1541] : memref<1x256x4096xf32, #tpu.memory_space<vmem>>, vector<1x256x128xf32>
    %get3A_1543 = vector.shape_cast %get3A_1542 : vector<1x256x128xf32> to vector<256x128xf32>
    %convert_element_type3A_1544 = arith.truncf %get3A_1543 : vector<256x128xf32> to vector<256x128xbf16>
    %get3A_1545 = arith.constant 128 : index
    %get3A_1546 = arith.constant 0 : index
    %get3A_1547 = vector.load %arg4[%get3A_1545, %get3A_1546] : memref<768x128xbf16, #tpu.memory_space<vmem>>, vector<128x128xbf16>
    %dot_general3A_1548 = arith.constant dense<0.000000e+00> : vector<256x128xf32>
    %dot_general3A_1549 = tpu.matmul %convert_element_type3A_1544, %get3A_1547, %dot_general3A_1548 {dimension_numbers = #tpu.dot_dimension_numbers<[1], [0], [0], [1], [0, 0, 1, 1], [], []>, transpose_lhs_hint = false} : vector<256x128xbf16>, vector<128x128xbf16>, vector<256x128xf32> -> vector<256x128xf32>
    %get3A_1550 = arith.constant 0 : index
    %get3A_1551 = arith.constant 1280 : index
    %get3A_1552 = vector.load %arg9[%get3A_1550, %get3A_1551] : memref<256x4096xbf16, #tpu.memory_space<vmem>>, vector<256x128xbf16>
    %get3A_1553 = arith.constant 256 : index
    %get3A_1554 = arith.constant 0 : index
    %get3A_1555 = vector.load %arg4[%get3A_1553, %get3A_1554] : memref<768x128xbf16, #tpu.memory_space<vmem>>, vector<128x128xbf16>
    %dot_general3A_1556 = arith.constant dense<0.000000e+00> : vector<256x128xf32>
    %dot_general3A_1557 = tpu.matmul %get3A_1552, %get3A_1555, %dot_general3A_1556 {dimension_numbers = #tpu.dot_dimension_numbers<[1], [0], [0], [1], [0, 0, 1, 1], [], []>, transpose_lhs_hint = false} : vector<256x128xbf16>, vector<128x128xbf16>, vector<256x128xf32> -> vector<256x128xf32>
    %add3A_1558 = arith.addf %dot_general3A_1549, %dot_general3A_1557 : vector<256x128xf32>
    %add3A_1559 = arith.addf %add3A_1558, %tile3A_1050 : vector<256x128xf32>
    %slice3A_1560 = vector.extract_strided_slice %add3A_1216 {offsets = [10, 0], sizes = [1, 128], strides = [1, 1]} : vector<32x128xf32> to vector<1x128xf32>
    %add3A_1561 = vector.broadcast %slice3A_1560 : vector<1x128xf32> to vector<256x128xf32>
    %add3A_1562 = arith.addf %add3A_1559, %add3A_1561 : vector<256x128xf32>
    %max3A_1563 = arith.constant 0.000000e+00 : f32
    %max3A_1564 = vector.broadcast %max3A_1563 : f32 to vector<256x128xf32>
    %max3A_1565 = arith.maximumf %add3A_1562, %max3A_1564 : vector<256x128xf32>
    %convert_element_type3A_1566 = arith.truncf %max3A_1565 : vector<256x128xf32> to vector<256x128xbf16>
    %swap3A_1567 = arith.constant 0 : index
    %swap3A_1568 = arith.constant 1280 : index
    %swap3A_1569 = vector.load %arg10[%swap3A_1567, %swap3A_1568] : memref<256x4096xbf16, #tpu.memory_space<vmem>>, vector<256x128xbf16>
    tpu.vector_store %arg10[%swap3A_1567, %swap3A_1568], %convert_element_type3A_1566 {strides = array<i32>} : memref<256x4096xbf16, #tpu.memory_space<vmem>>, vector<256x128xbf16>,
    %add3A_1570 = arith.addf %add3A_1538, %max3A_1565 : vector<256x128xf32>
    %get3A_1571 = arith.constant 0 : index
    %get3A_1572 = arith.constant 0 : index
    %get3A_1573 = arith.constant 1408 : index
    %get3A_1574 = vector.load %arg1[%get3A_1571, %get3A_1572, %get3A_1573] : memref<1x256x4096xf32, #tpu.memory_space<vmem>>, vector<1x256x128xf32>
    %get3A_1575 = vector.shape_cast %get3A_1574 : vector<1x256x128xf32> to vector<256x128xf32>
    %convert_element_type3A_1576 = arith.truncf %get3A_1575 : vector<256x128xf32> to vector<256x128xbf16>
    %get3A_1577 = arith.constant 128 : index
    %get3A_1578 = arith.constant 0 : index
    %get3A_1579 = vector.load %arg4[%get3A_1577, %get3A_1578] : memref<768x128xbf16, #tpu.memory_space<vmem>>, vector<128x128xbf16>
    %dot_general3A_1580 = arith.constant dense<0.000000e+00> : vector<256x128xf32>
    %dot_general3A_1581 = tpu.matmul %convert_element_type3A_1576, %get3A_1579, %dot_general3A_1580 {dimension_numbers = #tpu.dot_dimension_numbers<[1], [0], [0], [1], [0, 0, 1, 1], [], []>, transpose_lhs_hint = false} : vector<256x128xbf16>, vector<128x128xbf16>, vector<256x128xf32> -> vector<256x128xf32>
    %get3A_1582 = arith.constant 0 : index
    %get3A_1583 = arith.constant 1408 : index
    %get3A_1584 = vector.load %arg9[%get3A_1582, %get3A_1583] : memref<256x4096xbf16, #tpu.memory_space<vmem>>, vector<256x128xbf16>
    %get3A_1585 = arith.constant 256 : index
    %get3A_1586 = arith.constant 0 : index
    %get3A_1587 = vector.load %arg4[%get3A_1585, %get3A_1586] : memref<768x128xbf16, #tpu.memory_space<vmem>>, vector<128x128xbf16>
    %dot_general3A_1588 = arith.constant dense<0.000000e+00> : vector<256x128xf32>
    %dot_general3A_1589 = tpu.matmul %get3A_1584, %get3A_1587, %dot_general3A_1588 {dimension_numbers = #tpu.dot_dimension_numbers<[1], [0], [0], [1], [0, 0, 1, 1], [], []>, transpose_lhs_hint = false} : vector<256x128xbf16>, vector<128x128xbf16>, vector<256x128xf32> -> vector<256x128xf32>
    %add3A_1590 = arith.addf %dot_general3A_1581, %dot_general3A_1589 : vector<256x128xf32>
    %add3A_1591 = arith.addf %add3A_1590, %tile3A_1050 : vector<256x128xf32>
    %slice3A_1592 = vector.extract_strided_slice %add3A_1216 {offsets = [11, 0], sizes = [1, 128], strides = [1, 1]} : vector<32x128xf32> to vector<1x128xf32>
    %add3A_1593 = vector.broadcast %slice3A_1592 : vector<1x128xf32> to vector<256x128xf32>
    %add3A_1594 = arith.addf %add3A_1591, %add3A_1593 : vector<256x128xf32>
    %max3A_1595 = arith.constant 0.000000e+00 : f32
    %max3A_1596 = vector.broadcast %max3A_1595 : f32 to vector<256x128xf32>
    %max3A_1597 = arith.maximumf %add3A_1594, %max3A_1596 : vector<256x128xf32>
    %convert_element_type3A_1598 = arith.truncf %max3A_1597 : vector<256x128xf32> to vector<256x128xbf16>
    %swap3A_1599 = arith.constant 0 : index
    %swap3A_1600 = arith.constant 1408 : index
    %swap3A_1601 = vector.load %arg10[%swap3A_1599, %swap3A_1600] : memref<256x4096xbf16, #tpu.memory_space<vmem>>, vector<256x128xbf16>
    tpu.vector_store %arg10[%swap3A_1599, %swap3A_1600], %convert_element_type3A_1598 {strides = array<i32>} : memref<256x4096xbf16, #tpu.memory_space<vmem>>, vector<256x128xbf16>,
    %add3A_1602 = arith.addf %add3A_1570, %max3A_1597 : vector<256x128xf32>
    %get3A_1603 = arith.constant 0 : index
    %get3A_1604 = arith.constant 0 : index
    %get3A_1605 = arith.constant 1536 : index
    %get3A_1606 = vector.load %arg1[%get3A_1603, %get3A_1604, %get3A_1605] : memref<1x256x4096xf32, #tpu.memory_space<vmem>>, vector<1x256x128xf32>
    %get3A_1607 = vector.shape_cast %get3A_1606 : vector<1x256x128xf32> to vector<256x128xf32>
    %convert_element_type3A_1608 = arith.truncf %get3A_1607 : vector<256x128xf32> to vector<256x128xbf16>
    %get3A_1609 = arith.constant 128 : index
    %get3A_1610 = arith.constant 0 : index
    %get3A_1611 = vector.load %arg4[%get3A_1609, %get3A_1610] : memref<768x128xbf16, #tpu.memory_space<vmem>>, vector<128x128xbf16>
    %dot_general3A_1612 = arith.constant dense<0.000000e+00> : vector<256x128xf32>
    %dot_general3A_1613 = tpu.matmul %convert_element_type3A_1608, %get3A_1611, %dot_general3A_1612 {dimension_numbers = #tpu.dot_dimension_numbers<[1], [0], [0], [1], [0, 0, 1, 1], [], []>, transpose_lhs_hint = false} : vector<256x128xbf16>, vector<128x128xbf16>, vector<256x128xf32> -> vector<256x128xf32>
    %get3A_1614 = arith.constant 0 : index
    %get3A_1615 = arith.constant 1536 : index
    %get3A_1616 = vector.load %arg9[%get3A_1614, %get3A_1615] : memref<256x4096xbf16, #tpu.memory_space<vmem>>, vector<256x128xbf16>
    %get3A_1617 = arith.constant 256 : index
    %get3A_1618 = arith.constant 0 : index
    %get3A_1619 = vector.load %arg4[%get3A_1617, %get3A_1618] : memref<768x128xbf16, #tpu.memory_space<vmem>>, vector<128x128xbf16>
    %dot_general3A_1620 = arith.constant dense<0.000000e+00> : vector<256x128xf32>
    %dot_general3A_1621 = tpu.matmul %get3A_1616, %get3A_1619, %dot_general3A_1620 {dimension_numbers = #tpu.dot_dimension_numbers<[1], [0], [0], [1], [0, 0, 1, 1], [], []>, transpose_lhs_hint = false} : vector<256x128xbf16>, vector<128x128xbf16>, vector<256x128xf32> -> vector<256x128xf32>
    %add3A_1622 = arith.addf %dot_general3A_1613, %dot_general3A_1621 : vector<256x128xf32>
    %add3A_1623 = arith.addf %add3A_1622, %tile3A_1050 : vector<256x128xf32>
    %slice3A_1624 = vector.extract_strided_slice %add3A_1216 {offsets = [12, 0], sizes = [1, 128], strides = [1, 1]} : vector<32x128xf32> to vector<1x128xf32>
    %add3A_1625 = vector.broadcast %slice3A_1624 : vector<1x128xf32> to vector<256x128xf32>
    %add3A_1626 = arith.addf %add3A_1623, %add3A_1625 : vector<256x128xf32>
    %max3A_1627 = arith.constant 0.000000e+00 : f32
    %max3A_1628 = vector.broadcast %max3A_1627 : f32 to vector<256x128xf32>
    %max3A_1629 = arith.maximumf %add3A_1626, %max3A_1628 : vector<256x128xf32>
    %convert_element_type3A_1630 = arith.truncf %max3A_1629 : vector<256x128xf32> to vector<256x128xbf16>
    %swap3A_1631 = arith.constant 0 : index
    %swap3A_1632 = arith.constant 1536 : index
    %swap3A_1633 = vector.load %arg10[%swap3A_1631, %swap3A_1632] : memref<256x4096xbf16, #tpu.memory_space<vmem>>, vector<256x128xbf16>
    tpu.vector_store %arg10[%swap3A_1631, %swap3A_1632], %convert_element_type3A_1630 {strides = array<i32>} : memref<256x4096xbf16, #tpu.memory_space<vmem>>, vector<256x128xbf16>,
    %add3A_1634 = arith.addf %add3A_1602, %max3A_1629 : vector<256x128xf32>
    %get3A_1635 = arith.constant 0 : index
    %get3A_1636 = arith.constant 0 : index
    %get3A_1637 = arith.constant 1664 : index
    %get3A_1638 = vector.load %arg1[%get3A_1635, %get3A_1636, %get3A_1637] : memref<1x256x4096xf32, #tpu.memory_space<vmem>>, vector<1x256x128xf32>
    %get3A_1639 = vector.shape_cast %get3A_1638 : vector<1x256x128xf32> to vector<256x128xf32>
    %convert_element_type3A_1640 = arith.truncf %get3A_1639 : vector<256x128xf32> to vector<256x128xbf16>
    %get3A_1641 = arith.constant 128 : index
    %get3A_1642 = arith.constant 0 : index
    %get3A_1643 = vector.load %arg4[%get3A_1641, %get3A_1642] : memref<768x128xbf16, #tpu.memory_space<vmem>>, vector<128x128xbf16>
    %dot_general3A_1644 = arith.constant dense<0.000000e+00> : vector<256x128xf32>
    %dot_general3A_1645 = tpu.matmul %convert_element_type3A_1640, %get3A_1643, %dot_general3A_1644 {dimension_numbers = #tpu.dot_dimension_numbers<[1], [0], [0], [1], [0, 0, 1, 1], [], []>, transpose_lhs_hint = false} : vector<256x128xbf16>, vector<128x128xbf16>, vector<256x128xf32> -> vector<256x128xf32>
    %get3A_1646 = arith.constant 0 : index
    %get3A_1647 = arith.constant 1664 : index
    %get3A_1648 = vector.load %arg9[%get3A_1646, %get3A_1647] : memref<256x4096xbf16, #tpu.memory_space<vmem>>, vector<256x128xbf16>
    %get3A_1649 = arith.constant 256 : index
    %get3A_1650 = arith.constant 0 : index
    %get3A_1651 = vector.load %arg4[%get3A_1649, %get3A_1650] : memref<768x128xbf16, #tpu.memory_space<vmem>>, vector<128x128xbf16>
    %dot_general3A_1652 = arith.constant dense<0.000000e+00> : vector<256x128xf32>
    %dot_general3A_1653 = tpu.matmul %get3A_1648, %get3A_1651, %dot_general3A_1652 {dimension_numbers = #tpu.dot_dimension_numbers<[1], [0], [0], [1], [0, 0, 1, 1], [], []>, transpose_lhs_hint = false} : vector<256x128xbf16>, vector<128x128xbf16>, vector<256x128xf32> -> vector<256x128xf32>
    %add3A_1654 = arith.addf %dot_general3A_1645, %dot_general3A_1653 : vector<256x128xf32>
    %add3A_1655 = arith.addf %add3A_1654, %tile3A_1050 : vector<256x128xf32>
    %slice3A_1656 = vector.extract_strided_slice %add3A_1216 {offsets = [13, 0], sizes = [1, 128], strides = [1, 1]} : vector<32x128xf32> to vector<1x128xf32>
    %add3A_1657 = vector.broadcast %slice3A_1656 : vector<1x128xf32> to vector<256x128xf32>
    %add3A_1658 = arith.addf %add3A_1655, %add3A_1657 : vector<256x128xf32>
    %max3A_1659 = arith.constant 0.000000e+00 : f32
    %max3A_1660 = vector.broadcast %max3A_1659 : f32 to vector<256x128xf32>
    %max3A_1661 = arith.maximumf %add3A_1658, %max3A_1660 : vector<256x128xf32>
    %convert_element_type3A_1662 = arith.truncf %max3A_1661 : vector<256x128xf32> to vector<256x128xbf16>
    %swap3A_1663 = arith.constant 0 : index
    %swap3A_1664 = arith.constant 1664 : index
    %swap3A_1665 = vector.load %arg10[%swap3A_1663, %swap3A_1664] : memref<256x4096xbf16, #tpu.memory_space<vmem>>, vector<256x128xbf16>
    tpu.vector_store %arg10[%swap3A_1663, %swap3A_1664], %convert_element_type3A_1662 {strides = array<i32>} : memref<256x4096xbf16, #tpu.memory_space<vmem>>, vector<256x128xbf16>,
    %add3A_1666 = arith.addf %add3A_1634, %max3A_1661 : vector<256x128xf32>
    %get3A_1667 = arith.constant 0 : index
    %get3A_1668 = arith.constant 0 : index
    %get3A_1669 = arith.constant 1792 : index
    %get3A_1670 = vector.load %arg1[%get3A_1667, %get3A_1668, %get3A_1669] : memref<1x256x4096xf32, #tpu.memory_space<vmem>>, vector<1x256x128xf32>
    %get3A_1671 = vector.shape_cast %get3A_1670 : vector<1x256x128xf32> to vector<256x128xf32>
    %convert_element_type3A_1672 = arith.truncf %get3A_1671 : vector<256x128xf32> to vector<256x128xbf16>
    %get3A_1673 = arith.constant 128 : index
    %get3A_1674 = arith.constant 0 : index
    %get3A_1675 = vector.load %arg4[%get3A_1673, %get3A_1674] : memref<768x128xbf16, #tpu.memory_space<vmem>>, vector<128x128xbf16>
    %dot_general3A_1676 = arith.constant dense<0.000000e+00> : vector<256x128xf32>
    %dot_general3A_1677 = tpu.matmul %convert_element_type3A_1672, %get3A_1675, %dot_general3A_1676 {dimension_numbers = #tpu.dot_dimension_numbers<[1], [0], [0], [1], [0, 0, 1, 1], [], []>, transpose_lhs_hint = false} : vector<256x128xbf16>, vector<128x128xbf16>, vector<256x128xf32> -> vector<256x128xf32>
    %get3A_1678 = arith.constant 0 : index
    %get3A_1679 = arith.constant 1792 : index
    %get3A_1680 = vector.load %arg9[%get3A_1678, %get3A_1679] : memref<256x4096xbf16, #tpu.memory_space<vmem>>, vector<256x128xbf16>
    %get3A_1681 = arith.constant 256 : index
    %get3A_1682 = arith.constant 0 : index
    %get3A_1683 = vector.load %arg4[%get3A_1681, %get3A_1682] : memref<768x128xbf16, #tpu.memory_space<vmem>>, vector<128x128xbf16>
    %dot_general3A_1684 = arith.constant dense<0.000000e+00> : vector<256x128xf32>
    %dot_general3A_1685 = tpu.matmul %get3A_1680, %get3A_1683, %dot_general3A_1684 {dimension_numbers = #tpu.dot_dimension_numbers<[1], [0], [0], [1], [0, 0, 1, 1], [], []>, transpose_lhs_hint = false} : vector<256x128xbf16>, vector<128x128xbf16>, vector<256x128xf32> -> vector<256x128xf32>
    %add3A_1686 = arith.addf %dot_general3A_1677, %dot_general3A_1685 : vector<256x128xf32>
    %add3A_1687 = arith.addf %add3A_1686, %tile3A_1050 : vector<256x128xf32>
    %slice3A_1688 = vector.extract_strided_slice %add3A_1216 {offsets = [14, 0], sizes = [1, 128], strides = [1, 1]} : vector<32x128xf32> to vector<1x128xf32>
    %add3A_1689 = vector.broadcast %slice3A_1688 : vector<1x128xf32> to vector<256x128xf32>
    %add3A_1690 = arith.addf %add3A_1687, %add3A_1689 : vector<256x128xf32>
    %max3A_1691 = arith.constant 0.000000e+00 : f32
    %max3A_1692 = vector.broadcast %max3A_1691 : f32 to vector<256x128xf32>
    %max3A_1693 = arith.maximumf %add3A_1690, %max3A_1692 : vector<256x128xf32>
    %convert_element_type3A_1694 = arith.truncf %max3A_1693 : vector<256x128xf32> to vector<256x128xbf16>
    %swap3A_1695 = arith.constant 0 : index
    %swap3A_1696 = arith.constant 1792 : index
    %swap3A_1697 = vector.load %arg10[%swap3A_1695, %swap3A_1696] : memref<256x4096xbf16, #tpu.memory_space<vmem>>, vector<256x128xbf16>
    tpu.vector_store %arg10[%swap3A_1695, %swap3A_1696], %convert_element_type3A_1694 {strides = array<i32>} : memref<256x4096xbf16, #tpu.memory_space<vmem>>, vector<256x128xbf16>,
    %add3A_1698 = arith.addf %add3A_1666, %max3A_1693 : vector<256x128xf32>
    %get3A_1699 = arith.constant 0 : index
    %get3A_1700 = arith.constant 0 : index
    %get3A_1701 = arith.constant 1920 : index
    %get3A_1702 = vector.load %arg1[%get3A_1699, %get3A_1700, %get3A_1701] : memref<1x256x4096xf32, #tpu.memory_space<vmem>>, vector<1x256x128xf32>
    %get3A_1703 = vector.shape_cast %get3A_1702 : vector<1x256x128xf32> to vector<256x128xf32>
    %convert_element_type3A_1704 = arith.truncf %get3A_1703 : vector<256x128xf32> to vector<256x128xbf16>
    %get3A_1705 = arith.constant 128 : index
    %get3A_1706 = arith.constant 0 : index
    %get3A_1707 = vector.load %arg4[%get3A_1705, %get3A_1706] : memref<768x128xbf16, #tpu.memory_space<vmem>>, vector<128x128xbf16>
    %dot_general3A_1708 = arith.constant dense<0.000000e+00> : vector<256x128xf32>
    %dot_general3A_1709 = tpu.matmul %convert_element_type3A_1704, %get3A_1707, %dot_general3A_1708 {dimension_numbers = #tpu.dot_dimension_numbers<[1], [0], [0], [1], [0, 0, 1, 1], [], []>, transpose_lhs_hint = false} : vector<256x128xbf16>, vector<128x128xbf16>, vector<256x128xf32> -> vector<256x128xf32>
    %get3A_1710 = arith.constant 0 : index
    %get3A_1711 = arith.constant 1920 : index
    %get3A_1712 = vector.load %arg9[%get3A_1710, %get3A_1711] : memref<256x4096xbf16, #tpu.memory_space<vmem>>, vector<256x128xbf16>
    %get3A_1713 = arith.constant 256 : index
    %get3A_1714 = arith.constant 0 : index
    %get3A_1715 = vector.load %arg4[%get3A_1713, %get3A_1714] : memref<768x128xbf16, #tpu.memory_space<vmem>>, vector<128x128xbf16>
    %dot_general3A_1716 = arith.constant dense<0.000000e+00> : vector<256x128xf32>
    %dot_general3A_1717 = tpu.matmul %get3A_1712, %get3A_1715, %dot_general3A_1716 {dimension_numbers = #tpu.dot_dimension_numbers<[1], [0], [0], [1], [0, 0, 1, 1], [], []>, transpose_lhs_hint = false} : vector<256x128xbf16>, vector<128x128xbf16>, vector<256x128xf32> -> vector<256x128xf32>
    %add3A_1718 = arith.addf %dot_general3A_1709, %dot_general3A_1717 : vector<256x128xf32>
    %add3A_1719 = arith.addf %add3A_1718, %tile3A_1050 : vector<256x128xf32>
    %slice3A_1720 = vector.extract_strided_slice %add3A_1216 {offsets = [15, 0], sizes = [1, 128], strides = [1, 1]} : vector<32x128xf32> to vector<1x128xf32>
    %add3A_1721 = vector.broadcast %slice3A_1720 : vector<1x128xf32> to vector<256x128xf32>
    %add3A_1722 = arith.addf %add3A_1719, %add3A_1721 : vector<256x128xf32>
    %max3A_1723 = arith.constant 0.000000e+00 : f32
    %max3A_1724 = vector.broadcast %max3A_1723 : f32 to vector<256x128xf32>
    %max3A_1725 = arith.maximumf %add3A_1722, %max3A_1724 : vector<256x128xf32>
    %convert_element_type3A_1726 = arith.truncf %max3A_1725 : vector<256x128xf32> to vector<256x128xbf16>
    %swap3A_1727 = arith.constant 0 : index
    %swap3A_1728 = arith.constant 1920 : index
    %swap3A_1729 = vector.load %arg10[%swap3A_1727, %swap3A_1728] : memref<256x4096xbf16, #tpu.memory_space<vmem>>, vector<256x128xbf16>
    tpu.vector_store %arg10[%swap3A_1727, %swap3A_1728], %convert_element_type3A_1726 {strides = array<i32>} : memref<256x4096xbf16, #tpu.memory_space<vmem>>, vector<256x128xbf16>,
    %add3A_1730 = arith.addf %add3A_1698, %max3A_1725 : vector<256x128xf32>
    %get3A_1731 = arith.constant 0 : index
    %get3A_1732 = arith.constant 0 : index
    %get3A_1733 = arith.constant 2048 : index
    %get3A_1734 = vector.load %arg1[%get3A_1731, %get3A_1732, %get3A_1733] : memref<1x256x4096xf32, #tpu.memory_space<vmem>>, vector<1x256x128xf32>
    %get3A_1735 = vector.shape_cast %get3A_1734 : vector<1x256x128xf32> to vector<256x128xf32>
    %convert_element_type3A_1736 = arith.truncf %get3A_1735 : vector<256x128xf32> to vector<256x128xbf16>
    %get3A_1737 = arith.constant 128 : index
    %get3A_1738 = arith.constant 0 : index
    %get3A_1739 = vector.load %arg4[%get3A_1737, %get3A_1738] : memref<768x128xbf16, #tpu.memory_space<vmem>>, vector<128x128xbf16>
    %dot_general3A_1740 = arith.constant dense<0.000000e+00> : vector<256x128xf32>
    %dot_general3A_1741 = tpu.matmul %convert_element_type3A_1736, %get3A_1739, %dot_general3A_1740 {dimension_numbers = #tpu.dot_dimension_numbers<[1], [0], [0], [1], [0, 0, 1, 1], [], []>, transpose_lhs_hint = false} : vector<256x128xbf16>, vector<128x128xbf16>, vector<256x128xf32> -> vector<256x128xf32>
    %get3A_1742 = arith.constant 0 : index
    %get3A_1743 = arith.constant 2048 : index
    %get3A_1744 = vector.load %arg9[%get3A_1742, %get3A_1743] : memref<256x4096xbf16, #tpu.memory_space<vmem>>, vector<256x128xbf16>
    %get3A_1745 = arith.constant 256 : index
    %get3A_1746 = arith.constant 0 : index
    %get3A_1747 = vector.load %arg4[%get3A_1745, %get3A_1746] : memref<768x128xbf16, #tpu.memory_space<vmem>>, vector<128x128xbf16>
    %dot_general3A_1748 = arith.constant dense<0.000000e+00> : vector<256x128xf32>
    %dot_general3A_1749 = tpu.matmul %get3A_1744, %get3A_1747, %dot_general3A_1748 {dimension_numbers = #tpu.dot_dimension_numbers<[1], [0], [0], [1], [0, 0, 1, 1], [], []>, transpose_lhs_hint = false} : vector<256x128xbf16>, vector<128x128xbf16>, vector<256x128xf32> -> vector<256x128xf32>
    %add3A_1750 = arith.addf %dot_general3A_1741, %dot_general3A_1749 : vector<256x128xf32>
    %add3A_1751 = arith.addf %add3A_1750, %tile3A_1050 : vector<256x128xf32>
    %slice3A_1752 = vector.extract_strided_slice %add3A_1216 {offsets = [16, 0], sizes = [1, 128], strides = [1, 1]} : vector<32x128xf32> to vector<1x128xf32>
    %add3A_1753 = vector.broadcast %slice3A_1752 : vector<1x128xf32> to vector<256x128xf32>
    %add3A_1754 = arith.addf %add3A_1751, %add3A_1753 : vector<256x128xf32>
    %max3A_1755 = arith.constant 0.000000e+00 : f32
    %max3A_1756 = vector.broadcast %max3A_1755 : f32 to vector<256x128xf32>
    %max3A_1757 = arith.maximumf %add3A_1754, %max3A_1756 : vector<256x128xf32>
    %convert_element_type3A_1758 = arith.truncf %max3A_1757 : vector<256x128xf32> to vector<256x128xbf16>
    %swap3A_1759 = arith.constant 0 : index
    %swap3A_1760 = arith.constant 2048 : index
    %swap3A_1761 = vector.load %arg10[%swap3A_1759, %swap3A_1760] : memref<256x4096xbf16, #tpu.memory_space<vmem>>, vector<256x128xbf16>
    tpu.vector_store %arg10[%swap3A_1759, %swap3A_1760], %convert_element_type3A_1758 {strides = array<i32>} : memref<256x4096xbf16, #tpu.memory_space<vmem>>, vector<256x128xbf16>,
    %add3A_1762 = arith.addf %add3A_1730, %max3A_1757 : vector<256x128xf32>
    %get3A_1763 = arith.constant 0 : index
    %get3A_1764 = arith.constant 0 : index
    %get3A_1765 = arith.constant 2176 : index
    %get3A_1766 = vector.load %arg1[%get3A_1763, %get3A_1764, %get3A_1765] : memref<1x256x4096xf32, #tpu.memory_space<vmem>>, vector<1x256x128xf32>
    %get3A_1767 = vector.shape_cast %get3A_1766 : vector<1x256x128xf32> to vector<256x128xf32>
    %convert_element_type3A_1768 = arith.truncf %get3A_1767 : vector<256x128xf32> to vector<256x128xbf16>
    %get3A_1769 = arith.constant 128 : index
    %get3A_1770 = arith.constant 0 : index
    %get3A_1771 = vector.load %arg4[%get3A_1769, %get3A_1770] : memref<768x128xbf16, #tpu.memory_space<vmem>>, vector<128x128xbf16>
    %dot_general3A_1772 = arith.constant dense<0.000000e+00> : vector<256x128xf32>
    %dot_general3A_1773 = tpu.matmul %convert_element_type3A_1768, %get3A_1771, %dot_general3A_1772 {dimension_numbers = #tpu.dot_dimension_numbers<[1], [0], [0], [1], [0, 0, 1, 1], [], []>, transpose_lhs_hint = false} : vector<256x128xbf16>, vector<128x128xbf16>, vector<256x128xf32> -> vector<256x128xf32>
    %get3A_1774 = arith.constant 0 : index
    %get3A_1775 = arith.constant 2176 : index
    %get3A_1776 = vector.load %arg9[%get3A_1774, %get3A_1775] : memref<256x4096xbf16, #tpu.memory_space<vmem>>, vector<256x128xbf16>
    %get3A_1777 = arith.constant 256 : index
    %get3A_1778 = arith.constant 0 : index
    %get3A_1779 = vector.load %arg4[%get3A_1777, %get3A_1778] : memref<768x128xbf16, #tpu.memory_space<vmem>>, vector<128x128xbf16>
    %dot_general3A_1780 = arith.constant dense<0.000000e+00> : vector<256x128xf32>
    %dot_general3A_1781 = tpu.matmul %get3A_1776, %get3A_1779, %dot_general3A_1780 {dimension_numbers = #tpu.dot_dimension_numbers<[1], [0], [0], [1], [0, 0, 1, 1], [], []>, transpose_lhs_hint = false} : vector<256x128xbf16>, vector<128x128xbf16>, vector<256x128xf32> -> vector<256x128xf32>
    %add3A_1782 = arith.addf %dot_general3A_1773, %dot_general3A_1781 : vector<256x128xf32>
    %add3A_1783 = arith.addf %add3A_1782, %tile3A_1050 : vector<256x128xf32>
    %slice3A_1784 = vector.extract_strided_slice %add3A_1216 {offsets = [17, 0], sizes = [1, 128], strides = [1, 1]} : vector<32x128xf32> to vector<1x128xf32>
    %add3A_1785 = vector.broadcast %slice3A_1784 : vector<1x128xf32> to vector<256x128xf32>
    %add3A_1786 = arith.addf %add3A_1783, %add3A_1785 : vector<256x128xf32>
    %max3A_1787 = arith.constant 0.000000e+00 : f32
    %max3A_1788 = vector.broadcast %max3A_1787 : f32 to vector<256x128xf32>
    %max3A_1789 = arith.maximumf %add3A_1786, %max3A_1788 : vector<256x128xf32>
    %convert_element_type3A_1790 = arith.truncf %max3A_1789 : vector<256x128xf32> to vector<256x128xbf16>
    %swap3A_1791 = arith.constant 0 : index
    %swap3A_1792 = arith.constant 2176 : index
    %swap3A_1793 = vector.load %arg10[%swap3A_1791, %swap3A_1792] : memref<256x4096xbf16, #tpu.memory_space<vmem>>, vector<256x128xbf16>
    tpu.vector_store %arg10[%swap3A_1791, %swap3A_1792], %convert_element_type3A_1790 {strides = array<i32>} : memref<256x4096xbf16, #tpu.memory_space<vmem>>, vector<256x128xbf16>,
    %add3A_1794 = arith.addf %add3A_1762, %max3A_1789 : vector<256x128xf32>
    %get3A_1795 = arith.constant 0 : index
    %get3A_1796 = arith.constant 0 : index
    %get3A_1797 = arith.constant 2304 : index
    %get3A_1798 = vector.load %arg1[%get3A_1795, %get3A_1796, %get3A_1797] : memref<1x256x4096xf32, #tpu.memory_space<vmem>>, vector<1x256x128xf32>
    %get3A_1799 = vector.shape_cast %get3A_1798 : vector<1x256x128xf32> to vector<256x128xf32>
    %convert_element_type3A_1800 = arith.truncf %get3A_1799 : vector<256x128xf32> to vector<256x128xbf16>
    %get3A_1801 = arith.constant 128 : index
    %get3A_1802 = arith.constant 0 : index
    %get3A_1803 = vector.load %arg4[%get3A_1801, %get3A_1802] : memref<768x128xbf16, #tpu.memory_space<vmem>>, vector<128x128xbf16>
    %dot_general3A_1804 = arith.constant dense<0.000000e+00> : vector<256x128xf32>
    %dot_general3A_1805 = tpu.matmul %convert_element_type3A_1800, %get3A_1803, %dot_general3A_1804 {dimension_numbers = #tpu.dot_dimension_numbers<[1], [0], [0], [1], [0, 0, 1, 1], [], []>, transpose_lhs_hint = false} : vector<256x128xbf16>, vector<128x128xbf16>, vector<256x128xf32> -> vector<256x128xf32>
    %get3A_1806 = arith.constant 0 : index
    %get3A_1807 = arith.constant 2304 : index
    %get3A_1808 = vector.load %arg9[%get3A_1806, %get3A_1807] : memref<256x4096xbf16, #tpu.memory_space<vmem>>, vector<256x128xbf16>
    %get3A_1809 = arith.constant 256 : index
    %get3A_1810 = arith.constant 0 : index
    %get3A_1811 = vector.load %arg4[%get3A_1809, %get3A_1810] : memref<768x128xbf16, #tpu.memory_space<vmem>>, vector<128x128xbf16>
    %dot_general3A_1812 = arith.constant dense<0.000000e+00> : vector<256x128xf32>
    %dot_general3A_1813 = tpu.matmul %get3A_1808, %get3A_1811, %dot_general3A_1812 {dimension_numbers = #tpu.dot_dimension_numbers<[1], [0], [0], [1], [0, 0, 1, 1], [], []>, transpose_lhs_hint = false} : vector<256x128xbf16>, vector<128x128xbf16>, vector<256x128xf32> -> vector<256x128xf32>
    %add3A_1814 = arith.addf %dot_general3A_1805, %dot_general3A_1813 : vector<256x128xf32>
    %add3A_1815 = arith.addf %add3A_1814, %tile3A_1050 : vector<256x128xf32>
    %slice3A_1816 = vector.extract_strided_slice %add3A_1216 {offsets = [18, 0], sizes = [1, 128], strides = [1, 1]} : vector<32x128xf32> to vector<1x128xf32>
    %add3A_1817 = vector.broadcast %slice3A_1816 : vector<1x128xf32> to vector<256x128xf32>
    %add3A_1818 = arith.addf %add3A_1815, %add3A_1817 : vector<256x128xf32>
    %max3A_1819 = arith.constant 0.000000e+00 : f32
    %max3A_1820 = vector.broadcast %max3A_1819 : f32 to vector<256x128xf32>
    %max3A_1821 = arith.maximumf %add3A_1818, %max3A_1820 : vector<256x128xf32>
    %convert_element_type3A_1822 = arith.truncf %max3A_1821 : vector<256x128xf32> to vector<256x128xbf16>
    %swap3A_1823 = arith.constant 0 : index
    %swap3A_1824 = arith.constant 2304 : index
    %swap3A_1825 = vector.load %arg10[%swap3A_1823, %swap3A_1824] : memref<256x4096xbf16, #tpu.memory_space<vmem>>, vector<256x128xbf16>
    tpu.vector_store %arg10[%swap3A_1823, %swap3A_1824], %convert_element_type3A_1822 {strides = array<i32>} : memref<256x4096xbf16, #tpu.memory_space<vmem>>, vector<256x128xbf16>,
    %add3A_1826 = arith.addf %add3A_1794, %max3A_1821 : vector<256x128xf32>
    %get3A_1827 = arith.constant 0 : index
    %get3A_1828 = arith.constant 0 : index
    %get3A_1829 = arith.constant 2432 : index
    %get3A_1830 = vector.load %arg1[%get3A_1827, %get3A_1828, %get3A_1829] : memref<1x256x4096xf32, #tpu.memory_space<vmem>>, vector<1x256x128xf32>
    %get3A_1831 = vector.shape_cast %get3A_1830 : vector<1x256x128xf32> to vector<256x128xf32>
    %convert_element_type3A_1832 = arith.truncf %get3A_1831 : vector<256x128xf32> to vector<256x128xbf16>
    %get3A_1833 = arith.constant 128 : index
    %get3A_1834 = arith.constant 0 : index
    %get3A_1835 = vector.load %arg4[%get3A_1833, %get3A_1834] : memref<768x128xbf16, #tpu.memory_space<vmem>>, vector<128x128xbf16>
    %dot_general3A_1836 = arith.constant dense<0.000000e+00> : vector<256x128xf32>
    %dot_general3A_1837 = tpu.matmul %convert_element_type3A_1832, %get3A_1835, %dot_general3A_1836 {dimension_numbers = #tpu.dot_dimension_numbers<[1], [0], [0], [1], [0, 0, 1, 1], [], []>, transpose_lhs_hint = false} : vector<256x128xbf16>, vector<128x128xbf16>, vector<256x128xf32> -> vector<256x128xf32>
    %get3A_1838 = arith.constant 0 : index
    %get3A_1839 = arith.constant 2432 : index
    %get3A_1840 = vector.load %arg9[%get3A_1838, %get3A_1839] : memref<256x4096xbf16, #tpu.memory_space<vmem>>, vector<256x128xbf16>
    %get3A_1841 = arith.constant 256 : index
    %get3A_1842 = arith.constant 0 : index
    %get3A_1843 = vector.load %arg4[%get3A_1841, %get3A_1842] : memref<768x128xbf16, #tpu.memory_space<vmem>>, vector<128x128xbf16>
    %dot_general3A_1844 = arith.constant dense<0.000000e+00> : vector<256x128xf32>
    %dot_general3A_1845 = tpu.matmul %get3A_1840, %get3A_1843, %dot_general3A_1844 {dimension_numbers = #tpu.dot_dimension_numbers<[1], [0], [0], [1], [0, 0, 1, 1], [], []>, transpose_lhs_hint = false} : vector<256x128xbf16>, vector<128x128xbf16>, vector<256x128xf32> -> vector<256x128xf32>
    %add3A_1846 = arith.addf %dot_general3A_1837, %dot_general3A_1845 : vector<256x128xf32>
    %add3A_1847 = arith.addf %add3A_1846, %tile3A_1050 : vector<256x128xf32>
    %slice3A_1848 = vector.extract_strided_slice %add3A_1216 {offsets = [19, 0], sizes = [1, 128], strides = [1, 1]} : vector<32x128xf32> to vector<1x128xf32>
    %add3A_1849 = vector.broadcast %slice3A_1848 : vector<1x128xf32> to vector<256x128xf32>
    %add3A_1850 = arith.addf %add3A_1847, %add3A_1849 : vector<256x128xf32>
    %max3A_1851 = arith.constant 0.000000e+00 : f32
    %max3A_1852 = vector.broadcast %max3A_1851 : f32 to vector<256x128xf32>
    %max3A_1853 = arith.maximumf %add3A_1850, %max3A_1852 : vector<256x128xf32>
    %convert_element_type3A_1854 = arith.truncf %max3A_1853 : vector<256x128xf32> to vector<256x128xbf16>
    %swap3A_1855 = arith.constant 0 : index
    %swap3A_1856 = arith.constant 2432 : index
    %swap3A_1857 = vector.load %arg10[%swap3A_1855, %swap3A_1856] : memref<256x4096xbf16, #tpu.memory_space<vmem>>, vector<256x128xbf16>
    tpu.vector_store %arg10[%swap3A_1855, %swap3A_1856], %convert_element_type3A_1854 {strides = array<i32>} : memref<256x4096xbf16, #tpu.memory_space<vmem>>, vector<256x128xbf16>,
    %add3A_1858 = arith.addf %add3A_1826, %max3A_1853 : vector<256x128xf32>
    %get3A_1859 = arith.constant 0 : index
    %get3A_1860 = arith.constant 0 : index
    %get3A_1861 = arith.constant 2560 : index
    %get3A_1862 = vector.load %arg1[%get3A_1859, %get3A_1860, %get3A_1861] : memref<1x256x4096xf32, #tpu.memory_space<vmem>>, vector<1x256x128xf32>
    %get3A_1863 = vector.shape_cast %get3A_1862 : vector<1x256x128xf32> to vector<256x128xf32>
    %convert_element_type3A_1864 = arith.truncf %get3A_1863 : vector<256x128xf32> to vector<256x128xbf16>
    %get3A_1865 = arith.constant 128 : index
    %get3A_1866 = arith.constant 0 : index
    %get3A_1867 = vector.load %arg4[%get3A_1865, %get3A_1866] : memref<768x128xbf16, #tpu.memory_space<vmem>>, vector<128x128xbf16>
    %dot_general3A_1868 = arith.constant dense<0.000000e+00> : vector<256x128xf32>
    %dot_general3A_1869 = tpu.matmul %convert_element_type3A_1864, %get3A_1867, %dot_general3A_1868 {dimension_numbers = #tpu.dot_dimension_numbers<[1], [0], [0], [1], [0, 0, 1, 1], [], []>, transpose_lhs_hint = false} : vector<256x128xbf16>, vector<128x128xbf16>, vector<256x128xf32> -> vector<256x128xf32>
    %get3A_1870 = arith.constant 0 : index
    %get3A_1871 = arith.constant 2560 : index
    %get3A_1872 = vector.load %arg9[%get3A_1870, %get3A_1871] : memref<256x4096xbf16, #tpu.memory_space<vmem>>, vector<256x128xbf16>
    %get3A_1873 = arith.constant 256 : index
    %get3A_1874 = arith.constant 0 : index
    %get3A_1875 = vector.load %arg4[%get3A_1873, %get3A_1874] : memref<768x128xbf16, #tpu.memory_space<vmem>>, vector<128x128xbf16>
    %dot_general3A_1876 = arith.constant dense<0.000000e+00> : vector<256x128xf32>
    %dot_general3A_1877 = tpu.matmul %get3A_1872, %get3A_1875, %dot_general3A_1876 {dimension_numbers = #tpu.dot_dimension_numbers<[1], [0], [0], [1], [0, 0, 1, 1], [], []>, transpose_lhs_hint = false} : vector<256x128xbf16>, vector<128x128xbf16>, vector<256x128xf32> -> vector<256x128xf32>
    %add3A_1878 = arith.addf %dot_general3A_1869, %dot_general3A_1877 : vector<256x128xf32>
    %add3A_1879 = arith.addf %add3A_1878, %tile3A_1050 : vector<256x128xf32>
    %slice3A_1880 = vector.extract_strided_slice %add3A_1216 {offsets = [20, 0], sizes = [1, 128], strides = [1, 1]} : vector<32x128xf32> to vector<1x128xf32>
    %add3A_1881 = vector.broadcast %slice3A_1880 : vector<1x128xf32> to vector<256x128xf32>
    %add3A_1882 = arith.addf %add3A_1879, %add3A_1881 : vector<256x128xf32>
    %max3A_1883 = arith.constant 0.000000e+00 : f32
    %max3A_1884 = vector.broadcast %max3A_1883 : f32 to vector<256x128xf32>
    %max3A_1885 = arith.maximumf %add3A_1882, %max3A_1884 : vector<256x128xf32>
    %convert_element_type3A_1886 = arith.truncf %max3A_1885 : vector<256x128xf32> to vector<256x128xbf16>
    %swap3A_1887 = arith.constant 0 : index
    %swap3A_1888 = arith.constant 2560 : index
    %swap3A_1889 = vector.load %arg10[%swap3A_1887, %swap3A_1888] : memref<256x4096xbf16, #tpu.memory_space<vmem>>, vector<256x128xbf16>
    tpu.vector_store %arg10[%swap3A_1887, %swap3A_1888], %convert_element_type3A_1886 {strides = array<i32>} : memref<256x4096xbf16, #tpu.memory_space<vmem>>, vector<256x128xbf16>,
    %add3A_1890 = arith.addf %add3A_1858, %max3A_1885 : vector<256x128xf32>
    %get3A_1891 = arith.constant 0 : index
    %get3A_1892 = arith.constant 0 : index
    %get3A_1893 = arith.constant 2688 : index
    %get3A_1894 = vector.load %arg1[%get3A_1891, %get3A_1892, %get3A_1893] : memref<1x256x4096xf32, #tpu.memory_space<vmem>>, vector<1x256x128xf32>
    %get3A_1895 = vector.shape_cast %get3A_1894 : vector<1x256x128xf32> to vector<256x128xf32>
    %convert_element_type3A_1896 = arith.truncf %get3A_1895 : vector<256x128xf32> to vector<256x128xbf16>
    %get3A_1897 = arith.constant 128 : index
    %get3A_1898 = arith.constant 0 : index
    %get3A_1899 = vector.load %arg4[%get3A_1897, %get3A_1898] : memref<768x128xbf16, #tpu.memory_space<vmem>>, vector<128x128xbf16>
    %dot_general3A_1900 = arith.constant dense<0.000000e+00> : vector<256x128xf32>
    %dot_general3A_1901 = tpu.matmul %convert_element_type3A_1896, %get3A_1899, %dot_general3A_1900 {dimension_numbers = #tpu.dot_dimension_numbers<[1], [0], [0], [1], [0, 0, 1, 1], [], []>, transpose_lhs_hint = false} : vector<256x128xbf16>, vector<128x128xbf16>, vector<256x128xf32> -> vector<256x128xf32>
    %get3A_1902 = arith.constant 0 : index
    %get3A_1903 = arith.constant 2688 : index
    %get3A_1904 = vector.load %arg9[%get3A_1902, %get3A_1903] : memref<256x4096xbf16, #tpu.memory_space<vmem>>, vector<256x128xbf16>
    %get3A_1905 = arith.constant 256 : index
    %get3A_1906 = arith.constant 0 : index
    %get3A_1907 = vector.load %arg4[%get3A_1905, %get3A_1906] : memref<768x128xbf16, #tpu.memory_space<vmem>>, vector<128x128xbf16>
    %dot_general3A_1908 = arith.constant dense<0.000000e+00> : vector<256x128xf32>
    %dot_general3A_1909 = tpu.matmul %get3A_1904, %get3A_1907, %dot_general3A_1908 {dimension_numbers = #tpu.dot_dimension_numbers<[1], [0], [0], [1], [0, 0, 1, 1], [], []>, transpose_lhs_hint = false} : vector<256x128xbf16>, vector<128x128xbf16>, vector<256x128xf32> -> vector<256x128xf32>
    %add3A_1910 = arith.addf %dot_general3A_1901, %dot_general3A_1909 : vector<256x128xf32>
    %add3A_1911 = arith.addf %add3A_1910, %tile3A_1050 : vector<256x128xf32>
    %slice3A_1912 = vector.extract_strided_slice %add3A_1216 {offsets = [21, 0], sizes = [1, 128], strides = [1, 1]} : vector<32x128xf32> to vector<1x128xf32>
    %add3A_1913 = vector.broadcast %slice3A_1912 : vector<1x128xf32> to vector<256x128xf32>
    %add3A_1914 = arith.addf %add3A_1911, %add3A_1913 : vector<256x128xf32>
    %max3A_1915 = arith.constant 0.000000e+00 : f32
    %max3A_1916 = vector.broadcast %max3A_1915 : f32 to vector<256x128xf32>
    %max3A_1917 = arith.maximumf %add3A_1914, %max3A_1916 : vector<256x128xf32>
    %convert_element_type3A_1918 = arith.truncf %max3A_1917 : vector<256x128xf32> to vector<256x128xbf16>
    %swap3A_1919 = arith.constant 0 : index
    %swap3A_1920 = arith.constant 2688 : index
    %swap3A_1921 = vector.load %arg10[%swap3A_1919, %swap3A_1920] : memref<256x4096xbf16, #tpu.memory_space<vmem>>, vector<256x128xbf16>
    tpu.vector_store %arg10[%swap3A_1919, %swap3A_1920], %convert_element_type3A_1918 {strides = array<i32>} : memref<256x4096xbf16, #tpu.memory_space<vmem>>, vector<256x128xbf16>,
    %add3A_1922 = arith.addf %add3A_1890, %max3A_1917 : vector<256x128xf32>
    %get3A_1923 = arith.constant 0 : index
    %get3A_1924 = arith.constant 0 : index
    %get3A_1925 = arith.constant 2816 : index
    %get3A_1926 = vector.load %arg1[%get3A_1923, %get3A_1924, %get3A_1925] : memref<1x256x4096xf32, #tpu.memory_space<vmem>>, vector<1x256x128xf32>
    %get3A_1927 = vector.shape_cast %get3A_1926 : vector<1x256x128xf32> to vector<256x128xf32>
    %convert_element_type3A_1928 = arith.truncf %get3A_1927 : vector<256x128xf32> to vector<256x128xbf16>
    %get3A_1929 = arith.constant 128 : index
    %get3A_1930 = arith.constant 0 : index
    %get3A_1931 = vector.load %arg4[%get3A_1929, %get3A_1930] : memref<768x128xbf16, #tpu.memory_space<vmem>>, vector<128x128xbf16>
    %dot_general3A_1932 = arith.constant dense<0.000000e+00> : vector<256x128xf32>
    %dot_general3A_1933 = tpu.matmul %convert_element_type3A_1928, %get3A_1931, %dot_general3A_1932 {dimension_numbers = #tpu.dot_dimension_numbers<[1], [0], [0], [1], [0, 0, 1, 1], [], []>, transpose_lhs_hint = false} : vector<256x128xbf16>, vector<128x128xbf16>, vector<256x128xf32> -> vector<256x128xf32>
    %get3A_1934 = arith.constant 0 : index
    %get3A_1935 = arith.constant 2816 : index
    %get3A_1936 = vector.load %arg9[%get3A_1934, %get3A_1935] : memref<256x4096xbf16, #tpu.memory_space<vmem>>, vector<256x128xbf16>
    %get3A_1937 = arith.constant 256 : index
    %get3A_1938 = arith.constant 0 : index
    %get3A_1939 = vector.load %arg4[%get3A_1937, %get3A_1938] : memref<768x128xbf16, #tpu.memory_space<vmem>>, vector<128x128xbf16>
    %dot_general3A_1940 = arith.constant dense<0.000000e+00> : vector<256x128xf32>
    %dot_general3A_1941 = tpu.matmul %get3A_1936, %get3A_1939, %dot_general3A_1940 {dimension_numbers = #tpu.dot_dimension_numbers<[1], [0], [0], [1], [0, 0, 1, 1], [], []>, transpose_lhs_hint = false} : vector<256x128xbf16>, vector<128x128xbf16>, vector<256x128xf32> -> vector<256x128xf32>
    %add3A_1942 = arith.addf %dot_general3A_1933, %dot_general3A_1941 : vector<256x128xf32>
    %add3A_1943 = arith.addf %add3A_1942, %tile3A_1050 : vector<256x128xf32>
    %slice3A_1944 = vector.extract_strided_slice %add3A_1216 {offsets = [22, 0], sizes = [1, 128], strides = [1, 1]} : vector<32x128xf32> to vector<1x128xf32>
    %add3A_1945 = vector.broadcast %slice3A_1944 : vector<1x128xf32> to vector<256x128xf32>
    %add3A_1946 = arith.addf %add3A_1943, %add3A_1945 : vector<256x128xf32>
    %max3A_1947 = arith.constant 0.000000e+00 : f32
    %max3A_1948 = vector.broadcast %max3A_1947 : f32 to vector<256x128xf32>
    %max3A_1949 = arith.maximumf %add3A_1946, %max3A_1948 : vector<256x128xf32>
    %convert_element_type3A_1950 = arith.truncf %max3A_1949 : vector<256x128xf32> to vector<256x128xbf16>
    %swap3A_1951 = arith.constant 0 : index
    %swap3A_1952 = arith.constant 2816 : index
    %swap3A_1953 = vector.load %arg10[%swap3A_1951, %swap3A_1952] : memref<256x4096xbf16, #tpu.memory_space<vmem>>, vector<256x128xbf16>
    tpu.vector_store %arg10[%swap3A_1951, %swap3A_1952], %convert_element_type3A_1950 {strides = array<i32>} : memref<256x4096xbf16, #tpu.memory_space<vmem>>, vector<256x128xbf16>,
    %add3A_1954 = arith.addf %add3A_1922, %max3A_1949 : vector<256x128xf32>
    %get3A_1955 = arith.constant 0 : index
    %get3A_1956 = arith.constant 0 : index
    %get3A_1957 = arith.constant 2944 : index
    %get3A_1958 = vector.load %arg1[%get3A_1955, %get3A_1956, %get3A_1957] : memref<1x256x4096xf32, #tpu.memory_space<vmem>>, vector<1x256x128xf32>
    %get3A_1959 = vector.shape_cast %get3A_1958 : vector<1x256x128xf32> to vector<256x128xf32>
    %convert_element_type3A_1960 = arith.truncf %get3A_1959 : vector<256x128xf32> to vector<256x128xbf16>
    %get3A_1961 = arith.constant 128 : index
    %get3A_1962 = arith.constant 0 : index
    %get3A_1963 = vector.load %arg4[%get3A_1961, %get3A_1962] : memref<768x128xbf16, #tpu.memory_space<vmem>>, vector<128x128xbf16>
    %dot_general3A_1964 = arith.constant dense<0.000000e+00> : vector<256x128xf32>
    %dot_general3A_1965 = tpu.matmul %convert_element_type3A_1960, %get3A_1963, %dot_general3A_1964 {dimension_numbers = #tpu.dot_dimension_numbers<[1], [0], [0], [1], [0, 0, 1, 1], [], []>, transpose_lhs_hint = false} : vector<256x128xbf16>, vector<128x128xbf16>, vector<256x128xf32> -> vector<256x128xf32>
    %get3A_1966 = arith.constant 0 : index
    %get3A_1967 = arith.constant 2944 : index
    %get3A_1968 = vector.load %arg9[%get3A_1966, %get3A_1967] : memref<256x4096xbf16, #tpu.memory_space<vmem>>, vector<256x128xbf16>
    %get3A_1969 = arith.constant 256 : index
    %get3A_1970 = arith.constant 0 : index
    %get3A_1971 = vector.load %arg4[%get3A_1969, %get3A_1970] : memref<768x128xbf16, #tpu.memory_space<vmem>>, vector<128x128xbf16>
    %dot_general3A_1972 = arith.constant dense<0.000000e+00> : vector<256x128xf32>
    %dot_general3A_1973 = tpu.matmul %get3A_1968, %get3A_1971, %dot_general3A_1972 {dimension_numbers = #tpu.dot_dimension_numbers<[1], [0], [0], [1], [0, 0, 1, 1], [], []>, transpose_lhs_hint = false} : vector<256x128xbf16>, vector<128x128xbf16>, vector<256x128xf32> -> vector<256x128xf32>
    %add3A_1974 = arith.addf %dot_general3A_1965, %dot_general3A_1973 : vector<256x128xf32>
    %add3A_1975 = arith.addf %add3A_1974, %tile3A_1050 : vector<256x128xf32>
    %slice3A_1976 = vector.extract_strided_slice %add3A_1216 {offsets = [23, 0], sizes = [1, 128], strides = [1, 1]} : vector<32x128xf32> to vector<1x128xf32>
    %add3A_1977 = vector.broadcast %slice3A_1976 : vector<1x128xf32> to vector<256x128xf32>
    %add3A_1978 = arith.addf %add3A_1975, %add3A_1977 : vector<256x128xf32>
    %max3A_1979 = arith.constant 0.000000e+00 : f32
    %max3A_1980 = vector.broadcast %max3A_1979 : f32 to vector<256x128xf32>
    %max3A_1981 = arith.maximumf %add3A_1978, %max3A_1980 : vector<256x128xf32>
    %convert_element_type3A_1982 = arith.truncf %max3A_1981 : vector<256x128xf32> to vector<256x128xbf16>
    %swap3A_1983 = arith.constant 0 : index
    %swap3A_1984 = arith.constant 2944 : index
    %swap3A_1985 = vector.load %arg10[%swap3A_1983, %swap3A_1984] : memref<256x4096xbf16, #tpu.memory_space<vmem>>, vector<256x128xbf16>
    tpu.vector_store %arg10[%swap3A_1983, %swap3A_1984], %convert_element_type3A_1982 {strides = array<i32>} : memref<256x4096xbf16, #tpu.memory_space<vmem>>, vector<256x128xbf16>,
    %add3A_1986 = arith.addf %add3A_1954, %max3A_1981 : vector<256x128xf32>
    %get3A_1987 = arith.constant 0 : index
    %get3A_1988 = arith.constant 0 : index
    %get3A_1989 = arith.constant 3072 : index
    %get3A_1990 = vector.load %arg1[%get3A_1987, %get3A_1988, %get3A_1989] : memref<1x256x4096xf32, #tpu.memory_space<vmem>>, vector<1x256x128xf32>
    %get3A_1991 = vector.shape_cast %get3A_1990 : vector<1x256x128xf32> to vector<256x128xf32>
    %convert_element_type3A_1992 = arith.truncf %get3A_1991 : vector<256x128xf32> to vector<256x128xbf16>
    %get3A_1993 = arith.constant 128 : index
    %get3A_1994 = arith.constant 0 : index
    %get3A_1995 = vector.load %arg4[%get3A_1993, %get3A_1994] : memref<768x128xbf16, #tpu.memory_space<vmem>>, vector<128x128xbf16>
    %dot_general3A_1996 = arith.constant dense<0.000000e+00> : vector<256x128xf32>
    %dot_general3A_1997 = tpu.matmul %convert_element_type3A_1992, %get3A_1995, %dot_general3A_1996 {dimension_numbers = #tpu.dot_dimension_numbers<[1], [0], [0], [1], [0, 0, 1, 1], [], []>, transpose_lhs_hint = false} : vector<256x128xbf16>, vector<128x128xbf16>, vector<256x128xf32> -> vector<256x128xf32>
    %get3A_1998 = arith.constant 0 : index
    %get3A_1999 = arith.constant 3072 : index
    %get3A_2000 = vector.load %arg9[%get3A_1998, %get3A_1999] : memref<256x4096xbf16, #tpu.memory_space<vmem>>, vector<256x128xbf16>
    %get3A_2001 = arith.constant 256 : index
    %get3A_2002 = arith.constant 0 : index
    %get3A_2003 = vector.load %arg4[%get3A_2001, %get3A_2002] : memref<768x128xbf16, #tpu.memory_space<vmem>>, vector<128x128xbf16>
    %dot_general3A_2004 = arith.constant dense<0.000000e+00> : vector<256x128xf32>
    %dot_general3A_2005 = tpu.matmul %get3A_2000, %get3A_2003, %dot_general3A_2004 {dimension_numbers = #tpu.dot_dimension_numbers<[1], [0], [0], [1], [0, 0, 1, 1], [], []>, transpose_lhs_hint = false} : vector<256x128xbf16>, vector<128x128xbf16>, vector<256x128xf32> -> vector<256x128xf32>
    %add3A_2006 = arith.addf %dot_general3A_1997, %dot_general3A_2005 : vector<256x128xf32>
    %add3A_2007 = arith.addf %add3A_2006, %tile3A_1050 : vector<256x128xf32>
    %slice3A_2008 = vector.extract_strided_slice %add3A_1216 {offsets = [24, 0], sizes = [1, 128], strides = [1, 1]} : vector<32x128xf32> to vector<1x128xf32>
    %add3A_2009 = vector.broadcast %slice3A_2008 : vector<1x128xf32> to vector<256x128xf32>
    %add3A_2010 = arith.addf %add3A_2007, %add3A_2009 : vector<256x128xf32>
    %max3A_2011 = arith.constant 0.000000e+00 : f32
    %max3A_2012 = vector.broadcast %max3A_2011 : f32 to vector<256x128xf32>
    %max3A_2013 = arith.maximumf %add3A_2010, %max3A_2012 : vector<256x128xf32>
    %convert_element_type3A_2014 = arith.truncf %max3A_2013 : vector<256x128xf32> to vector<256x128xbf16>
    %swap3A_2015 = arith.constant 0 : index
    %swap3A_2016 = arith.constant 3072 : index
    %swap3A_2017 = vector.load %arg10[%swap3A_2015, %swap3A_2016] : memref<256x4096xbf16, #tpu.memory_space<vmem>>, vector<256x128xbf16>
    tpu.vector_store %arg10[%swap3A_2015, %swap3A_2016], %convert_element_type3A_2014 {strides = array<i32>} : memref<256x4096xbf16, #tpu.memory_space<vmem>>, vector<256x128xbf16>,
    %add3A_2018 = arith.addf %add3A_1986, %max3A_2013 : vector<256x128xf32>
    %get3A_2019 = arith.constant 0 : index
    %get3A_2020 = arith.constant 0 : index
    %get3A_2021 = arith.constant 3200 : index
    %get3A_2022 = vector.load %arg1[%get3A_2019, %get3A_2020, %get3A_2021] : memref<1x256x4096xf32, #tpu.memory_space<vmem>>, vector<1x256x128xf32>
    %get3A_2023 = vector.shape_cast %get3A_2022 : vector<1x256x128xf32> to vector<256x128xf32>
    %convert_element_type3A_2024 = arith.truncf %get3A_2023 : vector<256x128xf32> to vector<256x128xbf16>
    %get3A_2025 = arith.constant 128 : index
    %get3A_2026 = arith.constant 0 : index
    %get3A_2027 = vector.load %arg4[%get3A_2025, %get3A_2026] : memref<768x128xbf16, #tpu.memory_space<vmem>>, vector<128x128xbf16>
    %dot_general3A_2028 = arith.constant dense<0.000000e+00> : vector<256x128xf32>
    %dot_general3A_2029 = tpu.matmul %convert_element_type3A_2024, %get3A_2027, %dot_general3A_2028 {dimension_numbers = #tpu.dot_dimension_numbers<[1], [0], [0], [1], [0, 0, 1, 1], [], []>, transpose_lhs_hint = false} : vector<256x128xbf16>, vector<128x128xbf16>, vector<256x128xf32> -> vector<256x128xf32>
    %get3A_2030 = arith.constant 0 : index
    %get3A_2031 = arith.constant 3200 : index
    %get3A_2032 = vector.load %arg9[%get3A_2030, %get3A_2031] : memref<256x4096xbf16, #tpu.memory_space<vmem>>, vector<256x128xbf16>
    %get3A_2033 = arith.constant 256 : index
    %get3A_2034 = arith.constant 0 : index
    %get3A_2035 = vector.load %arg4[%get3A_2033, %get3A_2034] : memref<768x128xbf16, #tpu.memory_space<vmem>>, vector<128x128xbf16>
    %dot_general3A_2036 = arith.constant dense<0.000000e+00> : vector<256x128xf32>
    %dot_general3A_2037 = tpu.matmul %get3A_2032, %get3A_2035, %dot_general3A_2036 {dimension_numbers = #tpu.dot_dimension_numbers<[1], [0], [0], [1], [0, 0, 1, 1], [], []>, transpose_lhs_hint = false} : vector<256x128xbf16>, vector<128x128xbf16>, vector<256x128xf32> -> vector<256x128xf32>
    %add3A_2038 = arith.addf %dot_general3A_2029, %dot_general3A_2037 : vector<256x128xf32>
    %add3A_2039 = arith.addf %add3A_2038, %tile3A_1050 : vector<256x128xf32>
    %slice3A_2040 = vector.extract_strided_slice %add3A_1216 {offsets = [25, 0], sizes = [1, 128], strides = [1, 1]} : vector<32x128xf32> to vector<1x128xf32>
    %add3A_2041 = vector.broadcast %slice3A_2040 : vector<1x128xf32> to vector<256x128xf32>
    %add3A_2042 = arith.addf %add3A_2039, %add3A_2041 : vector<256x128xf32>
    %max3A_2043 = arith.constant 0.000000e+00 : f32
    %max3A_2044 = vector.broadcast %max3A_2043 : f32 to vector<256x128xf32>
    %max3A_2045 = arith.maximumf %add3A_2042, %max3A_2044 : vector<256x128xf32>
    %convert_element_type3A_2046 = arith.truncf %max3A_2045 : vector<256x128xf32> to vector<256x128xbf16>
    %swap3A_2047 = arith.constant 0 : index
    %swap3A_2048 = arith.constant 3200 : index
    %swap3A_2049 = vector.load %arg10[%swap3A_2047, %swap3A_2048] : memref<256x4096xbf16, #tpu.memory_space<vmem>>, vector<256x128xbf16>
    tpu.vector_store %arg10[%swap3A_2047, %swap3A_2048], %convert_element_type3A_2046 {strides = array<i32>} : memref<256x4096xbf16, #tpu.memory_space<vmem>>, vector<256x128xbf16>,
    %add3A_2050 = arith.addf %add3A_2018, %max3A_2045 : vector<256x128xf32>
    %get3A_2051 = arith.constant 0 : index
    %get3A_2052 = arith.constant 0 : index
    %get3A_2053 = arith.constant 3328 : index
    %get3A_2054 = vector.load %arg1[%get3A_2051, %get3A_2052, %get3A_2053] : memref<1x256x4096xf32, #tpu.memory_space<vmem>>, vector<1x256x128xf32>
    %get3A_2055 = vector.shape_cast %get3A_2054 : vector<1x256x128xf32> to vector<256x128xf32>
    %convert_element_type3A_2056 = arith.truncf %get3A_2055 : vector<256x128xf32> to vector<256x128xbf16>
    %get3A_2057 = arith.constant 128 : index
    %get3A_2058 = arith.constant 0 : index
    %get3A_2059 = vector.load %arg4[%get3A_2057, %get3A_2058] : memref<768x128xbf16, #tpu.memory_space<vmem>>, vector<128x128xbf16>
    %dot_general3A_2060 = arith.constant dense<0.000000e+00> : vector<256x128xf32>
    %dot_general3A_2061 = tpu.matmul %convert_element_type3A_2056, %get3A_2059, %dot_general3A_2060 {dimension_numbers = #tpu.dot_dimension_numbers<[1], [0], [0], [1], [0, 0, 1, 1], [], []>, transpose_lhs_hint = false} : vector<256x128xbf16>, vector<128x128xbf16>, vector<256x128xf32> -> vector<256x128xf32>
    %get3A_2062 = arith.constant 0 : index
    %get3A_2063 = arith.constant 3328 : index
    %get3A_2064 = vector.load %arg9[%get3A_2062, %get3A_2063] : memref<256x4096xbf16, #tpu.memory_space<vmem>>, vector<256x128xbf16>
    %get3A_2065 = arith.constant 256 : index
    %get3A_2066 = arith.constant 0 : index
    %get3A_2067 = vector.load %arg4[%get3A_2065, %get3A_2066] : memref<768x128xbf16, #tpu.memory_space<vmem>>, vector<128x128xbf16>
    %dot_general3A_2068 = arith.constant dense<0.000000e+00> : vector<256x128xf32>
    %dot_general3A_2069 = tpu.matmul %get3A_2064, %get3A_2067, %dot_general3A_2068 {dimension_numbers = #tpu.dot_dimension_numbers<[1], [0], [0], [1], [0, 0, 1, 1], [], []>, transpose_lhs_hint = false} : vector<256x128xbf16>, vector<128x128xbf16>, vector<256x128xf32> -> vector<256x128xf32>
    %add3A_2070 = arith.addf %dot_general3A_2061, %dot_general3A_2069 : vector<256x128xf32>
    %add3A_2071 = arith.addf %add3A_2070, %tile3A_1050 : vector<256x128xf32>
    %slice3A_2072 = vector.extract_strided_slice %add3A_1216 {offsets = [26, 0], sizes = [1, 128], strides = [1, 1]} : vector<32x128xf32> to vector<1x128xf32>
    %add3A_2073 = vector.broadcast %slice3A_2072 : vector<1x128xf32> to vector<256x128xf32>
    %add3A_2074 = arith.addf %add3A_2071, %add3A_2073 : vector<256x128xf32>
    %max3A_2075 = arith.constant 0.000000e+00 : f32
    %max3A_2076 = vector.broadcast %max3A_2075 : f32 to vector<256x128xf32>
    %max3A_2077 = arith.maximumf %add3A_2074, %max3A_2076 : vector<256x128xf32>
    %convert_element_type3A_2078 = arith.truncf %max3A_2077 : vector<256x128xf32> to vector<256x128xbf16>
    %swap3A_2079 = arith.constant 0 : index
    %swap3A_2080 = arith.constant 3328 : index
    %swap3A_2081 = vector.load %arg10[%swap3A_2079, %swap3A_2080] : memref<256x4096xbf16, #tpu.memory_space<vmem>>, vector<256x128xbf16>
    tpu.vector_store %arg10[%swap3A_2079, %swap3A_2080], %convert_element_type3A_2078 {strides = array<i32>} : memref<256x4096xbf16, #tpu.memory_space<vmem>>, vector<256x128xbf16>,
    %add3A_2082 = arith.addf %add3A_2050, %max3A_2077 : vector<256x128xf32>
    %get3A_2083 = arith.constant 0 : index
    %get3A_2084 = arith.constant 0 : index
    %get3A_2085 = arith.constant 3456 : index
    %get3A_2086 = vector.load %arg1[%get3A_2083, %get3A_2084, %get3A_2085] : memref<1x256x4096xf32, #tpu.memory_space<vmem>>, vector<1x256x128xf32>
    %get3A_2087 = vector.shape_cast %get3A_2086 : vector<1x256x128xf32> to vector<256x128xf32>
    %convert_element_type3A_2088 = arith.truncf %get3A_2087 : vector<256x128xf32> to vector<256x128xbf16>
    %get3A_2089 = arith.constant 128 : index
    %get3A_2090 = arith.constant 0 : index
    %get3A_2091 = vector.load %arg4[%get3A_2089, %get3A_2090] : memref<768x128xbf16, #tpu.memory_space<vmem>>, vector<128x128xbf16>
    %dot_general3A_2092 = arith.constant dense<0.000000e+00> : vector<256x128xf32>
    %dot_general3A_2093 = tpu.matmul %convert_element_type3A_2088, %get3A_2091, %dot_general3A_2092 {dimension_numbers = #tpu.dot_dimension_numbers<[1], [0], [0], [1], [0, 0, 1, 1], [], []>, transpose_lhs_hint = false} : vector<256x128xbf16>, vector<128x128xbf16>, vector<256x128xf32> -> vector<256x128xf32>
    %get3A_2094 = arith.constant 0 : index
    %get3A_2095 = arith.constant 3456 : index
    %get3A_2096 = vector.load %arg9[%get3A_2094, %get3A_2095] : memref<256x4096xbf16, #tpu.memory_space<vmem>>, vector<256x128xbf16>
    %get3A_2097 = arith.constant 256 : index
    %get3A_2098 = arith.constant 0 : index
    %get3A_2099 = vector.load %arg4[%get3A_2097, %get3A_2098] : memref<768x128xbf16, #tpu.memory_space<vmem>>, vector<128x128xbf16>
    %dot_general3A_2100 = arith.constant dense<0.000000e+00> : vector<256x128xf32>
    %dot_general3A_2101 = tpu.matmul %get3A_2096, %get3A_2099, %dot_general3A_2100 {dimension_numbers = #tpu.dot_dimension_numbers<[1], [0], [0], [1], [0, 0, 1, 1], [], []>, transpose_lhs_hint = false} : vector<256x128xbf16>, vector<128x128xbf16>, vector<256x128xf32> -> vector<256x128xf32>
    %add3A_2102 = arith.addf %dot_general3A_2093, %dot_general3A_2101 : vector<256x128xf32>
    %add3A_2103 = arith.addf %add3A_2102, %tile3A_1050 : vector<256x128xf32>
    %slice3A_2104 = vector.extract_strided_slice %add3A_1216 {offsets = [27, 0], sizes = [1, 128], strides = [1, 1]} : vector<32x128xf32> to vector<1x128xf32>
    %add3A_2105 = vector.broadcast %slice3A_2104 : vector<1x128xf32> to vector<256x128xf32>
    %add3A_2106 = arith.addf %add3A_2103, %add3A_2105 : vector<256x128xf32>
    %max3A_2107 = arith.constant 0.000000e+00 : f32
    %max3A_2108 = vector.broadcast %max3A_2107 : f32 to vector<256x128xf32>
    %max3A_2109 = arith.maximumf %add3A_2106, %max3A_2108 : vector<256x128xf32>
    %convert_element_type3A_2110 = arith.truncf %max3A_2109 : vector<256x128xf32> to vector<256x128xbf16>
    %swap3A_2111 = arith.constant 0 : index
    %swap3A_2112 = arith.constant 3456 : index
    %swap3A_2113 = vector.load %arg10[%swap3A_2111, %swap3A_2112] : memref<256x4096xbf16, #tpu.memory_space<vmem>>, vector<256x128xbf16>
    tpu.vector_store %arg10[%swap3A_2111, %swap3A_2112], %convert_element_type3A_2110 {strides = array<i32>} : memref<256x4096xbf16, #tpu.memory_space<vmem>>, vector<256x128xbf16>,
    %add3A_2114 = arith.addf %add3A_2082, %max3A_2109 : vector<256x128xf32>
    %get3A_2115 = arith.constant 0 : index
    %get3A_2116 = arith.constant 0 : index
    %get3A_2117 = arith.constant 3584 : index
    %get3A_2118 = vector.load %arg1[%get3A_2115, %get3A_2116, %get3A_2117] : memref<1x256x4096xf32, #tpu.memory_space<vmem>>, vector<1x256x128xf32>
    %get3A_2119 = vector.shape_cast %get3A_2118 : vector<1x256x128xf32> to vector<256x128xf32>
    %convert_element_type3A_2120 = arith.truncf %get3A_2119 : vector<256x128xf32> to vector<256x128xbf16>
    %get3A_2121 = arith.constant 128 : index
    %get3A_2122 = arith.constant 0 : index
    %get3A_2123 = vector.load %arg4[%get3A_2121, %get3A_2122] : memref<768x128xbf16, #tpu.memory_space<vmem>>, vector<128x128xbf16>
    %dot_general3A_2124 = arith.constant dense<0.000000e+00> : vector<256x128xf32>
    %dot_general3A_2125 = tpu.matmul %convert_element_type3A_2120, %get3A_2123, %dot_general3A_2124 {dimension_numbers = #tpu.dot_dimension_numbers<[1], [0], [0], [1], [0, 0, 1, 1], [], []>, transpose_lhs_hint = false} : vector<256x128xbf16>, vector<128x128xbf16>, vector<256x128xf32> -> vector<256x128xf32>
    %get3A_2126 = arith.constant 0 : index
    %get3A_2127 = arith.constant 3584 : index
    %get3A_2128 = vector.load %arg9[%get3A_2126, %get3A_2127] : memref<256x4096xbf16, #tpu.memory_space<vmem>>, vector<256x128xbf16>
    %get3A_2129 = arith.constant 256 : index
    %get3A_2130 = arith.constant 0 : index
    %get3A_2131 = vector.load %arg4[%get3A_2129, %get3A_2130] : memref<768x128xbf16, #tpu.memory_space<vmem>>, vector<128x128xbf16>
    %dot_general3A_2132 = arith.constant dense<0.000000e+00> : vector<256x128xf32>
    %dot_general3A_2133 = tpu.matmul %get3A_2128, %get3A_2131, %dot_general3A_2132 {dimension_numbers = #tpu.dot_dimension_numbers<[1], [0], [0], [1], [0, 0, 1, 1], [], []>, transpose_lhs_hint = false} : vector<256x128xbf16>, vector<128x128xbf16>, vector<256x128xf32> -> vector<256x128xf32>
    %add3A_2134 = arith.addf %dot_general3A_2125, %dot_general3A_2133 : vector<256x128xf32>
    %add3A_2135 = arith.addf %add3A_2134, %tile3A_1050 : vector<256x128xf32>
    %slice3A_2136 = vector.extract_strided_slice %add3A_1216 {offsets = [28, 0], sizes = [1, 128], strides = [1, 1]} : vector<32x128xf32> to vector<1x128xf32>
    %add3A_2137 = vector.broadcast %slice3A_2136 : vector<1x128xf32> to vector<256x128xf32>
    %add3A_2138 = arith.addf %add3A_2135, %add3A_2137 : vector<256x128xf32>
    %max3A_2139 = arith.constant 0.000000e+00 : f32
    %max3A_2140 = vector.broadcast %max3A_2139 : f32 to vector<256x128xf32>
    %max3A_2141 = arith.maximumf %add3A_2138, %max3A_2140 : vector<256x128xf32>
    %convert_element_type3A_2142 = arith.truncf %max3A_2141 : vector<256x128xf32> to vector<256x128xbf16>
    %swap3A_2143 = arith.constant 0 : index
    %swap3A_2144 = arith.constant 3584 : index
    %swap3A_2145 = vector.load %arg10[%swap3A_2143, %swap3A_2144] : memref<256x4096xbf16, #tpu.memory_space<vmem>>, vector<256x128xbf16>
    tpu.vector_store %arg10[%swap3A_2143, %swap3A_2144], %convert_element_type3A_2142 {strides = array<i32>} : memref<256x4096xbf16, #tpu.memory_space<vmem>>, vector<256x128xbf16>,
    %add3A_2146 = arith.addf %add3A_2114, %max3A_2141 : vector<256x128xf32>
    %get3A_2147 = arith.constant 0 : index
    %get3A_2148 = arith.constant 0 : index
    %get3A_2149 = arith.constant 3712 : index
    %get3A_2150 = vector.load %arg1[%get3A_2147, %get3A_2148, %get3A_2149] : memref<1x256x4096xf32, #tpu.memory_space<vmem>>, vector<1x256x128xf32>
    %get3A_2151 = vector.shape_cast %get3A_2150 : vector<1x256x128xf32> to vector<256x128xf32>
    %convert_element_type3A_2152 = arith.truncf %get3A_2151 : vector<256x128xf32> to vector<256x128xbf16>
    %get3A_2153 = arith.constant 128 : index
    %get3A_2154 = arith.constant 0 : index
    %get3A_2155 = vector.load %arg4[%get3A_2153, %get3A_2154] : memref<768x128xbf16, #tpu.memory_space<vmem>>, vector<128x128xbf16>
    %dot_general3A_2156 = arith.constant dense<0.000000e+00> : vector<256x128xf32>
    %dot_general3A_2157 = tpu.matmul %convert_element_type3A_2152, %get3A_2155, %dot_general3A_2156 {dimension_numbers = #tpu.dot_dimension_numbers<[1], [0], [0], [1], [0, 0, 1, 1], [], []>, transpose_lhs_hint = false} : vector<256x128xbf16>, vector<128x128xbf16>, vector<256x128xf32> -> vector<256x128xf32>
    %get3A_2158 = arith.constant 0 : index
    %get3A_2159 = arith.constant 3712 : index
    %get3A_2160 = vector.load %arg9[%get3A_2158, %get3A_2159] : memref<256x4096xbf16, #tpu.memory_space<vmem>>, vector<256x128xbf16>
    %get3A_2161 = arith.constant 256 : index
    %get3A_2162 = arith.constant 0 : index
    %get3A_2163 = vector.load %arg4[%get3A_2161, %get3A_2162] : memref<768x128xbf16, #tpu.memory_space<vmem>>, vector<128x128xbf16>
    %dot_general3A_2164 = arith.constant dense<0.000000e+00> : vector<256x128xf32>
    %dot_general3A_2165 = tpu.matmul %get3A_2160, %get3A_2163, %dot_general3A_2164 {dimension_numbers = #tpu.dot_dimension_numbers<[1], [0], [0], [1], [0, 0, 1, 1], [], []>, transpose_lhs_hint = false} : vector<256x128xbf16>, vector<128x128xbf16>, vector<256x128xf32> -> vector<256x128xf32>
    %add3A_2166 = arith.addf %dot_general3A_2157, %dot_general3A_2165 : vector<256x128xf32>
    %add3A_2167 = arith.addf %add3A_2166, %tile3A_1050 : vector<256x128xf32>
    %slice3A_2168 = vector.extract_strided_slice %add3A_1216 {offsets = [29, 0], sizes = [1, 128], strides = [1, 1]} : vector<32x128xf32> to vector<1x128xf32>
    %add3A_2169 = vector.broadcast %slice3A_2168 : vector<1x128xf32> to vector<256x128xf32>
    %add3A_2170 = arith.addf %add3A_2167, %add3A_2169 : vector<256x128xf32>
    %max3A_2171 = arith.constant 0.000000e+00 : f32
    %max3A_2172 = vector.broadcast %max3A_2171 : f32 to vector<256x128xf32>
    %max3A_2173 = arith.maximumf %add3A_2170, %max3A_2172 : vector<256x128xf32>
    %convert_element_type3A_2174 = arith.truncf %max3A_2173 : vector<256x128xf32> to vector<256x128xbf16>
    %swap3A_2175 = arith.constant 0 : index
    %swap3A_2176 = arith.constant 3712 : index
    %swap3A_2177 = vector.load %arg10[%swap3A_2175, %swap3A_2176] : memref<256x4096xbf16, #tpu.memory_space<vmem>>, vector<256x128xbf16>
    tpu.vector_store %arg10[%swap3A_2175, %swap3A_2176], %convert_element_type3A_2174 {strides = array<i32>} : memref<256x4096xbf16, #tpu.memory_space<vmem>>, vector<256x128xbf16>,
    %add3A_2178 = arith.addf %add3A_2146, %max3A_2173 : vector<256x128xf32>
    %get3A_2179 = arith.constant 0 : index
    %get3A_2180 = arith.constant 0 : index
    %get3A_2181 = arith.constant 3840 : index
    %get3A_2182 = vector.load %arg1[%get3A_2179, %get3A_2180, %get3A_2181] : memref<1x256x4096xf32, #tpu.memory_space<vmem>>, vector<1x256x128xf32>
    %get3A_2183 = vector.shape_cast %get3A_2182 : vector<1x256x128xf32> to vector<256x128xf32>
    %convert_element_type3A_2184 = arith.truncf %get3A_2183 : vector<256x128xf32> to vector<256x128xbf16>
    %get3A_2185 = arith.constant 128 : index
    %get3A_2186 = arith.constant 0 : index
    %get3A_2187 = vector.load %arg4[%get3A_2185, %get3A_2186] : memref<768x128xbf16, #tpu.memory_space<vmem>>, vector<128x128xbf16>
    %dot_general3A_2188 = arith.constant dense<0.000000e+00> : vector<256x128xf32>
    %dot_general3A_2189 = tpu.matmul %convert_element_type3A_2184, %get3A_2187, %dot_general3A_2188 {dimension_numbers = #tpu.dot_dimension_numbers<[1], [0], [0], [1], [0, 0, 1, 1], [], []>, transpose_lhs_hint = false} : vector<256x128xbf16>, vector<128x128xbf16>, vector<256x128xf32> -> vector<256x128xf32>
    %get3A_2190 = arith.constant 0 : index
    %get3A_2191 = arith.constant 3840 : index
    %get3A_2192 = vector.load %arg9[%get3A_2190, %get3A_2191] : memref<256x4096xbf16, #tpu.memory_space<vmem>>, vector<256x128xbf16>
    %get3A_2193 = arith.constant 256 : index
    %get3A_2194 = arith.constant 0 : index
    %get3A_2195 = vector.load %arg4[%get3A_2193, %get3A_2194] : memref<768x128xbf16, #tpu.memory_space<vmem>>, vector<128x128xbf16>
    %dot_general3A_2196 = arith.constant dense<0.000000e+00> : vector<256x128xf32>
    %dot_general3A_2197 = tpu.matmul %get3A_2192, %get3A_2195, %dot_general3A_2196 {dimension_numbers = #tpu.dot_dimension_numbers<[1], [0], [0], [1], [0, 0, 1, 1], [], []>, transpose_lhs_hint = false} : vector<256x128xbf16>, vector<128x128xbf16>, vector<256x128xf32> -> vector<256x128xf32>
    %add3A_2198 = arith.addf %dot_general3A_2189, %dot_general3A_2197 : vector<256x128xf32>
    %add3A_2199 = arith.addf %add3A_2198, %tile3A_1050 : vector<256x128xf32>
    %slice3A_2200 = vector.extract_strided_slice %add3A_1216 {offsets = [30, 0], sizes = [1, 128], strides = [1, 1]} : vector<32x128xf32> to vector<1x128xf32>
    %add3A_2201 = vector.broadcast %slice3A_2200 : vector<1x128xf32> to vector<256x128xf32>
    %add3A_2202 = arith.addf %add3A_2199, %add3A_2201 : vector<256x128xf32>
    %max3A_2203 = arith.constant 0.000000e+00 : f32
    %max3A_2204 = vector.broadcast %max3A_2203 : f32 to vector<256x128xf32>
    %max3A_2205 = arith.maximumf %add3A_2202, %max3A_2204 : vector<256x128xf32>
    %convert_element_type3A_2206 = arith.truncf %max3A_2205 : vector<256x128xf32> to vector<256x128xbf16>
    %swap3A_2207 = arith.constant 0 : index
    %swap3A_2208 = arith.constant 3840 : index
    %swap3A_2209 = vector.load %arg10[%swap3A_2207, %swap3A_2208] : memref<256x4096xbf16, #tpu.memory_space<vmem>>, vector<256x128xbf16>
    tpu.vector_store %arg10[%swap3A_2207, %swap3A_2208], %convert_element_type3A_2206 {strides = array<i32>} : memref<256x4096xbf16, #tpu.memory_space<vmem>>, vector<256x128xbf16>,
    %add3A_2210 = arith.addf %add3A_2178, %max3A_2205 : vector<256x128xf32>
    %get3A_2211 = arith.constant 0 : index
    %get3A_2212 = arith.constant 0 : index
    %get3A_2213 = arith.constant 3968 : index
    %get3A_2214 = vector.load %arg1[%get3A_2211, %get3A_2212, %get3A_2213] : memref<1x256x4096xf32, #tpu.memory_space<vmem>>, vector<1x256x128xf32>
    %get3A_2215 = vector.shape_cast %get3A_2214 : vector<1x256x128xf32> to vector<256x128xf32>
    %convert_element_type3A_2216 = arith.truncf %get3A_2215 : vector<256x128xf32> to vector<256x128xbf16>
    %get3A_2217 = arith.constant 128 : index
    %get3A_2218 = arith.constant 0 : index
    %get3A_2219 = vector.load %arg4[%get3A_2217, %get3A_2218] : memref<768x128xbf16, #tpu.memory_space<vmem>>, vector<128x128xbf16>
    %dot_general3A_2220 = arith.constant dense<0.000000e+00> : vector<256x128xf32>
    %dot_general3A_2221 = tpu.matmul %convert_element_type3A_2216, %get3A_2219, %dot_general3A_2220 {dimension_numbers = #tpu.dot_dimension_numbers<[1], [0], [0], [1], [0, 0, 1, 1], [], []>, transpose_lhs_hint = false} : vector<256x128xbf16>, vector<128x128xbf16>, vector<256x128xf32> -> vector<256x128xf32>
    %get3A_2222 = arith.constant 0 : index
    %get3A_2223 = arith.constant 3968 : index
    %get3A_2224 = vector.load %arg9[%get3A_2222, %get3A_2223] : memref<256x4096xbf16, #tpu.memory_space<vmem>>, vector<256x128xbf16>
    %get3A_2225 = arith.constant 256 : index
    %get3A_2226 = arith.constant 0 : index
    %get3A_2227 = vector.load %arg4[%get3A_2225, %get3A_2226] : memref<768x128xbf16, #tpu.memory_space<vmem>>, vector<128x128xbf16>
    %dot_general3A_2228 = arith.constant dense<0.000000e+00> : vector<256x128xf32>
    %dot_general3A_2229 = tpu.matmul %get3A_2224, %get3A_2227, %dot_general3A_2228 {dimension_numbers = #tpu.dot_dimension_numbers<[1], [0], [0], [1], [0, 0, 1, 1], [], []>, transpose_lhs_hint = false} : vector<256x128xbf16>, vector<128x128xbf16>, vector<256x128xf32> -> vector<256x128xf32>
    %add3A_2230 = arith.addf %dot_general3A_2221, %dot_general3A_2229 : vector<256x128xf32>
    %add3A_2231 = arith.addf %add3A_2230, %tile3A_1050 : vector<256x128xf32>
    %slice3A_2232 = vector.extract_strided_slice %add3A_1216 {offsets = [31, 0], sizes = [1, 128], strides = [1, 1]} : vector<32x128xf32> to vector<1x128xf32>
    %add3A_2233 = vector.broadcast %slice3A_2232 : vector<1x128xf32> to vector<256x128xf32>
    %add3A_2234 = arith.addf %add3A_2231, %add3A_2233 : vector<256x128xf32>
    %max3A_2235 = arith.constant 0.000000e+00 : f32
    %max3A_2236 = vector.broadcast %max3A_2235 : f32 to vector<256x128xf32>
    %max3A_2237 = arith.maximumf %add3A_2234, %max3A_2236 : vector<256x128xf32>
    %convert_element_type3A_2238 = arith.truncf %max3A_2237 : vector<256x128xf32> to vector<256x128xbf16>
    %swap3A_2239 = arith.constant 0 : index
    %swap3A_2240 = arith.constant 3968 : index
    %swap3A_2241 = vector.load %arg10[%swap3A_2239, %swap3A_2240] : memref<256x4096xbf16, #tpu.memory_space<vmem>>, vector<256x128xbf16>
    tpu.vector_store %arg10[%swap3A_2239, %swap3A_2240], %convert_element_type3A_2238 {strides = array<i32>} : memref<256x4096xbf16, #tpu.memory_space<vmem>>, vector<256x128xbf16>,
    %add3A_2242 = arith.addf %add3A_2210, %max3A_2237 : vector<256x128xf32>
    %dot_general3A_2243 = arith.constant dense<0.000000e+00> : vector<256x16xf32>
    %dot_general3A_2244 = tpu.matmul %add3A_2242, %convert_element_type3A_16, %dot_general3A_2243 {dimension_numbers = #tpu.dot_dimension_numbers<[1], [0], [0], [1], [0, 0, 1, 1], [], []>, transpose_lhs_hint = false} : vector<256x128xf32>, vector<128x16xf32>, vector<256x16xf32> -> vector<256x16xf32>
    %reduce_sum3A_2245 = arith.constant dense<0.000000e+00> : vector<16xf32>
    %reduce_sum3A_2246 = vector.multi_reduction <add>, %dot_general3A_2244, %reduce_sum3A_2245 [0] : vector<256x16xf32> to vector<16xf32>
    %broadcast_in_dim3A_2247 = vector.shape_cast %reduce_sum3A_2246 : vector<16xf32> to vector<1x16xf32>
    %mul3A_2248 = arith.constant 3.906250e-03 : f32
    %mul3A_2249 = vector.broadcast %mul3A_2248 : f32 to vector<256x16xf32>
    %mul3A_2250 = arith.mulf %dot_general3A_2244, %mul3A_2249 : vector<256x16xf32>
    %get3A_2251 = arith.constant 1504 : index
    %get3A_2252 = arith.constant 0 : index
    %get3A_2253 = vector.load %arg5[%get3A_2251, %get3A_2252] : memref<3432x128xf32, #tpu.memory_space<vmem>>, vector<16x128xf32>
    %dot_general3A_2254 = arith.constant dense<0.000000e+00> : vector<256x128xf32>
    %dot_general3A_2255 = tpu.matmul %mul3A_2250, %get3A_2253, %dot_general3A_2254 {dimension_numbers = #tpu.dot_dimension_numbers<[1], [0], [0], [1], [0, 0, 1, 1], [], []>, transpose_lhs_hint = false} : vector<256x16xf32>, vector<16x128xf32>, vector<256x128xf32> -> vector<256x128xf32>
    %get3A_2256 = arith.constant 1584 : index
    %get3A_2257 = arith.constant 0 : index
    %get3A_2258 = vector.load %arg5[%get3A_2256, %get3A_2257] : memref<3432x128xf32, #tpu.memory_space<vmem>>, vector<1x128xf32>
    %add3A_2259 = vector.broadcast %get3A_2258 : vector<1x128xf32> to vector<256x128xf32>
    %add3A_2260 = arith.addf %dot_general3A_2255, %add3A_2259 : vector<256x128xf32>
    %get3A_2261 = arith.constant 1248 : index
    %get3A_2262 = arith.constant 0 : index
    %get3A_2263 = vector.load %arg5[%get3A_2261, %get3A_2262] : memref<3432x128xf32, #tpu.memory_space<vmem>>, vector<128x128xf32>
    %dot_general3A_2264 = arith.constant dense<0.000000e+00> : vector<256x128xf32>
    %dot_general3A_2265 = tpu.matmul %get3A_20, %get3A_2263, %dot_general3A_2264 {dimension_numbers = #tpu.dot_dimension_numbers<[1], [0], [0], [1], [0, 0, 1, 1], [], []>, transpose_lhs_hint = false} : vector<256x128xf32>, vector<128x128xf32>, vector<256x128xf32> -> vector<256x128xf32>
    %add3A_2266 = arith.addf %add3A_2260, %dot_general3A_2265 : vector<256x128xf32>
    %get3A_2267 = arith.constant 1520 : index
    %get3A_2268 = arith.constant 0 : index
    %get3A_2269 = vector.load %arg5[%get3A_2267, %get3A_2268] : memref<3432x128xf32, #tpu.memory_space<vmem>>, vector<32x128xf32>
    %dot_general3A_2270 = arith.constant dense<0.000000e+00> : vector<1x128xf32>
    %dot_general3A_2271 = tpu.matmul %get3A_25, %get3A_2269, %dot_general3A_2270 {dimension_numbers = #tpu.dot_dimension_numbers<[1], [0], [0], [1], [0, 0, 1, 1], [], []>, transpose_lhs_hint = false} : vector<1x32xf32>, vector<32x128xf32>, vector<1x128xf32> -> vector<1x128xf32>
    %add3A_2272 = vector.broadcast %dot_general3A_2271 : vector<1x128xf32> to vector<256x128xf32>
    %add3A_2273 = arith.addf %add3A_2266, %add3A_2272 : vector<256x128xf32>
    %get3A_2274 = arith.constant 1376 : index
    %get3A_2275 = arith.constant 0 : index
    %get3A_2276 = vector.load %arg5[%get3A_2274, %get3A_2275] : memref<3432x128xf32, #tpu.memory_space<vmem>>, vector<128x128xf32>
    %dot_general3A_2277 = arith.constant dense<0.000000e+00> : vector<256x128xf32>
    %dot_general3A_2278 = tpu.matmul %max3A_977, %get3A_2276, %dot_general3A_2277 {dimension_numbers = #tpu.dot_dimension_numbers<[1], [0], [0], [1], [0, 0, 1, 1], [], []>, transpose_lhs_hint = false} : vector<256x128xf32>, vector<128x128xf32>, vector<256x128xf32> -> vector<256x128xf32>
    %add3A_2279 = arith.addf %add3A_2273, %dot_general3A_2278 : vector<256x128xf32>
    %get3A_2280 = arith.constant 1552 : index
    %get3A_2281 = arith.constant 0 : index
    %get3A_2282 = vector.load %arg5[%get3A_2280, %get3A_2281] : memref<3432x128xf32, #tpu.memory_space<vmem>>, vector<32x128xf32>
    %dot_general3A_2283 = arith.constant dense<0.000000e+00> : vector<1x128xf32>
    %dot_general3A_2284 = tpu.matmul %max3A_1010, %get3A_2282, %dot_general3A_2283 {dimension_numbers = #tpu.dot_dimension_numbers<[1], [0], [0], [1], [0, 0, 1, 1], [], []>, transpose_lhs_hint = false} : vector<1x32xf32>, vector<32x128xf32>, vector<1x128xf32> -> vector<1x128xf32>
    %add3A_2285 = vector.broadcast %dot_general3A_2284 : vector<1x128xf32> to vector<256x128xf32>
    %add3A_2286 = arith.addf %add3A_2279, %add3A_2285 : vector<256x128xf32>
    %max3A_2287 = arith.constant 0.000000e+00 : f32
    %max3A_2288 = vector.broadcast %max3A_2287 : f32 to vector<256x128xf32>
    %max3A_2289 = arith.maximumf %add3A_2286, %max3A_2288 : vector<256x128xf32>
    %reduce_sum3A_2290 = arith.constant dense<0.000000e+00> : vector<128xf32>
    %reduce_sum3A_2291 = vector.multi_reduction <add>, %max3A_2289, %reduce_sum3A_2290 [0] : vector<256x128xf32> to vector<128xf32>
    %broadcast_in_dim3A_2292 = vector.shape_cast %reduce_sum3A_2291 : vector<128xf32> to vector<1x128xf32>
    %mul3A_2293 = arith.constant 3.906250e-03 : f32
    %mul3A_2294 = vector.broadcast %mul3A_2293 : f32 to vector<1x128xf32>
    %mul3A_2295 = arith.mulf %broadcast_in_dim3A_2292, %mul3A_2294 : vector<1x128xf32>
    %get3A_2296 = arith.constant 1656 : index
    %get3A_2297 = arith.constant 0 : index
    %get3A_2298 = vector.load %arg5[%get3A_2296, %get3A_2297] : memref<3432x128xf32, #tpu.memory_space<vmem>>, vector<128x32xf32>
    %dot_general3A_2299 = arith.constant dense<0.000000e+00> : vector<1x32xf32>
    %dot_general3A_2300 = tpu.matmul %mul3A_2295, %get3A_2298, %dot_general3A_2299 {dimension_numbers = #tpu.dot_dimension_numbers<[1], [0], [0], [1], [0, 0, 1, 1], [], []>, transpose_lhs_hint = false} : vector<1x128xf32>, vector<128x32xf32>, vector<1x32xf32> -> vector<1x32xf32>
    %mul3A_2301 = arith.constant 1.52587891E-5 : f32
    %mul3A_2302 = vector.broadcast %mul3A_2301 : f32 to vector<1x16xf32>
    %mul3A_2303 = arith.mulf %broadcast_in_dim3A_2247, %mul3A_2302 : vector<1x16xf32>
    %get3A_2304 = arith.constant 1784 : index
    %get3A_2305 = arith.constant 0 : index
    %get3A_2306 = vector.load %arg5[%get3A_2304, %get3A_2305] : memref<3432x128xf32, #tpu.memory_space<vmem>>, vector<16x32xf32>
    %dot_general3A_2307 = arith.constant dense<0.000000e+00> : vector<1x32xf32>
    %dot_general3A_2308 = tpu.matmul %mul3A_2303, %get3A_2306, %dot_general3A_2307 {dimension_numbers = #tpu.dot_dimension_numbers<[1], [0], [0], [1], [0, 0, 1, 1], [], []>, transpose_lhs_hint = false} : vector<1x16xf32>, vector<16x32xf32>, vector<1x32xf32> -> vector<1x32xf32>
    %add3A_2309 = arith.addf %dot_general3A_2300, %dot_general3A_2308 : vector<1x32xf32>
    %get3A_2310 = arith.constant 1800 : index
    %get3A_2311 = arith.constant 0 : index
    %get3A_2312 = vector.load %arg5[%get3A_2310, %get3A_2311] : memref<3432x128xf32, #tpu.memory_space<vmem>>, vector<1x32xf32>
    %add3A_2313 = arith.addf %add3A_2309, %get3A_2312 : vector<1x32xf32>
    %get3A_2314 = arith.constant 1592 : index
    %get3A_2315 = arith.constant 0 : index
    %get3A_2316 = vector.load %arg5[%get3A_2314, %get3A_2315] : memref<3432x128xf32, #tpu.memory_space<vmem>>, vector<32x32xf32>
    %dot_general3A_2317 = arith.constant dense<0.000000e+00> : vector<1x32xf32>
    %dot_general3A_2318 = tpu.matmul %get3A_25, %get3A_2316, %dot_general3A_2317 {dimension_numbers = #tpu.dot_dimension_numbers<[1], [0], [0], [1], [0, 0, 1, 1], [], []>, transpose_lhs_hint = false} : vector<1x32xf32>, vector<32x32xf32>, vector<1x32xf32> -> vector<1x32xf32>
    %add3A_2319 = arith.addf %add3A_2313, %dot_general3A_2318 : vector<1x32xf32>
    %get3A_2320 = arith.constant 1624 : index
    %get3A_2321 = arith.constant 0 : index
    %get3A_2322 = vector.load %arg5[%get3A_2320, %get3A_2321] : memref<3432x128xf32, #tpu.memory_space<vmem>>, vector<32x32xf32>
    %dot_general3A_2323 = arith.constant dense<0.000000e+00> : vector<1x32xf32>
    %dot_general3A_2324 = tpu.matmul %max3A_1010, %get3A_2322, %dot_general3A_2323 {dimension_numbers = #tpu.dot_dimension_numbers<[1], [0], [0], [1], [0, 0, 1, 1], [], []>, transpose_lhs_hint = false} : vector<1x32xf32>, vector<32x32xf32>, vector<1x32xf32> -> vector<1x32xf32>
    %add3A_2325 = arith.addf %add3A_2319, %dot_general3A_2324 : vector<1x32xf32>
    %max3A_2326 = arith.constant 0.000000e+00 : f32
    %max3A_2327 = vector.broadcast %max3A_2326 : f32 to vector<1x32xf32>
    %max3A_2328 = arith.maximumf %add3A_2325, %max3A_2327 : vector<1x32xf32>
    %get3A_2329 = arith.constant 1808 : index
    %get3A_2330 = arith.constant 0 : index
    %get3A_2331 = vector.load %arg5[%get3A_2329, %get3A_2330] : memref<3432x128xf32, #tpu.memory_space<vmem>>, vector<128x16xf32>
    %dot_general3A_2332 = arith.constant dense<0.000000e+00> : vector<256x16xf32>
    %dot_general3A_2333 = tpu.matmul %get3A_20, %get3A_2331, %dot_general3A_2332 {dimension_numbers = #tpu.dot_dimension_numbers<[1], [0], [0], [1], [0, 0, 1, 1], [], []>, transpose_lhs_hint = false} : vector<256x128xf32>, vector<128x16xf32>, vector<256x16xf32> -> vector<256x16xf32>
    %get3A_2334 = arith.constant 2192 : index
    %get3A_2335 = arith.constant 0 : index
    %get3A_2336 = vector.load %arg5[%get3A_2334, %get3A_2335] : memref<3432x128xf32, #tpu.memory_space<vmem>>, vector<128x16xf32>
    %dot_general3A_2337 = arith.constant dense<0.000000e+00> : vector<256x16xf32>
    %dot_general3A_2338 = tpu.matmul %get3A_20, %get3A_2336, %dot_general3A_2337 {dimension_numbers = #tpu.dot_dimension_numbers<[1], [0], [0], [1], [0, 0, 1, 1], [], []>, transpose_lhs_hint = false} : vector<256x128xf32>, vector<128x16xf32>, vector<256x16xf32> -> vector<256x16xf32>
    %get3A_2339 = arith.constant 2576 : index
    %get3A_2340 = arith.constant 0 : index
    %get3A_2341 = vector.load %arg5[%get3A_2339, %get3A_2340] : memref<3432x128xf32, #tpu.memory_space<vmem>>, vector<32x16xf32>
    %dot_general3A_2342 = arith.constant dense<0.000000e+00> : vector<1x16xf32>
    %dot_general3A_2343 = tpu.matmul %get3A_25, %get3A_2341, %dot_general3A_2342 {dimension_numbers = #tpu.dot_dimension_numbers<[1], [0], [0], [1], [0, 0, 1, 1], [], []>, transpose_lhs_hint = false} : vector<1x32xf32>, vector<32x16xf32>, vector<1x16xf32> -> vector<1x16xf32>
    %get3A_2344 = arith.constant 1936 : index
    %get3A_2345 = arith.constant 0 : index
    %get3A_2346 = vector.load %arg5[%get3A_2344, %get3A_2345] : memref<3432x128xf32, #tpu.memory_space<vmem>>, vector<128x16xf32>
    %dot_general3A_2347 = arith.constant dense<0.000000e+00> : vector<256x16xf32>
    %dot_general3A_2348 = tpu.matmul %max3A_977, %get3A_2346, %dot_general3A_2347 {dimension_numbers = #tpu.dot_dimension_numbers<[1], [0], [0], [1], [0, 0, 1, 1], [], []>, transpose_lhs_hint = false} : vector<256x128xf32>, vector<128x16xf32>, vector<256x16xf32> -> vector<256x16xf32>
    %add3A_2349 = arith.addf %dot_general3A_2333, %dot_general3A_2348 : vector<256x16xf32>
    %get3A_2350 = arith.constant 2320 : index
    %get3A_2351 = arith.constant 0 : index
    %get3A_2352 = vector.load %arg5[%get3A_2350, %get3A_2351] : memref<3432x128xf32, #tpu.memory_space<vmem>>, vector<128x16xf32>
    %dot_general3A_2353 = arith.constant dense<0.000000e+00> : vector<256x16xf32>
    %dot_general3A_2354 = tpu.matmul %max3A_977, %get3A_2352, %dot_general3A_2353 {dimension_numbers = #tpu.dot_dimension_numbers<[1], [0], [0], [1], [0, 0, 1, 1], [], []>, transpose_lhs_hint = false} : vector<256x128xf32>, vector<128x16xf32>, vector<256x16xf32> -> vector<256x16xf32>
    %add3A_2355 = arith.addf %dot_general3A_2338, %dot_general3A_2354 : vector<256x16xf32>
    %get3A_2356 = arith.constant 2608 : index
    %get3A_2357 = arith.constant 0 : index
    %get3A_2358 = vector.load %arg5[%get3A_2356, %get3A_2357] : memref<3432x128xf32, #tpu.memory_space<vmem>>, vector<32x16xf32>
    %dot_general3A_2359 = arith.constant dense<0.000000e+00> : vector<1x16xf32>
    %dot_general3A_2360 = tpu.matmul %max3A_1010, %get3A_2358, %dot_general3A_2359 {dimension_numbers = #tpu.dot_dimension_numbers<[1], [0], [0], [1], [0, 0, 1, 1], [], []>, transpose_lhs_hint = false} : vector<1x32xf32>, vector<32x16xf32>, vector<1x16xf32> -> vector<1x16xf32>
    %add3A_2361 = arith.addf %dot_general3A_2343, %dot_general3A_2360 : vector<1x16xf32>
    %get3A_2362 = arith.constant 2064 : index
    %get3A_2363 = arith.constant 0 : index
    %get3A_2364 = vector.load %arg5[%get3A_2362, %get3A_2363] : memref<3432x128xf32, #tpu.memory_space<vmem>>, vector<128x16xf32>
    %dot_general3A_2365 = arith.constant dense<0.000000e+00> : vector<256x16xf32>
    %dot_general3A_2366 = tpu.matmul %max3A_2289, %get3A_2364, %dot_general3A_2365 {dimension_numbers = #tpu.dot_dimension_numbers<[1], [0], [0], [1], [0, 0, 1, 1], [], []>, transpose_lhs_hint = false} : vector<256x128xf32>, vector<128x16xf32>, vector<256x16xf32> -> vector<256x16xf32>
    %add3A_2367 = arith.addf %add3A_2349, %dot_general3A_2366 : vector<256x16xf32>
    %get3A_2368 = arith.constant 2448 : index
    %get3A_2369 = arith.constant 0 : index
    %get3A_2370 = vector.load %arg5[%get3A_2368, %get3A_2369] : memref<3432x128xf32, #tpu.memory_space<vmem>>, vector<128x16xf32>
    %dot_general3A_2371 = arith.constant dense<0.000000e+00> : vector<256x16xf32>
    %dot_general3A_2372 = tpu.matmul %max3A_2289, %get3A_2370, %dot_general3A_2371 {dimension_numbers = #tpu.dot_dimension_numbers<[1], [0], [0], [1], [0, 0, 1, 1], [], []>, transpose_lhs_hint = false} : vector<256x128xf32>, vector<128x16xf32>, vector<256x16xf32> -> vector<256x16xf32>
    %add3A_2373 = arith.addf %add3A_2355, %dot_general3A_2372 : vector<256x16xf32>
    %get3A_2374 = arith.constant 2640 : index
    %get3A_2375 = arith.constant 0 : index
    %get3A_2376 = vector.load %arg5[%get3A_2374, %get3A_2375] : memref<3432x128xf32, #tpu.memory_space<vmem>>, vector<32x16xf32>
    %dot_general3A_2377 = arith.constant dense<0.000000e+00> : vector<1x16xf32>
    %dot_general3A_2378 = tpu.matmul %max3A_2328, %get3A_2376, %dot_general3A_2377 {dimension_numbers = #tpu.dot_dimension_numbers<[1], [0], [0], [1], [0, 0, 1, 1], [], []>, transpose_lhs_hint = false} : vector<1x32xf32>, vector<32x16xf32>, vector<1x16xf32> -> vector<1x16xf32>
    %add3A_2379 = arith.addf %add3A_2361, %dot_general3A_2378 : vector<1x16xf32>
    %get3A_2380 = arith.constant 2672 : index
    %get3A_2381 = arith.constant 0 : index
    %get3A_2382 = vector.load %arg5[%get3A_2380, %get3A_2381] : memref<3432x128xf32, #tpu.memory_space<vmem>>, vector<1x16xf32>
    %add3A_2383 = arith.addf %add3A_2379, %get3A_2382 : vector<1x16xf32>
    %add3A_2384 = vector.broadcast %add3A_2383 : vector<1x16xf32> to vector<256x16xf32>
    %add3A_2385 = arith.addf %add3A_2367, %add3A_2384 : vector<256x16xf32>
    %tile3A_2386 = tpu.concatenate %add3A_2385, %add3A_2385, %add3A_2385, %add3A_2385, %add3A_2385, %add3A_2385, %add3A_2385, %add3A_2385 in 1 : vector<256x16xf32>, vector<256x16xf32>, vector<256x16xf32>, vector<256x16xf32>, vector<256x16xf32>, vector<256x16xf32>, vector<256x16xf32>, vector<256x16xf32> -> vector<256x128xf32>
    %iota3A_2387 = tpu.iota {dimensions = array<i32: 0>} : vector<32x256xi32>
    %iota3A_2388 = tpu.iota {dimensions = array<i32: 1>} : vector<32x256xi32>
    %iota3A_2389 = tpu.iota {dimensions = array<i32: 0>} : vector<16x128xi32>
    %iota3A_2390 = tpu.iota {dimensions = array<i32: 1>} : vector<16x128xi32>
    %broadcast_in_dim3A_2391 = arith.constant 0.000000e+00 : f32
    %broadcast_in_dim3A_2392 = vector.broadcast %broadcast_in_dim3A_2391 : f32 to vector<32x128xf32>
    %mul3A_2393 = arith.constant 8 : i32
    %mul3A_2394 = vector.broadcast %mul3A_2393 : i32 to vector<32x256xi32>
    %mul3A_2395 = arith.muli %mul3A_2394, %iota3A_2387 : vector<32x256xi32>
    %add3A_2396 = arith.constant 0 : i32
    %add3A_2397 = vector.broadcast %add3A_2396 : i32 to vector<32x256xi32>
    %add3A_2398 = arith.addi %mul3A_2395, %add3A_2397 : vector<32x256xi32>
    %eq3A_2399 = arith.cmpi eq, %iota3A_2388, %add3A_2398 : vector<32x256xi32>
    %convert_element_type3A_2400 = arith.extui %eq3A_2399 : vector<32x256xi1> to vector<32x256xi32>
    %convert_element_type3A_2401 = arith.sitofp %convert_element_type3A_2400 : vector<32x256xi32> to vector<32x256xf32>
    %add3A_2402 = arith.constant 0 : i32
    %add3A_2403 = vector.broadcast %add3A_2402 : i32 to vector<16x128xi32>
    %add3A_2404 = arith.addi %add3A_2403, %iota3A_2389 : vector<16x128xi32>
    %eq3A_2405 = arith.cmpi eq, %iota3A_2390, %add3A_2404 : vector<16x128xi32>
    %convert_element_type3A_2406 = arith.extui %eq3A_2405 : vector<16x128xi1> to vector<16x128xi32>
    %convert_element_type3A_2407 = arith.sitofp %convert_element_type3A_2406 : vector<16x128xi32> to vector<16x128xf32>
    %dot_general3A_2408 = arith.constant dense<0.000000e+00> : vector<32x16xf32>
    %dot_general3A_2409 = tpu.matmul %convert_element_type3A_2401, %add3A_2373, %dot_general3A_2408 {dimension_numbers = #tpu.dot_dimension_numbers<[1], [0], [0], [1], [0, 0, 1, 1], [], []>, transpose_lhs_hint = false} : vector<32x256xf32>, vector<256x16xf32>, vector<32x16xf32> -> vector<32x16xf32>
    %dot_general3A_2410 = arith.constant dense<0.000000e+00> : vector<32x128xf32>
    %dot_general3A_2411 = tpu.matmul %dot_general3A_2409, %convert_element_type3A_2407, %dot_general3A_2410 {dimension_numbers = #tpu.dot_dimension_numbers<[1], [0], [0], [1], [0, 0, 1, 1], [], []>, transpose_lhs_hint = false} : vector<32x16xf32>, vector<16x128xf32>, vector<32x128xf32> -> vector<32x128xf32>
    %add3A_2412 = arith.addf %broadcast_in_dim3A_2392, %dot_general3A_2411 : vector<32x128xf32>
    %mul3A_2413 = arith.constant 8 : i32
    %mul3A_2414 = vector.broadcast %mul3A_2413 : i32 to vector<32x256xi32>
    %mul3A_2415 = arith.muli %mul3A_2414, %iota3A_2387 : vector<32x256xi32>
    %add3A_2416 = arith.constant 1 : i32
    %add3A_2417 = vector.broadcast %add3A_2416 : i32 to vector<32x256xi32>
    %add3A_2418 = arith.addi %mul3A_2415, %add3A_2417 : vector<32x256xi32>
    %eq3A_2419 = arith.cmpi eq, %iota3A_2388, %add3A_2418 : vector<32x256xi32>
    %convert_element_type3A_2420 = arith.extui %eq3A_2419 : vector<32x256xi1> to vector<32x256xi32>
    %convert_element_type3A_2421 = arith.sitofp %convert_element_type3A_2420 : vector<32x256xi32> to vector<32x256xf32>
    %add3A_2422 = arith.constant 16 : i32
    %add3A_2423 = vector.broadcast %add3A_2422 : i32 to vector<16x128xi32>
    %add3A_2424 = arith.addi %add3A_2423, %iota3A_2389 : vector<16x128xi32>
    %eq3A_2425 = arith.cmpi eq, %iota3A_2390, %add3A_2424 : vector<16x128xi32>
    %convert_element_type3A_2426 = arith.extui %eq3A_2425 : vector<16x128xi1> to vector<16x128xi32>
    %convert_element_type3A_2427 = arith.sitofp %convert_element_type3A_2426 : vector<16x128xi32> to vector<16x128xf32>
    %dot_general3A_2428 = arith.constant dense<0.000000e+00> : vector<32x16xf32>
    %dot_general3A_2429 = tpu.matmul %convert_element_type3A_2421, %add3A_2373, %dot_general3A_2428 {dimension_numbers = #tpu.dot_dimension_numbers<[1], [0], [0], [1], [0, 0, 1, 1], [], []>, transpose_lhs_hint = false} : vector<32x256xf32>, vector<256x16xf32>, vector<32x16xf32> -> vector<32x16xf32>
    %dot_general3A_2430 = arith.constant dense<0.000000e+00> : vector<32x128xf32>
    %dot_general3A_2431 = tpu.matmul %dot_general3A_2429, %convert_element_type3A_2427, %dot_general3A_2430 {dimension_numbers = #tpu.dot_dimension_numbers<[1], [0], [0], [1], [0, 0, 1, 1], [], []>, transpose_lhs_hint = false} : vector<32x16xf32>, vector<16x128xf32>, vector<32x128xf32> -> vector<32x128xf32>
    %add3A_2432 = arith.addf %add3A_2412, %dot_general3A_2431 : vector<32x128xf32>
    %mul3A_2433 = arith.constant 8 : i32
    %mul3A_2434 = vector.broadcast %mul3A_2433 : i32 to vector<32x256xi32>
    %mul3A_2435 = arith.muli %mul3A_2434, %iota3A_2387 : vector<32x256xi32>
    %add3A_2436 = arith.constant 2 : i32
    %add3A_2437 = vector.broadcast %add3A_2436 : i32 to vector<32x256xi32>
    %add3A_2438 = arith.addi %mul3A_2435, %add3A_2437 : vector<32x256xi32>
    %eq3A_2439 = arith.cmpi eq, %iota3A_2388, %add3A_2438 : vector<32x256xi32>
    %convert_element_type3A_2440 = arith.extui %eq3A_2439 : vector<32x256xi1> to vector<32x256xi32>
    %convert_element_type3A_2441 = arith.sitofp %convert_element_type3A_2440 : vector<32x256xi32> to vector<32x256xf32>
    %add3A_2442 = arith.constant 32 : i32
    %add3A_2443 = vector.broadcast %add3A_2442 : i32 to vector<16x128xi32>
    %add3A_2444 = arith.addi %add3A_2443, %iota3A_2389 : vector<16x128xi32>
    %eq3A_2445 = arith.cmpi eq, %iota3A_2390, %add3A_2444 : vector<16x128xi32>
    %convert_element_type3A_2446 = arith.extui %eq3A_2445 : vector<16x128xi1> to vector<16x128xi32>
    %convert_element_type3A_2447 = arith.sitofp %convert_element_type3A_2446 : vector<16x128xi32> to vector<16x128xf32>
    %dot_general3A_2448 = arith.constant dense<0.000000e+00> : vector<32x16xf32>
    %dot_general3A_2449 = tpu.matmul %convert_element_type3A_2441, %add3A_2373, %dot_general3A_2448 {dimension_numbers = #tpu.dot_dimension_numbers<[1], [0], [0], [1], [0, 0, 1, 1], [], []>, transpose_lhs_hint = false} : vector<32x256xf32>, vector<256x16xf32>, vector<32x16xf32> -> vector<32x16xf32>
    %dot_general3A_2450 = arith.constant dense<0.000000e+00> : vector<32x128xf32>
    %dot_general3A_2451 = tpu.matmul %dot_general3A_2449, %convert_element_type3A_2447, %dot_general3A_2450 {dimension_numbers = #tpu.dot_dimension_numbers<[1], [0], [0], [1], [0, 0, 1, 1], [], []>, transpose_lhs_hint = false} : vector<32x16xf32>, vector<16x128xf32>, vector<32x128xf32> -> vector<32x128xf32>
    %add3A_2452 = arith.addf %add3A_2432, %dot_general3A_2451 : vector<32x128xf32>
    %mul3A_2453 = arith.constant 8 : i32
    %mul3A_2454 = vector.broadcast %mul3A_2453 : i32 to vector<32x256xi32>
    %mul3A_2455 = arith.muli %mul3A_2454, %iota3A_2387 : vector<32x256xi32>
    %add3A_2456 = arith.constant 3 : i32
    %add3A_2457 = vector.broadcast %add3A_2456 : i32 to vector<32x256xi32>
    %add3A_2458 = arith.addi %mul3A_2455, %add3A_2457 : vector<32x256xi32>
    %eq3A_2459 = arith.cmpi eq, %iota3A_2388, %add3A_2458 : vector<32x256xi32>
    %convert_element_type3A_2460 = arith.extui %eq3A_2459 : vector<32x256xi1> to vector<32x256xi32>
    %convert_element_type3A_2461 = arith.sitofp %convert_element_type3A_2460 : vector<32x256xi32> to vector<32x256xf32>
    %add3A_2462 = arith.constant 48 : i32
    %add3A_2463 = vector.broadcast %add3A_2462 : i32 to vector<16x128xi32>
    %add3A_2464 = arith.addi %add3A_2463, %iota3A_2389 : vector<16x128xi32>
    %eq3A_2465 = arith.cmpi eq, %iota3A_2390, %add3A_2464 : vector<16x128xi32>
    %convert_element_type3A_2466 = arith.extui %eq3A_2465 : vector<16x128xi1> to vector<16x128xi32>
    %convert_element_type3A_2467 = arith.sitofp %convert_element_type3A_2466 : vector<16x128xi32> to vector<16x128xf32>
    %dot_general3A_2468 = arith.constant dense<0.000000e+00> : vector<32x16xf32>
    %dot_general3A_2469 = tpu.matmul %convert_element_type3A_2461, %add3A_2373, %dot_general3A_2468 {dimension_numbers = #tpu.dot_dimension_numbers<[1], [0], [0], [1], [0, 0, 1, 1], [], []>, transpose_lhs_hint = false} : vector<32x256xf32>, vector<256x16xf32>, vector<32x16xf32> -> vector<32x16xf32>
    %dot_general3A_2470 = arith.constant dense<0.000000e+00> : vector<32x128xf32>
    %dot_general3A_2471 = tpu.matmul %dot_general3A_2469, %convert_element_type3A_2467, %dot_general3A_2470 {dimension_numbers = #tpu.dot_dimension_numbers<[1], [0], [0], [1], [0, 0, 1, 1], [], []>, transpose_lhs_hint = false} : vector<32x16xf32>, vector<16x128xf32>, vector<32x128xf32> -> vector<32x128xf32>
    %add3A_2472 = arith.addf %add3A_2452, %dot_general3A_2471 : vector<32x128xf32>
    %mul3A_2473 = arith.constant 8 : i32
    %mul3A_2474 = vector.broadcast %mul3A_2473 : i32 to vector<32x256xi32>
    %mul3A_2475 = arith.muli %mul3A_2474, %iota3A_2387 : vector<32x256xi32>
    %add3A_2476 = arith.constant 4 : i32
    %add3A_2477 = vector.broadcast %add3A_2476 : i32 to vector<32x256xi32>
    %add3A_2478 = arith.addi %mul3A_2475, %add3A_2477 : vector<32x256xi32>
    %eq3A_2479 = arith.cmpi eq, %iota3A_2388, %add3A_2478 : vector<32x256xi32>
    %convert_element_type3A_2480 = arith.extui %eq3A_2479 : vector<32x256xi1> to vector<32x256xi32>
    %convert_element_type3A_2481 = arith.sitofp %convert_element_type3A_2480 : vector<32x256xi32> to vector<32x256xf32>
    %add3A_2482 = arith.constant 64 : i32
    %add3A_2483 = vector.broadcast %add3A_2482 : i32 to vector<16x128xi32>
    %add3A_2484 = arith.addi %add3A_2483, %iota3A_2389 : vector<16x128xi32>
    %eq3A_2485 = arith.cmpi eq, %iota3A_2390, %add3A_2484 : vector<16x128xi32>
    %convert_element_type3A_2486 = arith.extui %eq3A_2485 : vector<16x128xi1> to vector<16x128xi32>
    %convert_element_type3A_2487 = arith.sitofp %convert_element_type3A_2486 : vector<16x128xi32> to vector<16x128xf32>
    %dot_general3A_2488 = arith.constant dense<0.000000e+00> : vector<32x16xf32>
    %dot_general3A_2489 = tpu.matmul %convert_element_type3A_2481, %add3A_2373, %dot_general3A_2488 {dimension_numbers = #tpu.dot_dimension_numbers<[1], [0], [0], [1], [0, 0, 1, 1], [], []>, transpose_lhs_hint = false} : vector<32x256xf32>, vector<256x16xf32>, vector<32x16xf32> -> vector<32x16xf32>
    %dot_general3A_2490 = arith.constant dense<0.000000e+00> : vector<32x128xf32>
    %dot_general3A_2491 = tpu.matmul %dot_general3A_2489, %convert_element_type3A_2487, %dot_general3A_2490 {dimension_numbers = #tpu.dot_dimension_numbers<[1], [0], [0], [1], [0, 0, 1, 1], [], []>, transpose_lhs_hint = false} : vector<32x16xf32>, vector<16x128xf32>, vector<32x128xf32> -> vector<32x128xf32>
    %add3A_2492 = arith.addf %add3A_2472, %dot_general3A_2491 : vector<32x128xf32>
    %mul3A_2493 = arith.constant 8 : i32
    %mul3A_2494 = vector.broadcast %mul3A_2493 : i32 to vector<32x256xi32>
    %mul3A_2495 = arith.muli %mul3A_2494, %iota3A_2387 : vector<32x256xi32>
    %add3A_2496 = arith.constant 5 : i32
    %add3A_2497 = vector.broadcast %add3A_2496 : i32 to vector<32x256xi32>
    %add3A_2498 = arith.addi %mul3A_2495, %add3A_2497 : vector<32x256xi32>
    %eq3A_2499 = arith.cmpi eq, %iota3A_2388, %add3A_2498 : vector<32x256xi32>
    %convert_element_type3A_2500 = arith.extui %eq3A_2499 : vector<32x256xi1> to vector<32x256xi32>
    %convert_element_type3A_2501 = arith.sitofp %convert_element_type3A_2500 : vector<32x256xi32> to vector<32x256xf32>
    %add3A_2502 = arith.constant 80 : i32
    %add3A_2503 = vector.broadcast %add3A_2502 : i32 to vector<16x128xi32>
    %add3A_2504 = arith.addi %add3A_2503, %iota3A_2389 : vector<16x128xi32>
    %eq3A_2505 = arith.cmpi eq, %iota3A_2390, %add3A_2504 : vector<16x128xi32>
    %convert_element_type3A_2506 = arith.extui %eq3A_2505 : vector<16x128xi1> to vector<16x128xi32>
    %convert_element_type3A_2507 = arith.sitofp %convert_element_type3A_2506 : vector<16x128xi32> to vector<16x128xf32>
    %dot_general3A_2508 = arith.constant dense<0.000000e+00> : vector<32x16xf32>
    %dot_general3A_2509 = tpu.matmul %convert_element_type3A_2501, %add3A_2373, %dot_general3A_2508 {dimension_numbers = #tpu.dot_dimension_numbers<[1], [0], [0], [1], [0, 0, 1, 1], [], []>, transpose_lhs_hint = false} : vector<32x256xf32>, vector<256x16xf32>, vector<32x16xf32> -> vector<32x16xf32>
    %dot_general3A_2510 = arith.constant dense<0.000000e+00> : vector<32x128xf32>
    %dot_general3A_2511 = tpu.matmul %dot_general3A_2509, %convert_element_type3A_2507, %dot_general3A_2510 {dimension_numbers = #tpu.dot_dimension_numbers<[1], [0], [0], [1], [0, 0, 1, 1], [], []>, transpose_lhs_hint = false} : vector<32x16xf32>, vector<16x128xf32>, vector<32x128xf32> -> vector<32x128xf32>
    %add3A_2512 = arith.addf %add3A_2492, %dot_general3A_2511 : vector<32x128xf32>
    %mul3A_2513 = arith.constant 8 : i32
    %mul3A_2514 = vector.broadcast %mul3A_2513 : i32 to vector<32x256xi32>
    %mul3A_2515 = arith.muli %mul3A_2514, %iota3A_2387 : vector<32x256xi32>
    %add3A_2516 = arith.constant 6 : i32
    %add3A_2517 = vector.broadcast %add3A_2516 : i32 to vector<32x256xi32>
    %add3A_2518 = arith.addi %mul3A_2515, %add3A_2517 : vector<32x256xi32>
    %eq3A_2519 = arith.cmpi eq, %iota3A_2388, %add3A_2518 : vector<32x256xi32>
    %convert_element_type3A_2520 = arith.extui %eq3A_2519 : vector<32x256xi1> to vector<32x256xi32>
    %convert_element_type3A_2521 = arith.sitofp %convert_element_type3A_2520 : vector<32x256xi32> to vector<32x256xf32>
    %add3A_2522 = arith.constant 96 : i32
    %add3A_2523 = vector.broadcast %add3A_2522 : i32 to vector<16x128xi32>
    %add3A_2524 = arith.addi %add3A_2523, %iota3A_2389 : vector<16x128xi32>
    %eq3A_2525 = arith.cmpi eq, %iota3A_2390, %add3A_2524 : vector<16x128xi32>
    %convert_element_type3A_2526 = arith.extui %eq3A_2525 : vector<16x128xi1> to vector<16x128xi32>
    %convert_element_type3A_2527 = arith.sitofp %convert_element_type3A_2526 : vector<16x128xi32> to vector<16x128xf32>
    %dot_general3A_2528 = arith.constant dense<0.000000e+00> : vector<32x16xf32>
    %dot_general3A_2529 = tpu.matmul %convert_element_type3A_2521, %add3A_2373, %dot_general3A_2528 {dimension_numbers = #tpu.dot_dimension_numbers<[1], [0], [0], [1], [0, 0, 1, 1], [], []>, transpose_lhs_hint = false} : vector<32x256xf32>, vector<256x16xf32>, vector<32x16xf32> -> vector<32x16xf32>
    %dot_general3A_2530 = arith.constant dense<0.000000e+00> : vector<32x128xf32>
    %dot_general3A_2531 = tpu.matmul %dot_general3A_2529, %convert_element_type3A_2527, %dot_general3A_2530 {dimension_numbers = #tpu.dot_dimension_numbers<[1], [0], [0], [1], [0, 0, 1, 1], [], []>, transpose_lhs_hint = false} : vector<32x16xf32>, vector<16x128xf32>, vector<32x128xf32> -> vector<32x128xf32>
    %add3A_2532 = arith.addf %add3A_2512, %dot_general3A_2531 : vector<32x128xf32>
    %mul3A_2533 = arith.constant 8 : i32
    %mul3A_2534 = vector.broadcast %mul3A_2533 : i32 to vector<32x256xi32>
    %mul3A_2535 = arith.muli %mul3A_2534, %iota3A_2387 : vector<32x256xi32>
    %add3A_2536 = arith.constant 7 : i32
    %add3A_2537 = vector.broadcast %add3A_2536 : i32 to vector<32x256xi32>
    %add3A_2538 = arith.addi %mul3A_2535, %add3A_2537 : vector<32x256xi32>
    %eq3A_2539 = arith.cmpi eq, %iota3A_2388, %add3A_2538 : vector<32x256xi32>
    %convert_element_type3A_2540 = arith.extui %eq3A_2539 : vector<32x256xi1> to vector<32x256xi32>
    %convert_element_type3A_2541 = arith.sitofp %convert_element_type3A_2540 : vector<32x256xi32> to vector<32x256xf32>
    %add3A_2542 = arith.constant 112 : i32
    %add3A_2543 = vector.broadcast %add3A_2542 : i32 to vector<16x128xi32>
    %add3A_2544 = arith.addi %add3A_2543, %iota3A_2389 : vector<16x128xi32>
    %eq3A_2545 = arith.cmpi eq, %iota3A_2390, %add3A_2544 : vector<16x128xi32>
    %convert_element_type3A_2546 = arith.extui %eq3A_2545 : vector<16x128xi1> to vector<16x128xi32>
    %convert_element_type3A_2547 = arith.sitofp %convert_element_type3A_2546 : vector<16x128xi32> to vector<16x128xf32>
    %dot_general3A_2548 = arith.constant dense<0.000000e+00> : vector<32x16xf32>
    %dot_general3A_2549 = tpu.matmul %convert_element_type3A_2541, %add3A_2373, %dot_general3A_2548 {dimension_numbers = #tpu.dot_dimension_numbers<[1], [0], [0], [1], [0, 0, 1, 1], [], []>, transpose_lhs_hint = false} : vector<32x256xf32>, vector<256x16xf32>, vector<32x16xf32> -> vector<32x16xf32>
    %dot_general3A_2550 = arith.constant dense<0.000000e+00> : vector<32x128xf32>
    %dot_general3A_2551 = tpu.matmul %dot_general3A_2549, %convert_element_type3A_2547, %dot_general3A_2550 {dimension_numbers = #tpu.dot_dimension_numbers<[1], [0], [0], [1], [0, 0, 1, 1], [], []>, transpose_lhs_hint = false} : vector<32x16xf32>, vector<16x128xf32>, vector<32x128xf32> -> vector<32x128xf32>
    %add3A_2552 = arith.addf %add3A_2532, %dot_general3A_2551 : vector<32x128xf32>
    %broadcast_in_dim3A_2553 = arith.constant 0.000000e+00 : f32
    %broadcast_in_dim3A_2554 = vector.broadcast %broadcast_in_dim3A_2553 : f32 to vector<256x128xf32>
    %get3A_2555 = arith.constant 0 : index
    %get3A_2556 = arith.constant 0 : index
    %get3A_2557 = arith.constant 0 : index
    %get3A_2558 = vector.load %arg1[%get3A_2555, %get3A_2556, %get3A_2557] : memref<1x256x4096xf32, #tpu.memory_space<vmem>>, vector<1x256x128xf32>
    %get3A_2559 = vector.shape_cast %get3A_2558 : vector<1x256x128xf32> to vector<256x128xf32>
    %convert_element_type3A_2560 = arith.truncf %get3A_2559 : vector<256x128xf32> to vector<256x128xbf16>
    %get3A_2561 = arith.constant 384 : index
    %get3A_2562 = arith.constant 0 : index
    %get3A_2563 = vector.load %arg4[%get3A_2561, %get3A_2562] : memref<768x128xbf16, #tpu.memory_space<vmem>>, vector<128x128xbf16>
    %dot_general3A_2564 = arith.constant dense<0.000000e+00> : vector<256x128xf32>
    %dot_general3A_2565 = tpu.matmul %convert_element_type3A_2560, %get3A_2563, %dot_general3A_2564 {dimension_numbers = #tpu.dot_dimension_numbers<[1], [0], [0], [1], [0, 0, 1, 1], [], []>, transpose_lhs_hint = false} : vector<256x128xbf16>, vector<128x128xbf16>, vector<256x128xf32> -> vector<256x128xf32>
    %get3A_2566 = arith.constant 0 : index
    %get3A_2567 = arith.constant 0 : index
    %get3A_2568 = vector.load %arg9[%get3A_2566, %get3A_2567] : memref<256x4096xbf16, #tpu.memory_space<vmem>>, vector<256x128xbf16>
    %get3A_2569 = arith.constant 512 : index
    %get3A_2570 = arith.constant 0 : index
    %get3A_2571 = vector.load %arg4[%get3A_2569, %get3A_2570] : memref<768x128xbf16, #tpu.memory_space<vmem>>, vector<128x128xbf16>
    %dot_general3A_2572 = arith.constant dense<0.000000e+00> : vector<256x128xf32>
    %dot_general3A_2573 = tpu.matmul %get3A_2568, %get3A_2571, %dot_general3A_2572 {dimension_numbers = #tpu.dot_dimension_numbers<[1], [0], [0], [1], [0, 0, 1, 1], [], []>, transpose_lhs_hint = false} : vector<256x128xbf16>, vector<128x128xbf16>, vector<256x128xf32> -> vector<256x128xf32>
    %add3A_2574 = arith.addf %dot_general3A_2565, %dot_general3A_2573 : vector<256x128xf32>
    %get3A_2575 = arith.constant 0 : index
    %get3A_2576 = arith.constant 0 : index
    %get3A_2577 = vector.load %arg10[%get3A_2575, %get3A_2576] : memref<256x4096xbf16, #tpu.memory_space<vmem>>, vector<256x128xbf16>
    %get3A_2578 = arith.constant 640 : index
    %get3A_2579 = arith.constant 0 : index
    %get3A_2580 = vector.load %arg4[%get3A_2578, %get3A_2579] : memref<768x128xbf16, #tpu.memory_space<vmem>>, vector<128x128xbf16>
    %dot_general3A_2581 = arith.constant dense<0.000000e+00> : vector<256x128xf32>
    %dot_general3A_2582 = tpu.matmul %get3A_2577, %get3A_2580, %dot_general3A_2581 {dimension_numbers = #tpu.dot_dimension_numbers<[1], [0], [0], [1], [0, 0, 1, 1], [], []>, transpose_lhs_hint = false} : vector<256x128xbf16>, vector<128x128xbf16>, vector<256x128xf32> -> vector<256x128xf32>
    %add3A_2583 = arith.addf %add3A_2574, %dot_general3A_2582 : vector<256x128xf32>
    %add3A_2584 = arith.addf %add3A_2583, %tile3A_2386 : vector<256x128xf32>
    %slice3A_2585 = vector.extract_strided_slice %add3A_2552 {offsets = [0, 0], sizes = [1, 128], strides = [1, 1]} : vector<32x128xf32> to vector<1x128xf32>
    %add3A_2586 = vector.broadcast %slice3A_2585 : vector<1x128xf32> to vector<256x128xf32>
    %add3A_2587 = arith.addf %add3A_2584, %add3A_2586 : vector<256x128xf32>
    %max3A_2588 = arith.constant 0.000000e+00 : f32
    %max3A_2589 = vector.broadcast %max3A_2588 : f32 to vector<256x128xf32>
    %max3A_2590 = arith.maximumf %add3A_2587, %max3A_2589 : vector<256x128xf32>
    %swap3A_2591 = arith.constant 0 : index
    %swap3A_2592 = arith.constant 0 : index
    %swap3A_2593 = arith.constant 0 : index
    %swap3A_2594 = vector.load %arg6[%swap3A_2591, %swap3A_2592, %swap3A_2593] : memref<1x256x4096xf32, #tpu.memory_space<vmem>>, vector<1x256x128xf32>
    %swap3A_2595 = vector.shape_cast %swap3A_2594 : vector<1x256x128xf32> to vector<256x128xf32>
    %swap3A_2596 = vector.shape_cast %max3A_2590 : vector<256x128xf32> to vector<1x256x128xf32>
    tpu.vector_store %arg6[%swap3A_2591, %swap3A_2592, %swap3A_2593], %swap3A_2596 {strides = array<i32>} : memref<1x256x4096xf32, #tpu.memory_space<vmem>>, vector<1x256x128xf32>,
    %add3A_2597 = arith.addf %broadcast_in_dim3A_2554, %max3A_2590 : vector<256x128xf32>
    %get3A_2598 = arith.constant 0 : index
    %get3A_2599 = arith.constant 0 : index
    %get3A_2600 = arith.constant 128 : index
    %get3A_2601 = vector.load %arg1[%get3A_2598, %get3A_2599, %get3A_2600] : memref<1x256x4096xf32, #tpu.memory_space<vmem>>, vector<1x256x128xf32>
    %get3A_2602 = vector.shape_cast %get3A_2601 : vector<1x256x128xf32> to vector<256x128xf32>
    %convert_element_type3A_2603 = arith.truncf %get3A_2602 : vector<256x128xf32> to vector<256x128xbf16>
    %get3A_2604 = arith.constant 384 : index
    %get3A_2605 = arith.constant 0 : index
    %get3A_2606 = vector.load %arg4[%get3A_2604, %get3A_2605] : memref<768x128xbf16, #tpu.memory_space<vmem>>, vector<128x128xbf16>
    %dot_general3A_2607 = arith.constant dense<0.000000e+00> : vector<256x128xf32>
    %dot_general3A_2608 = tpu.matmul %convert_element_type3A_2603, %get3A_2606, %dot_general3A_2607 {dimension_numbers = #tpu.dot_dimension_numbers<[1], [0], [0], [1], [0, 0, 1, 1], [], []>, transpose_lhs_hint = false} : vector<256x128xbf16>, vector<128x128xbf16>, vector<256x128xf32> -> vector<256x128xf32>
    %get3A_2609 = arith.constant 0 : index
    %get3A_2610 = arith.constant 128 : index
    %get3A_2611 = vector.load %arg9[%get3A_2609, %get3A_2610] : memref<256x4096xbf16, #tpu.memory_space<vmem>>, vector<256x128xbf16>
    %get3A_2612 = arith.constant 512 : index
    %get3A_2613 = arith.constant 0 : index
    %get3A_2614 = vector.load %arg4[%get3A_2612, %get3A_2613] : memref<768x128xbf16, #tpu.memory_space<vmem>>, vector<128x128xbf16>
    %dot_general3A_2615 = arith.constant dense<0.000000e+00> : vector<256x128xf32>
    %dot_general3A_2616 = tpu.matmul %get3A_2611, %get3A_2614, %dot_general3A_2615 {dimension_numbers = #tpu.dot_dimension_numbers<[1], [0], [0], [1], [0, 0, 1, 1], [], []>, transpose_lhs_hint = false} : vector<256x128xbf16>, vector<128x128xbf16>, vector<256x128xf32> -> vector<256x128xf32>
    %add3A_2617 = arith.addf %dot_general3A_2608, %dot_general3A_2616 : vector<256x128xf32>
    %get3A_2618 = arith.constant 0 : index
    %get3A_2619 = arith.constant 128 : index
    %get3A_2620 = vector.load %arg10[%get3A_2618, %get3A_2619] : memref<256x4096xbf16, #tpu.memory_space<vmem>>, vector<256x128xbf16>
    %get3A_2621 = arith.constant 640 : index
    %get3A_2622 = arith.constant 0 : index
    %get3A_2623 = vector.load %arg4[%get3A_2621, %get3A_2622] : memref<768x128xbf16, #tpu.memory_space<vmem>>, vector<128x128xbf16>
    %dot_general3A_2624 = arith.constant dense<0.000000e+00> : vector<256x128xf32>
    %dot_general3A_2625 = tpu.matmul %get3A_2620, %get3A_2623, %dot_general3A_2624 {dimension_numbers = #tpu.dot_dimension_numbers<[1], [0], [0], [1], [0, 0, 1, 1], [], []>, transpose_lhs_hint = false} : vector<256x128xbf16>, vector<128x128xbf16>, vector<256x128xf32> -> vector<256x128xf32>
    %add3A_2626 = arith.addf %add3A_2617, %dot_general3A_2625 : vector<256x128xf32>
    %add3A_2627 = arith.addf %add3A_2626, %tile3A_2386 : vector<256x128xf32>
    %slice3A_2628 = vector.extract_strided_slice %add3A_2552 {offsets = [1, 0], sizes = [1, 128], strides = [1, 1]} : vector<32x128xf32> to vector<1x128xf32>
    %add3A_2629 = vector.broadcast %slice3A_2628 : vector<1x128xf32> to vector<256x128xf32>
    %add3A_2630 = arith.addf %add3A_2627, %add3A_2629 : vector<256x128xf32>
    %max3A_2631 = arith.constant 0.000000e+00 : f32
    %max3A_2632 = vector.broadcast %max3A_2631 : f32 to vector<256x128xf32>
    %max3A_2633 = arith.maximumf %add3A_2630, %max3A_2632 : vector<256x128xf32>
    %swap3A_2634 = arith.constant 0 : index
    %swap3A_2635 = arith.constant 0 : index
    %swap3A_2636 = arith.constant 128 : index
    %swap3A_2637 = vector.load %arg6[%swap3A_2634, %swap3A_2635, %swap3A_2636] : memref<1x256x4096xf32, #tpu.memory_space<vmem>>, vector<1x256x128xf32>
    %swap3A_2638 = vector.shape_cast %swap3A_2637 : vector<1x256x128xf32> to vector<256x128xf32>
    %swap3A_2639 = vector.shape_cast %max3A_2633 : vector<256x128xf32> to vector<1x256x128xf32>
    tpu.vector_store %arg6[%swap3A_2634, %swap3A_2635, %swap3A_2636], %swap3A_2639 {strides = array<i32>} : memref<1x256x4096xf32, #tpu.memory_space<vmem>>, vector<1x256x128xf32>,
    %add3A_2640 = arith.addf %add3A_2597, %max3A_2633 : vector<256x128xf32>
    %get3A_2641 = arith.constant 0 : index
    %get3A_2642 = arith.constant 0 : index
    %get3A_2643 = arith.constant 256 : index
    %get3A_2644 = vector.load %arg1[%get3A_2641, %get3A_2642, %get3A_2643] : memref<1x256x4096xf32, #tpu.memory_space<vmem>>, vector<1x256x128xf32>
    %get3A_2645 = vector.shape_cast %get3A_2644 : vector<1x256x128xf32> to vector<256x128xf32>
    %convert_element_type3A_2646 = arith.truncf %get3A_2645 : vector<256x128xf32> to vector<256x128xbf16>
    %get3A_2647 = arith.constant 384 : index
    %get3A_2648 = arith.constant 0 : index
    %get3A_2649 = vector.load %arg4[%get3A_2647, %get3A_2648] : memref<768x128xbf16, #tpu.memory_space<vmem>>, vector<128x128xbf16>
    %dot_general3A_2650 = arith.constant dense<0.000000e+00> : vector<256x128xf32>
    %dot_general3A_2651 = tpu.matmul %convert_element_type3A_2646, %get3A_2649, %dot_general3A_2650 {dimension_numbers = #tpu.dot_dimension_numbers<[1], [0], [0], [1], [0, 0, 1, 1], [], []>, transpose_lhs_hint = false} : vector<256x128xbf16>, vector<128x128xbf16>, vector<256x128xf32> -> vector<256x128xf32>
    %get3A_2652 = arith.constant 0 : index
    %get3A_2653 = arith.constant 256 : index
    %get3A_2654 = vector.load %arg9[%get3A_2652, %get3A_2653] : memref<256x4096xbf16, #tpu.memory_space<vmem>>, vector<256x128xbf16>
    %get3A_2655 = arith.constant 512 : index
    %get3A_2656 = arith.constant 0 : index
    %get3A_2657 = vector.load %arg4[%get3A_2655, %get3A_2656] : memref<768x128xbf16, #tpu.memory_space<vmem>>, vector<128x128xbf16>
    %dot_general3A_2658 = arith.constant dense<0.000000e+00> : vector<256x128xf32>
    %dot_general3A_2659 = tpu.matmul %get3A_2654, %get3A_2657, %dot_general3A_2658 {dimension_numbers = #tpu.dot_dimension_numbers<[1], [0], [0], [1], [0, 0, 1, 1], [], []>, transpose_lhs_hint = false} : vector<256x128xbf16>, vector<128x128xbf16>, vector<256x128xf32> -> vector<256x128xf32>
    %add3A_2660 = arith.addf %dot_general3A_2651, %dot_general3A_2659 : vector<256x128xf32>
    %get3A_2661 = arith.constant 0 : index
    %get3A_2662 = arith.constant 256 : index
    %get3A_2663 = vector.load %arg10[%get3A_2661, %get3A_2662] : memref<256x4096xbf16, #tpu.memory_space<vmem>>, vector<256x128xbf16>
    %get3A_2664 = arith.constant 640 : index
    %get3A_2665 = arith.constant 0 : index
    %get3A_2666 = vector.load %arg4[%get3A_2664, %get3A_2665] : memref<768x128xbf16, #tpu.memory_space<vmem>>, vector<128x128xbf16>
    %dot_general3A_2667 = arith.constant dense<0.000000e+00> : vector<256x128xf32>
    %dot_general3A_2668 = tpu.matmul %get3A_2663, %get3A_2666, %dot_general3A_2667 {dimension_numbers = #tpu.dot_dimension_numbers<[1], [0], [0], [1], [0, 0, 1, 1], [], []>, transpose_lhs_hint = false} : vector<256x128xbf16>, vector<128x128xbf16>, vector<256x128xf32> -> vector<256x128xf32>
    %add3A_2669 = arith.addf %add3A_2660, %dot_general3A_2668 : vector<256x128xf32>
    %add3A_2670 = arith.addf %add3A_2669, %tile3A_2386 : vector<256x128xf32>
    %slice3A_2671 = vector.extract_strided_slice %add3A_2552 {offsets = [2, 0], sizes = [1, 128], strides = [1, 1]} : vector<32x128xf32> to vector<1x128xf32>
    %add3A_2672 = vector.broadcast %slice3A_2671 : vector<1x128xf32> to vector<256x128xf32>
    %add3A_2673 = arith.addf %add3A_2670, %add3A_2672 : vector<256x128xf32>
    %max3A_2674 = arith.constant 0.000000e+00 : f32
    %max3A_2675 = vector.broadcast %max3A_2674 : f32 to vector<256x128xf32>
    %max3A_2676 = arith.maximumf %add3A_2673, %max3A_2675 : vector<256x128xf32>
    %swap3A_2677 = arith.constant 0 : index
    %swap3A_2678 = arith.constant 0 : index
    %swap3A_2679 = arith.constant 256 : index
    %swap3A_2680 = vector.load %arg6[%swap3A_2677, %swap3A_2678, %swap3A_2679] : memref<1x256x4096xf32, #tpu.memory_space<vmem>>, vector<1x256x128xf32>
    %swap3A_2681 = vector.shape_cast %swap3A_2680 : vector<1x256x128xf32> to vector<256x128xf32>
    %swap3A_2682 = vector.shape_cast %max3A_2676 : vector<256x128xf32> to vector<1x256x128xf32>
    tpu.vector_store %arg6[%swap3A_2677, %swap3A_2678, %swap3A_2679], %swap3A_2682 {strides = array<i32>} : memref<1x256x4096xf32, #tpu.memory_space<vmem>>, vector<1x256x128xf32>,
    %add3A_2683 = arith.addf %add3A_2640, %max3A_2676 : vector<256x128xf32>
    %get3A_2684 = arith.constant 0 : index
    %get3A_2685 = arith.constant 0 : index
    %get3A_2686 = arith.constant 384 : index
    %get3A_2687 = vector.load %arg1[%get3A_2684, %get3A_2685, %get3A_2686] : memref<1x256x4096xf32, #tpu.memory_space<vmem>>, vector<1x256x128xf32>
    %get3A_2688 = vector.shape_cast %get3A_2687 : vector<1x256x128xf32> to vector<256x128xf32>
    %convert_element_type3A_2689 = arith.truncf %get3A_2688 : vector<256x128xf32> to vector<256x128xbf16>
    %get3A_2690 = arith.constant 384 : index
    %get3A_2691 = arith.constant 0 : index
    %get3A_2692 = vector.load %arg4[%get3A_2690, %get3A_2691] : memref<768x128xbf16, #tpu.memory_space<vmem>>, vector<128x128xbf16>
    %dot_general3A_2693 = arith.constant dense<0.000000e+00> : vector<256x128xf32>
    %dot_general3A_2694 = tpu.matmul %convert_element_type3A_2689, %get3A_2692, %dot_general3A_2693 {dimension_numbers = #tpu.dot_dimension_numbers<[1], [0], [0], [1], [0, 0, 1, 1], [], []>, transpose_lhs_hint = false} : vector<256x128xbf16>, vector<128x128xbf16>, vector<256x128xf32> -> vector<256x128xf32>
    %get3A_2695 = arith.constant 0 : index
    %get3A_2696 = arith.constant 384 : index
    %get3A_2697 = vector.load %arg9[%get3A_2695, %get3A_2696] : memref<256x4096xbf16, #tpu.memory_space<vmem>>, vector<256x128xbf16>
    %get3A_2698 = arith.constant 512 : index
    %get3A_2699 = arith.constant 0 : index
    %get3A_2700 = vector.load %arg4[%get3A_2698, %get3A_2699] : memref<768x128xbf16, #tpu.memory_space<vmem>>, vector<128x128xbf16>
    %dot_general3A_2701 = arith.constant dense<0.000000e+00> : vector<256x128xf32>
    %dot_general3A_2702 = tpu.matmul %get3A_2697, %get3A_2700, %dot_general3A_2701 {dimension_numbers = #tpu.dot_dimension_numbers<[1], [0], [0], [1], [0, 0, 1, 1], [], []>, transpose_lhs_hint = false} : vector<256x128xbf16>, vector<128x128xbf16>, vector<256x128xf32> -> vector<256x128xf32>
    %add3A_2703 = arith.addf %dot_general3A_2694, %dot_general3A_2702 : vector<256x128xf32>
    %get3A_2704 = arith.constant 0 : index
    %get3A_2705 = arith.constant 384 : index
    %get3A_2706 = vector.load %arg10[%get3A_2704, %get3A_2705] : memref<256x4096xbf16, #tpu.memory_space<vmem>>, vector<256x128xbf16>
    %get3A_2707 = arith.constant 640 : index
    %get3A_2708 = arith.constant 0 : index
    %get3A_2709 = vector.load %arg4[%get3A_2707, %get3A_2708] : memref<768x128xbf16, #tpu.memory_space<vmem>>, vector<128x128xbf16>
    %dot_general3A_2710 = arith.constant dense<0.000000e+00> : vector<256x128xf32>
    %dot_general3A_2711 = tpu.matmul %get3A_2706, %get3A_2709, %dot_general3A_2710 {dimension_numbers = #tpu.dot_dimension_numbers<[1], [0], [0], [1], [0, 0, 1, 1], [], []>, transpose_lhs_hint = false} : vector<256x128xbf16>, vector<128x128xbf16>, vector<256x128xf32> -> vector<256x128xf32>
    %add3A_2712 = arith.addf %add3A_2703, %dot_general3A_2711 : vector<256x128xf32>
    %add3A_2713 = arith.addf %add3A_2712, %tile3A_2386 : vector<256x128xf32>
    %slice3A_2714 = vector.extract_strided_slice %add3A_2552 {offsets = [3, 0], sizes = [1, 128], strides = [1, 1]} : vector<32x128xf32> to vector<1x128xf32>
    %add3A_2715 = vector.broadcast %slice3A_2714 : vector<1x128xf32> to vector<256x128xf32>
    %add3A_2716 = arith.addf %add3A_2713, %add3A_2715 : vector<256x128xf32>
    %max3A_2717 = arith.constant 0.000000e+00 : f32
    %max3A_2718 = vector.broadcast %max3A_2717 : f32 to vector<256x128xf32>
    %max3A_2719 = arith.maximumf %add3A_2716, %max3A_2718 : vector<256x128xf32>
    %swap3A_2720 = arith.constant 0 : index
    %swap3A_2721 = arith.constant 0 : index
    %swap3A_2722 = arith.constant 384 : index
    %swap3A_2723 = vector.load %arg6[%swap3A_2720, %swap3A_2721, %swap3A_2722] : memref<1x256x4096xf32, #tpu.memory_space<vmem>>, vector<1x256x128xf32>
    %swap3A_2724 = vector.shape_cast %swap3A_2723 : vector<1x256x128xf32> to vector<256x128xf32>
    %swap3A_2725 = vector.shape_cast %max3A_2719 : vector<256x128xf32> to vector<1x256x128xf32>
    tpu.vector_store %arg6[%swap3A_2720, %swap3A_2721, %swap3A_2722], %swap3A_2725 {strides = array<i32>} : memref<1x256x4096xf32, #tpu.memory_space<vmem>>, vector<1x256x128xf32>,
    %add3A_2726 = arith.addf %add3A_2683, %max3A_2719 : vector<256x128xf32>
    %get3A_2727 = arith.constant 0 : index
    %get3A_2728 = arith.constant 0 : index
    %get3A_2729 = arith.constant 512 : index
    %get3A_2730 = vector.load %arg1[%get3A_2727, %get3A_2728, %get3A_2729] : memref<1x256x4096xf32, #tpu.memory_space<vmem>>, vector<1x256x128xf32>
    %get3A_2731 = vector.shape_cast %get3A_2730 : vector<1x256x128xf32> to vector<256x128xf32>
    %convert_element_type3A_2732 = arith.truncf %get3A_2731 : vector<256x128xf32> to vector<256x128xbf16>
    %get3A_2733 = arith.constant 384 : index
    %get3A_2734 = arith.constant 0 : index
    %get3A_2735 = vector.load %arg4[%get3A_2733, %get3A_2734] : memref<768x128xbf16, #tpu.memory_space<vmem>>, vector<128x128xbf16>
    %dot_general3A_2736 = arith.constant dense<0.000000e+00> : vector<256x128xf32>
    %dot_general3A_2737 = tpu.matmul %convert_element_type3A_2732, %get3A_2735, %dot_general3A_2736 {dimension_numbers = #tpu.dot_dimension_numbers<[1], [0], [0], [1], [0, 0, 1, 1], [], []>, transpose_lhs_hint = false} : vector<256x128xbf16>, vector<128x128xbf16>, vector<256x128xf32> -> vector<256x128xf32>
    %get3A_2738 = arith.constant 0 : index
    %get3A_2739 = arith.constant 512 : index
    %get3A_2740 = vector.load %arg9[%get3A_2738, %get3A_2739] : memref<256x4096xbf16, #tpu.memory_space<vmem>>, vector<256x128xbf16>
    %get3A_2741 = arith.constant 512 : index
    %get3A_2742 = arith.constant 0 : index
    %get3A_2743 = vector.load %arg4[%get3A_2741, %get3A_2742] : memref<768x128xbf16, #tpu.memory_space<vmem>>, vector<128x128xbf16>
    %dot_general3A_2744 = arith.constant dense<0.000000e+00> : vector<256x128xf32>
    %dot_general3A_2745 = tpu.matmul %get3A_2740, %get3A_2743, %dot_general3A_2744 {dimension_numbers = #tpu.dot_dimension_numbers<[1], [0], [0], [1], [0, 0, 1, 1], [], []>, transpose_lhs_hint = false} : vector<256x128xbf16>, vector<128x128xbf16>, vector<256x128xf32> -> vector<256x128xf32>
    %add3A_2746 = arith.addf %dot_general3A_2737, %dot_general3A_2745 : vector<256x128xf32>
    %get3A_2747 = arith.constant 0 : index
    %get3A_2748 = arith.constant 512 : index
    %get3A_2749 = vector.load %arg10[%get3A_2747, %get3A_2748] : memref<256x4096xbf16, #tpu.memory_space<vmem>>, vector<256x128xbf16>
    %get3A_2750 = arith.constant 640 : index
    %get3A_2751 = arith.constant 0 : index
    %get3A_2752 = vector.load %arg4[%get3A_2750, %get3A_2751] : memref<768x128xbf16, #tpu.memory_space<vmem>>, vector<128x128xbf16>
    %dot_general3A_2753 = arith.constant dense<0.000000e+00> : vector<256x128xf32>
    %dot_general3A_2754 = tpu.matmul %get3A_2749, %get3A_2752, %dot_general3A_2753 {dimension_numbers = #tpu.dot_dimension_numbers<[1], [0], [0], [1], [0, 0, 1, 1], [], []>, transpose_lhs_hint = false} : vector<256x128xbf16>, vector<128x128xbf16>, vector<256x128xf32> -> vector<256x128xf32>
    %add3A_2755 = arith.addf %add3A_2746, %dot_general3A_2754 : vector<256x128xf32>
    %add3A_2756 = arith.addf %add3A_2755, %tile3A_2386 : vector<256x128xf32>
    %slice3A_2757 = vector.extract_strided_slice %add3A_2552 {offsets = [4, 0], sizes = [1, 128], strides = [1, 1]} : vector<32x128xf32> to vector<1x128xf32>
    %add3A_2758 = vector.broadcast %slice3A_2757 : vector<1x128xf32> to vector<256x128xf32>
    %add3A_2759 = arith.addf %add3A_2756, %add3A_2758 : vector<256x128xf32>
    %max3A_2760 = arith.constant 0.000000e+00 : f32
    %max3A_2761 = vector.broadcast %max3A_2760 : f32 to vector<256x128xf32>
    %max3A_2762 = arith.maximumf %add3A_2759, %max3A_2761 : vector<256x128xf32>
    %swap3A_2763 = arith.constant 0 : index
    %swap3A_2764 = arith.constant 0 : index
    %swap3A_2765 = arith.constant 512 : index
    %swap3A_2766 = vector.load %arg6[%swap3A_2763, %swap3A_2764, %swap3A_2765] : memref<1x256x4096xf32, #tpu.memory_space<vmem>>, vector<1x256x128xf32>
    %swap3A_2767 = vector.shape_cast %swap3A_2766 : vector<1x256x128xf32> to vector<256x128xf32>
    %swap3A_2768 = vector.shape_cast %max3A_2762 : vector<256x128xf32> to vector<1x256x128xf32>
    tpu.vector_store %arg6[%swap3A_2763, %swap3A_2764, %swap3A_2765], %swap3A_2768 {strides = array<i32>} : memref<1x256x4096xf32, #tpu.memory_space<vmem>>, vector<1x256x128xf32>,
    %add3A_2769 = arith.addf %add3A_2726, %max3A_2762 : vector<256x128xf32>
    %get3A_2770 = arith.constant 0 : index
    %get3A_2771 = arith.constant 0 : index
    %get3A_2772 = arith.constant 640 : index
    %get3A_2773 = vector.load %arg1[%get3A_2770, %get3A_2771, %get3A_2772] : memref<1x256x4096xf32, #tpu.memory_space<vmem>>, vector<1x256x128xf32>
    %get3A_2774 = vector.shape_cast %get3A_2773 : vector<1x256x128xf32> to vector<256x128xf32>
    %convert_element_type3A_2775 = arith.truncf %get3A_2774 : vector<256x128xf32> to vector<256x128xbf16>
    %get3A_2776 = arith.constant 384 : index
    %get3A_2777 = arith.constant 0 : index
    %get3A_2778 = vector.load %arg4[%get3A_2776, %get3A_2777] : memref<768x128xbf16, #tpu.memory_space<vmem>>, vector<128x128xbf16>
    %dot_general3A_2779 = arith.constant dense<0.000000e+00> : vector<256x128xf32>
    %dot_general3A_2780 = tpu.matmul %convert_element_type3A_2775, %get3A_2778, %dot_general3A_2779 {dimension_numbers = #tpu.dot_dimension_numbers<[1], [0], [0], [1], [0, 0, 1, 1], [], []>, transpose_lhs_hint = false} : vector<256x128xbf16>, vector<128x128xbf16>, vector<256x128xf32> -> vector<256x128xf32>
    %get3A_2781 = arith.constant 0 : index
    %get3A_2782 = arith.constant 640 : index
    %get3A_2783 = vector.load %arg9[%get3A_2781, %get3A_2782] : memref<256x4096xbf16, #tpu.memory_space<vmem>>, vector<256x128xbf16>
    %get3A_2784 = arith.constant 512 : index
    %get3A_2785 = arith.constant 0 : index
    %get3A_2786 = vector.load %arg4[%get3A_2784, %get3A_2785] : memref<768x128xbf16, #tpu.memory_space<vmem>>, vector<128x128xbf16>
    %dot_general3A_2787 = arith.constant dense<0.000000e+00> : vector<256x128xf32>
    %dot_general3A_2788 = tpu.matmul %get3A_2783, %get3A_2786, %dot_general3A_2787 {dimension_numbers = #tpu.dot_dimension_numbers<[1], [0], [0], [1], [0, 0, 1, 1], [], []>, transpose_lhs_hint = false} : vector<256x128xbf16>, vector<128x128xbf16>, vector<256x128xf32> -> vector<256x128xf32>
    %add3A_2789 = arith.addf %dot_general3A_2780, %dot_general3A_2788 : vector<256x128xf32>
    %get3A_2790 = arith.constant 0 : index
    %get3A_2791 = arith.constant 640 : index
    %get3A_2792 = vector.load %arg10[%get3A_2790, %get3A_2791] : memref<256x4096xbf16, #tpu.memory_space<vmem>>, vector<256x128xbf16>
    %get3A_2793 = arith.constant 640 : index
    %get3A_2794 = arith.constant 0 : index
    %get3A_2795 = vector.load %arg4[%get3A_2793, %get3A_2794] : memref<768x128xbf16, #tpu.memory_space<vmem>>, vector<128x128xbf16>
    %dot_general3A_2796 = arith.constant dense<0.000000e+00> : vector<256x128xf32>
    %dot_general3A_2797 = tpu.matmul %get3A_2792, %get3A_2795, %dot_general3A_2796 {dimension_numbers = #tpu.dot_dimension_numbers<[1], [0], [0], [1], [0, 0, 1, 1], [], []>, transpose_lhs_hint = false} : vector<256x128xbf16>, vector<128x128xbf16>, vector<256x128xf32> -> vector<256x128xf32>
    %add3A_2798 = arith.addf %add3A_2789, %dot_general3A_2797 : vector<256x128xf32>
    %add3A_2799 = arith.addf %add3A_2798, %tile3A_2386 : vector<256x128xf32>
    %slice3A_2800 = vector.extract_strided_slice %add3A_2552 {offsets = [5, 0], sizes = [1, 128], strides = [1, 1]} : vector<32x128xf32> to vector<1x128xf32>
    %add3A_2801 = vector.broadcast %slice3A_2800 : vector<1x128xf32> to vector<256x128xf32>
    %add3A_2802 = arith.addf %add3A_2799, %add3A_2801 : vector<256x128xf32>
    %max3A_2803 = arith.constant 0.000000e+00 : f32
    %max3A_2804 = vector.broadcast %max3A_2803 : f32 to vector<256x128xf32>
    %max3A_2805 = arith.maximumf %add3A_2802, %max3A_2804 : vector<256x128xf32>
    %swap3A_2806 = arith.constant 0 : index
    %swap3A_2807 = arith.constant 0 : index
    %swap3A_2808 = arith.constant 640 : index
    %swap3A_2809 = vector.load %arg6[%swap3A_2806, %swap3A_2807, %swap3A_2808] : memref<1x256x4096xf32, #tpu.memory_space<vmem>>, vector<1x256x128xf32>
    %swap3A_2810 = vector.shape_cast %swap3A_2809 : vector<1x256x128xf32> to vector<256x128xf32>
    %swap3A_2811 = vector.shape_cast %max3A_2805 : vector<256x128xf32> to vector<1x256x128xf32>
    tpu.vector_store %arg6[%swap3A_2806, %swap3A_2807, %swap3A_2808], %swap3A_2811 {strides = array<i32>} : memref<1x256x4096xf32, #tpu.memory_space<vmem>>, vector<1x256x128xf32>,
    %add3A_2812 = arith.addf %add3A_2769, %max3A_2805 : vector<256x128xf32>
    %get3A_2813 = arith.constant 0 : index
    %get3A_2814 = arith.constant 0 : index
    %get3A_2815 = arith.constant 768 : index
    %get3A_2816 = vector.load %arg1[%get3A_2813, %get3A_2814, %get3A_2815] : memref<1x256x4096xf32, #tpu.memory_space<vmem>>, vector<1x256x128xf32>
    %get3A_2817 = vector.shape_cast %get3A_2816 : vector<1x256x128xf32> to vector<256x128xf32>
    %convert_element_type3A_2818 = arith.truncf %get3A_2817 : vector<256x128xf32> to vector<256x128xbf16>
    %get3A_2819 = arith.constant 384 : index
    %get3A_2820 = arith.constant 0 : index
    %get3A_2821 = vector.load %arg4[%get3A_2819, %get3A_2820] : memref<768x128xbf16, #tpu.memory_space<vmem>>, vector<128x128xbf16>
    %dot_general3A_2822 = arith.constant dense<0.000000e+00> : vector<256x128xf32>
    %dot_general3A_2823 = tpu.matmul %convert_element_type3A_2818, %get3A_2821, %dot_general3A_2822 {dimension_numbers = #tpu.dot_dimension_numbers<[1], [0], [0], [1], [0, 0, 1, 1], [], []>, transpose_lhs_hint = false} : vector<256x128xbf16>, vector<128x128xbf16>, vector<256x128xf32> -> vector<256x128xf32>
    %get3A_2824 = arith.constant 0 : index
    %get3A_2825 = arith.constant 768 : index
    %get3A_2826 = vector.load %arg9[%get3A_2824, %get3A_2825] : memref<256x4096xbf16, #tpu.memory_space<vmem>>, vector<256x128xbf16>
    %get3A_2827 = arith.constant 512 : index
    %get3A_2828 = arith.constant 0 : index
    %get3A_2829 = vector.load %arg4[%get3A_2827, %get3A_2828] : memref<768x128xbf16, #tpu.memory_space<vmem>>, vector<128x128xbf16>
    %dot_general3A_2830 = arith.constant dense<0.000000e+00> : vector<256x128xf32>
    %dot_general3A_2831 = tpu.matmul %get3A_2826, %get3A_2829, %dot_general3A_2830 {dimension_numbers = #tpu.dot_dimension_numbers<[1], [0], [0], [1], [0, 0, 1, 1], [], []>, transpose_lhs_hint = false} : vector<256x128xbf16>, vector<128x128xbf16>, vector<256x128xf32> -> vector<256x128xf32>
    %add3A_2832 = arith.addf %dot_general3A_2823, %dot_general3A_2831 : vector<256x128xf32>
    %get3A_2833 = arith.constant 0 : index
    %get3A_2834 = arith.constant 768 : index
    %get3A_2835 = vector.load %arg10[%get3A_2833, %get3A_2834] : memref<256x4096xbf16, #tpu.memory_space<vmem>>, vector<256x128xbf16>
    %get3A_2836 = arith.constant 640 : index
    %get3A_2837 = arith.constant 0 : index
    %get3A_2838 = vector.load %arg4[%get3A_2836, %get3A_2837] : memref<768x128xbf16, #tpu.memory_space<vmem>>, vector<128x128xbf16>
    %dot_general3A_2839 = arith.constant dense<0.000000e+00> : vector<256x128xf32>
    %dot_general3A_2840 = tpu.matmul %get3A_2835, %get3A_2838, %dot_general3A_2839 {dimension_numbers = #tpu.dot_dimension_numbers<[1], [0], [0], [1], [0, 0, 1, 1], [], []>, transpose_lhs_hint = false} : vector<256x128xbf16>, vector<128x128xbf16>, vector<256x128xf32> -> vector<256x128xf32>
    %add3A_2841 = arith.addf %add3A_2832, %dot_general3A_2840 : vector<256x128xf32>
    %add3A_2842 = arith.addf %add3A_2841, %tile3A_2386 : vector<256x128xf32>
    %slice3A_2843 = vector.extract_strided_slice %add3A_2552 {offsets = [6, 0], sizes = [1, 128], strides = [1, 1]} : vector<32x128xf32> to vector<1x128xf32>
    %add3A_2844 = vector.broadcast %slice3A_2843 : vector<1x128xf32> to vector<256x128xf32>
    %add3A_2845 = arith.addf %add3A_2842, %add3A_2844 : vector<256x128xf32>
    %max3A_2846 = arith.constant 0.000000e+00 : f32
    %max3A_2847 = vector.broadcast %max3A_2846 : f32 to vector<256x128xf32>
    %max3A_2848 = arith.maximumf %add3A_2845, %max3A_2847 : vector<256x128xf32>
    %swap3A_2849 = arith.constant 0 : index
    %swap3A_2850 = arith.constant 0 : index
    %swap3A_2851 = arith.constant 768 : index
    %swap3A_2852 = vector.load %arg6[%swap3A_2849, %swap3A_2850, %swap3A_2851] : memref<1x256x4096xf32, #tpu.memory_space<vmem>>, vector<1x256x128xf32>
    %swap3A_2853 = vector.shape_cast %swap3A_2852 : vector<1x256x128xf32> to vector<256x128xf32>
    %swap3A_2854 = vector.shape_cast %max3A_2848 : vector<256x128xf32> to vector<1x256x128xf32>
    tpu.vector_store %arg6[%swap3A_2849, %swap3A_2850, %swap3A_2851], %swap3A_2854 {strides = array<i32>} : memref<1x256x4096xf32, #tpu.memory_space<vmem>>, vector<1x256x128xf32>,
    %add3A_2855 = arith.addf %add3A_2812, %max3A_2848 : vector<256x128xf32>
    %get3A_2856 = arith.constant 0 : index
    %get3A_2857 = arith.constant 0 : index
    %get3A_2858 = arith.constant 896 : index
    %get3A_2859 = vector.load %arg1[%get3A_2856, %get3A_2857, %get3A_2858] : memref<1x256x4096xf32, #tpu.memory_space<vmem>>, vector<1x256x128xf32>
    %get3A_2860 = vector.shape_cast %get3A_2859 : vector<1x256x128xf32> to vector<256x128xf32>
    %convert_element_type3A_2861 = arith.truncf %get3A_2860 : vector<256x128xf32> to vector<256x128xbf16>
    %get3A_2862 = arith.constant 384 : index
    %get3A_2863 = arith.constant 0 : index
    %get3A_2864 = vector.load %arg4[%get3A_2862, %get3A_2863] : memref<768x128xbf16, #tpu.memory_space<vmem>>, vector<128x128xbf16>
    %dot_general3A_2865 = arith.constant dense<0.000000e+00> : vector<256x128xf32>
    %dot_general3A_2866 = tpu.matmul %convert_element_type3A_2861, %get3A_2864, %dot_general3A_2865 {dimension_numbers = #tpu.dot_dimension_numbers<[1], [0], [0], [1], [0, 0, 1, 1], [], []>, transpose_lhs_hint = false} : vector<256x128xbf16>, vector<128x128xbf16>, vector<256x128xf32> -> vector<256x128xf32>
    %get3A_2867 = arith.constant 0 : index
    %get3A_2868 = arith.constant 896 : index
    %get3A_2869 = vector.load %arg9[%get3A_2867, %get3A_2868] : memref<256x4096xbf16, #tpu.memory_space<vmem>>, vector<256x128xbf16>
    %get3A_2870 = arith.constant 512 : index
    %get3A_2871 = arith.constant 0 : index
    %get3A_2872 = vector.load %arg4[%get3A_2870, %get3A_2871] : memref<768x128xbf16, #tpu.memory_space<vmem>>, vector<128x128xbf16>
    %dot_general3A_2873 = arith.constant dense<0.000000e+00> : vector<256x128xf32>
    %dot_general3A_2874 = tpu.matmul %get3A_2869, %get3A_2872, %dot_general3A_2873 {dimension_numbers = #tpu.dot_dimension_numbers<[1], [0], [0], [1], [0, 0, 1, 1], [], []>, transpose_lhs_hint = false} : vector<256x128xbf16>, vector<128x128xbf16>, vector<256x128xf32> -> vector<256x128xf32>
    %add3A_2875 = arith.addf %dot_general3A_2866, %dot_general3A_2874 : vector<256x128xf32>
    %get3A_2876 = arith.constant 0 : index
    %get3A_2877 = arith.constant 896 : index
    %get3A_2878 = vector.load %arg10[%get3A_2876, %get3A_2877] : memref<256x4096xbf16, #tpu.memory_space<vmem>>, vector<256x128xbf16>
    %get3A_2879 = arith.constant 640 : index
    %get3A_2880 = arith.constant 0 : index
    %get3A_2881 = vector.load %arg4[%get3A_2879, %get3A_2880] : memref<768x128xbf16, #tpu.memory_space<vmem>>, vector<128x128xbf16>
    %dot_general3A_2882 = arith.constant dense<0.000000e+00> : vector<256x128xf32>
    %dot_general3A_2883 = tpu.matmul %get3A_2878, %get3A_2881, %dot_general3A_2882 {dimension_numbers = #tpu.dot_dimension_numbers<[1], [0], [0], [1], [0, 0, 1, 1], [], []>, transpose_lhs_hint = false} : vector<256x128xbf16>, vector<128x128xbf16>, vector<256x128xf32> -> vector<256x128xf32>
    %add3A_2884 = arith.addf %add3A_2875, %dot_general3A_2883 : vector<256x128xf32>
    %add3A_2885 = arith.addf %add3A_2884, %tile3A_2386 : vector<256x128xf32>
    %slice3A_2886 = vector.extract_strided_slice %add3A_2552 {offsets = [7, 0], sizes = [1, 128], strides = [1, 1]} : vector<32x128xf32> to vector<1x128xf32>
    %add3A_2887 = vector.broadcast %slice3A_2886 : vector<1x128xf32> to vector<256x128xf32>
    %add3A_2888 = arith.addf %add3A_2885, %add3A_2887 : vector<256x128xf32>
    %max3A_2889 = arith.constant 0.000000e+00 : f32
    %max3A_2890 = vector.broadcast %max3A_2889 : f32 to vector<256x128xf32>
    %max3A_2891 = arith.maximumf %add3A_2888, %max3A_2890 : vector<256x128xf32>
    %swap3A_2892 = arith.constant 0 : index
    %swap3A_2893 = arith.constant 0 : index
    %swap3A_2894 = arith.constant 896 : index
    %swap3A_2895 = vector.load %arg6[%swap3A_2892, %swap3A_2893, %swap3A_2894] : memref<1x256x4096xf32, #tpu.memory_space<vmem>>, vector<1x256x128xf32>
    %swap3A_2896 = vector.shape_cast %swap3A_2895 : vector<1x256x128xf32> to vector<256x128xf32>
    %swap3A_2897 = vector.shape_cast %max3A_2891 : vector<256x128xf32> to vector<1x256x128xf32>
    tpu.vector_store %arg6[%swap3A_2892, %swap3A_2893, %swap3A_2894], %swap3A_2897 {strides = array<i32>} : memref<1x256x4096xf32, #tpu.memory_space<vmem>>, vector<1x256x128xf32>,
    %add3A_2898 = arith.addf %add3A_2855, %max3A_2891 : vector<256x128xf32>
    %get3A_2899 = arith.constant 0 : index
    %get3A_2900 = arith.constant 0 : index
    %get3A_2901 = arith.constant 1024 : index
    %get3A_2902 = vector.load %arg1[%get3A_2899, %get3A_2900, %get3A_2901] : memref<1x256x4096xf32, #tpu.memory_space<vmem>>, vector<1x256x128xf32>
    %get3A_2903 = vector.shape_cast %get3A_2902 : vector<1x256x128xf32> to vector<256x128xf32>
    %convert_element_type3A_2904 = arith.truncf %get3A_2903 : vector<256x128xf32> to vector<256x128xbf16>
    %get3A_2905 = arith.constant 384 : index
    %get3A_2906 = arith.constant 0 : index
    %get3A_2907 = vector.load %arg4[%get3A_2905, %get3A_2906] : memref<768x128xbf16, #tpu.memory_space<vmem>>, vector<128x128xbf16>
    %dot_general3A_2908 = arith.constant dense<0.000000e+00> : vector<256x128xf32>
    %dot_general3A_2909 = tpu.matmul %convert_element_type3A_2904, %get3A_2907, %dot_general3A_2908 {dimension_numbers = #tpu.dot_dimension_numbers<[1], [0], [0], [1], [0, 0, 1, 1], [], []>, transpose_lhs_hint = false} : vector<256x128xbf16>, vector<128x128xbf16>, vector<256x128xf32> -> vector<256x128xf32>
    %get3A_2910 = arith.constant 0 : index
    %get3A_2911 = arith.constant 1024 : index
    %get3A_2912 = vector.load %arg9[%get3A_2910, %get3A_2911] : memref<256x4096xbf16, #tpu.memory_space<vmem>>, vector<256x128xbf16>
    %get3A_2913 = arith.constant 512 : index
    %get3A_2914 = arith.constant 0 : index
    %get3A_2915 = vector.load %arg4[%get3A_2913, %get3A_2914] : memref<768x128xbf16, #tpu.memory_space<vmem>>, vector<128x128xbf16>
    %dot_general3A_2916 = arith.constant dense<0.000000e+00> : vector<256x128xf32>
    %dot_general3A_2917 = tpu.matmul %get3A_2912, %get3A_2915, %dot_general3A_2916 {dimension_numbers = #tpu.dot_dimension_numbers<[1], [0], [0], [1], [0, 0, 1, 1], [], []>, transpose_lhs_hint = false} : vector<256x128xbf16>, vector<128x128xbf16>, vector<256x128xf32> -> vector<256x128xf32>
    %add3A_2918 = arith.addf %dot_general3A_2909, %dot_general3A_2917 : vector<256x128xf32>
    %get3A_2919 = arith.constant 0 : index
    %get3A_2920 = arith.constant 1024 : index
    %get3A_2921 = vector.load %arg10[%get3A_2919, %get3A_2920] : memref<256x4096xbf16, #tpu.memory_space<vmem>>, vector<256x128xbf16>
    %get3A_2922 = arith.constant 640 : index
    %get3A_2923 = arith.constant 0 : index
    %get3A_2924 = vector.load %arg4[%get3A_2922, %get3A_2923] : memref<768x128xbf16, #tpu.memory_space<vmem>>, vector<128x128xbf16>
    %dot_general3A_2925 = arith.constant dense<0.000000e+00> : vector<256x128xf32>
    %dot_general3A_2926 = tpu.matmul %get3A_2921, %get3A_2924, %dot_general3A_2925 {dimension_numbers = #tpu.dot_dimension_numbers<[1], [0], [0], [1], [0, 0, 1, 1], [], []>, transpose_lhs_hint = false} : vector<256x128xbf16>, vector<128x128xbf16>, vector<256x128xf32> -> vector<256x128xf32>
    %add3A_2927 = arith.addf %add3A_2918, %dot_general3A_2926 : vector<256x128xf32>
    %add3A_2928 = arith.addf %add3A_2927, %tile3A_2386 : vector<256x128xf32>
    %slice3A_2929 = vector.extract_strided_slice %add3A_2552 {offsets = [8, 0], sizes = [1, 128], strides = [1, 1]} : vector<32x128xf32> to vector<1x128xf32>
    %add3A_2930 = vector.broadcast %slice3A_2929 : vector<1x128xf32> to vector<256x128xf32>
    %add3A_2931 = arith.addf %add3A_2928, %add3A_2930 : vector<256x128xf32>
    %max3A_2932 = arith.constant 0.000000e+00 : f32
    %max3A_2933 = vector.broadcast %max3A_2932 : f32 to vector<256x128xf32>
    %max3A_2934 = arith.maximumf %add3A_2931, %max3A_2933 : vector<256x128xf32>
    %swap3A_2935 = arith.constant 0 : index
    %swap3A_2936 = arith.constant 0 : index
    %swap3A_2937 = arith.constant 1024 : index
    %swap3A_2938 = vector.load %arg6[%swap3A_2935, %swap3A_2936, %swap3A_2937] : memref<1x256x4096xf32, #tpu.memory_space<vmem>>, vector<1x256x128xf32>
    %swap3A_2939 = vector.shape_cast %swap3A_2938 : vector<1x256x128xf32> to vector<256x128xf32>
    %swap3A_2940 = vector.shape_cast %max3A_2934 : vector<256x128xf32> to vector<1x256x128xf32>
    tpu.vector_store %arg6[%swap3A_2935, %swap3A_2936, %swap3A_2937], %swap3A_2940 {strides = array<i32>} : memref<1x256x4096xf32, #tpu.memory_space<vmem>>, vector<1x256x128xf32>,
    %add3A_2941 = arith.addf %add3A_2898, %max3A_2934 : vector<256x128xf32>
    %get3A_2942 = arith.constant 0 : index
    %get3A_2943 = arith.constant 0 : index
    %get3A_2944 = arith.constant 1152 : index
    %get3A_2945 = vector.load %arg1[%get3A_2942, %get3A_2943, %get3A_2944] : memref<1x256x4096xf32, #tpu.memory_space<vmem>>, vector<1x256x128xf32>
    %get3A_2946 = vector.shape_cast %get3A_2945 : vector<1x256x128xf32> to vector<256x128xf32>
    %convert_element_type3A_2947 = arith.truncf %get3A_2946 : vector<256x128xf32> to vector<256x128xbf16>
    %get3A_2948 = arith.constant 384 : index
    %get3A_2949 = arith.constant 0 : index
    %get3A_2950 = vector.load %arg4[%get3A_2948, %get3A_2949] : memref<768x128xbf16, #tpu.memory_space<vmem>>, vector<128x128xbf16>
    %dot_general3A_2951 = arith.constant dense<0.000000e+00> : vector<256x128xf32>
    %dot_general3A_2952 = tpu.matmul %convert_element_type3A_2947, %get3A_2950, %dot_general3A_2951 {dimension_numbers = #tpu.dot_dimension_numbers<[1], [0], [0], [1], [0, 0, 1, 1], [], []>, transpose_lhs_hint = false} : vector<256x128xbf16>, vector<128x128xbf16>, vector<256x128xf32> -> vector<256x128xf32>
    %get3A_2953 = arith.constant 0 : index
    %get3A_2954 = arith.constant 1152 : index
    %get3A_2955 = vector.load %arg9[%get3A_2953, %get3A_2954] : memref<256x4096xbf16, #tpu.memory_space<vmem>>, vector<256x128xbf16>
    %get3A_2956 = arith.constant 512 : index
    %get3A_2957 = arith.constant 0 : index
    %get3A_2958 = vector.load %arg4[%get3A_2956, %get3A_2957] : memref<768x128xbf16, #tpu.memory_space<vmem>>, vector<128x128xbf16>
    %dot_general3A_2959 = arith.constant dense<0.000000e+00> : vector<256x128xf32>
    %dot_general3A_2960 = tpu.matmul %get3A_2955, %get3A_2958, %dot_general3A_2959 {dimension_numbers = #tpu.dot_dimension_numbers<[1], [0], [0], [1], [0, 0, 1, 1], [], []>, transpose_lhs_hint = false} : vector<256x128xbf16>, vector<128x128xbf16>, vector<256x128xf32> -> vector<256x128xf32>
    %add3A_2961 = arith.addf %dot_general3A_2952, %dot_general3A_2960 : vector<256x128xf32>
    %get3A_2962 = arith.constant 0 : index
    %get3A_2963 = arith.constant 1152 : index
    %get3A_2964 = vector.load %arg10[%get3A_2962, %get3A_2963] : memref<256x4096xbf16, #tpu.memory_space<vmem>>, vector<256x128xbf16>
    %get3A_2965 = arith.constant 640 : index
    %get3A_2966 = arith.constant 0 : index
    %get3A_2967 = vector.load %arg4[%get3A_2965, %get3A_2966] : memref<768x128xbf16, #tpu.memory_space<vmem>>, vector<128x128xbf16>
    %dot_general3A_2968 = arith.constant dense<0.000000e+00> : vector<256x128xf32>
    %dot_general3A_2969 = tpu.matmul %get3A_2964, %get3A_2967, %dot_general3A_2968 {dimension_numbers = #tpu.dot_dimension_numbers<[1], [0], [0], [1], [0, 0, 1, 1], [], []>, transpose_lhs_hint = false} : vector<256x128xbf16>, vector<128x128xbf16>, vector<256x128xf32> -> vector<256x128xf32>
    %add3A_2970 = arith.addf %add3A_2961, %dot_general3A_2969 : vector<256x128xf32>
    %add3A_2971 = arith.addf %add3A_2970, %tile3A_2386 : vector<256x128xf32>
    %slice3A_2972 = vector.extract_strided_slice %add3A_2552 {offsets = [9, 0], sizes = [1, 128], strides = [1, 1]} : vector<32x128xf32> to vector<1x128xf32>
    %add3A_2973 = vector.broadcast %slice3A_2972 : vector<1x128xf32> to vector<256x128xf32>
    %add3A_2974 = arith.addf %add3A_2971, %add3A_2973 : vector<256x128xf32>
    %max3A_2975 = arith.constant 0.000000e+00 : f32
    %max3A_2976 = vector.broadcast %max3A_2975 : f32 to vector<256x128xf32>
    %max3A_2977 = arith.maximumf %add3A_2974, %max3A_2976 : vector<256x128xf32>
    %swap3A_2978 = arith.constant 0 : index
    %swap3A_2979 = arith.constant 0 : index
    %swap3A_2980 = arith.constant 1152 : index
    %swap3A_2981 = vector.load %arg6[%swap3A_2978, %swap3A_2979, %swap3A_2980] : memref<1x256x4096xf32, #tpu.memory_space<vmem>>, vector<1x256x128xf32>
    %swap3A_2982 = vector.shape_cast %swap3A_2981 : vector<1x256x128xf32> to vector<256x128xf32>
    %swap3A_2983 = vector.shape_cast %max3A_2977 : vector<256x128xf32> to vector<1x256x128xf32>
    tpu.vector_store %arg6[%swap3A_2978, %swap3A_2979, %swap3A_2980], %swap3A_2983 {strides = array<i32>} : memref<1x256x4096xf32, #tpu.memory_space<vmem>>, vector<1x256x128xf32>,
    %add3A_2984 = arith.addf %add3A_2941, %max3A_2977 : vector<256x128xf32>
    %get3A_2985 = arith.constant 0 : index
    %get3A_2986 = arith.constant 0 : index
    %get3A_2987 = arith.constant 1280 : index
    %get3A_2988 = vector.load %arg1[%get3A_2985, %get3A_2986, %get3A_2987] : memref<1x256x4096xf32, #tpu.memory_space<vmem>>, vector<1x256x128xf32>
    %get3A_2989 = vector.shape_cast %get3A_2988 : vector<1x256x128xf32> to vector<256x128xf32>
    %convert_element_type3A_2990 = arith.truncf %get3A_2989 : vector<256x128xf32> to vector<256x128xbf16>
    %get3A_2991 = arith.constant 384 : index
    %get3A_2992 = arith.constant 0 : index
    %get3A_2993 = vector.load %arg4[%get3A_2991, %get3A_2992] : memref<768x128xbf16, #tpu.memory_space<vmem>>, vector<128x128xbf16>
    %dot_general3A_2994 = arith.constant dense<0.000000e+00> : vector<256x128xf32>
    %dot_general3A_2995 = tpu.matmul %convert_element_type3A_2990, %get3A_2993, %dot_general3A_2994 {dimension_numbers = #tpu.dot_dimension_numbers<[1], [0], [0], [1], [0, 0, 1, 1], [], []>, transpose_lhs_hint = false} : vector<256x128xbf16>, vector<128x128xbf16>, vector<256x128xf32> -> vector<256x128xf32>
    %get3A_2996 = arith.constant 0 : index
    %get3A_2997 = arith.constant 1280 : index
    %get3A_2998 = vector.load %arg9[%get3A_2996, %get3A_2997] : memref<256x4096xbf16, #tpu.memory_space<vmem>>, vector<256x128xbf16>
    %get3A_2999 = arith.constant 512 : index
    %get3A_3000 = arith.constant 0 : index
    %get3A_3001 = vector.load %arg4[%get3A_2999, %get3A_3000] : memref<768x128xbf16, #tpu.memory_space<vmem>>, vector<128x128xbf16>
    %dot_general3A_3002 = arith.constant dense<0.000000e+00> : vector<256x128xf32>
    %dot_general3A_3003 = tpu.matmul %get3A_2998, %get3A_3001, %dot_general3A_3002 {dimension_numbers = #tpu.dot_dimension_numbers<[1], [0], [0], [1], [0, 0, 1, 1], [], []>, transpose_lhs_hint = false} : vector<256x128xbf16>, vector<128x128xbf16>, vector<256x128xf32> -> vector<256x128xf32>
    %add3A_3004 = arith.addf %dot_general3A_2995, %dot_general3A_3003 : vector<256x128xf32>
    %get3A_3005 = arith.constant 0 : index
    %get3A_3006 = arith.constant 1280 : index
    %get3A_3007 = vector.load %arg10[%get3A_3005, %get3A_3006] : memref<256x4096xbf16, #tpu.memory_space<vmem>>, vector<256x128xbf16>
    %get3A_3008 = arith.constant 640 : index
    %get3A_3009 = arith.constant 0 : index
    %get3A_3010 = vector.load %arg4[%get3A_3008, %get3A_3009] : memref<768x128xbf16, #tpu.memory_space<vmem>>, vector<128x128xbf16>
    %dot_general3A_3011 = arith.constant dense<0.000000e+00> : vector<256x128xf32>
    %dot_general3A_3012 = tpu.matmul %get3A_3007, %get3A_3010, %dot_general3A_3011 {dimension_numbers = #tpu.dot_dimension_numbers<[1], [0], [0], [1], [0, 0, 1, 1], [], []>, transpose_lhs_hint = false} : vector<256x128xbf16>, vector<128x128xbf16>, vector<256x128xf32> -> vector<256x128xf32>
    %add3A_3013 = arith.addf %add3A_3004, %dot_general3A_3012 : vector<256x128xf32>
    %add3A_3014 = arith.addf %add3A_3013, %tile3A_2386 : vector<256x128xf32>
    %slice3A_3015 = vector.extract_strided_slice %add3A_2552 {offsets = [10, 0], sizes = [1, 128], strides = [1, 1]} : vector<32x128xf32> to vector<1x128xf32>
    %add3A_3016 = vector.broadcast %slice3A_3015 : vector<1x128xf32> to vector<256x128xf32>
    %add3A_3017 = arith.addf %add3A_3014, %add3A_3016 : vector<256x128xf32>
    %max3A_3018 = arith.constant 0.000000e+00 : f32
    %max3A_3019 = vector.broadcast %max3A_3018 : f32 to vector<256x128xf32>
    %max3A_3020 = arith.maximumf %add3A_3017, %max3A_3019 : vector<256x128xf32>
    %swap3A_3021 = arith.constant 0 : index
    %swap3A_3022 = arith.constant 0 : index
    %swap3A_3023 = arith.constant 1280 : index
    %swap3A_3024 = vector.load %arg6[%swap3A_3021, %swap3A_3022, %swap3A_3023] : memref<1x256x4096xf32, #tpu.memory_space<vmem>>, vector<1x256x128xf32>
    %swap3A_3025 = vector.shape_cast %swap3A_3024 : vector<1x256x128xf32> to vector<256x128xf32>
    %swap3A_3026 = vector.shape_cast %max3A_3020 : vector<256x128xf32> to vector<1x256x128xf32>
    tpu.vector_store %arg6[%swap3A_3021, %swap3A_3022, %swap3A_3023], %swap3A_3026 {strides = array<i32>} : memref<1x256x4096xf32, #tpu.memory_space<vmem>>, vector<1x256x128xf32>,
    %add3A_3027 = arith.addf %add3A_2984, %max3A_3020 : vector<256x128xf32>
    %get3A_3028 = arith.constant 0 : index
    %get3A_3029 = arith.constant 0 : index
    %get3A_3030 = arith.constant 1408 : index
    %get3A_3031 = vector.load %arg1[%get3A_3028, %get3A_3029, %get3A_3030] : memref<1x256x4096xf32, #tpu.memory_space<vmem>>, vector<1x256x128xf32>
    %get3A_3032 = vector.shape_cast %get3A_3031 : vector<1x256x128xf32> to vector<256x128xf32>
    %convert_element_type3A_3033 = arith.truncf %get3A_3032 : vector<256x128xf32> to vector<256x128xbf16>
    %get3A_3034 = arith.constant 384 : index
    %get3A_3035 = arith.constant 0 : index
    %get3A_3036 = vector.load %arg4[%get3A_3034, %get3A_3035] : memref<768x128xbf16, #tpu.memory_space<vmem>>, vector<128x128xbf16>
    %dot_general3A_3037 = arith.constant dense<0.000000e+00> : vector<256x128xf32>
    %dot_general3A_3038 = tpu.matmul %convert_element_type3A_3033, %get3A_3036, %dot_general3A_3037 {dimension_numbers = #tpu.dot_dimension_numbers<[1], [0], [0], [1], [0, 0, 1, 1], [], []>, transpose_lhs_hint = false} : vector<256x128xbf16>, vector<128x128xbf16>, vector<256x128xf32> -> vector<256x128xf32>
    %get3A_3039 = arith.constant 0 : index
    %get3A_3040 = arith.constant 1408 : index
    %get3A_3041 = vector.load %arg9[%get3A_3039, %get3A_3040] : memref<256x4096xbf16, #tpu.memory_space<vmem>>, vector<256x128xbf16>
    %get3A_3042 = arith.constant 512 : index
    %get3A_3043 = arith.constant 0 : index
    %get3A_3044 = vector.load %arg4[%get3A_3042, %get3A_3043] : memref<768x128xbf16, #tpu.memory_space<vmem>>, vector<128x128xbf16>
    %dot_general3A_3045 = arith.constant dense<0.000000e+00> : vector<256x128xf32>
    %dot_general3A_3046 = tpu.matmul %get3A_3041, %get3A_3044, %dot_general3A_3045 {dimension_numbers = #tpu.dot_dimension_numbers<[1], [0], [0], [1], [0, 0, 1, 1], [], []>, transpose_lhs_hint = false} : vector<256x128xbf16>, vector<128x128xbf16>, vector<256x128xf32> -> vector<256x128xf32>
    %add3A_3047 = arith.addf %dot_general3A_3038, %dot_general3A_3046 : vector<256x128xf32>
    %get3A_3048 = arith.constant 0 : index
    %get3A_3049 = arith.constant 1408 : index
    %get3A_3050 = vector.load %arg10[%get3A_3048, %get3A_3049] : memref<256x4096xbf16, #tpu.memory_space<vmem>>, vector<256x128xbf16>
    %get3A_3051 = arith.constant 640 : index
    %get3A_3052 = arith.constant 0 : index
    %get3A_3053 = vector.load %arg4[%get3A_3051, %get3A_3052] : memref<768x128xbf16, #tpu.memory_space<vmem>>, vector<128x128xbf16>
    %dot_general3A_3054 = arith.constant dense<0.000000e+00> : vector<256x128xf32>
    %dot_general3A_3055 = tpu.matmul %get3A_3050, %get3A_3053, %dot_general3A_3054 {dimension_numbers = #tpu.dot_dimension_numbers<[1], [0], [0], [1], [0, 0, 1, 1], [], []>, transpose_lhs_hint = false} : vector<256x128xbf16>, vector<128x128xbf16>, vector<256x128xf32> -> vector<256x128xf32>
    %add3A_3056 = arith.addf %add3A_3047, %dot_general3A_3055 : vector<256x128xf32>
    %add3A_3057 = arith.addf %add3A_3056, %tile3A_2386 : vector<256x128xf32>
    %slice3A_3058 = vector.extract_strided_slice %add3A_2552 {offsets = [11, 0], sizes = [1, 128], strides = [1, 1]} : vector<32x128xf32> to vector<1x128xf32>
    %add3A_3059 = vector.broadcast %slice3A_3058 : vector<1x128xf32> to vector<256x128xf32>
    %add3A_3060 = arith.addf %add3A_3057, %add3A_3059 : vector<256x128xf32>
    %max3A_3061 = arith.constant 0.000000e+00 : f32
    %max3A_3062 = vector.broadcast %max3A_3061 : f32 to vector<256x128xf32>
    %max3A_3063 = arith.maximumf %add3A_3060, %max3A_3062 : vector<256x128xf32>
    %swap3A_3064 = arith.constant 0 : index
    %swap3A_3065 = arith.constant 0 : index
    %swap3A_3066 = arith.constant 1408 : index
    %swap3A_3067 = vector.load %arg6[%swap3A_3064, %swap3A_3065, %swap3A_3066] : memref<1x256x4096xf32, #tpu.memory_space<vmem>>, vector<1x256x128xf32>
    %swap3A_3068 = vector.shape_cast %swap3A_3067 : vector<1x256x128xf32> to vector<256x128xf32>
    %swap3A_3069 = vector.shape_cast %max3A_3063 : vector<256x128xf32> to vector<1x256x128xf32>
    tpu.vector_store %arg6[%swap3A_3064, %swap3A_3065, %swap3A_3066], %swap3A_3069 {strides = array<i32>} : memref<1x256x4096xf32, #tpu.memory_space<vmem>>, vector<1x256x128xf32>,
    %add3A_3070 = arith.addf %add3A_3027, %max3A_3063 : vector<256x128xf32>
    %get3A_3071 = arith.constant 0 : index
    %get3A_3072 = arith.constant 0 : index
    %get3A_3073 = arith.constant 1536 : index
    %get3A_3074 = vector.load %arg1[%get3A_3071, %get3A_3072, %get3A_3073] : memref<1x256x4096xf32, #tpu.memory_space<vmem>>, vector<1x256x128xf32>
    %get3A_3075 = vector.shape_cast %get3A_3074 : vector<1x256x128xf32> to vector<256x128xf32>
    %convert_element_type3A_3076 = arith.truncf %get3A_3075 : vector<256x128xf32> to vector<256x128xbf16>
    %get3A_3077 = arith.constant 384 : index
    %get3A_3078 = arith.constant 0 : index
    %get3A_3079 = vector.load %arg4[%get3A_3077, %get3A_3078] : memref<768x128xbf16, #tpu.memory_space<vmem>>, vector<128x128xbf16>
    %dot_general3A_3080 = arith.constant dense<0.000000e+00> : vector<256x128xf32>
    %dot_general3A_3081 = tpu.matmul %convert_element_type3A_3076, %get3A_3079, %dot_general3A_3080 {dimension_numbers = #tpu.dot_dimension_numbers<[1], [0], [0], [1], [0, 0, 1, 1], [], []>, transpose_lhs_hint = false} : vector<256x128xbf16>, vector<128x128xbf16>, vector<256x128xf32> -> vector<256x128xf32>
    %get3A_3082 = arith.constant 0 : index
    %get3A_3083 = arith.constant 1536 : index
    %get3A_3084 = vector.load %arg9[%get3A_3082, %get3A_3083] : memref<256x4096xbf16, #tpu.memory_space<vmem>>, vector<256x128xbf16>
    %get3A_3085 = arith.constant 512 : index
    %get3A_3086 = arith.constant 0 : index
    %get3A_3087 = vector.load %arg4[%get3A_3085, %get3A_3086] : memref<768x128xbf16, #tpu.memory_space<vmem>>, vector<128x128xbf16>
    %dot_general3A_3088 = arith.constant dense<0.000000e+00> : vector<256x128xf32>
    %dot_general3A_3089 = tpu.matmul %get3A_3084, %get3A_3087, %dot_general3A_3088 {dimension_numbers = #tpu.dot_dimension_numbers<[1], [0], [0], [1], [0, 0, 1, 1], [], []>, transpose_lhs_hint = false} : vector<256x128xbf16>, vector<128x128xbf16>, vector<256x128xf32> -> vector<256x128xf32>
    %add3A_3090 = arith.addf %dot_general3A_3081, %dot_general3A_3089 : vector<256x128xf32>
    %get3A_3091 = arith.constant 0 : index
    %get3A_3092 = arith.constant 1536 : index
    %get3A_3093 = vector.load %arg10[%get3A_3091, %get3A_3092] : memref<256x4096xbf16, #tpu.memory_space<vmem>>, vector<256x128xbf16>
    %get3A_3094 = arith.constant 640 : index
    %get3A_3095 = arith.constant 0 : index
    %get3A_3096 = vector.load %arg4[%get3A_3094, %get3A_3095] : memref<768x128xbf16, #tpu.memory_space<vmem>>, vector<128x128xbf16>
    %dot_general3A_3097 = arith.constant dense<0.000000e+00> : vector<256x128xf32>
    %dot_general3A_3098 = tpu.matmul %get3A_3093, %get3A_3096, %dot_general3A_3097 {dimension_numbers = #tpu.dot_dimension_numbers<[1], [0], [0], [1], [0, 0, 1, 1], [], []>, transpose_lhs_hint = false} : vector<256x128xbf16>, vector<128x128xbf16>, vector<256x128xf32> -> vector<256x128xf32>
    %add3A_3099 = arith.addf %add3A_3090, %dot_general3A_3098 : vector<256x128xf32>
    %add3A_3100 = arith.addf %add3A_3099, %tile3A_2386 : vector<256x128xf32>
    %slice3A_3101 = vector.extract_strided_slice %add3A_2552 {offsets = [12, 0], sizes = [1, 128], strides = [1, 1]} : vector<32x128xf32> to vector<1x128xf32>
    %add3A_3102 = vector.broadcast %slice3A_3101 : vector<1x128xf32> to vector<256x128xf32>
    %add3A_3103 = arith.addf %add3A_3100, %add3A_3102 : vector<256x128xf32>
    %max3A_3104 = arith.constant 0.000000e+00 : f32
    %max3A_3105 = vector.broadcast %max3A_3104 : f32 to vector<256x128xf32>
    %max3A_3106 = arith.maximumf %add3A_3103, %max3A_3105 : vector<256x128xf32>
    %swap3A_3107 = arith.constant 0 : index
    %swap3A_3108 = arith.constant 0 : index
    %swap3A_3109 = arith.constant 1536 : index
    %swap3A_3110 = vector.load %arg6[%swap3A_3107, %swap3A_3108, %swap3A_3109] : memref<1x256x4096xf32, #tpu.memory_space<vmem>>, vector<1x256x128xf32>
    %swap3A_3111 = vector.shape_cast %swap3A_3110 : vector<1x256x128xf32> to vector<256x128xf32>
    %swap3A_3112 = vector.shape_cast %max3A_3106 : vector<256x128xf32> to vector<1x256x128xf32>
    tpu.vector_store %arg6[%swap3A_3107, %swap3A_3108, %swap3A_3109], %swap3A_3112 {strides = array<i32>} : memref<1x256x4096xf32, #tpu.memory_space<vmem>>, vector<1x256x128xf32>,
    %add3A_3113 = arith.addf %add3A_3070, %max3A_3106 : vector<256x128xf32>
    %get3A_3114 = arith.constant 0 : index
    %get3A_3115 = arith.constant 0 : index
    %get3A_3116 = arith.constant 1664 : index
    %get3A_3117 = vector.load %arg1[%get3A_3114, %get3A_3115, %get3A_3116] : memref<1x256x4096xf32, #tpu.memory_space<vmem>>, vector<1x256x128xf32>
    %get3A_3118 = vector.shape_cast %get3A_3117 : vector<1x256x128xf32> to vector<256x128xf32>
    %convert_element_type3A_3119 = arith.truncf %get3A_3118 : vector<256x128xf32> to vector<256x128xbf16>
    %get3A_3120 = arith.constant 384 : index
    %get3A_3121 = arith.constant 0 : index
    %get3A_3122 = vector.load %arg4[%get3A_3120, %get3A_3121] : memref<768x128xbf16, #tpu.memory_space<vmem>>, vector<128x128xbf16>
    %dot_general3A_3123 = arith.constant dense<0.000000e+00> : vector<256x128xf32>
    %dot_general3A_3124 = tpu.matmul %convert_element_type3A_3119, %get3A_3122, %dot_general3A_3123 {dimension_numbers = #tpu.dot_dimension_numbers<[1], [0], [0], [1], [0, 0, 1, 1], [], []>, transpose_lhs_hint = false} : vector<256x128xbf16>, vector<128x128xbf16>, vector<256x128xf32> -> vector<256x128xf32>
    %get3A_3125 = arith.constant 0 : index
    %get3A_3126 = arith.constant 1664 : index
    %get3A_3127 = vector.load %arg9[%get3A_3125, %get3A_3126] : memref<256x4096xbf16, #tpu.memory_space<vmem>>, vector<256x128xbf16>
    %get3A_3128 = arith.constant 512 : index
    %get3A_3129 = arith.constant 0 : index
    %get3A_3130 = vector.load %arg4[%get3A_3128, %get3A_3129] : memref<768x128xbf16, #tpu.memory_space<vmem>>, vector<128x128xbf16>
    %dot_general3A_3131 = arith.constant dense<0.000000e+00> : vector<256x128xf32>
    %dot_general3A_3132 = tpu.matmul %get3A_3127, %get3A_3130, %dot_general3A_3131 {dimension_numbers = #tpu.dot_dimension_numbers<[1], [0], [0], [1], [0, 0, 1, 1], [], []>, transpose_lhs_hint = false} : vector<256x128xbf16>, vector<128x128xbf16>, vector<256x128xf32> -> vector<256x128xf32>
    %add3A_3133 = arith.addf %dot_general3A_3124, %dot_general3A_3132 : vector<256x128xf32>
    %get3A_3134 = arith.constant 0 : index
    %get3A_3135 = arith.constant 1664 : index
    %get3A_3136 = vector.load %arg10[%get3A_3134, %get3A_3135] : memref<256x4096xbf16, #tpu.memory_space<vmem>>, vector<256x128xbf16>
    %get3A_3137 = arith.constant 640 : index
    %get3A_3138 = arith.constant 0 : index
    %get3A_3139 = vector.load %arg4[%get3A_3137, %get3A_3138] : memref<768x128xbf16, #tpu.memory_space<vmem>>, vector<128x128xbf16>
    %dot_general3A_3140 = arith.constant dense<0.000000e+00> : vector<256x128xf32>
    %dot_general3A_3141 = tpu.matmul %get3A_3136, %get3A_3139, %dot_general3A_3140 {dimension_numbers = #tpu.dot_dimension_numbers<[1], [0], [0], [1], [0, 0, 1, 1], [], []>, transpose_lhs_hint = false} : vector<256x128xbf16>, vector<128x128xbf16>, vector<256x128xf32> -> vector<256x128xf32>
    %add3A_3142 = arith.addf %add3A_3133, %dot_general3A_3141 : vector<256x128xf32>
    %add3A_3143 = arith.addf %add3A_3142, %tile3A_2386 : vector<256x128xf32>
    %slice3A_3144 = vector.extract_strided_slice %add3A_2552 {offsets = [13, 0], sizes = [1, 128], strides = [1, 1]} : vector<32x128xf32> to vector<1x128xf32>
    %add3A_3145 = vector.broadcast %slice3A_3144 : vector<1x128xf32> to vector<256x128xf32>
    %add3A_3146 = arith.addf %add3A_3143, %add3A_3145 : vector<256x128xf32>
    %max3A_3147 = arith.constant 0.000000e+00 : f32
    %max3A_3148 = vector.broadcast %max3A_3147 : f32 to vector<256x128xf32>
    %max3A_3149 = arith.maximumf %add3A_3146, %max3A_3148 : vector<256x128xf32>
    %swap3A_3150 = arith.constant 0 : index
    %swap3A_3151 = arith.constant 0 : index
    %swap3A_3152 = arith.constant 1664 : index
    %swap3A_3153 = vector.load %arg6[%swap3A_3150, %swap3A_3151, %swap3A_3152] : memref<1x256x4096xf32, #tpu.memory_space<vmem>>, vector<1x256x128xf32>
    %swap3A_3154 = vector.shape_cast %swap3A_3153 : vector<1x256x128xf32> to vector<256x128xf32>
    %swap3A_3155 = vector.shape_cast %max3A_3149 : vector<256x128xf32> to vector<1x256x128xf32>
    tpu.vector_store %arg6[%swap3A_3150, %swap3A_3151, %swap3A_3152], %swap3A_3155 {strides = array<i32>} : memref<1x256x4096xf32, #tpu.memory_space<vmem>>, vector<1x256x128xf32>,
    %add3A_3156 = arith.addf %add3A_3113, %max3A_3149 : vector<256x128xf32>
    %get3A_3157 = arith.constant 0 : index
    %get3A_3158 = arith.constant 0 : index
    %get3A_3159 = arith.constant 1792 : index
    %get3A_3160 = vector.load %arg1[%get3A_3157, %get3A_3158, %get3A_3159] : memref<1x256x4096xf32, #tpu.memory_space<vmem>>, vector<1x256x128xf32>
    %get3A_3161 = vector.shape_cast %get3A_3160 : vector<1x256x128xf32> to vector<256x128xf32>
    %convert_element_type3A_3162 = arith.truncf %get3A_3161 : vector<256x128xf32> to vector<256x128xbf16>
    %get3A_3163 = arith.constant 384 : index
    %get3A_3164 = arith.constant 0 : index
    %get3A_3165 = vector.load %arg4[%get3A_3163, %get3A_3164] : memref<768x128xbf16, #tpu.memory_space<vmem>>, vector<128x128xbf16>
    %dot_general3A_3166 = arith.constant dense<0.000000e+00> : vector<256x128xf32>
    %dot_general3A_3167 = tpu.matmul %convert_element_type3A_3162, %get3A_3165, %dot_general3A_3166 {dimension_numbers = #tpu.dot_dimension_numbers<[1], [0], [0], [1], [0, 0, 1, 1], [], []>, transpose_lhs_hint = false} : vector<256x128xbf16>, vector<128x128xbf16>, vector<256x128xf32> -> vector<256x128xf32>
    %get3A_3168 = arith.constant 0 : index
    %get3A_3169 = arith.constant 1792 : index
    %get3A_3170 = vector.load %arg9[%get3A_3168, %get3A_3169] : memref<256x4096xbf16, #tpu.memory_space<vmem>>, vector<256x128xbf16>
    %get3A_3171 = arith.constant 512 : index
    %get3A_3172 = arith.constant 0 : index
    %get3A_3173 = vector.load %arg4[%get3A_3171, %get3A_3172] : memref<768x128xbf16, #tpu.memory_space<vmem>>, vector<128x128xbf16>
    %dot_general3A_3174 = arith.constant dense<0.000000e+00> : vector<256x128xf32>
    %dot_general3A_3175 = tpu.matmul %get3A_3170, %get3A_3173, %dot_general3A_3174 {dimension_numbers = #tpu.dot_dimension_numbers<[1], [0], [0], [1], [0, 0, 1, 1], [], []>, transpose_lhs_hint = false} : vector<256x128xbf16>, vector<128x128xbf16>, vector<256x128xf32> -> vector<256x128xf32>
    %add3A_3176 = arith.addf %dot_general3A_3167, %dot_general3A_3175 : vector<256x128xf32>
    %get3A_3177 = arith.constant 0 : index
    %get3A_3178 = arith.constant 1792 : index
    %get3A_3179 = vector.load %arg10[%get3A_3177, %get3A_3178] : memref<256x4096xbf16, #tpu.memory_space<vmem>>, vector<256x128xbf16>
    %get3A_3180 = arith.constant 640 : index
    %get3A_3181 = arith.constant 0 : index
    %get3A_3182 = vector.load %arg4[%get3A_3180, %get3A_3181] : memref<768x128xbf16, #tpu.memory_space<vmem>>, vector<128x128xbf16>
    %dot_general3A_3183 = arith.constant dense<0.000000e+00> : vector<256x128xf32>
    %dot_general3A_3184 = tpu.matmul %get3A_3179, %get3A_3182, %dot_general3A_3183 {dimension_numbers = #tpu.dot_dimension_numbers<[1], [0], [0], [1], [0, 0, 1, 1], [], []>, transpose_lhs_hint = false} : vector<256x128xbf16>, vector<128x128xbf16>, vector<256x128xf32> -> vector<256x128xf32>
    %add3A_3185 = arith.addf %add3A_3176, %dot_general3A_3184 : vector<256x128xf32>
    %add3A_3186 = arith.addf %add3A_3185, %tile3A_2386 : vector<256x128xf32>
    %slice3A_3187 = vector.extract_strided_slice %add3A_2552 {offsets = [14, 0], sizes = [1, 128], strides = [1, 1]} : vector<32x128xf32> to vector<1x128xf32>
    %add3A_3188 = vector.broadcast %slice3A_3187 : vector<1x128xf32> to vector<256x128xf32>
    %add3A_3189 = arith.addf %add3A_3186, %add3A_3188 : vector<256x128xf32>
    %max3A_3190 = arith.constant 0.000000e+00 : f32
    %max3A_3191 = vector.broadcast %max3A_3190 : f32 to vector<256x128xf32>
    %max3A_3192 = arith.maximumf %add3A_3189, %max3A_3191 : vector<256x128xf32>
    %swap3A_3193 = arith.constant 0 : index
    %swap3A_3194 = arith.constant 0 : index
    %swap3A_3195 = arith.constant 1792 : index
    %swap3A_3196 = vector.load %arg6[%swap3A_3193, %swap3A_3194, %swap3A_3195] : memref<1x256x4096xf32, #tpu.memory_space<vmem>>, vector<1x256x128xf32>
    %swap3A_3197 = vector.shape_cast %swap3A_3196 : vector<1x256x128xf32> to vector<256x128xf32>
    %swap3A_3198 = vector.shape_cast %max3A_3192 : vector<256x128xf32> to vector<1x256x128xf32>
    tpu.vector_store %arg6[%swap3A_3193, %swap3A_3194, %swap3A_3195], %swap3A_3198 {strides = array<i32>} : memref<1x256x4096xf32, #tpu.memory_space<vmem>>, vector<1x256x128xf32>,
    %add3A_3199 = arith.addf %add3A_3156, %max3A_3192 : vector<256x128xf32>
    %get3A_3200 = arith.constant 0 : index
    %get3A_3201 = arith.constant 0 : index
    %get3A_3202 = arith.constant 1920 : index
    %get3A_3203 = vector.load %arg1[%get3A_3200, %get3A_3201, %get3A_3202] : memref<1x256x4096xf32, #tpu.memory_space<vmem>>, vector<1x256x128xf32>
    %get3A_3204 = vector.shape_cast %get3A_3203 : vector<1x256x128xf32> to vector<256x128xf32>
    %convert_element_type3A_3205 = arith.truncf %get3A_3204 : vector<256x128xf32> to vector<256x128xbf16>
    %get3A_3206 = arith.constant 384 : index
    %get3A_3207 = arith.constant 0 : index
    %get3A_3208 = vector.load %arg4[%get3A_3206, %get3A_3207] : memref<768x128xbf16, #tpu.memory_space<vmem>>, vector<128x128xbf16>
    %dot_general3A_3209 = arith.constant dense<0.000000e+00> : vector<256x128xf32>
    %dot_general3A_3210 = tpu.matmul %convert_element_type3A_3205, %get3A_3208, %dot_general3A_3209 {dimension_numbers = #tpu.dot_dimension_numbers<[1], [0], [0], [1], [0, 0, 1, 1], [], []>, transpose_lhs_hint = false} : vector<256x128xbf16>, vector<128x128xbf16>, vector<256x128xf32> -> vector<256x128xf32>
    %get3A_3211 = arith.constant 0 : index
    %get3A_3212 = arith.constant 1920 : index
    %get3A_3213 = vector.load %arg9[%get3A_3211, %get3A_3212] : memref<256x4096xbf16, #tpu.memory_space<vmem>>, vector<256x128xbf16>
    %get3A_3214 = arith.constant 512 : index
    %get3A_3215 = arith.constant 0 : index
    %get3A_3216 = vector.load %arg4[%get3A_3214, %get3A_3215] : memref<768x128xbf16, #tpu.memory_space<vmem>>, vector<128x128xbf16>
    %dot_general3A_3217 = arith.constant dense<0.000000e+00> : vector<256x128xf32>
    %dot_general3A_3218 = tpu.matmul %get3A_3213, %get3A_3216, %dot_general3A_3217 {dimension_numbers = #tpu.dot_dimension_numbers<[1], [0], [0], [1], [0, 0, 1, 1], [], []>, transpose_lhs_hint = false} : vector<256x128xbf16>, vector<128x128xbf16>, vector<256x128xf32> -> vector<256x128xf32>
    %add3A_3219 = arith.addf %dot_general3A_3210, %dot_general3A_3218 : vector<256x128xf32>
    %get3A_3220 = arith.constant 0 : index
    %get3A_3221 = arith.constant 1920 : index
    %get3A_3222 = vector.load %arg10[%get3A_3220, %get3A_3221] : memref<256x4096xbf16, #tpu.memory_space<vmem>>, vector<256x128xbf16>
    %get3A_3223 = arith.constant 640 : index
    %get3A_3224 = arith.constant 0 : index
    %get3A_3225 = vector.load %arg4[%get3A_3223, %get3A_3224] : memref<768x128xbf16, #tpu.memory_space<vmem>>, vector<128x128xbf16>
    %dot_general3A_3226 = arith.constant dense<0.000000e+00> : vector<256x128xf32>
    %dot_general3A_3227 = tpu.matmul %get3A_3222, %get3A_3225, %dot_general3A_3226 {dimension_numbers = #tpu.dot_dimension_numbers<[1], [0], [0], [1], [0, 0, 1, 1], [], []>, transpose_lhs_hint = false} : vector<256x128xbf16>, vector<128x128xbf16>, vector<256x128xf32> -> vector<256x128xf32>
    %add3A_3228 = arith.addf %add3A_3219, %dot_general3A_3227 : vector<256x128xf32>
    %add3A_3229 = arith.addf %add3A_3228, %tile3A_2386 : vector<256x128xf32>
    %slice3A_3230 = vector.extract_strided_slice %add3A_2552 {offsets = [15, 0], sizes = [1, 128], strides = [1, 1]} : vector<32x128xf32> to vector<1x128xf32>
    %add3A_3231 = vector.broadcast %slice3A_3230 : vector<1x128xf32> to vector<256x128xf32>
    %add3A_3232 = arith.addf %add3A_3229, %add3A_3231 : vector<256x128xf32>
    %max3A_3233 = arith.constant 0.000000e+00 : f32
    %max3A_3234 = vector.broadcast %max3A_3233 : f32 to vector<256x128xf32>
    %max3A_3235 = arith.maximumf %add3A_3232, %max3A_3234 : vector<256x128xf32>
    %swap3A_3236 = arith.constant 0 : index
    %swap3A_3237 = arith.constant 0 : index
    %swap3A_3238 = arith.constant 1920 : index
    %swap3A_3239 = vector.load %arg6[%swap3A_3236, %swap3A_3237, %swap3A_3238] : memref<1x256x4096xf32, #tpu.memory_space<vmem>>, vector<1x256x128xf32>
    %swap3A_3240 = vector.shape_cast %swap3A_3239 : vector<1x256x128xf32> to vector<256x128xf32>
    %swap3A_3241 = vector.shape_cast %max3A_3235 : vector<256x128xf32> to vector<1x256x128xf32>
    tpu.vector_store %arg6[%swap3A_3236, %swap3A_3237, %swap3A_3238], %swap3A_3241 {strides = array<i32>} : memref<1x256x4096xf32, #tpu.memory_space<vmem>>, vector<1x256x128xf32>,
    %add3A_3242 = arith.addf %add3A_3199, %max3A_3235 : vector<256x128xf32>
    %get3A_3243 = arith.constant 0 : index
    %get3A_3244 = arith.constant 0 : index
    %get3A_3245 = arith.constant 2048 : index
    %get3A_3246 = vector.load %arg1[%get3A_3243, %get3A_3244, %get3A_3245] : memref<1x256x4096xf32, #tpu.memory_space<vmem>>, vector<1x256x128xf32>
    %get3A_3247 = vector.shape_cast %get3A_3246 : vector<1x256x128xf32> to vector<256x128xf32>
    %convert_element_type3A_3248 = arith.truncf %get3A_3247 : vector<256x128xf32> to vector<256x128xbf16>
    %get3A_3249 = arith.constant 384 : index
    %get3A_3250 = arith.constant 0 : index
    %get3A_3251 = vector.load %arg4[%get3A_3249, %get3A_3250] : memref<768x128xbf16, #tpu.memory_space<vmem>>, vector<128x128xbf16>
    %dot_general3A_3252 = arith.constant dense<0.000000e+00> : vector<256x128xf32>
    %dot_general3A_3253 = tpu.matmul %convert_element_type3A_3248, %get3A_3251, %dot_general3A_3252 {dimension_numbers = #tpu.dot_dimension_numbers<[1], [0], [0], [1], [0, 0, 1, 1], [], []>, transpose_lhs_hint = false} : vector<256x128xbf16>, vector<128x128xbf16>, vector<256x128xf32> -> vector<256x128xf32>
    %get3A_3254 = arith.constant 0 : index
    %get3A_3255 = arith.constant 2048 : index
    %get3A_3256 = vector.load %arg9[%get3A_3254, %get3A_3255] : memref<256x4096xbf16, #tpu.memory_space<vmem>>, vector<256x128xbf16>
    %get3A_3257 = arith.constant 512 : index
    %get3A_3258 = arith.constant 0 : index
    %get3A_3259 = vector.load %arg4[%get3A_3257, %get3A_3258] : memref<768x128xbf16, #tpu.memory_space<vmem>>, vector<128x128xbf16>
    %dot_general3A_3260 = arith.constant dense<0.000000e+00> : vector<256x128xf32>
    %dot_general3A_3261 = tpu.matmul %get3A_3256, %get3A_3259, %dot_general3A_3260 {dimension_numbers = #tpu.dot_dimension_numbers<[1], [0], [0], [1], [0, 0, 1, 1], [], []>, transpose_lhs_hint = false} : vector<256x128xbf16>, vector<128x128xbf16>, vector<256x128xf32> -> vector<256x128xf32>
    %add3A_3262 = arith.addf %dot_general3A_3253, %dot_general3A_3261 : vector<256x128xf32>
    %get3A_3263 = arith.constant 0 : index
    %get3A_3264 = arith.constant 2048 : index
    %get3A_3265 = vector.load %arg10[%get3A_3263, %get3A_3264] : memref<256x4096xbf16, #tpu.memory_space<vmem>>, vector<256x128xbf16>
    %get3A_3266 = arith.constant 640 : index
    %get3A_3267 = arith.constant 0 : index
    %get3A_3268 = vector.load %arg4[%get3A_3266, %get3A_3267] : memref<768x128xbf16, #tpu.memory_space<vmem>>, vector<128x128xbf16>
    %dot_general3A_3269 = arith.constant dense<0.000000e+00> : vector<256x128xf32>
    %dot_general3A_3270 = tpu.matmul %get3A_3265, %get3A_3268, %dot_general3A_3269 {dimension_numbers = #tpu.dot_dimension_numbers<[1], [0], [0], [1], [0, 0, 1, 1], [], []>, transpose_lhs_hint = false} : vector<256x128xbf16>, vector<128x128xbf16>, vector<256x128xf32> -> vector<256x128xf32>
    %add3A_3271 = arith.addf %add3A_3262, %dot_general3A_3270 : vector<256x128xf32>
    %add3A_3272 = arith.addf %add3A_3271, %tile3A_2386 : vector<256x128xf32>
    %slice3A_3273 = vector.extract_strided_slice %add3A_2552 {offsets = [16, 0], sizes = [1, 128], strides = [1, 1]} : vector<32x128xf32> to vector<1x128xf32>
    %add3A_3274 = vector.broadcast %slice3A_3273 : vector<1x128xf32> to vector<256x128xf32>
    %add3A_3275 = arith.addf %add3A_3272, %add3A_3274 : vector<256x128xf32>
    %max3A_3276 = arith.constant 0.000000e+00 : f32
    %max3A_3277 = vector.broadcast %max3A_3276 : f32 to vector<256x128xf32>
    %max3A_3278 = arith.maximumf %add3A_3275, %max3A_3277 : vector<256x128xf32>
    %swap3A_3279 = arith.constant 0 : index
    %swap3A_3280 = arith.constant 0 : index
    %swap3A_3281 = arith.constant 2048 : index
    %swap3A_3282 = vector.load %arg6[%swap3A_3279, %swap3A_3280, %swap3A_3281] : memref<1x256x4096xf32, #tpu.memory_space<vmem>>, vector<1x256x128xf32>
    %swap3A_3283 = vector.shape_cast %swap3A_3282 : vector<1x256x128xf32> to vector<256x128xf32>
    %swap3A_3284 = vector.shape_cast %max3A_3278 : vector<256x128xf32> to vector<1x256x128xf32>
    tpu.vector_store %arg6[%swap3A_3279, %swap3A_3280, %swap3A_3281], %swap3A_3284 {strides = array<i32>} : memref<1x256x4096xf32, #tpu.memory_space<vmem>>, vector<1x256x128xf32>,
    %add3A_3285 = arith.addf %add3A_3242, %max3A_3278 : vector<256x128xf32>
    %get3A_3286 = arith.constant 0 : index
    %get3A_3287 = arith.constant 0 : index
    %get3A_3288 = arith.constant 2176 : index
    %get3A_3289 = vector.load %arg1[%get3A_3286, %get3A_3287, %get3A_3288] : memref<1x256x4096xf32, #tpu.memory_space<vmem>>, vector<1x256x128xf32>
    %get3A_3290 = vector.shape_cast %get3A_3289 : vector<1x256x128xf32> to vector<256x128xf32>
    %convert_element_type3A_3291 = arith.truncf %get3A_3290 : vector<256x128xf32> to vector<256x128xbf16>
    %get3A_3292 = arith.constant 384 : index
    %get3A_3293 = arith.constant 0 : index
    %get3A_3294 = vector.load %arg4[%get3A_3292, %get3A_3293] : memref<768x128xbf16, #tpu.memory_space<vmem>>, vector<128x128xbf16>
    %dot_general3A_3295 = arith.constant dense<0.000000e+00> : vector<256x128xf32>
    %dot_general3A_3296 = tpu.matmul %convert_element_type3A_3291, %get3A_3294, %dot_general3A_3295 {dimension_numbers = #tpu.dot_dimension_numbers<[1], [0], [0], [1], [0, 0, 1, 1], [], []>, transpose_lhs_hint = false} : vector<256x128xbf16>, vector<128x128xbf16>, vector<256x128xf32> -> vector<256x128xf32>
    %get3A_3297 = arith.constant 0 : index
    %get3A_3298 = arith.constant 2176 : index
    %get3A_3299 = vector.load %arg9[%get3A_3297, %get3A_3298] : memref<256x4096xbf16, #tpu.memory_space<vmem>>, vector<256x128xbf16>
    %get3A_3300 = arith.constant 512 : index
    %get3A_3301 = arith.constant 0 : index
    %get3A_3302 = vector.load %arg4[%get3A_3300, %get3A_3301] : memref<768x128xbf16, #tpu.memory_space<vmem>>, vector<128x128xbf16>
    %dot_general3A_3303 = arith.constant dense<0.000000e+00> : vector<256x128xf32>
    %dot_general3A_3304 = tpu.matmul %get3A_3299, %get3A_3302, %dot_general3A_3303 {dimension_numbers = #tpu.dot_dimension_numbers<[1], [0], [0], [1], [0, 0, 1, 1], [], []>, transpose_lhs_hint = false} : vector<256x128xbf16>, vector<128x128xbf16>, vector<256x128xf32> -> vector<256x128xf32>
    %add3A_3305 = arith.addf %dot_general3A_3296, %dot_general3A_3304 : vector<256x128xf32>
    %get3A_3306 = arith.constant 0 : index
    %get3A_3307 = arith.constant 2176 : index
    %get3A_3308 = vector.load %arg10[%get3A_3306, %get3A_3307] : memref<256x4096xbf16, #tpu.memory_space<vmem>>, vector<256x128xbf16>
    %get3A_3309 = arith.constant 640 : index
    %get3A_3310 = arith.constant 0 : index
    %get3A_3311 = vector.load %arg4[%get3A_3309, %get3A_3310] : memref<768x128xbf16, #tpu.memory_space<vmem>>, vector<128x128xbf16>
    %dot_general3A_3312 = arith.constant dense<0.000000e+00> : vector<256x128xf32>
    %dot_general3A_3313 = tpu.matmul %get3A_3308, %get3A_3311, %dot_general3A_3312 {dimension_numbers = #tpu.dot_dimension_numbers<[1], [0], [0], [1], [0, 0, 1, 1], [], []>, transpose_lhs_hint = false} : vector<256x128xbf16>, vector<128x128xbf16>, vector<256x128xf32> -> vector<256x128xf32>
    %add3A_3314 = arith.addf %add3A_3305, %dot_general3A_3313 : vector<256x128xf32>
    %add3A_3315 = arith.addf %add3A_3314, %tile3A_2386 : vector<256x128xf32>
    %slice3A_3316 = vector.extract_strided_slice %add3A_2552 {offsets = [17, 0], sizes = [1, 128], strides = [1, 1]} : vector<32x128xf32> to vector<1x128xf32>
    %add3A_3317 = vector.broadcast %slice3A_3316 : vector<1x128xf32> to vector<256x128xf32>
    %add3A_3318 = arith.addf %add3A_3315, %add3A_3317 : vector<256x128xf32>
    %max3A_3319 = arith.constant 0.000000e+00 : f32
    %max3A_3320 = vector.broadcast %max3A_3319 : f32 to vector<256x128xf32>
    %max3A_3321 = arith.maximumf %add3A_3318, %max3A_3320 : vector<256x128xf32>
    %swap3A_3322 = arith.constant 0 : index
    %swap3A_3323 = arith.constant 0 : index
    %swap3A_3324 = arith.constant 2176 : index
    %swap3A_3325 = vector.load %arg6[%swap3A_3322, %swap3A_3323, %swap3A_3324] : memref<1x256x4096xf32, #tpu.memory_space<vmem>>, vector<1x256x128xf32>
    %swap3A_3326 = vector.shape_cast %swap3A_3325 : vector<1x256x128xf32> to vector<256x128xf32>
    %swap3A_3327 = vector.shape_cast %max3A_3321 : vector<256x128xf32> to vector<1x256x128xf32>
    tpu.vector_store %arg6[%swap3A_3322, %swap3A_3323, %swap3A_3324], %swap3A_3327 {strides = array<i32>} : memref<1x256x4096xf32, #tpu.memory_space<vmem>>, vector<1x256x128xf32>,
    %add3A_3328 = arith.addf %add3A_3285, %max3A_3321 : vector<256x128xf32>
    %get3A_3329 = arith.constant 0 : index
    %get3A_3330 = arith.constant 0 : index
    %get3A_3331 = arith.constant 2304 : index
    %get3A_3332 = vector.load %arg1[%get3A_3329, %get3A_3330, %get3A_3331] : memref<1x256x4096xf32, #tpu.memory_space<vmem>>, vector<1x256x128xf32>
    %get3A_3333 = vector.shape_cast %get3A_3332 : vector<1x256x128xf32> to vector<256x128xf32>
    %convert_element_type3A_3334 = arith.truncf %get3A_3333 : vector<256x128xf32> to vector<256x128xbf16>
    %get3A_3335 = arith.constant 384 : index
    %get3A_3336 = arith.constant 0 : index
    %get3A_3337 = vector.load %arg4[%get3A_3335, %get3A_3336] : memref<768x128xbf16, #tpu.memory_space<vmem>>, vector<128x128xbf16>
    %dot_general3A_3338 = arith.constant dense<0.000000e+00> : vector<256x128xf32>
    %dot_general3A_3339 = tpu.matmul %convert_element_type3A_3334, %get3A_3337, %dot_general3A_3338 {dimension_numbers = #tpu.dot_dimension_numbers<[1], [0], [0], [1], [0, 0, 1, 1], [], []>, transpose_lhs_hint = false} : vector<256x128xbf16>, vector<128x128xbf16>, vector<256x128xf32> -> vector<256x128xf32>
    %get3A_3340 = arith.constant 0 : index
    %get3A_3341 = arith.constant 2304 : index
    %get3A_3342 = vector.load %arg9[%get3A_3340, %get3A_3341] : memref<256x4096xbf16, #tpu.memory_space<vmem>>, vector<256x128xbf16>
    %get3A_3343 = arith.constant 512 : index
    %get3A_3344 = arith.constant 0 : index
    %get3A_3345 = vector.load %arg4[%get3A_3343, %get3A_3344] : memref<768x128xbf16, #tpu.memory_space<vmem>>, vector<128x128xbf16>
    %dot_general3A_3346 = arith.constant dense<0.000000e+00> : vector<256x128xf32>
    %dot_general3A_3347 = tpu.matmul %get3A_3342, %get3A_3345, %dot_general3A_3346 {dimension_numbers = #tpu.dot_dimension_numbers<[1], [0], [0], [1], [0, 0, 1, 1], [], []>, transpose_lhs_hint = false} : vector<256x128xbf16>, vector<128x128xbf16>, vector<256x128xf32> -> vector<256x128xf32>
    %add3A_3348 = arith.addf %dot_general3A_3339, %dot_general3A_3347 : vector<256x128xf32>
    %get3A_3349 = arith.constant 0 : index
    %get3A_3350 = arith.constant 2304 : index
    %get3A_3351 = vector.load %arg10[%get3A_3349, %get3A_3350] : memref<256x4096xbf16, #tpu.memory_space<vmem>>, vector<256x128xbf16>
    %get3A_3352 = arith.constant 640 : index
    %get3A_3353 = arith.constant 0 : index
    %get3A_3354 = vector.load %arg4[%get3A_3352, %get3A_3353] : memref<768x128xbf16, #tpu.memory_space<vmem>>, vector<128x128xbf16>
    %dot_general3A_3355 = arith.constant dense<0.000000e+00> : vector<256x128xf32>
    %dot_general3A_3356 = tpu.matmul %get3A_3351, %get3A_3354, %dot_general3A_3355 {dimension_numbers = #tpu.dot_dimension_numbers<[1], [0], [0], [1], [0, 0, 1, 1], [], []>, transpose_lhs_hint = false} : vector<256x128xbf16>, vector<128x128xbf16>, vector<256x128xf32> -> vector<256x128xf32>
    %add3A_3357 = arith.addf %add3A_3348, %dot_general3A_3356 : vector<256x128xf32>
    %add3A_3358 = arith.addf %add3A_3357, %tile3A_2386 : vector<256x128xf32>
    %slice3A_3359 = vector.extract_strided_slice %add3A_2552 {offsets = [18, 0], sizes = [1, 128], strides = [1, 1]} : vector<32x128xf32> to vector<1x128xf32>
    %add3A_3360 = vector.broadcast %slice3A_3359 : vector<1x128xf32> to vector<256x128xf32>
    %add3A_3361 = arith.addf %add3A_3358, %add3A_3360 : vector<256x128xf32>
    %max3A_3362 = arith.constant 0.000000e+00 : f32
    %max3A_3363 = vector.broadcast %max3A_3362 : f32 to vector<256x128xf32>
    %max3A_3364 = arith.maximumf %add3A_3361, %max3A_3363 : vector<256x128xf32>
    %swap3A_3365 = arith.constant 0 : index
    %swap3A_3366 = arith.constant 0 : index
    %swap3A_3367 = arith.constant 2304 : index
    %swap3A_3368 = vector.load %arg6[%swap3A_3365, %swap3A_3366, %swap3A_3367] : memref<1x256x4096xf32, #tpu.memory_space<vmem>>, vector<1x256x128xf32>
    %swap3A_3369 = vector.shape_cast %swap3A_3368 : vector<1x256x128xf32> to vector<256x128xf32>
    %swap3A_3370 = vector.shape_cast %max3A_3364 : vector<256x128xf32> to vector<1x256x128xf32>
    tpu.vector_store %arg6[%swap3A_3365, %swap3A_3366, %swap3A_3367], %swap3A_3370 {strides = array<i32>} : memref<1x256x4096xf32, #tpu.memory_space<vmem>>, vector<1x256x128xf32>,
    %add3A_3371 = arith.addf %add3A_3328, %max3A_3364 : vector<256x128xf32>
    %get3A_3372 = arith.constant 0 : index
    %get3A_3373 = arith.constant 0 : index
    %get3A_3374 = arith.constant 2432 : index
    %get3A_3375 = vector.load %arg1[%get3A_3372, %get3A_3373, %get3A_3374] : memref<1x256x4096xf32, #tpu.memory_space<vmem>>, vector<1x256x128xf32>
    %get3A_3376 = vector.shape_cast %get3A_3375 : vector<1x256x128xf32> to vector<256x128xf32>
    %convert_element_type3A_3377 = arith.truncf %get3A_3376 : vector<256x128xf32> to vector<256x128xbf16>
    %get3A_3378 = arith.constant 384 : index
    %get3A_3379 = arith.constant 0 : index
    %get3A_3380 = vector.load %arg4[%get3A_3378, %get3A_3379] : memref<768x128xbf16, #tpu.memory_space<vmem>>, vector<128x128xbf16>
    %dot_general3A_3381 = arith.constant dense<0.000000e+00> : vector<256x128xf32>
    %dot_general3A_3382 = tpu.matmul %convert_element_type3A_3377, %get3A_3380, %dot_general3A_3381 {dimension_numbers = #tpu.dot_dimension_numbers<[1], [0], [0], [1], [0, 0, 1, 1], [], []>, transpose_lhs_hint = false} : vector<256x128xbf16>, vector<128x128xbf16>, vector<256x128xf32> -> vector<256x128xf32>
    %get3A_3383 = arith.constant 0 : index
    %get3A_3384 = arith.constant 2432 : index
    %get3A_3385 = vector.load %arg9[%get3A_3383, %get3A_3384] : memref<256x4096xbf16, #tpu.memory_space<vmem>>, vector<256x128xbf16>
    %get3A_3386 = arith.constant 512 : index
    %get3A_3387 = arith.constant 0 : index
    %get3A_3388 = vector.load %arg4[%get3A_3386, %get3A_3387] : memref<768x128xbf16, #tpu.memory_space<vmem>>, vector<128x128xbf16>
    %dot_general3A_3389 = arith.constant dense<0.000000e+00> : vector<256x128xf32>
    %dot_general3A_3390 = tpu.matmul %get3A_3385, %get3A_3388, %dot_general3A_3389 {dimension_numbers = #tpu.dot_dimension_numbers<[1], [0], [0], [1], [0, 0, 1, 1], [], []>, transpose_lhs_hint = false} : vector<256x128xbf16>, vector<128x128xbf16>, vector<256x128xf32> -> vector<256x128xf32>
    %add3A_3391 = arith.addf %dot_general3A_3382, %dot_general3A_3390 : vector<256x128xf32>
    %get3A_3392 = arith.constant 0 : index
    %get3A_3393 = arith.constant 2432 : index
    %get3A_3394 = vector.load %arg10[%get3A_3392, %get3A_3393] : memref<256x4096xbf16, #tpu.memory_space<vmem>>, vector<256x128xbf16>
    %get3A_3395 = arith.constant 640 : index
    %get3A_3396 = arith.constant 0 : index
    %get3A_3397 = vector.load %arg4[%get3A_3395, %get3A_3396] : memref<768x128xbf16, #tpu.memory_space<vmem>>, vector<128x128xbf16>
    %dot_general3A_3398 = arith.constant dense<0.000000e+00> : vector<256x128xf32>
    %dot_general3A_3399 = tpu.matmul %get3A_3394, %get3A_3397, %dot_general3A_3398 {dimension_numbers = #tpu.dot_dimension_numbers<[1], [0], [0], [1], [0, 0, 1, 1], [], []>, transpose_lhs_hint = false} : vector<256x128xbf16>, vector<128x128xbf16>, vector<256x128xf32> -> vector<256x128xf32>
    %add3A_3400 = arith.addf %add3A_3391, %dot_general3A_3399 : vector<256x128xf32>
    %add3A_3401 = arith.addf %add3A_3400, %tile3A_2386 : vector<256x128xf32>
    %slice3A_3402 = vector.extract_strided_slice %add3A_2552 {offsets = [19, 0], sizes = [1, 128], strides = [1, 1]} : vector<32x128xf32> to vector<1x128xf32>
    %add3A_3403 = vector.broadcast %slice3A_3402 : vector<1x128xf32> to vector<256x128xf32>
    %add3A_3404 = arith.addf %add3A_3401, %add3A_3403 : vector<256x128xf32>
    %max3A_3405 = arith.constant 0.000000e+00 : f32
    %max3A_3406 = vector.broadcast %max3A_3405 : f32 to vector<256x128xf32>
    %max3A_3407 = arith.maximumf %add3A_3404, %max3A_3406 : vector<256x128xf32>
    %swap3A_3408 = arith.constant 0 : index
    %swap3A_3409 = arith.constant 0 : index
    %swap3A_3410 = arith.constant 2432 : index
    %swap3A_3411 = vector.load %arg6[%swap3A_3408, %swap3A_3409, %swap3A_3410] : memref<1x256x4096xf32, #tpu.memory_space<vmem>>, vector<1x256x128xf32>
    %swap3A_3412 = vector.shape_cast %swap3A_3411 : vector<1x256x128xf32> to vector<256x128xf32>
    %swap3A_3413 = vector.shape_cast %max3A_3407 : vector<256x128xf32> to vector<1x256x128xf32>
    tpu.vector_store %arg6[%swap3A_3408, %swap3A_3409, %swap3A_3410], %swap3A_3413 {strides = array<i32>} : memref<1x256x4096xf32, #tpu.memory_space<vmem>>, vector<1x256x128xf32>,
    %add3A_3414 = arith.addf %add3A_3371, %max3A_3407 : vector<256x128xf32>
    %get3A_3415 = arith.constant 0 : index
    %get3A_3416 = arith.constant 0 : index
    %get3A_3417 = arith.constant 2560 : index
    %get3A_3418 = vector.load %arg1[%get3A_3415, %get3A_3416, %get3A_3417] : memref<1x256x4096xf32, #tpu.memory_space<vmem>>, vector<1x256x128xf32>
    %get3A_3419 = vector.shape_cast %get3A_3418 : vector<1x256x128xf32> to vector<256x128xf32>
    %convert_element_type3A_3420 = arith.truncf %get3A_3419 : vector<256x128xf32> to vector<256x128xbf16>
    %get3A_3421 = arith.constant 384 : index
    %get3A_3422 = arith.constant 0 : index
    %get3A_3423 = vector.load %arg4[%get3A_3421, %get3A_3422] : memref<768x128xbf16, #tpu.memory_space<vmem>>, vector<128x128xbf16>
    %dot_general3A_3424 = arith.constant dense<0.000000e+00> : vector<256x128xf32>
    %dot_general3A_3425 = tpu.matmul %convert_element_type3A_3420, %get3A_3423, %dot_general3A_3424 {dimension_numbers = #tpu.dot_dimension_numbers<[1], [0], [0], [1], [0, 0, 1, 1], [], []>, transpose_lhs_hint = false} : vector<256x128xbf16>, vector<128x128xbf16>, vector<256x128xf32> -> vector<256x128xf32>
    %get3A_3426 = arith.constant 0 : index
    %get3A_3427 = arith.constant 2560 : index
    %get3A_3428 = vector.load %arg9[%get3A_3426, %get3A_3427] : memref<256x4096xbf16, #tpu.memory_space<vmem>>, vector<256x128xbf16>
    %get3A_3429 = arith.constant 512 : index
    %get3A_3430 = arith.constant 0 : index
    %get3A_3431 = vector.load %arg4[%get3A_3429, %get3A_3430] : memref<768x128xbf16, #tpu.memory_space<vmem>>, vector<128x128xbf16>
    %dot_general3A_3432 = arith.constant dense<0.000000e+00> : vector<256x128xf32>
    %dot_general3A_3433 = tpu.matmul %get3A_3428, %get3A_3431, %dot_general3A_3432 {dimension_numbers = #tpu.dot_dimension_numbers<[1], [0], [0], [1], [0, 0, 1, 1], [], []>, transpose_lhs_hint = false} : vector<256x128xbf16>, vector<128x128xbf16>, vector<256x128xf32> -> vector<256x128xf32>
    %add3A_3434 = arith.addf %dot_general3A_3425, %dot_general3A_3433 : vector<256x128xf32>
    %get3A_3435 = arith.constant 0 : index
    %get3A_3436 = arith.constant 2560 : index
    %get3A_3437 = vector.load %arg10[%get3A_3435, %get3A_3436] : memref<256x4096xbf16, #tpu.memory_space<vmem>>, vector<256x128xbf16>
    %get3A_3438 = arith.constant 640 : index
    %get3A_3439 = arith.constant 0 : index
    %get3A_3440 = vector.load %arg4[%get3A_3438, %get3A_3439] : memref<768x128xbf16, #tpu.memory_space<vmem>>, vector<128x128xbf16>
    %dot_general3A_3441 = arith.constant dense<0.000000e+00> : vector<256x128xf32>
    %dot_general3A_3442 = tpu.matmul %get3A_3437, %get3A_3440, %dot_general3A_3441 {dimension_numbers = #tpu.dot_dimension_numbers<[1], [0], [0], [1], [0, 0, 1, 1], [], []>, transpose_lhs_hint = false} : vector<256x128xbf16>, vector<128x128xbf16>, vector<256x128xf32> -> vector<256x128xf32>
    %add3A_3443 = arith.addf %add3A_3434, %dot_general3A_3442 : vector<256x128xf32>
    %add3A_3444 = arith.addf %add3A_3443, %tile3A_2386 : vector<256x128xf32>
    %slice3A_3445 = vector.extract_strided_slice %add3A_2552 {offsets = [20, 0], sizes = [1, 128], strides = [1, 1]} : vector<32x128xf32> to vector<1x128xf32>
    %add3A_3446 = vector.broadcast %slice3A_3445 : vector<1x128xf32> to vector<256x128xf32>
    %add3A_3447 = arith.addf %add3A_3444, %add3A_3446 : vector<256x128xf32>
    %max3A_3448 = arith.constant 0.000000e+00 : f32
    %max3A_3449 = vector.broadcast %max3A_3448 : f32 to vector<256x128xf32>
    %max3A_3450 = arith.maximumf %add3A_3447, %max3A_3449 : vector<256x128xf32>
    %swap3A_3451 = arith.constant 0 : index
    %swap3A_3452 = arith.constant 0 : index
    %swap3A_3453 = arith.constant 2560 : index
    %swap3A_3454 = vector.load %arg6[%swap3A_3451, %swap3A_3452, %swap3A_3453] : memref<1x256x4096xf32, #tpu.memory_space<vmem>>, vector<1x256x128xf32>
    %swap3A_3455 = vector.shape_cast %swap3A_3454 : vector<1x256x128xf32> to vector<256x128xf32>
    %swap3A_3456 = vector.shape_cast %max3A_3450 : vector<256x128xf32> to vector<1x256x128xf32>
    tpu.vector_store %arg6[%swap3A_3451, %swap3A_3452, %swap3A_3453], %swap3A_3456 {strides = array<i32>} : memref<1x256x4096xf32, #tpu.memory_space<vmem>>, vector<1x256x128xf32>,
    %add3A_3457 = arith.addf %add3A_3414, %max3A_3450 : vector<256x128xf32>
    %get3A_3458 = arith.constant 0 : index
    %get3A_3459 = arith.constant 0 : index
    %get3A_3460 = arith.constant 2688 : index
    %get3A_3461 = vector.load %arg1[%get3A_3458, %get3A_3459, %get3A_3460] : memref<1x256x4096xf32, #tpu.memory_space<vmem>>, vector<1x256x128xf32>
    %get3A_3462 = vector.shape_cast %get3A_3461 : vector<1x256x128xf32> to vector<256x128xf32>
    %convert_element_type3A_3463 = arith.truncf %get3A_3462 : vector<256x128xf32> to vector<256x128xbf16>
    %get3A_3464 = arith.constant 384 : index
    %get3A_3465 = arith.constant 0 : index
    %get3A_3466 = vector.load %arg4[%get3A_3464, %get3A_3465] : memref<768x128xbf16, #tpu.memory_space<vmem>>, vector<128x128xbf16>
    %dot_general3A_3467 = arith.constant dense<0.000000e+00> : vector<256x128xf32>
    %dot_general3A_3468 = tpu.matmul %convert_element_type3A_3463, %get3A_3466, %dot_general3A_3467 {dimension_numbers = #tpu.dot_dimension_numbers<[1], [0], [0], [1], [0, 0, 1, 1], [], []>, transpose_lhs_hint = false} : vector<256x128xbf16>, vector<128x128xbf16>, vector<256x128xf32> -> vector<256x128xf32>
    %get3A_3469 = arith.constant 0 : index
    %get3A_3470 = arith.constant 2688 : index
    %get3A_3471 = vector.load %arg9[%get3A_3469, %get3A_3470] : memref<256x4096xbf16, #tpu.memory_space<vmem>>, vector<256x128xbf16>
    %get3A_3472 = arith.constant 512 : index
    %get3A_3473 = arith.constant 0 : index
    %get3A_3474 = vector.load %arg4[%get3A_3472, %get3A_3473] : memref<768x128xbf16, #tpu.memory_space<vmem>>, vector<128x128xbf16>
    %dot_general3A_3475 = arith.constant dense<0.000000e+00> : vector<256x128xf32>
    %dot_general3A_3476 = tpu.matmul %get3A_3471, %get3A_3474, %dot_general3A_3475 {dimension_numbers = #tpu.dot_dimension_numbers<[1], [0], [0], [1], [0, 0, 1, 1], [], []>, transpose_lhs_hint = false} : vector<256x128xbf16>, vector<128x128xbf16>, vector<256x128xf32> -> vector<256x128xf32>
    %add3A_3477 = arith.addf %dot_general3A_3468, %dot_general3A_3476 : vector<256x128xf32>
    %get3A_3478 = arith.constant 0 : index
    %get3A_3479 = arith.constant 2688 : index
    %get3A_3480 = vector.load %arg10[%get3A_3478, %get3A_3479] : memref<256x4096xbf16, #tpu.memory_space<vmem>>, vector<256x128xbf16>
    %get3A_3481 = arith.constant 640 : index
    %get3A_3482 = arith.constant 0 : index
    %get3A_3483 = vector.load %arg4[%get3A_3481, %get3A_3482] : memref<768x128xbf16, #tpu.memory_space<vmem>>, vector<128x128xbf16>
    %dot_general3A_3484 = arith.constant dense<0.000000e+00> : vector<256x128xf32>
    %dot_general3A_3485 = tpu.matmul %get3A_3480, %get3A_3483, %dot_general3A_3484 {dimension_numbers = #tpu.dot_dimension_numbers<[1], [0], [0], [1], [0, 0, 1, 1], [], []>, transpose_lhs_hint = false} : vector<256x128xbf16>, vector<128x128xbf16>, vector<256x128xf32> -> vector<256x128xf32>
    %add3A_3486 = arith.addf %add3A_3477, %dot_general3A_3485 : vector<256x128xf32>
    %add3A_3487 = arith.addf %add3A_3486, %tile3A_2386 : vector<256x128xf32>
    %slice3A_3488 = vector.extract_strided_slice %add3A_2552 {offsets = [21, 0], sizes = [1, 128], strides = [1, 1]} : vector<32x128xf32> to vector<1x128xf32>
    %add3A_3489 = vector.broadcast %slice3A_3488 : vector<1x128xf32> to vector<256x128xf32>
    %add3A_3490 = arith.addf %add3A_3487, %add3A_3489 : vector<256x128xf32>
    %max3A_3491 = arith.constant 0.000000e+00 : f32
    %max3A_3492 = vector.broadcast %max3A_3491 : f32 to vector<256x128xf32>
    %max3A_3493 = arith.maximumf %add3A_3490, %max3A_3492 : vector<256x128xf32>
    %swap3A_3494 = arith.constant 0 : index
    %swap3A_3495 = arith.constant 0 : index
    %swap3A_3496 = arith.constant 2688 : index
    %swap3A_3497 = vector.load %arg6[%swap3A_3494, %swap3A_3495, %swap3A_3496] : memref<1x256x4096xf32, #tpu.memory_space<vmem>>, vector<1x256x128xf32>
    %swap3A_3498 = vector.shape_cast %swap3A_3497 : vector<1x256x128xf32> to vector<256x128xf32>
    %swap3A_3499 = vector.shape_cast %max3A_3493 : vector<256x128xf32> to vector<1x256x128xf32>
    tpu.vector_store %arg6[%swap3A_3494, %swap3A_3495, %swap3A_3496], %swap3A_3499 {strides = array<i32>} : memref<1x256x4096xf32, #tpu.memory_space<vmem>>, vector<1x256x128xf32>,
    %add3A_3500 = arith.addf %add3A_3457, %max3A_3493 : vector<256x128xf32>
    %get3A_3501 = arith.constant 0 : index
    %get3A_3502 = arith.constant 0 : index
    %get3A_3503 = arith.constant 2816 : index
    %get3A_3504 = vector.load %arg1[%get3A_3501, %get3A_3502, %get3A_3503] : memref<1x256x4096xf32, #tpu.memory_space<vmem>>, vector<1x256x128xf32>
    %get3A_3505 = vector.shape_cast %get3A_3504 : vector<1x256x128xf32> to vector<256x128xf32>
    %convert_element_type3A_3506 = arith.truncf %get3A_3505 : vector<256x128xf32> to vector<256x128xbf16>
    %get3A_3507 = arith.constant 384 : index
    %get3A_3508 = arith.constant 0 : index
    %get3A_3509 = vector.load %arg4[%get3A_3507, %get3A_3508] : memref<768x128xbf16, #tpu.memory_space<vmem>>, vector<128x128xbf16>
    %dot_general3A_3510 = arith.constant dense<0.000000e+00> : vector<256x128xf32>
    %dot_general3A_3511 = tpu.matmul %convert_element_type3A_3506, %get3A_3509, %dot_general3A_3510 {dimension_numbers = #tpu.dot_dimension_numbers<[1], [0], [0], [1], [0, 0, 1, 1], [], []>, transpose_lhs_hint = false} : vector<256x128xbf16>, vector<128x128xbf16>, vector<256x128xf32> -> vector<256x128xf32>
    %get3A_3512 = arith.constant 0 : index
    %get3A_3513 = arith.constant 2816 : index
    %get3A_3514 = vector.load %arg9[%get3A_3512, %get3A_3513] : memref<256x4096xbf16, #tpu.memory_space<vmem>>, vector<256x128xbf16>
    %get3A_3515 = arith.constant 512 : index
    %get3A_3516 = arith.constant 0 : index
    %get3A_3517 = vector.load %arg4[%get3A_3515, %get3A_3516] : memref<768x128xbf16, #tpu.memory_space<vmem>>, vector<128x128xbf16>
    %dot_general3A_3518 = arith.constant dense<0.000000e+00> : vector<256x128xf32>
    %dot_general3A_3519 = tpu.matmul %get3A_3514, %get3A_3517, %dot_general3A_3518 {dimension_numbers = #tpu.dot_dimension_numbers<[1], [0], [0], [1], [0, 0, 1, 1], [], []>, transpose_lhs_hint = false} : vector<256x128xbf16>, vector<128x128xbf16>, vector<256x128xf32> -> vector<256x128xf32>
    %add3A_3520 = arith.addf %dot_general3A_3511, %dot_general3A_3519 : vector<256x128xf32>
    %get3A_3521 = arith.constant 0 : index
    %get3A_3522 = arith.constant 2816 : index
    %get3A_3523 = vector.load %arg10[%get3A_3521, %get3A_3522] : memref<256x4096xbf16, #tpu.memory_space<vmem>>, vector<256x128xbf16>
    %get3A_3524 = arith.constant 640 : index
    %get3A_3525 = arith.constant 0 : index
    %get3A_3526 = vector.load %arg4[%get3A_3524, %get3A_3525] : memref<768x128xbf16, #tpu.memory_space<vmem>>, vector<128x128xbf16>
    %dot_general3A_3527 = arith.constant dense<0.000000e+00> : vector<256x128xf32>
    %dot_general3A_3528 = tpu.matmul %get3A_3523, %get3A_3526, %dot_general3A_3527 {dimension_numbers = #tpu.dot_dimension_numbers<[1], [0], [0], [1], [0, 0, 1, 1], [], []>, transpose_lhs_hint = false} : vector<256x128xbf16>, vector<128x128xbf16>, vector<256x128xf32> -> vector<256x128xf32>
    %add3A_3529 = arith.addf %add3A_3520, %dot_general3A_3528 : vector<256x128xf32>
    %add3A_3530 = arith.addf %add3A_3529, %tile3A_2386 : vector<256x128xf32>
    %slice3A_3531 = vector.extract_strided_slice %add3A_2552 {offsets = [22, 0], sizes = [1, 128], strides = [1, 1]} : vector<32x128xf32> to vector<1x128xf32>
    %add3A_3532 = vector.broadcast %slice3A_3531 : vector<1x128xf32> to vector<256x128xf32>
    %add3A_3533 = arith.addf %add3A_3530, %add3A_3532 : vector<256x128xf32>
    %max3A_3534 = arith.constant 0.000000e+00 : f32
    %max3A_3535 = vector.broadcast %max3A_3534 : f32 to vector<256x128xf32>
    %max3A_3536 = arith.maximumf %add3A_3533, %max3A_3535 : vector<256x128xf32>
    %swap3A_3537 = arith.constant 0 : index
    %swap3A_3538 = arith.constant 0 : index
    %swap3A_3539 = arith.constant 2816 : index
    %swap3A_3540 = vector.load %arg6[%swap3A_3537, %swap3A_3538, %swap3A_3539] : memref<1x256x4096xf32, #tpu.memory_space<vmem>>, vector<1x256x128xf32>
    %swap3A_3541 = vector.shape_cast %swap3A_3540 : vector<1x256x128xf32> to vector<256x128xf32>
    %swap3A_3542 = vector.shape_cast %max3A_3536 : vector<256x128xf32> to vector<1x256x128xf32>
    tpu.vector_store %arg6[%swap3A_3537, %swap3A_3538, %swap3A_3539], %swap3A_3542 {strides = array<i32>} : memref<1x256x4096xf32, #tpu.memory_space<vmem>>, vector<1x256x128xf32>,
    %add3A_3543 = arith.addf %add3A_3500, %max3A_3536 : vector<256x128xf32>
    %get3A_3544 = arith.constant 0 : index
    %get3A_3545 = arith.constant 0 : index
    %get3A_3546 = arith.constant 2944 : index
    %get3A_3547 = vector.load %arg1[%get3A_3544, %get3A_3545, %get3A_3546] : memref<1x256x4096xf32, #tpu.memory_space<vmem>>, vector<1x256x128xf32>
    %get3A_3548 = vector.shape_cast %get3A_3547 : vector<1x256x128xf32> to vector<256x128xf32>
    %convert_element_type3A_3549 = arith.truncf %get3A_3548 : vector<256x128xf32> to vector<256x128xbf16>
    %get3A_3550 = arith.constant 384 : index
    %get3A_3551 = arith.constant 0 : index
    %get3A_3552 = vector.load %arg4[%get3A_3550, %get3A_3551] : memref<768x128xbf16, #tpu.memory_space<vmem>>, vector<128x128xbf16>
    %dot_general3A_3553 = arith.constant dense<0.000000e+00> : vector<256x128xf32>
    %dot_general3A_3554 = tpu.matmul %convert_element_type3A_3549, %get3A_3552, %dot_general3A_3553 {dimension_numbers = #tpu.dot_dimension_numbers<[1], [0], [0], [1], [0, 0, 1, 1], [], []>, transpose_lhs_hint = false} : vector<256x128xbf16>, vector<128x128xbf16>, vector<256x128xf32> -> vector<256x128xf32>
    %get3A_3555 = arith.constant 0 : index
    %get3A_3556 = arith.constant 2944 : index
    %get3A_3557 = vector.load %arg9[%get3A_3555, %get3A_3556] : memref<256x4096xbf16, #tpu.memory_space<vmem>>, vector<256x128xbf16>
    %get3A_3558 = arith.constant 512 : index
    %get3A_3559 = arith.constant 0 : index
    %get3A_3560 = vector.load %arg4[%get3A_3558, %get3A_3559] : memref<768x128xbf16, #tpu.memory_space<vmem>>, vector<128x128xbf16>
    %dot_general3A_3561 = arith.constant dense<0.000000e+00> : vector<256x128xf32>
    %dot_general3A_3562 = tpu.matmul %get3A_3557, %get3A_3560, %dot_general3A_3561 {dimension_numbers = #tpu.dot_dimension_numbers<[1], [0], [0], [1], [0, 0, 1, 1], [], []>, transpose_lhs_hint = false} : vector<256x128xbf16>, vector<128x128xbf16>, vector<256x128xf32> -> vector<256x128xf32>
    %add3A_3563 = arith.addf %dot_general3A_3554, %dot_general3A_3562 : vector<256x128xf32>
    %get3A_3564 = arith.constant 0 : index
    %get3A_3565 = arith.constant 2944 : index
    %get3A_3566 = vector.load %arg10[%get3A_3564, %get3A_3565] : memref<256x4096xbf16, #tpu.memory_space<vmem>>, vector<256x128xbf16>
    %get3A_3567 = arith.constant 640 : index
    %get3A_3568 = arith.constant 0 : index
    %get3A_3569 = vector.load %arg4[%get3A_3567, %get3A_3568] : memref<768x128xbf16, #tpu.memory_space<vmem>>, vector<128x128xbf16>
    %dot_general3A_3570 = arith.constant dense<0.000000e+00> : vector<256x128xf32>
    %dot_general3A_3571 = tpu.matmul %get3A_3566, %get3A_3569, %dot_general3A_3570 {dimension_numbers = #tpu.dot_dimension_numbers<[1], [0], [0], [1], [0, 0, 1, 1], [], []>, transpose_lhs_hint = false} : vector<256x128xbf16>, vector<128x128xbf16>, vector<256x128xf32> -> vector<256x128xf32>
    %add3A_3572 = arith.addf %add3A_3563, %dot_general3A_3571 : vector<256x128xf32>
    %add3A_3573 = arith.addf %add3A_3572, %tile3A_2386 : vector<256x128xf32>
    %slice3A_3574 = vector.extract_strided_slice %add3A_2552 {offsets = [23, 0], sizes = [1, 128], strides = [1, 1]} : vector<32x128xf32> to vector<1x128xf32>
    %add3A_3575 = vector.broadcast %slice3A_3574 : vector<1x128xf32> to vector<256x128xf32>
    %add3A_3576 = arith.addf %add3A_3573, %add3A_3575 : vector<256x128xf32>
    %max3A_3577 = arith.constant 0.000000e+00 : f32
    %max3A_3578 = vector.broadcast %max3A_3577 : f32 to vector<256x128xf32>
    %max3A_3579 = arith.maximumf %add3A_3576, %max3A_3578 : vector<256x128xf32>
    %swap3A_3580 = arith.constant 0 : index
    %swap3A_3581 = arith.constant 0 : index
    %swap3A_3582 = arith.constant 2944 : index
    %swap3A_3583 = vector.load %arg6[%swap3A_3580, %swap3A_3581, %swap3A_3582] : memref<1x256x4096xf32, #tpu.memory_space<vmem>>, vector<1x256x128xf32>
    %swap3A_3584 = vector.shape_cast %swap3A_3583 : vector<1x256x128xf32> to vector<256x128xf32>
    %swap3A_3585 = vector.shape_cast %max3A_3579 : vector<256x128xf32> to vector<1x256x128xf32>
    tpu.vector_store %arg6[%swap3A_3580, %swap3A_3581, %swap3A_3582], %swap3A_3585 {strides = array<i32>} : memref<1x256x4096xf32, #tpu.memory_space<vmem>>, vector<1x256x128xf32>,
    %add3A_3586 = arith.addf %add3A_3543, %max3A_3579 : vector<256x128xf32>
    %get3A_3587 = arith.constant 0 : index
    %get3A_3588 = arith.constant 0 : index
    %get3A_3589 = arith.constant 3072 : index
    %get3A_3590 = vector.load %arg1[%get3A_3587, %get3A_3588, %get3A_3589] : memref<1x256x4096xf32, #tpu.memory_space<vmem>>, vector<1x256x128xf32>
    %get3A_3591 = vector.shape_cast %get3A_3590 : vector<1x256x128xf32> to vector<256x128xf32>
    %convert_element_type3A_3592 = arith.truncf %get3A_3591 : vector<256x128xf32> to vector<256x128xbf16>
    %get3A_3593 = arith.constant 384 : index
    %get3A_3594 = arith.constant 0 : index
    %get3A_3595 = vector.load %arg4[%get3A_3593, %get3A_3594] : memref<768x128xbf16, #tpu.memory_space<vmem>>, vector<128x128xbf16>
    %dot_general3A_3596 = arith.constant dense<0.000000e+00> : vector<256x128xf32>
    %dot_general3A_3597 = tpu.matmul %convert_element_type3A_3592, %get3A_3595, %dot_general3A_3596 {dimension_numbers = #tpu.dot_dimension_numbers<[1], [0], [0], [1], [0, 0, 1, 1], [], []>, transpose_lhs_hint = false} : vector<256x128xbf16>, vector<128x128xbf16>, vector<256x128xf32> -> vector<256x128xf32>
    %get3A_3598 = arith.constant 0 : index
    %get3A_3599 = arith.constant 3072 : index
    %get3A_3600 = vector.load %arg9[%get3A_3598, %get3A_3599] : memref<256x4096xbf16, #tpu.memory_space<vmem>>, vector<256x128xbf16>
    %get3A_3601 = arith.constant 512 : index
    %get3A_3602 = arith.constant 0 : index
    %get3A_3603 = vector.load %arg4[%get3A_3601, %get3A_3602] : memref<768x128xbf16, #tpu.memory_space<vmem>>, vector<128x128xbf16>
    %dot_general3A_3604 = arith.constant dense<0.000000e+00> : vector<256x128xf32>
    %dot_general3A_3605 = tpu.matmul %get3A_3600, %get3A_3603, %dot_general3A_3604 {dimension_numbers = #tpu.dot_dimension_numbers<[1], [0], [0], [1], [0, 0, 1, 1], [], []>, transpose_lhs_hint = false} : vector<256x128xbf16>, vector<128x128xbf16>, vector<256x128xf32> -> vector<256x128xf32>
    %add3A_3606 = arith.addf %dot_general3A_3597, %dot_general3A_3605 : vector<256x128xf32>
    %get3A_3607 = arith.constant 0 : index
    %get3A_3608 = arith.constant 3072 : index
    %get3A_3609 = vector.load %arg10[%get3A_3607, %get3A_3608] : memref<256x4096xbf16, #tpu.memory_space<vmem>>, vector<256x128xbf16>
    %get3A_3610 = arith.constant 640 : index
    %get3A_3611 = arith.constant 0 : index
    %get3A_3612 = vector.load %arg4[%get3A_3610, %get3A_3611] : memref<768x128xbf16, #tpu.memory_space<vmem>>, vector<128x128xbf16>
    %dot_general3A_3613 = arith.constant dense<0.000000e+00> : vector<256x128xf32>
    %dot_general3A_3614 = tpu.matmul %get3A_3609, %get3A_3612, %dot_general3A_3613 {dimension_numbers = #tpu.dot_dimension_numbers<[1], [0], [0], [1], [0, 0, 1, 1], [], []>, transpose_lhs_hint = false} : vector<256x128xbf16>, vector<128x128xbf16>, vector<256x128xf32> -> vector<256x128xf32>
    %add3A_3615 = arith.addf %add3A_3606, %dot_general3A_3614 : vector<256x128xf32>
    %add3A_3616 = arith.addf %add3A_3615, %tile3A_2386 : vector<256x128xf32>
    %slice3A_3617 = vector.extract_strided_slice %add3A_2552 {offsets = [24, 0], sizes = [1, 128], strides = [1, 1]} : vector<32x128xf32> to vector<1x128xf32>
    %add3A_3618 = vector.broadcast %slice3A_3617 : vector<1x128xf32> to vector<256x128xf32>
    %add3A_3619 = arith.addf %add3A_3616, %add3A_3618 : vector<256x128xf32>
    %max3A_3620 = arith.constant 0.000000e+00 : f32
    %max3A_3621 = vector.broadcast %max3A_3620 : f32 to vector<256x128xf32>
    %max3A_3622 = arith.maximumf %add3A_3619, %max3A_3621 : vector<256x128xf32>
    %swap3A_3623 = arith.constant 0 : index
    %swap3A_3624 = arith.constant 0 : index
    %swap3A_3625 = arith.constant 3072 : index
    %swap3A_3626 = vector.load %arg6[%swap3A_3623, %swap3A_3624, %swap3A_3625] : memref<1x256x4096xf32, #tpu.memory_space<vmem>>, vector<1x256x128xf32>
    %swap3A_3627 = vector.shape_cast %swap3A_3626 : vector<1x256x128xf32> to vector<256x128xf32>
    %swap3A_3628 = vector.shape_cast %max3A_3622 : vector<256x128xf32> to vector<1x256x128xf32>
    tpu.vector_store %arg6[%swap3A_3623, %swap3A_3624, %swap3A_3625], %swap3A_3628 {strides = array<i32>} : memref<1x256x4096xf32, #tpu.memory_space<vmem>>, vector<1x256x128xf32>,
    %add3A_3629 = arith.addf %add3A_3586, %max3A_3622 : vector<256x128xf32>
    %get3A_3630 = arith.constant 0 : index
    %get3A_3631 = arith.constant 0 : index
    %get3A_3632 = arith.constant 3200 : index
    %get3A_3633 = vector.load %arg1[%get3A_3630, %get3A_3631, %get3A_3632] : memref<1x256x4096xf32, #tpu.memory_space<vmem>>, vector<1x256x128xf32>
    %get3A_3634 = vector.shape_cast %get3A_3633 : vector<1x256x128xf32> to vector<256x128xf32>
    %convert_element_type3A_3635 = arith.truncf %get3A_3634 : vector<256x128xf32> to vector<256x128xbf16>
    %get3A_3636 = arith.constant 384 : index
    %get3A_3637 = arith.constant 0 : index
    %get3A_3638 = vector.load %arg4[%get3A_3636, %get3A_3637] : memref<768x128xbf16, #tpu.memory_space<vmem>>, vector<128x128xbf16>
    %dot_general3A_3639 = arith.constant dense<0.000000e+00> : vector<256x128xf32>
    %dot_general3A_3640 = tpu.matmul %convert_element_type3A_3635, %get3A_3638, %dot_general3A_3639 {dimension_numbers = #tpu.dot_dimension_numbers<[1], [0], [0], [1], [0, 0, 1, 1], [], []>, transpose_lhs_hint = false} : vector<256x128xbf16>, vector<128x128xbf16>, vector<256x128xf32> -> vector<256x128xf32>
    %get3A_3641 = arith.constant 0 : index
    %get3A_3642 = arith.constant 3200 : index
    %get3A_3643 = vector.load %arg9[%get3A_3641, %get3A_3642] : memref<256x4096xbf16, #tpu.memory_space<vmem>>, vector<256x128xbf16>
    %get3A_3644 = arith.constant 512 : index
    %get3A_3645 = arith.constant 0 : index
    %get3A_3646 = vector.load %arg4[%get3A_3644, %get3A_3645] : memref<768x128xbf16, #tpu.memory_space<vmem>>, vector<128x128xbf16>
    %dot_general3A_3647 = arith.constant dense<0.000000e+00> : vector<256x128xf32>
    %dot_general3A_3648 = tpu.matmul %get3A_3643, %get3A_3646, %dot_general3A_3647 {dimension_numbers = #tpu.dot_dimension_numbers<[1], [0], [0], [1], [0, 0, 1, 1], [], []>, transpose_lhs_hint = false} : vector<256x128xbf16>, vector<128x128xbf16>, vector<256x128xf32> -> vector<256x128xf32>
    %add3A_3649 = arith.addf %dot_general3A_3640, %dot_general3A_3648 : vector<256x128xf32>
    %get3A_3650 = arith.constant 0 : index
    %get3A_3651 = arith.constant 3200 : index
    %get3A_3652 = vector.load %arg10[%get3A_3650, %get3A_3651] : memref<256x4096xbf16, #tpu.memory_space<vmem>>, vector<256x128xbf16>
    %get3A_3653 = arith.constant 640 : index
    %get3A_3654 = arith.constant 0 : index
    %get3A_3655 = vector.load %arg4[%get3A_3653, %get3A_3654] : memref<768x128xbf16, #tpu.memory_space<vmem>>, vector<128x128xbf16>
    %dot_general3A_3656 = arith.constant dense<0.000000e+00> : vector<256x128xf32>
    %dot_general3A_3657 = tpu.matmul %get3A_3652, %get3A_3655, %dot_general3A_3656 {dimension_numbers = #tpu.dot_dimension_numbers<[1], [0], [0], [1], [0, 0, 1, 1], [], []>, transpose_lhs_hint = false} : vector<256x128xbf16>, vector<128x128xbf16>, vector<256x128xf32> -> vector<256x128xf32>
    %add3A_3658 = arith.addf %add3A_3649, %dot_general3A_3657 : vector<256x128xf32>
    %add3A_3659 = arith.addf %add3A_3658, %tile3A_2386 : vector<256x128xf32>
    %slice3A_3660 = vector.extract_strided_slice %add3A_2552 {offsets = [25, 0], sizes = [1, 128], strides = [1, 1]} : vector<32x128xf32> to vector<1x128xf32>
    %add3A_3661 = vector.broadcast %slice3A_3660 : vector<1x128xf32> to vector<256x128xf32>
    %add3A_3662 = arith.addf %add3A_3659, %add3A_3661 : vector<256x128xf32>
    %max3A_3663 = arith.constant 0.000000e+00 : f32
    %max3A_3664 = vector.broadcast %max3A_3663 : f32 to vector<256x128xf32>
    %max3A_3665 = arith.maximumf %add3A_3662, %max3A_3664 : vector<256x128xf32>
    %swap3A_3666 = arith.constant 0 : index
    %swap3A_3667 = arith.constant 0 : index
    %swap3A_3668 = arith.constant 3200 : index
    %swap3A_3669 = vector.load %arg6[%swap3A_3666, %swap3A_3667, %swap3A_3668] : memref<1x256x4096xf32, #tpu.memory_space<vmem>>, vector<1x256x128xf32>
    %swap3A_3670 = vector.shape_cast %swap3A_3669 : vector<1x256x128xf32> to vector<256x128xf32>
    %swap3A_3671 = vector.shape_cast %max3A_3665 : vector<256x128xf32> to vector<1x256x128xf32>
    tpu.vector_store %arg6[%swap3A_3666, %swap3A_3667, %swap3A_3668], %swap3A_3671 {strides = array<i32>} : memref<1x256x4096xf32, #tpu.memory_space<vmem>>, vector<1x256x128xf32>,
    %add3A_3672 = arith.addf %add3A_3629, %max3A_3665 : vector<256x128xf32>
    %get3A_3673 = arith.constant 0 : index
    %get3A_3674 = arith.constant 0 : index
    %get3A_3675 = arith.constant 3328 : index
    %get3A_3676 = vector.load %arg1[%get3A_3673, %get3A_3674, %get3A_3675] : memref<1x256x4096xf32, #tpu.memory_space<vmem>>, vector<1x256x128xf32>
    %get3A_3677 = vector.shape_cast %get3A_3676 : vector<1x256x128xf32> to vector<256x128xf32>
    %convert_element_type3A_3678 = arith.truncf %get3A_3677 : vector<256x128xf32> to vector<256x128xbf16>
    %get3A_3679 = arith.constant 384 : index
    %get3A_3680 = arith.constant 0 : index
    %get3A_3681 = vector.load %arg4[%get3A_3679, %get3A_3680] : memref<768x128xbf16, #tpu.memory_space<vmem>>, vector<128x128xbf16>
    %dot_general3A_3682 = arith.constant dense<0.000000e+00> : vector<256x128xf32>
    %dot_general3A_3683 = tpu.matmul %convert_element_type3A_3678, %get3A_3681, %dot_general3A_3682 {dimension_numbers = #tpu.dot_dimension_numbers<[1], [0], [0], [1], [0, 0, 1, 1], [], []>, transpose_lhs_hint = false} : vector<256x128xbf16>, vector<128x128xbf16>, vector<256x128xf32> -> vector<256x128xf32>
    %get3A_3684 = arith.constant 0 : index
    %get3A_3685 = arith.constant 3328 : index
    %get3A_3686 = vector.load %arg9[%get3A_3684, %get3A_3685] : memref<256x4096xbf16, #tpu.memory_space<vmem>>, vector<256x128xbf16>
    %get3A_3687 = arith.constant 512 : index
    %get3A_3688 = arith.constant 0 : index
    %get3A_3689 = vector.load %arg4[%get3A_3687, %get3A_3688] : memref<768x128xbf16, #tpu.memory_space<vmem>>, vector<128x128xbf16>
    %dot_general3A_3690 = arith.constant dense<0.000000e+00> : vector<256x128xf32>
    %dot_general3A_3691 = tpu.matmul %get3A_3686, %get3A_3689, %dot_general3A_3690 {dimension_numbers = #tpu.dot_dimension_numbers<[1], [0], [0], [1], [0, 0, 1, 1], [], []>, transpose_lhs_hint = false} : vector<256x128xbf16>, vector<128x128xbf16>, vector<256x128xf32> -> vector<256x128xf32>
    %add3A_3692 = arith.addf %dot_general3A_3683, %dot_general3A_3691 : vector<256x128xf32>
    %get3A_3693 = arith.constant 0 : index
    %get3A_3694 = arith.constant 3328 : index
    %get3A_3695 = vector.load %arg10[%get3A_3693, %get3A_3694] : memref<256x4096xbf16, #tpu.memory_space<vmem>>, vector<256x128xbf16>
    %get3A_3696 = arith.constant 640 : index
    %get3A_3697 = arith.constant 0 : index
    %get3A_3698 = vector.load %arg4[%get3A_3696, %get3A_3697] : memref<768x128xbf16, #tpu.memory_space<vmem>>, vector<128x128xbf16>
    %dot_general3A_3699 = arith.constant dense<0.000000e+00> : vector<256x128xf32>
    %dot_general3A_3700 = tpu.matmul %get3A_3695, %get3A_3698, %dot_general3A_3699 {dimension_numbers = #tpu.dot_dimension_numbers<[1], [0], [0], [1], [0, 0, 1, 1], [], []>, transpose_lhs_hint = false} : vector<256x128xbf16>, vector<128x128xbf16>, vector<256x128xf32> -> vector<256x128xf32>
    %add3A_3701 = arith.addf %add3A_3692, %dot_general3A_3700 : vector<256x128xf32>
    %add3A_3702 = arith.addf %add3A_3701, %tile3A_2386 : vector<256x128xf32>
    %slice3A_3703 = vector.extract_strided_slice %add3A_2552 {offsets = [26, 0], sizes = [1, 128], strides = [1, 1]} : vector<32x128xf32> to vector<1x128xf32>
    %add3A_3704 = vector.broadcast %slice3A_3703 : vector<1x128xf32> to vector<256x128xf32>
    %add3A_3705 = arith.addf %add3A_3702, %add3A_3704 : vector<256x128xf32>
    %max3A_3706 = arith.constant 0.000000e+00 : f32
    %max3A_3707 = vector.broadcast %max3A_3706 : f32 to vector<256x128xf32>
    %max3A_3708 = arith.maximumf %add3A_3705, %max3A_3707 : vector<256x128xf32>
    %swap3A_3709 = arith.constant 0 : index
    %swap3A_3710 = arith.constant 0 : index
    %swap3A_3711 = arith.constant 3328 : index
    %swap3A_3712 = vector.load %arg6[%swap3A_3709, %swap3A_3710, %swap3A_3711] : memref<1x256x4096xf32, #tpu.memory_space<vmem>>, vector<1x256x128xf32>
    %swap3A_3713 = vector.shape_cast %swap3A_3712 : vector<1x256x128xf32> to vector<256x128xf32>
    %swap3A_3714 = vector.shape_cast %max3A_3708 : vector<256x128xf32> to vector<1x256x128xf32>
    tpu.vector_store %arg6[%swap3A_3709, %swap3A_3710, %swap3A_3711], %swap3A_3714 {strides = array<i32>} : memref<1x256x4096xf32, #tpu.memory_space<vmem>>, vector<1x256x128xf32>,
    %add3A_3715 = arith.addf %add3A_3672, %max3A_3708 : vector<256x128xf32>
    %get3A_3716 = arith.constant 0 : index
    %get3A_3717 = arith.constant 0 : index
    %get3A_3718 = arith.constant 3456 : index
    %get3A_3719 = vector.load %arg1[%get3A_3716, %get3A_3717, %get3A_3718] : memref<1x256x4096xf32, #tpu.memory_space<vmem>>, vector<1x256x128xf32>
    %get3A_3720 = vector.shape_cast %get3A_3719 : vector<1x256x128xf32> to vector<256x128xf32>
    %convert_element_type3A_3721 = arith.truncf %get3A_3720 : vector<256x128xf32> to vector<256x128xbf16>
    %get3A_3722 = arith.constant 384 : index
    %get3A_3723 = arith.constant 0 : index
    %get3A_3724 = vector.load %arg4[%get3A_3722, %get3A_3723] : memref<768x128xbf16, #tpu.memory_space<vmem>>, vector<128x128xbf16>
    %dot_general3A_3725 = arith.constant dense<0.000000e+00> : vector<256x128xf32>
    %dot_general3A_3726 = tpu.matmul %convert_element_type3A_3721, %get3A_3724, %dot_general3A_3725 {dimension_numbers = #tpu.dot_dimension_numbers<[1], [0], [0], [1], [0, 0, 1, 1], [], []>, transpose_lhs_hint = false} : vector<256x128xbf16>, vector<128x128xbf16>, vector<256x128xf32> -> vector<256x128xf32>
    %get3A_3727 = arith.constant 0 : index
    %get3A_3728 = arith.constant 3456 : index
    %get3A_3729 = vector.load %arg9[%get3A_3727, %get3A_3728] : memref<256x4096xbf16, #tpu.memory_space<vmem>>, vector<256x128xbf16>
    %get3A_3730 = arith.constant 512 : index
    %get3A_3731 = arith.constant 0 : index
    %get3A_3732 = vector.load %arg4[%get3A_3730, %get3A_3731] : memref<768x128xbf16, #tpu.memory_space<vmem>>, vector<128x128xbf16>
    %dot_general3A_3733 = arith.constant dense<0.000000e+00> : vector<256x128xf32>
    %dot_general3A_3734 = tpu.matmul %get3A_3729, %get3A_3732, %dot_general3A_3733 {dimension_numbers = #tpu.dot_dimension_numbers<[1], [0], [0], [1], [0, 0, 1, 1], [], []>, transpose_lhs_hint = false} : vector<256x128xbf16>, vector<128x128xbf16>, vector<256x128xf32> -> vector<256x128xf32>
    %add3A_3735 = arith.addf %dot_general3A_3726, %dot_general3A_3734 : vector<256x128xf32>
    %get3A_3736 = arith.constant 0 : index
    %get3A_3737 = arith.constant 3456 : index
    %get3A_3738 = vector.load %arg10[%get3A_3736, %get3A_3737] : memref<256x4096xbf16, #tpu.memory_space<vmem>>, vector<256x128xbf16>
    %get3A_3739 = arith.constant 640 : index
    %get3A_3740 = arith.constant 0 : index
    %get3A_3741 = vector.load %arg4[%get3A_3739, %get3A_3740] : memref<768x128xbf16, #tpu.memory_space<vmem>>, vector<128x128xbf16>
    %dot_general3A_3742 = arith.constant dense<0.000000e+00> : vector<256x128xf32>
    %dot_general3A_3743 = tpu.matmul %get3A_3738, %get3A_3741, %dot_general3A_3742 {dimension_numbers = #tpu.dot_dimension_numbers<[1], [0], [0], [1], [0, 0, 1, 1], [], []>, transpose_lhs_hint = false} : vector<256x128xbf16>, vector<128x128xbf16>, vector<256x128xf32> -> vector<256x128xf32>
    %add3A_3744 = arith.addf %add3A_3735, %dot_general3A_3743 : vector<256x128xf32>
    %add3A_3745 = arith.addf %add3A_3744, %tile3A_2386 : vector<256x128xf32>
    %slice3A_3746 = vector.extract_strided_slice %add3A_2552 {offsets = [27, 0], sizes = [1, 128], strides = [1, 1]} : vector<32x128xf32> to vector<1x128xf32>
    %add3A_3747 = vector.broadcast %slice3A_3746 : vector<1x128xf32> to vector<256x128xf32>
    %add3A_3748 = arith.addf %add3A_3745, %add3A_3747 : vector<256x128xf32>
    %max3A_3749 = arith.constant 0.000000e+00 : f32
    %max3A_3750 = vector.broadcast %max3A_3749 : f32 to vector<256x128xf32>
    %max3A_3751 = arith.maximumf %add3A_3748, %max3A_3750 : vector<256x128xf32>
    %swap3A_3752 = arith.constant 0 : index
    %swap3A_3753 = arith.constant 0 : index
    %swap3A_3754 = arith.constant 3456 : index
    %swap3A_3755 = vector.load %arg6[%swap3A_3752, %swap3A_3753, %swap3A_3754] : memref<1x256x4096xf32, #tpu.memory_space<vmem>>, vector<1x256x128xf32>
    %swap3A_3756 = vector.shape_cast %swap3A_3755 : vector<1x256x128xf32> to vector<256x128xf32>
    %swap3A_3757 = vector.shape_cast %max3A_3751 : vector<256x128xf32> to vector<1x256x128xf32>
    tpu.vector_store %arg6[%swap3A_3752, %swap3A_3753, %swap3A_3754], %swap3A_3757 {strides = array<i32>} : memref<1x256x4096xf32, #tpu.memory_space<vmem>>, vector<1x256x128xf32>,
    %add3A_3758 = arith.addf %add3A_3715, %max3A_3751 : vector<256x128xf32>
    %get3A_3759 = arith.constant 0 : index
    %get3A_3760 = arith.constant 0 : index
    %get3A_3761 = arith.constant 3584 : index
    %get3A_3762 = vector.load %arg1[%get3A_3759, %get3A_3760, %get3A_3761] : memref<1x256x4096xf32, #tpu.memory_space<vmem>>, vector<1x256x128xf32>
    %get3A_3763 = vector.shape_cast %get3A_3762 : vector<1x256x128xf32> to vector<256x128xf32>
    %convert_element_type3A_3764 = arith.truncf %get3A_3763 : vector<256x128xf32> to vector<256x128xbf16>
    %get3A_3765 = arith.constant 384 : index
    %get3A_3766 = arith.constant 0 : index
    %get3A_3767 = vector.load %arg4[%get3A_3765, %get3A_3766] : memref<768x128xbf16, #tpu.memory_space<vmem>>, vector<128x128xbf16>
    %dot_general3A_3768 = arith.constant dense<0.000000e+00> : vector<256x128xf32>
    %dot_general3A_3769 = tpu.matmul %convert_element_type3A_3764, %get3A_3767, %dot_general3A_3768 {dimension_numbers = #tpu.dot_dimension_numbers<[1], [0], [0], [1], [0, 0, 1, 1], [], []>, transpose_lhs_hint = false} : vector<256x128xbf16>, vector<128x128xbf16>, vector<256x128xf32> -> vector<256x128xf32>
    %get3A_3770 = arith.constant 0 : index
    %get3A_3771 = arith.constant 3584 : index
    %get3A_3772 = vector.load %arg9[%get3A_3770, %get3A_3771] : memref<256x4096xbf16, #tpu.memory_space<vmem>>, vector<256x128xbf16>
    %get3A_3773 = arith.constant 512 : index
    %get3A_3774 = arith.constant 0 : index
    %get3A_3775 = vector.load %arg4[%get3A_3773, %get3A_3774] : memref<768x128xbf16, #tpu.memory_space<vmem>>, vector<128x128xbf16>
    %dot_general3A_3776 = arith.constant dense<0.000000e+00> : vector<256x128xf32>
    %dot_general3A_3777 = tpu.matmul %get3A_3772, %get3A_3775, %dot_general3A_3776 {dimension_numbers = #tpu.dot_dimension_numbers<[1], [0], [0], [1], [0, 0, 1, 1], [], []>, transpose_lhs_hint = false} : vector<256x128xbf16>, vector<128x128xbf16>, vector<256x128xf32> -> vector<256x128xf32>
    %add3A_3778 = arith.addf %dot_general3A_3769, %dot_general3A_3777 : vector<256x128xf32>
    %get3A_3779 = arith.constant 0 : index
    %get3A_3780 = arith.constant 3584 : index
    %get3A_3781 = vector.load %arg10[%get3A_3779, %get3A_3780] : memref<256x4096xbf16, #tpu.memory_space<vmem>>, vector<256x128xbf16>
    %get3A_3782 = arith.constant 640 : index
    %get3A_3783 = arith.constant 0 : index
    %get3A_3784 = vector.load %arg4[%get3A_3782, %get3A_3783] : memref<768x128xbf16, #tpu.memory_space<vmem>>, vector<128x128xbf16>
    %dot_general3A_3785 = arith.constant dense<0.000000e+00> : vector<256x128xf32>
    %dot_general3A_3786 = tpu.matmul %get3A_3781, %get3A_3784, %dot_general3A_3785 {dimension_numbers = #tpu.dot_dimension_numbers<[1], [0], [0], [1], [0, 0, 1, 1], [], []>, transpose_lhs_hint = false} : vector<256x128xbf16>, vector<128x128xbf16>, vector<256x128xf32> -> vector<256x128xf32>
    %add3A_3787 = arith.addf %add3A_3778, %dot_general3A_3786 : vector<256x128xf32>
    %add3A_3788 = arith.addf %add3A_3787, %tile3A_2386 : vector<256x128xf32>
    %slice3A_3789 = vector.extract_strided_slice %add3A_2552 {offsets = [28, 0], sizes = [1, 128], strides = [1, 1]} : vector<32x128xf32> to vector<1x128xf32>
    %add3A_3790 = vector.broadcast %slice3A_3789 : vector<1x128xf32> to vector<256x128xf32>
    %add3A_3791 = arith.addf %add3A_3788, %add3A_3790 : vector<256x128xf32>
    %max3A_3792 = arith.constant 0.000000e+00 : f32
    %max3A_3793 = vector.broadcast %max3A_3792 : f32 to vector<256x128xf32>
    %max3A_3794 = arith.maximumf %add3A_3791, %max3A_3793 : vector<256x128xf32>
    %swap3A_3795 = arith.constant 0 : index
    %swap3A_3796 = arith.constant 0 : index
    %swap3A_3797 = arith.constant 3584 : index
    %swap3A_3798 = vector.load %arg6[%swap3A_3795, %swap3A_3796, %swap3A_3797] : memref<1x256x4096xf32, #tpu.memory_space<vmem>>, vector<1x256x128xf32>
    %swap3A_3799 = vector.shape_cast %swap3A_3798 : vector<1x256x128xf32> to vector<256x128xf32>
    %swap3A_3800 = vector.shape_cast %max3A_3794 : vector<256x128xf32> to vector<1x256x128xf32>
    tpu.vector_store %arg6[%swap3A_3795, %swap3A_3796, %swap3A_3797], %swap3A_3800 {strides = array<i32>} : memref<1x256x4096xf32, #tpu.memory_space<vmem>>, vector<1x256x128xf32>,
    %add3A_3801 = arith.addf %add3A_3758, %max3A_3794 : vector<256x128xf32>
    %get3A_3802 = arith.constant 0 : index
    %get3A_3803 = arith.constant 0 : index
    %get3A_3804 = arith.constant 3712 : index
    %get3A_3805 = vector.load %arg1[%get3A_3802, %get3A_3803, %get3A_3804] : memref<1x256x4096xf32, #tpu.memory_space<vmem>>, vector<1x256x128xf32>
    %get3A_3806 = vector.shape_cast %get3A_3805 : vector<1x256x128xf32> to vector<256x128xf32>
    %convert_element_type3A_3807 = arith.truncf %get3A_3806 : vector<256x128xf32> to vector<256x128xbf16>
    %get3A_3808 = arith.constant 384 : index
    %get3A_3809 = arith.constant 0 : index
    %get3A_3810 = vector.load %arg4[%get3A_3808, %get3A_3809] : memref<768x128xbf16, #tpu.memory_space<vmem>>, vector<128x128xbf16>
    %dot_general3A_3811 = arith.constant dense<0.000000e+00> : vector<256x128xf32>
    %dot_general3A_3812 = tpu.matmul %convert_element_type3A_3807, %get3A_3810, %dot_general3A_3811 {dimension_numbers = #tpu.dot_dimension_numbers<[1], [0], [0], [1], [0, 0, 1, 1], [], []>, transpose_lhs_hint = false} : vector<256x128xbf16>, vector<128x128xbf16>, vector<256x128xf32> -> vector<256x128xf32>
    %get3A_3813 = arith.constant 0 : index
    %get3A_3814 = arith.constant 3712 : index
    %get3A_3815 = vector.load %arg9[%get3A_3813, %get3A_3814] : memref<256x4096xbf16, #tpu.memory_space<vmem>>, vector<256x128xbf16>
    %get3A_3816 = arith.constant 512 : index
    %get3A_3817 = arith.constant 0 : index
    %get3A_3818 = vector.load %arg4[%get3A_3816, %get3A_3817] : memref<768x128xbf16, #tpu.memory_space<vmem>>, vector<128x128xbf16>
    %dot_general3A_3819 = arith.constant dense<0.000000e+00> : vector<256x128xf32>
    %dot_general3A_3820 = tpu.matmul %get3A_3815, %get3A_3818, %dot_general3A_3819 {dimension_numbers = #tpu.dot_dimension_numbers<[1], [0], [0], [1], [0, 0, 1, 1], [], []>, transpose_lhs_hint = false} : vector<256x128xbf16>, vector<128x128xbf16>, vector<256x128xf32> -> vector<256x128xf32>
    %add3A_3821 = arith.addf %dot_general3A_3812, %dot_general3A_3820 : vector<256x128xf32>
    %get3A_3822 = arith.constant 0 : index
    %get3A_3823 = arith.constant 3712 : index
    %get3A_3824 = vector.load %arg10[%get3A_3822, %get3A_3823] : memref<256x4096xbf16, #tpu.memory_space<vmem>>, vector<256x128xbf16>
    %get3A_3825 = arith.constant 640 : index
    %get3A_3826 = arith.constant 0 : index
    %get3A_3827 = vector.load %arg4[%get3A_3825, %get3A_3826] : memref<768x128xbf16, #tpu.memory_space<vmem>>, vector<128x128xbf16>
    %dot_general3A_3828 = arith.constant dense<0.000000e+00> : vector<256x128xf32>
    %dot_general3A_3829 = tpu.matmul %get3A_3824, %get3A_3827, %dot_general3A_3828 {dimension_numbers = #tpu.dot_dimension_numbers<[1], [0], [0], [1], [0, 0, 1, 1], [], []>, transpose_lhs_hint = false} : vector<256x128xbf16>, vector<128x128xbf16>, vector<256x128xf32> -> vector<256x128xf32>
    %add3A_3830 = arith.addf %add3A_3821, %dot_general3A_3829 : vector<256x128xf32>
    %add3A_3831 = arith.addf %add3A_3830, %tile3A_2386 : vector<256x128xf32>
    %slice3A_3832 = vector.extract_strided_slice %add3A_2552 {offsets = [29, 0], sizes = [1, 128], strides = [1, 1]} : vector<32x128xf32> to vector<1x128xf32>
    %add3A_3833 = vector.broadcast %slice3A_3832 : vector<1x128xf32> to vector<256x128xf32>
    %add3A_3834 = arith.addf %add3A_3831, %add3A_3833 : vector<256x128xf32>
    %max3A_3835 = arith.constant 0.000000e+00 : f32
    %max3A_3836 = vector.broadcast %max3A_3835 : f32 to vector<256x128xf32>
    %max3A_3837 = arith.maximumf %add3A_3834, %max3A_3836 : vector<256x128xf32>
    %swap3A_3838 = arith.constant 0 : index
    %swap3A_3839 = arith.constant 0 : index
    %swap3A_3840 = arith.constant 3712 : index
    %swap3A_3841 = vector.load %arg6[%swap3A_3838, %swap3A_3839, %swap3A_3840] : memref<1x256x4096xf32, #tpu.memory_space<vmem>>, vector<1x256x128xf32>
    %swap3A_3842 = vector.shape_cast %swap3A_3841 : vector<1x256x128xf32> to vector<256x128xf32>
    %swap3A_3843 = vector.shape_cast %max3A_3837 : vector<256x128xf32> to vector<1x256x128xf32>
    tpu.vector_store %arg6[%swap3A_3838, %swap3A_3839, %swap3A_3840], %swap3A_3843 {strides = array<i32>} : memref<1x256x4096xf32, #tpu.memory_space<vmem>>, vector<1x256x128xf32>,
    %add3A_3844 = arith.addf %add3A_3801, %max3A_3837 : vector<256x128xf32>
    %get3A_3845 = arith.constant 0 : index
    %get3A_3846 = arith.constant 0 : index
    %get3A_3847 = arith.constant 3840 : index
    %get3A_3848 = vector.load %arg1[%get3A_3845, %get3A_3846, %get3A_3847] : memref<1x256x4096xf32, #tpu.memory_space<vmem>>, vector<1x256x128xf32>
    %get3A_3849 = vector.shape_cast %get3A_3848 : vector<1x256x128xf32> to vector<256x128xf32>
    %convert_element_type3A_3850 = arith.truncf %get3A_3849 : vector<256x128xf32> to vector<256x128xbf16>
    %get3A_3851 = arith.constant 384 : index
    %get3A_3852 = arith.constant 0 : index
    %get3A_3853 = vector.load %arg4[%get3A_3851, %get3A_3852] : memref<768x128xbf16, #tpu.memory_space<vmem>>, vector<128x128xbf16>
    %dot_general3A_3854 = arith.constant dense<0.000000e+00> : vector<256x128xf32>
    %dot_general3A_3855 = tpu.matmul %convert_element_type3A_3850, %get3A_3853, %dot_general3A_3854 {dimension_numbers = #tpu.dot_dimension_numbers<[1], [0], [0], [1], [0, 0, 1, 1], [], []>, transpose_lhs_hint = false} : vector<256x128xbf16>, vector<128x128xbf16>, vector<256x128xf32> -> vector<256x128xf32>
    %get3A_3856 = arith.constant 0 : index
    %get3A_3857 = arith.constant 3840 : index
    %get3A_3858 = vector.load %arg9[%get3A_3856, %get3A_3857] : memref<256x4096xbf16, #tpu.memory_space<vmem>>, vector<256x128xbf16>
    %get3A_3859 = arith.constant 512 : index
    %get3A_3860 = arith.constant 0 : index
    %get3A_3861 = vector.load %arg4[%get3A_3859, %get3A_3860] : memref<768x128xbf16, #tpu.memory_space<vmem>>, vector<128x128xbf16>
    %dot_general3A_3862 = arith.constant dense<0.000000e+00> : vector<256x128xf32>
    %dot_general3A_3863 = tpu.matmul %get3A_3858, %get3A_3861, %dot_general3A_3862 {dimension_numbers = #tpu.dot_dimension_numbers<[1], [0], [0], [1], [0, 0, 1, 1], [], []>, transpose_lhs_hint = false} : vector<256x128xbf16>, vector<128x128xbf16>, vector<256x128xf32> -> vector<256x128xf32>
    %add3A_3864 = arith.addf %dot_general3A_3855, %dot_general3A_3863 : vector<256x128xf32>
    %get3A_3865 = arith.constant 0 : index
    %get3A_3866 = arith.constant 3840 : index
    %get3A_3867 = vector.load %arg10[%get3A_3865, %get3A_3866] : memref<256x4096xbf16, #tpu.memory_space<vmem>>, vector<256x128xbf16>
    %get3A_3868 = arith.constant 640 : index
    %get3A_3869 = arith.constant 0 : index
    %get3A_3870 = vector.load %arg4[%get3A_3868, %get3A_3869] : memref<768x128xbf16, #tpu.memory_space<vmem>>, vector<128x128xbf16>
    %dot_general3A_3871 = arith.constant dense<0.000000e+00> : vector<256x128xf32>
    %dot_general3A_3872 = tpu.matmul %get3A_3867, %get3A_3870, %dot_general3A_3871 {dimension_numbers = #tpu.dot_dimension_numbers<[1], [0], [0], [1], [0, 0, 1, 1], [], []>, transpose_lhs_hint = false} : vector<256x128xbf16>, vector<128x128xbf16>, vector<256x128xf32> -> vector<256x128xf32>
    %add3A_3873 = arith.addf %add3A_3864, %dot_general3A_3872 : vector<256x128xf32>
    %add3A_3874 = arith.addf %add3A_3873, %tile3A_2386 : vector<256x128xf32>
    %slice3A_3875 = vector.extract_strided_slice %add3A_2552 {offsets = [30, 0], sizes = [1, 128], strides = [1, 1]} : vector<32x128xf32> to vector<1x128xf32>
    %add3A_3876 = vector.broadcast %slice3A_3875 : vector<1x128xf32> to vector<256x128xf32>
    %add3A_3877 = arith.addf %add3A_3874, %add3A_3876 : vector<256x128xf32>
    %max3A_3878 = arith.constant 0.000000e+00 : f32
    %max3A_3879 = vector.broadcast %max3A_3878 : f32 to vector<256x128xf32>
    %max3A_3880 = arith.maximumf %add3A_3877, %max3A_3879 : vector<256x128xf32>
    %swap3A_3881 = arith.constant 0 : index
    %swap3A_3882 = arith.constant 0 : index
    %swap3A_3883 = arith.constant 3840 : index
    %swap3A_3884 = vector.load %arg6[%swap3A_3881, %swap3A_3882, %swap3A_3883] : memref<1x256x4096xf32, #tpu.memory_space<vmem>>, vector<1x256x128xf32>
    %swap3A_3885 = vector.shape_cast %swap3A_3884 : vector<1x256x128xf32> to vector<256x128xf32>
    %swap3A_3886 = vector.shape_cast %max3A_3880 : vector<256x128xf32> to vector<1x256x128xf32>
    tpu.vector_store %arg6[%swap3A_3881, %swap3A_3882, %swap3A_3883], %swap3A_3886 {strides = array<i32>} : memref<1x256x4096xf32, #tpu.memory_space<vmem>>, vector<1x256x128xf32>,
    %add3A_3887 = arith.addf %add3A_3844, %max3A_3880 : vector<256x128xf32>
    %get3A_3888 = arith.constant 0 : index
    %get3A_3889 = arith.constant 0 : index
    %get3A_3890 = arith.constant 3968 : index
    %get3A_3891 = vector.load %arg1[%get3A_3888, %get3A_3889, %get3A_3890] : memref<1x256x4096xf32, #tpu.memory_space<vmem>>, vector<1x256x128xf32>
    %get3A_3892 = vector.shape_cast %get3A_3891 : vector<1x256x128xf32> to vector<256x128xf32>
    %convert_element_type3A_3893 = arith.truncf %get3A_3892 : vector<256x128xf32> to vector<256x128xbf16>
    %get3A_3894 = arith.constant 384 : index
    %get3A_3895 = arith.constant 0 : index
    %get3A_3896 = vector.load %arg4[%get3A_3894, %get3A_3895] : memref<768x128xbf16, #tpu.memory_space<vmem>>, vector<128x128xbf16>
    %dot_general3A_3897 = arith.constant dense<0.000000e+00> : vector<256x128xf32>
    %dot_general3A_3898 = tpu.matmul %convert_element_type3A_3893, %get3A_3896, %dot_general3A_3897 {dimension_numbers = #tpu.dot_dimension_numbers<[1], [0], [0], [1], [0, 0, 1, 1], [], []>, transpose_lhs_hint = false} : vector<256x128xbf16>, vector<128x128xbf16>, vector<256x128xf32> -> vector<256x128xf32>
    %get3A_3899 = arith.constant 0 : index
    %get3A_3900 = arith.constant 3968 : index
    %get3A_3901 = vector.load %arg9[%get3A_3899, %get3A_3900] : memref<256x4096xbf16, #tpu.memory_space<vmem>>, vector<256x128xbf16>
    %get3A_3902 = arith.constant 512 : index
    %get3A_3903 = arith.constant 0 : index
    %get3A_3904 = vector.load %arg4[%get3A_3902, %get3A_3903] : memref<768x128xbf16, #tpu.memory_space<vmem>>, vector<128x128xbf16>
    %dot_general3A_3905 = arith.constant dense<0.000000e+00> : vector<256x128xf32>
    %dot_general3A_3906 = tpu.matmul %get3A_3901, %get3A_3904, %dot_general3A_3905 {dimension_numbers = #tpu.dot_dimension_numbers<[1], [0], [0], [1], [0, 0, 1, 1], [], []>, transpose_lhs_hint = false} : vector<256x128xbf16>, vector<128x128xbf16>, vector<256x128xf32> -> vector<256x128xf32>
    %add3A_3907 = arith.addf %dot_general3A_3898, %dot_general3A_3906 : vector<256x128xf32>
    %get3A_3908 = arith.constant 0 : index
    %get3A_3909 = arith.constant 3968 : index
    %get3A_3910 = vector.load %arg10[%get3A_3908, %get3A_3909] : memref<256x4096xbf16, #tpu.memory_space<vmem>>, vector<256x128xbf16>
    %get3A_3911 = arith.constant 640 : index
    %get3A_3912 = arith.constant 0 : index
    %get3A_3913 = vector.load %arg4[%get3A_3911, %get3A_3912] : memref<768x128xbf16, #tpu.memory_space<vmem>>, vector<128x128xbf16>
    %dot_general3A_3914 = arith.constant dense<0.000000e+00> : vector<256x128xf32>
    %dot_general3A_3915 = tpu.matmul %get3A_3910, %get3A_3913, %dot_general3A_3914 {dimension_numbers = #tpu.dot_dimension_numbers<[1], [0], [0], [1], [0, 0, 1, 1], [], []>, transpose_lhs_hint = false} : vector<256x128xbf16>, vector<128x128xbf16>, vector<256x128xf32> -> vector<256x128xf32>
    %add3A_3916 = arith.addf %add3A_3907, %dot_general3A_3915 : vector<256x128xf32>
    %add3A_3917 = arith.addf %add3A_3916, %tile3A_2386 : vector<256x128xf32>
    %slice3A_3918 = vector.extract_strided_slice %add3A_2552 {offsets = [31, 0], sizes = [1, 128], strides = [1, 1]} : vector<32x128xf32> to vector<1x128xf32>
    %add3A_3919 = vector.broadcast %slice3A_3918 : vector<1x128xf32> to vector<256x128xf32>
    %add3A_3920 = arith.addf %add3A_3917, %add3A_3919 : vector<256x128xf32>
    %max3A_3921 = arith.constant 0.000000e+00 : f32
    %max3A_3922 = vector.broadcast %max3A_3921 : f32 to vector<256x128xf32>
    %max3A_3923 = arith.maximumf %add3A_3920, %max3A_3922 : vector<256x128xf32>
    %swap3A_3924 = arith.constant 0 : index
    %swap3A_3925 = arith.constant 0 : index
    %swap3A_3926 = arith.constant 3968 : index
    %swap3A_3927 = vector.load %arg6[%swap3A_3924, %swap3A_3925, %swap3A_3926] : memref<1x256x4096xf32, #tpu.memory_space<vmem>>, vector<1x256x128xf32>
    %swap3A_3928 = vector.shape_cast %swap3A_3927 : vector<1x256x128xf32> to vector<256x128xf32>
    %swap3A_3929 = vector.shape_cast %max3A_3923 : vector<256x128xf32> to vector<1x256x128xf32>
    tpu.vector_store %arg6[%swap3A_3924, %swap3A_3925, %swap3A_3926], %swap3A_3929 {strides = array<i32>} : memref<1x256x4096xf32, #tpu.memory_space<vmem>>, vector<1x256x128xf32>,
    %add3A_3930 = arith.addf %add3A_3887, %max3A_3923 : vector<256x128xf32>
    %dot_general3A_3931 = arith.constant dense<0.000000e+00> : vector<256x16xf32>
    %dot_general3A_3932 = tpu.matmul %add3A_3930, %convert_element_type3A_16, %dot_general3A_3931 {dimension_numbers = #tpu.dot_dimension_numbers<[1], [0], [0], [1], [0, 0, 1, 1], [], []>, transpose_lhs_hint = false} : vector<256x128xf32>, vector<128x16xf32>, vector<256x16xf32> -> vector<256x16xf32>
    %reduce_sum3A_3933 = arith.constant dense<0.000000e+00> : vector<16xf32>
    %reduce_sum3A_3934 = vector.multi_reduction <add>, %dot_general3A_3932, %reduce_sum3A_3933 [0] : vector<256x16xf32> to vector<16xf32>
    %broadcast_in_dim3A_3935 = vector.shape_cast %reduce_sum3A_3934 : vector<16xf32> to vector<1x16xf32>
    %mul3A_3936 = arith.constant 3.906250e-03 : f32
    %mul3A_3937 = vector.broadcast %mul3A_3936 : f32 to vector<256x16xf32>
    %mul3A_3938 = arith.mulf %dot_general3A_3932, %mul3A_3937 : vector<256x16xf32>
    %get3A_3939 = arith.constant 3064 : index
    %get3A_3940 = arith.constant 0 : index
    %get3A_3941 = vector.load %arg5[%get3A_3939, %get3A_3940] : memref<3432x128xf32, #tpu.memory_space<vmem>>, vector<16x128xf32>
    %dot_general3A_3942 = arith.constant dense<0.000000e+00> : vector<256x128xf32>
    %dot_general3A_3943 = tpu.matmul %mul3A_3938, %get3A_3941, %dot_general3A_3942 {dimension_numbers = #tpu.dot_dimension_numbers<[1], [0], [0], [1], [0, 0, 1, 1], [], []>, transpose_lhs_hint = false} : vector<256x16xf32>, vector<16x128xf32>, vector<256x128xf32> -> vector<256x128xf32>
    %get3A_3944 = arith.constant 3176 : index
    %get3A_3945 = arith.constant 0 : index
    %get3A_3946 = vector.load %arg5[%get3A_3944, %get3A_3945] : memref<3432x128xf32, #tpu.memory_space<vmem>>, vector<1x128xf32>
    %add3A_3947 = vector.broadcast %get3A_3946 : vector<1x128xf32> to vector<256x128xf32>
    %add3A_3948 = arith.addf %dot_general3A_3943, %add3A_3947 : vector<256x128xf32>
    %get3A_3949 = arith.constant 2680 : index
    %get3A_3950 = arith.constant 0 : index
    %get3A_3951 = vector.load %arg5[%get3A_3949, %get3A_3950] : memref<3432x128xf32, #tpu.memory_space<vmem>>, vector<128x128xf32>
    %dot_general3A_3952 = arith.constant dense<0.000000e+00> : vector<256x128xf32>
    %dot_general3A_3953 = tpu.matmul %get3A_20, %get3A_3951, %dot_general3A_3952 {dimension_numbers = #tpu.dot_dimension_numbers<[1], [0], [0], [1], [0, 0, 1, 1], [], []>, transpose_lhs_hint = false} : vector<256x128xf32>, vector<128x128xf32>, vector<256x128xf32> -> vector<256x128xf32>
    %add3A_3954 = arith.addf %add3A_3948, %dot_general3A_3953 : vector<256x128xf32>
    %get3A_3955 = arith.constant 3080 : index
    %get3A_3956 = arith.constant 0 : index
    %get3A_3957 = vector.load %arg5[%get3A_3955, %get3A_3956] : memref<3432x128xf32, #tpu.memory_space<vmem>>, vector<32x128xf32>
    %dot_general3A_3958 = arith.constant dense<0.000000e+00> : vector<1x128xf32>
    %dot_general3A_3959 = tpu.matmul %get3A_25, %get3A_3957, %dot_general3A_3958 {dimension_numbers = #tpu.dot_dimension_numbers<[1], [0], [0], [1], [0, 0, 1, 1], [], []>, transpose_lhs_hint = false} : vector<1x32xf32>, vector<32x128xf32>, vector<1x128xf32> -> vector<1x128xf32>
    %add3A_3960 = vector.broadcast %dot_general3A_3959 : vector<1x128xf32> to vector<256x128xf32>
    %add3A_3961 = arith.addf %add3A_3954, %add3A_3960 : vector<256x128xf32>
    %get3A_3962 = arith.constant 2808 : index
    %get3A_3963 = arith.constant 0 : index
    %get3A_3964 = vector.load %arg5[%get3A_3962, %get3A_3963] : memref<3432x128xf32, #tpu.memory_space<vmem>>, vector<128x128xf32>
    %dot_general3A_3965 = arith.constant dense<0.000000e+00> : vector<256x128xf32>
    %dot_general3A_3966 = tpu.matmul %max3A_977, %get3A_3964, %dot_general3A_3965 {dimension_numbers = #tpu.dot_dimension_numbers<[1], [0], [0], [1], [0, 0, 1, 1], [], []>, transpose_lhs_hint = false} : vector<256x128xf32>, vector<128x128xf32>, vector<256x128xf32> -> vector<256x128xf32>
    %add3A_3967 = arith.addf %add3A_3961, %dot_general3A_3966 : vector<256x128xf32>
    %get3A_3968 = arith.constant 3112 : index
    %get3A_3969 = arith.constant 0 : index
    %get3A_3970 = vector.load %arg5[%get3A_3968, %get3A_3969] : memref<3432x128xf32, #tpu.memory_space<vmem>>, vector<32x128xf32>
    %dot_general3A_3971 = arith.constant dense<0.000000e+00> : vector<1x128xf32>
    %dot_general3A_3972 = tpu.matmul %max3A_1010, %get3A_3970, %dot_general3A_3971 {dimension_numbers = #tpu.dot_dimension_numbers<[1], [0], [0], [1], [0, 0, 1, 1], [], []>, transpose_lhs_hint = false} : vector<1x32xf32>, vector<32x128xf32>, vector<1x128xf32> -> vector<1x128xf32>
    %add3A_3973 = vector.broadcast %dot_general3A_3972 : vector<1x128xf32> to vector<256x128xf32>
    %add3A_3974 = arith.addf %add3A_3967, %add3A_3973 : vector<256x128xf32>
    %get3A_3975 = arith.constant 2936 : index
    %get3A_3976 = arith.constant 0 : index
    %get3A_3977 = vector.load %arg5[%get3A_3975, %get3A_3976] : memref<3432x128xf32, #tpu.memory_space<vmem>>, vector<128x128xf32>
    %dot_general3A_3978 = arith.constant dense<0.000000e+00> : vector<256x128xf32>
    %dot_general3A_3979 = tpu.matmul %max3A_2289, %get3A_3977, %dot_general3A_3978 {dimension_numbers = #tpu.dot_dimension_numbers<[1], [0], [0], [1], [0, 0, 1, 1], [], []>, transpose_lhs_hint = false} : vector<256x128xf32>, vector<128x128xf32>, vector<256x128xf32> -> vector<256x128xf32>
    %add3A_3980 = arith.addf %add3A_3974, %dot_general3A_3979 : vector<256x128xf32>
    %get3A_3981 = arith.constant 3144 : index
    %get3A_3982 = arith.constant 0 : index
    %get3A_3983 = vector.load %arg5[%get3A_3981, %get3A_3982] : memref<3432x128xf32, #tpu.memory_space<vmem>>, vector<32x128xf32>
    %dot_general3A_3984 = arith.constant dense<0.000000e+00> : vector<1x128xf32>
    %dot_general3A_3985 = tpu.matmul %max3A_2328, %get3A_3983, %dot_general3A_3984 {dimension_numbers = #tpu.dot_dimension_numbers<[1], [0], [0], [1], [0, 0, 1, 1], [], []>, transpose_lhs_hint = false} : vector<1x32xf32>, vector<32x128xf32>, vector<1x128xf32> -> vector<1x128xf32>
    %add3A_3986 = vector.broadcast %dot_general3A_3985 : vector<1x128xf32> to vector<256x128xf32>
    %add3A_3987 = arith.addf %add3A_3980, %add3A_3986 : vector<256x128xf32>
    %max3A_3988 = arith.constant 0.000000e+00 : f32
    %max3A_3989 = vector.broadcast %max3A_3988 : f32 to vector<256x128xf32>
    %max3A_3990 = arith.maximumf %add3A_3987, %max3A_3989 : vector<256x128xf32>
    %reduce_sum3A_3991 = arith.constant dense<0.000000e+00> : vector<128xf32>
    %reduce_sum3A_3992 = vector.multi_reduction <add>, %max3A_3990, %reduce_sum3A_3991 [0] : vector<256x128xf32> to vector<128xf32>
    %broadcast_in_dim3A_3993 = vector.shape_cast %reduce_sum3A_3992 : vector<128xf32> to vector<1x128xf32>
    %mul3A_3994 = arith.constant 3.906250e-03 : f32
    %mul3A_3995 = vector.broadcast %mul3A_3994 : f32 to vector<1x128xf32>
    %mul3A_3996 = arith.mulf %broadcast_in_dim3A_3993, %mul3A_3995 : vector<1x128xf32>
    %get3A_3997 = arith.constant 3280 : index
    %get3A_3998 = arith.constant 0 : index
    %get3A_3999 = vector.load %arg5[%get3A_3997, %get3A_3998] : memref<3432x128xf32, #tpu.memory_space<vmem>>, vector<128x32xf32>
    %dot_general3A_4000 = arith.constant dense<0.000000e+00> : vector<1x32xf32>
    %dot_general3A_4001 = tpu.matmul %mul3A_3996, %get3A_3999, %dot_general3A_4000 {dimension_numbers = #tpu.dot_dimension_numbers<[1], [0], [0], [1], [0, 0, 1, 1], [], []>, transpose_lhs_hint = false} : vector<1x128xf32>, vector<128x32xf32>, vector<1x32xf32> -> vector<1x32xf32>
    %mul3A_4002 = arith.constant 1.52587891E-5 : f32
    %mul3A_4003 = vector.broadcast %mul3A_4002 : f32 to vector<1x16xf32>
    %mul3A_4004 = arith.mulf %broadcast_in_dim3A_3935, %mul3A_4003 : vector<1x16xf32>
    %get3A_4005 = arith.constant 3408 : index
    %get3A_4006 = arith.constant 0 : index
    %get3A_4007 = vector.load %arg5[%get3A_4005, %get3A_4006] : memref<3432x128xf32, #tpu.memory_space<vmem>>, vector<16x32xf32>
    %dot_general3A_4008 = arith.constant dense<0.000000e+00> : vector<1x32xf32>
    %dot_general3A_4009 = tpu.matmul %mul3A_4004, %get3A_4007, %dot_general3A_4008 {dimension_numbers = #tpu.dot_dimension_numbers<[1], [0], [0], [1], [0, 0, 1, 1], [], []>, transpose_lhs_hint = false} : vector<1x16xf32>, vector<16x32xf32>, vector<1x32xf32> -> vector<1x32xf32>
    %add3A_4010 = arith.addf %dot_general3A_4001, %dot_general3A_4009 : vector<1x32xf32>
    %get3A_4011 = arith.constant 3424 : index
    %get3A_4012 = arith.constant 0 : index
    %get3A_4013 = vector.load %arg5[%get3A_4011, %get3A_4012] : memref<3432x128xf32, #tpu.memory_space<vmem>>, vector<1x32xf32>
    %add3A_4014 = arith.addf %add3A_4010, %get3A_4013 : vector<1x32xf32>
    %get3A_4015 = arith.constant 3184 : index
    %get3A_4016 = arith.constant 0 : index
    %get3A_4017 = vector.load %arg5[%get3A_4015, %get3A_4016] : memref<3432x128xf32, #tpu.memory_space<vmem>>, vector<32x32xf32>
    %dot_general3A_4018 = arith.constant dense<0.000000e+00> : vector<1x32xf32>
    %dot_general3A_4019 = tpu.matmul %get3A_25, %get3A_4017, %dot_general3A_4018 {dimension_numbers = #tpu.dot_dimension_numbers<[1], [0], [0], [1], [0, 0, 1, 1], [], []>, transpose_lhs_hint = false} : vector<1x32xf32>, vector<32x32xf32>, vector<1x32xf32> -> vector<1x32xf32>
    %add3A_4020 = arith.addf %add3A_4014, %dot_general3A_4019 : vector<1x32xf32>
    %get3A_4021 = arith.constant 3216 : index
    %get3A_4022 = arith.constant 0 : index
    %get3A_4023 = vector.load %arg5[%get3A_4021, %get3A_4022] : memref<3432x128xf32, #tpu.memory_space<vmem>>, vector<32x32xf32>
    %dot_general3A_4024 = arith.constant dense<0.000000e+00> : vector<1x32xf32>
    %dot_general3A_4025 = tpu.matmul %max3A_1010, %get3A_4023, %dot_general3A_4024 {dimension_numbers = #tpu.dot_dimension_numbers<[1], [0], [0], [1], [0, 0, 1, 1], [], []>, transpose_lhs_hint = false} : vector<1x32xf32>, vector<32x32xf32>, vector<1x32xf32> -> vector<1x32xf32>
    %add3A_4026 = arith.addf %add3A_4020, %dot_general3A_4025 : vector<1x32xf32>
    %get3A_4027 = arith.constant 3248 : index
    %get3A_4028 = arith.constant 0 : index
    %get3A_4029 = vector.load %arg5[%get3A_4027, %get3A_4028] : memref<3432x128xf32, #tpu.memory_space<vmem>>, vector<32x32xf32>
    %dot_general3A_4030 = arith.constant dense<0.000000e+00> : vector<1x32xf32>
    %dot_general3A_4031 = tpu.matmul %max3A_2328, %get3A_4029, %dot_general3A_4030 {dimension_numbers = #tpu.dot_dimension_numbers<[1], [0], [0], [1], [0, 0, 1, 1], [], []>, transpose_lhs_hint = false} : vector<1x32xf32>, vector<32x32xf32>, vector<1x32xf32> -> vector<1x32xf32>
    %add3A_4032 = arith.addf %add3A_4026, %dot_general3A_4031 : vector<1x32xf32>
    %max3A_4033 = arith.constant 0.000000e+00 : f32
    %max3A_4034 = vector.broadcast %max3A_4033 : f32 to vector<1x32xf32>
    %max3A_4035 = arith.maximumf %add3A_4032, %max3A_4034 : vector<1x32xf32>
    %swap3A_4036 = arith.constant 0 : index
    %swap3A_4037 = arith.constant 0 : index
    %swap3A_4038 = arith.constant 0 : index
    %swap3A_4039 = vector.load %arg7[%swap3A_4036, %swap3A_4037, %swap3A_4038] : memref<1x256x128xf32, #tpu.memory_space<vmem>>, vector<1x256x128xf32>
    %swap3A_4040 = vector.shape_cast %swap3A_4039 : vector<1x256x128xf32> to vector<256x128xf32>
    %swap3A_4041 = vector.shape_cast %max3A_3990 : vector<256x128xf32> to vector<1x256x128xf32>
    tpu.vector_store %arg7[%swap3A_4036, %swap3A_4037, %swap3A_4038], %swap3A_4041 {strides = array<i32>} : memref<1x256x128xf32, #tpu.memory_space<vmem>>, vector<1x256x128xf32>,
    %swap3A_4042 = arith.constant 0 : index
    %swap3A_4043 = arith.constant 0 : index
    %swap3A_4044 = arith.constant 0 : index
    %swap3A_4045 = vector.load %arg8[%swap3A_4042, %swap3A_4043, %swap3A_4044] : memref<1x1x32xf32, #tpu.memory_space<vmem>>, vector<1x1x32xf32>
    %swap3A_4046 = vector.shape_cast %swap3A_4045 : vector<1x1x32xf32> to vector<1x32xf32>
    %swap3A_4047 = vector.shape_cast %max3A_4035 : vector<1x32xf32> to vector<1x1x32xf32>
    tpu.vector_store %arg8[%swap3A_4042, %swap3A_4043, %swap3A_4044], %swap3A_4047 {strides = array<i32>} : memref<1x1x32xf32, #tpu.memory_space<vmem>>, vector<1x1x32xf32>,
    return
  }
  func.func @transform_0(%arg0: i32) -> (i32, i32, i32) {
    %c0_i32 = arith.constant 0 : i32
    %c0_i32_0 = arith.constant 0 : i32
    %c0_i32_1 = arith.constant 0 : i32
    return %arg0, %c0_i32, %c0_i32_0 : i32, i32, i32
  }
  func.func @transform_1(%arg0: i32) -> (i32, i32, i32) {
    %c0_i32 = arith.constant 0 : i32
    %c0_i32_0 = arith.constant 0 : i32
    %c0_i32_1 = arith.constant 0 : i32
    return %arg0, %c0_i32, %c0_i32_0 : i32, i32, i32
  }
  func.func @transform_2(%arg0: i32) -> (i32, i32, i32) {
    %c0_i32 = arith.constant 0 : i32
    %c0_i32_0 = arith.constant 0 : i32
    %c0_i32_1 = arith.constant 0 : i32
    return %arg0, %c0_i32, %c0_i32_0 : i32, i32, i32
  }
  func.func @transform_3(%arg0: i32) -> (i32, i32) {
    %c0_i32 = arith.constant 0 : i32
    %c0_i32_0 = arith.constant 0 : i32
    %c0_i32_1 = arith.constant 0 : i32
    return %c0_i32, %c0_i32_0 : i32, i32
  }
  func.func @transform_4(%arg0: i32) -> (i32, i32) {
    %c0_i32 = arith.constant 0 : i32
    %c0_i32_0 = arith.constant 0 : i32
    %c0_i32_1 = arith.constant 0 : i32
    return %c0_i32, %c0_i32_0 : i32, i32
  }
  func.func @transform_5(%arg0: i32) -> (i32, i32, i32) {
    %c0_i32 = arith.constant 0 : i32
    %c0_i32_0 = arith.constant 0 : i32
    %c0_i32_1 = arith.constant 0 : i32
    return %arg0, %c0_i32, %c0_i32_0 : i32, i32, i32
  }
  func.func @transform_6(%arg0: i32) -> (i32, i32, i32) {
    %c0_i32 = arith.constant 0 : i32
    %c0_i32_0 = arith.constant 0 : i32
    %c0_i32_1 = arith.constant 0 : i32
    return %arg0, %c0_i32, %c0_i32_0 : i32, i32, i32
  }
  func.func @transform_7(%arg0: i32) -> (i32, i32, i32) {
    %c0_i32 = arith.constant 0 : i32
    %c0_i32_0 = arith.constant 0 : i32
    %c0_i32_1 = arith.constant 0 : i32
    return %arg0, %c0_i32, %c0_i32_0 : i32, i32, i32
  }
}

</mosaic_0001>

<sc_bundles>
// kernel: sparse-core-data-format-call.cloned.1.call-start
scs
called_computation_lowered:
.L_overlay_start_0:
0x0: {  	s2 =	sld [smem:$0x3FD9]  }
0x1: {  	s3 =	sld [smem:$0x3FFE];
	_ =	sdelay $0x1  }
0x2: {  	s1 =	srdreg.scid  }
0x3: {  	s0 =	sand.u32 $0x1, s1  }
0x4: {  	s15 =	sshll.u32 s0, $0xA;
	s2 =	sadd.s32 s3, s2  }
0x5: {  	s2 =	sadd.s32 s2, s15  }
0x6: {  	[smem:$0x3FB3] =	sst s2  }
0x7: {  	_ = 	snop  }
0x8: {  	s2 =	sld [smem:$0x3FD0];
	_ =	sdelay $0x2  }
0x9: {  	s16 =	simm.s32 $0xA;
	s4 =	simm.s32 $0x10  }
0xa: {  	[smem:s4], [sflag:s16] =	dma.local [hbm:s2], $0x1  }
0xb: {  	_ =	swait.eq [sflag:s16], $0x1  }
0xc: {  	[sflag:s16] =	ssyncset.done $0x0  }
0xd: {  	[sflag:s16] =	ssyncadd.s32 $0xFFFFFFFF  }
0xe: {  	s17 =	sld [smem:$0x12];
	(tm) =	ssettm $0x1  }
0xf: {  	s18 =	sld [smem:$0x3FFB];
	_ =	sdelay $0x3  }
0x10: {  	_ =	strace s18  }
0x11: {  	s3 =	sld [smem:$0x3FFC];
	_ =	sdelay $0x3  }
0x12: {  	_ =	strace s3  }
0x13: {  	s3 =	sld [smem:$0x3FFD];
	_ =	sdelay $0x3  }
0x14: {  	_ =	strace s3  }
0x15: {  	_ =	strace $0x8FFFFFFF  }
0x16: {  	s19 =	sld [smem:$0x3FDB];
	_ =	sdelay $0x1  }
0x17: {  	s20 =	simm.s32 $_scs_section_size  }
0x18: {  	s5 =	simm.s32 $_size__tile_overlayer_lowered;
	s6 =	simm.s32 $_tile_overlayer_lowered  }
0x19: {  	s23 =	simm.s32 $0x1BFF;
	s22 =	sshll.u32 s6, $0x1;
	s3 =	sadd.s32 s20, s19  }
0x1a: {  	s7 =	simm.s32 $0x0;
	s21 =	sshll.u32 s5, $0x1;
	s5 =	sadd.s32 s22, s3  }
0x1b: {  	[timem:s7], [sflag:s23] =	dma.local [hbm:s5], s21  }
0x1c: {  	_ =	swait.ge [sflag:s23], s21  }
0x1d: {  	s4 =	ssub.s32 $0x0, s21;
	[sflag:s23] =	ssyncset.done $0x0  }
0x1e: {  	[sflag:s23] =	ssyncadd.s32 s4;
	_ =	sdelay $0x1  }
0x1f: {  	s24 =	simm.s32 $0x1B8B  }
0x20: {  	_ =	swait.ge [sflag:s24], $0x1  }
0x21: {  	[sflag:s24] =	ssyncset.done $0x0  }
0x22: {  	s26 =	simm.s32 $0x1B8E;
	s25 =	sld [smem:$0x3FFE];
	[sflag:s24] =	ssyncadd.s32 $0xFFFFFFFF  }
0x23: {  	s27 =	simm.s32 $execute0_lowered;
	[smem:$0x3FD2] =	sst s26  }
0x24: {  	s5 =	sshll.u32 s27, $0x1;
	_ =	strace $0x80000046;
	[dreg:$0x1] =	wrdreg $0xFFFFFFFF  }
0x25: {  	s28 =	simm.s32 $_size_execute0_lowered;
	s3 =	sadd.s32 s3, s5;
	[dreg:$0x0] =	wrdreg $0x0  }
0x26: {  	s5 =	sshll.u32 s28, $0x1;
	[dreg:$0x2] =	wrdreg s3  }
0x27: {  	[dreg:$0x3] =	wrdreg s5  }
0x28: {  	[dreg:$0x4] =	wrdreg $0xC0  }
0x29: {  	_ =	task [dreg:s7], $0x5FFFF  }
0x2a: {  	[dreg:$0x1] =	wrdreg $0xFFFFFFFF  }
0x2b: {  	[dreg:$0x0] =	wrdreg $0x60  }
0x2c: {  	[dreg:$0x2] =	wrdreg s25  }
0x2d: {  	[dreg:$0x3] =	wrdreg s17  }
0x2e: {  	[dreg:$0x4] =	wrdreg $0x9  }
0x2f: {  	_ =	task.clear_ibuf [dreg:s7], $0x5FFFF;
	_ =	strace $0x90000046  }
0x30: {  	s29 =	simm.s32 $0x9;
	_ =	strace $0x80000048  }
0x31: {  	_ =	swait.ge [sflag:s29], $0x1  }
0x32: {  	[sflag:s29] =	ssyncadd.s32 $0xFFFFFFFF  }
0x33: {  	_ =	strace $0x90000048  }
0x34: {  	_ =	sfence  }
0x35: {  	s30 =	sld [smem:$0x0];
	_ =	sdelay $0x2  }
0x36: {  	s31 =	sshll.u32 s1, $0xD;
	s1 =	sshrl.u32 s1, $0x2  }
0x37: {  	s3 =	sand.u32 $0x4000, s31;
	s1 =	sadd.s32 s1, s30  }
0x38: {  	s0 =	sor.u32 s3, s0;
	s1 =	sshll.u32 s1, $0x11  }
0x39: {  	s0 =	sor.u32 s1, s0  }
0x3a: {  	s0 =	sadd.s32 $0x8F2B, s0  }
0x3b: {  	[sflag:s0] =	ssyncadd.remote.s32 $0x1  }
0x3c: {  	_ =	sfence.sel $0xFFFF  }
0x3d: {  	[dreg:$0x0] =	wrdreg $0xFFFFFFFF;
	(pc) =	sbr.abs _section_cstart, $3  }
0x3e: {  	[dreg:$0x1] =	wrdreg $0xFFFFFFFF  }
0x3f: {  	_ =	task.clear_ibuf [dreg:s7], $0x2FFFF;
	_ =	strace $0x9FFFFFFF  }
0x40: {  	(tm) =	ssettm $0x7FFFFFFF  }
0x41: {  	_ =	shalt  }
tec
execute0_lowered:
.L_overlay_start_1:
0x0: {  	(tag) =	ssettag $0x1  }
0x1: {  	s0 =	stileid.u32;
	s6 =	rddreg [dreg:$0x0]  }
0x2: {  	s3 =	srdreg.scid;
	s4 =	rddreg [dreg:$0x1];
	s31 =	simm.s32 $0x2  }
0x3: {  	s16 =	simm.s32 $0x0;
	p0 =	por $0x0, $0x0;
	s10 =	simm.s32 $0x1000  }
0x4: {  	s19 =	simm.s32 $0x0;
	s17 =	simm.s32 $0x0;
	s18 =	simm.s32 $0x0  }
0x5: {  	s11 =	simm.s32 $0x0;
	s1 =	sshll.u32 s0, $0x4;
	s3 =	sand.u32 $0x1, s3  }
0x6: {  	s15 =	simm.s32 $0x0;
	s2 =	sand.u32 $0x80, s1;
	s7 =	ssub.s32 $0x10, s3  }
0x7: {  	s6 =	sadd.s32 $0x103600, s6;
	s1 =	ssub.s32 $0x100, s2;
	s9 =	sshrl.u32 s7, $0x1  }
0x8: {  	s5 =	sshrl.u32 s1, $0x7;
	s8 =	sshrl.u32 s1, $0x8;
	s1 =	rddreg [dreg:$0x2]  }
.Ltmp0:
0x9: {  	s7 =	ssub.s32 s7, s9;
	s5 =	sand.u32 $0x1, s5;
	(pc) =	sbr.rel .LBB1_1-.Ltmp0, $4  }
0xa: {  	_ =	strace $0x80000047;
	s8 =	sadd.s32 s8, s5;
	s5 =	simm.s32 $0x1  }
0xb: {  	s12 =	smov.u32 s3;
	s9 =	smul.u32 s8, s7;
	[sflag:s5] =	ssyncpa.u1 $0x0  }
0xc: {  	s13 =	smov.u32 s2;
	s7 =	sand.u32 $0x7, s0;
	[sflag:s31] =	ssyncpa.u1 $0x0  }
0xd: {  	s14 =	smov.u32 s7;
	s8 =	sshll.u32 s9, $0x1;
	s9 =	sshllo.u32 s9, $0x1  }
.LBB1_4:
0xe: {  	v5 =	vld [tilespmem:s22+$0xFFFFFFD0];
	[tilespmem:s23+$0x2040 ss:$0x81] =	vst.msk $0xffff, v1  }
0xf: {  	v58 =	vld [tilespmem:s22+$0xFFFFFFE0];
	[tilespmem:s23+$0x2850 ss:$0x81] =	vst.msk $0xffff, v2  }
0x10: {  	s24 =	sshra.s32 s24, $0x2;
	v59 =	vld [tilespmem:s22+$0xFFFFFFF0];
	[tilespmem:s23+$0x3060 ss:$0x81] =	vst.msk $0xffff, v3  }
0x11: {  	v60 =	vld [tilespmem:s22+$0x0];
	[tilespmem:s23+$0x0 ss:$0x81] =	vst.msk $0xffff, v0;
	s21 =	sadd.s32 s24, s21  }
0x12: {  	v61 =	vld [tilespmem:s22+$0x10];
	s31 =	sand.u32 $0x78, s17;
	s26 =	sshll.u32 s19, $0x8;
	s25 =	sshll.u32 s17, $0x3;
	[tilespmem:s21+$0x3870 ss:$0x81] =	vst.msk $0xffff, v4  }
0x13: {  	v62 =	vld [tilespmem:s22+$0x20];
	s27 =	sshll.u32 s19, $0x7;
	s18 =	sshll.u32 s18, $0x11;
	s16 =	sshll.u32 s16, $0x9;
	[tilespmem:s21+$0x810 ss:$0x81] =	vst.msk $0xffff, v5  }
0x14: {  	v63 =	vld [tilespmem:s22+$0xFFFFFFC0];
	s30 =	sand.u32 $0x7, s17;
	s24 =	sand.u32 $0x800, s26;
	s25 =	sand.u32 $0xC00, s25;
	[tilespmem:s21+$0x1020 ss:$0x81] =	vst.msk $0xffff, v58  }
0x15: {  	s29 =	sand.u32 $0x300, s27;
	s19 =	sand.u32 $0x80, s27;
	s28 =	sadd.s32 s25, s24;
	[tilespmem:s21+$0x1830 ss:$0x81] =	vst.msk $0xffff, v59  }
0x16: {  	s18 =	sadd.s32 s4, s18;
	s19 =	sor.u32 s31, s19;
	s22 =	sor.u32 s29, s28;
	[tilespmem:s21+$0x2040 ss:$0x81] =	vst.msk $0xffff, v60  }
0x17: {  	s16 =	sadd.s32 s16, s18;
	s19 =	sshrl.u32 s19, $0x3;
	s22 =	sshrl.u32 s22, $0x3;
	[tilespmem:s21+$0x2850 ss:$0x81] =	vst.msk $0xffff, v61  }
0x18: {  	s17 =	sshll.u32 s30, $0x12;
	s16 =	sadd.s32 s19, s16;
	[tilespmem:s21+$0x3060 ss:$0x81] =	vst.msk $0xffff, v62;
	s31 =	sand.u32 $0x1E0, s22  }
0x19: {  	s17 =	sor.u32 $0x80, s17;
	[tilespmem:s21+$0x0 ss:$0x81] =	vst.msk $0xffff, v63;
	s16 =	sadd.s32 s31, s16  }
0x1a: {  	[hbm4b:s16+s17] =	stream.strided.scatter [tilespmem:s20], [sflag:$0x2], $0x4000, s10, s17, $0x20;
	[tilespmem:$0x10100] =	vst v63  }
.LBB1_5:
0x1b: {  	s20 =	sadd.s32 $0x80, s11  }
0x1c: {  	s16 =	sadd.s32 $0x2, s12;
	s21 =	smov.u32 s12;
	p2 =	sgt.s32 s20, $0xFF  }
0x1d: {  	s21 =	smov.u32 @p2 s16  }
0x1e: {  	s22 =	smov.u32 s13;
	s16 =	sadd.s32 $0x100, s13;
	p3 =	sgt.s32 s21, $0xF  }
0x1f: {  	s22 =	smov.u32 @p3 s16  }
0x20: {  	s23 =	smov.u32 s14;
	s16 =	sadd.s32 $0x8, s14;
	p4 =	sgt.s32 s22, $0xFF  }
0x21: {  	p1 =	slt.u32 s15, $0x2;
	s23 =	smov.u32 @p4 s16  }
0x22: {  	s19 =	smov.u32 s12;
	s20 =	simm.s32 @p2 $0x0;
	p2 =	sgt.s32 s23, $0x7  }
0x23: {  	s24 =	simm.s32 @!p1 $0x2;
	s23 =	smov.u32 @p2 s7;
	p2 =	sne.s32 s15, s9  }
.Ltmp1:
0x24: {  	s17 =	smov.u32 s13;
	_ =	swait.ge @!p1 [sflag:s24], $0x4000;
	(pc) =	sbr.rel @!p2 .LBB1_6-.Ltmp1, $4  }
0x25: {  	s18 =	smov.u32 s14;
	[sflag:s24] =	ssyncset.done @!p1 $0x0;
	s21 =	smov.u32 @p3 s3  }
0x26: {  	p0 =	por !p0, !p0;
	[sflag:s24] =	ssyncadd.s32 @!p1 $0xFFFFC000;
	s12 =	smov.u32 s21  }
0x27: {  	s22 =	smov.u32 @p4 s2;
	s16 =	smov.u32 s11;
	s11 =	smov.u32 s20  }
0x28: {  	s13 =	smov.u32 s22;
	s15 =	sadd.s32 $0x1, s15;
	s14 =	smov.u32 s23  }
.LBB1_1:
0x29: {  	p1 =	sge.u32 s15, s8;
	s31 =	sadd.s32 $0xFFFFFFFF, s15  }
0x2a: {  	s20 =	sxor.u32 @!p1 $0xFFFFFFFF, s15;
	s21 =	sand.u32 @!p1 $0x78, s11;
	s22 =	sshll.u32 @!p1 s12, $0x8  }
0x2b: {  	s23 =	sshll.u32 @!p1 s11, $0x3;
	s24 =	sshll.u32 @!p1 s12, $0x7;
	s20 =	sshll.u32 @!p1 s20, $0xE  }
0x2c: {  	s22 =	sand.u32 @!p1 $0x800, s22;
	s23 =	sand.u32 @!p1 $0xC00, s23;
	s20 =	sand.u32 @!p1 $0x4000, s20  }
0x2d: {  	s22 =	sadd.s32 @!p1 s22, s23;
	s23 =	sand.u32 @!p1 $0x300, s24;
	s24 =	sand.u32 @!p1 $0x80, s24  }
0x2e: {  	s22 =	sor.u32 @!p1 s23, s22;
	s21 =	sor.u32 @!p1 s21, s24;
	s23 =	sshll.u32 @!p1 s14, $0x11  }
0x2f: {  	s24 =	sshll.u32 @!p1 s13, $0x9;
	s22 =	sshrl.u32 @!p1 s22, $0x3;
	s23 =	sadd.s32 @!p1 s6, s23  }
0x30: {  	s21 =	sshrl.u32 @!p1 s21, $0x3;
	s23 =	sadd.s32 @!p1 s24, s23;
	s24 =	sand.u32 @!p1 $0x7, s11  }
0x31: {  	s22 =	sand.u32 @!p1 $0x1E0, s22;
	s21 =	sadd.s32 @!p1 s21, s23;
	s23 =	sshll.u32 @!p1 s24, $0x12  }
0x32: {  	s21 =	sadd.s32 @!p1 s22, s21;
	s22 =	sor.u32 @!p1 $0x80, s23;
	s23 =	simm.s32 @!p1 $0x1000  }
0x33: {  	[tilespmem:s20], [sflag:$0x1] =	stream.strided.gather @!p1 [hbm4b:s21+s22], $0x4000, s23, s22, $0x38;
	[tilespmem:$0x10100] =	vst v63  }
0x34: {  	p1 =	sge.u32 s31, s8  }
.Ltmp2:
0x35: {  	_ = 	snop;
	(pc) =	sbr.rel @p1 .LBB1_5-.Ltmp2, $1  }
0x36: {  	_ =	sdelay $0x3  }
0x37: {  	s20 =	simm.s32 $0x1  }
0x38: {  	_ =	swait.ge [sflag:s5], $0x4000;
	s20 =	simm.s32 @!p0 $0x0  }
0x39: {  	[sflag:s5] =	ssyncset.done $0x0;
	s21 =	sshll.u32 s20, $0xE  }
0x3a: {  	[sflag:s5] =	ssyncadd.s32 $0xFFFFC000;
	s22 =	sor.u32 $0x40, s21  }
0x3b: {  	s20 =	smul.u32 $0x10200, s20;
	v0 =	vld [tilespmem:s22+$0x30]  }
0x3c: {  	v3 =	vld [tilespmem:s22+$0xFFFFFFD0]  }
0x3d: {  	s20 =	sshrl.u32 s20, $0x2;
	v4 =	vld [tilespmem:s22+$0xFFFFFFE0]  }
0x3e: {  	v5 =	vld [tilespmem:s22+$0xFFFFFFF0];
	s21 =	sor.u32 $0x8000, s20  }
0x3f: {  	s31 =	sand.u32 $0x1, s15;
	v1 =	vld [tilespmem:s22+$0x0];
	s23 =	sadd.s32 $0x0, s21  }
0x40: {  	v2 =	vld [tilespmem:s22+$0x10];
	s20 =	smul.u32 $0x10200, s31;
	[tilespmem:s23+$0x3870 ss:$0x81] =	vst.msk $0xffff, v0  }
0x41: {  	[tilespmem:s23+$0x810 ss:$0x81] =	vst.msk $0xffff, v3;
	v3 =	vld [tilespmem:s22+$0x20]  }
0x42: {  	s20 =	sshrl.u32 s20, $0x2;
	v0 =	vld [tilespmem:s22+$0xFFFFFFC0];
	[tilespmem:s23+$0x1020 ss:$0x81] =	vst.msk $0xffff, v4;
	s22 =	sadd.s32 $0x80, s22  }
0x43: {  	s24 =	simm.s32 $0x4;
	s25 =	simm.s32 $0x8;
	s20 =	sor.u32 $0x8000, s20;
	[tilespmem:s23+$0x1830 ss:$0x81] =	vst.msk $0xffff, v5;
	v4 =	vld [tilespmem:s22+$0x30]  }
.LBB1_3:
0x44: {  	p1 =	sne.s32 s25, $0x1FC;
	v5 =	vld [tilespmem:s22+$0xFFFFFFD0];
	[tilespmem:s23+$0x2040 ss:$0x81] =	vst.msk $0xffff, v1  }
0x45: {  	v6 =	vld [tilespmem:s22+$0xFFFFFFE0];
	[tilespmem:s23+$0x2850 ss:$0x81] =	vst.msk $0xffff, v2  }
0x46: {  	s26 =	sshra.s32 s24, $0x2;
	s24 =	smov.u32 s25;
	v7 =	vld [tilespmem:s22+$0xFFFFFFF0];
	[tilespmem:s23+$0x3060 ss:$0x81] =	vst.msk $0xffff, v3  }
.Ltmp3:
0x47: {  	v1 =	vld [tilespmem:s22+$0x0];
	[tilespmem:s23+$0x0 ss:$0x81] =	vst.msk $0xffff, v0;
	s23 =	sadd.s32 s26, s21;
	(pc) =	sbr.rel @p1 .LBB1_3-.Ltmp3, $4  }
0x48: {  	v2 =	vld [tilespmem:s22+$0x10];
	[tilespmem:s23+$0x3870 ss:$0x81] =	vst.msk $0xffff, v4  }
0x49: {  	[tilespmem:s23+$0x810 ss:$0x81] =	vst.msk $0xffff, v5;
	v3 =	vld [tilespmem:s22+$0x20]  }
0x4a: {  	v0 =	vld [tilespmem:s22+$0xFFFFFFC0];
	[tilespmem:s23+$0x1020 ss:$0x81] =	vst.msk $0xffff, v6;
	s22 =	sadd.s32 $0x80, s22  }
0x4b: {  	s25 =	sadd.s32 $0x4, s25;
	v4 =	vld [tilespmem:s22+$0x30];
	[tilespmem:s23+$0x1830 ss:$0x81] =	vst.msk $0xffff, v7  }
.Ltmp4:
0x4c: {  	_ = 	snop;
	(pc) =	sbr.rel .LBB1_4-.Ltmp4, $1  }
0x4d: {  	_ =	sdelay $0x3  }
.LBB1_6:
0x4e: {  	_ =	sfence.sel $0x180000  }
0x4f: {  	s2 =	simm.s32 $0x1;
	[bflag:$0x0] =	sbarrier.arrive $0xFFFF  }
0x50: {  	s31 =	simm.s32 $0x2;
	[sflag:s2] =	ssyncpa.u1 $0x1  }
0x51: {  	[sflag:s31] =	ssyncpa.u1 $0x1  }
0x52: {  	p0 =	sne.s32 s0, $0x0;
	_ =	strace $0x90000047  }
0x53: {  	s0 =	sadd.s32 @!p0 $0x100000, s1;
	[bflag:$0x2] =	sbarrier.arrive $0xFFFF  }
0x54: {  	[sflag:s0] =	ssyncadd.tile.s32 @!p0 $0x1;
	_ =	shalt  }
.Lfunc_end1:
_tile_overlayer_lowered:
.L_overlay_start_2:
0x55: {  	(tag) =	ssettag $0x2  }
0x56: {  	s0 =	rddreg [dreg:$0x0];
	s2 =	stileid.u32  }
0x57: {  	s1 =	rddreg [dreg:$0x1];
	p0 =	sne.s32 s2, $0x0  }
0x58: {  	s3 =	rddreg [dreg:$0x2];
	[bflag:$0x3] =	sbarrier.arrive $0xFFFF;
	s2 =	simm.s32 @!p0 $0x1C01  }
0x59: {  	[timem:s3], [sflag:s2] =	dma.local @!p0 [hbm:s0], s1  }
0x5a: {  	s0 =	simm.s32 @!p0 $0x1  }
0x5b: {  	_ =	swait.ge @!p0 [sflag:s0], s1  }
0x5c: {  	s1 =	ssub.s32 @!p0 $0x0, s1;
	[sflag:s0] =	ssyncset.done @!p0 $0x0  }
0x5d: {  	[sflag:s0] =	ssyncadd.s32 @!p0 s1  }
0x5e: {  	[bflag:$0x3] =	sbarrier.arrive $0xFFFF  }
0x5f: {  	_ =	shalt  }

</sc_bundles>
